<compile_context>
chip_gen: v7x
topology: tpu7x:2x2x1
jax: 0.10.2.dev20260603
libtpu: 0.0.44.dev20260713+nightly
codegen_flags: <defaults>
</compile_context>

<pallas_src>
import functools

import jax
import jax.numpy as jnp
from jax import lax
from jax.experimental import pallas as pl
from jax.experimental.pallas import tpu as pltpu
from jax.experimental.pallas import tpu_sc as plsc

_HIDDEN = 768
_LANES = 16
_NSLICE = _HIDDEN // _LANES
_EPS = 1e-12

_NTOK = 8192
_NW = 32
_TPW = _NTOK // _NW
_CHUNK = 64
_NCHUNK = _TPW // _CHUNK
_G = 8
_NG = _CHUNK // _G


def _rsqrt_vec(v):
    i = plsc.bitcast(v, jnp.int32)
    y = plsc.bitcast(jnp.int32(0x5F3759DF) - (i >> 1), jnp.float32)
    for _ in range(3):
        y = y * (1.5 - 0.5 * v * y * y)
    return y


def _make_kernel():
    mesh = plsc.VectorSubcoreMesh(core_axis_name="c", subcore_axis_name="s")

    @functools.partial(
        pl.kernel,
        mesh=mesh,
        compiler_params=pltpu.CompilerParams(needs_layout_passes=False),
        out_type=jax.ShapeDtypeStruct((_NTOK, _HIDDEN), jnp.float32),
        scratch_types=[
            pltpu.VMEM((_TPW,), jnp.int32),
            pltpu.VMEM((_TPW,), jnp.int32),
            pltpu.VMEM((2, _CHUNK, _HIDDEN), jnp.float32),
            pltpu.VMEM((2, _HIDDEN), jnp.float32),
            pltpu.VMEM((_HIDDEN,), jnp.float32),
            pltpu.VMEM((_HIDDEN,), jnp.float32),
            pltpu.SemaphoreType.DMA,
            pltpu.SemaphoreType.DMA,
            pltpu.SemaphoreType.DMA,
            pltpu.SemaphoreType.DMA,
        ],
    )
    def emb_kernel(ids_hbm, ttids_hbm, wtab_hbm, tttab_hbm, gamma_hbm,
                   beta_hbm, out_hbm, idx_v, ttid_v, rows_v, tt_v, g_v,
                   b_v, gsem0, gsem1, ssem0, ssem1):
        nc = 2
        wid = lax.axis_index("s") * nc + lax.axis_index("c")
        tbase = wid * _TPW
        gsem = (gsem0, gsem1)
        ssem = (ssem0, ssem1)

        pltpu.sync_copy(tttab_hbm, tt_v)
        pltpu.sync_copy(gamma_hbm, g_v)
        pltpu.sync_copy(beta_hbm, b_v)
        pltpu.sync_copy(ttids_hbm.at[pl.ds(tbase, _TPW)], ttid_v)
        pltpu.sync_copy(ids_hbm.at[pl.ds(tbase, _TPW)], idx_v)

        def start_gather(c, b):
            return pltpu.async_copy(
                wtab_hbm.at[idx_v.at[pl.ds(c * _CHUNK, _CHUNK)]],
                rows_v.at[b], gsem[b])

        def compute(c, b):
            def group_body(g, carry):
                rbase = g * _G
                masks = []
                for r in range(_G):
                    lane_idx = jnp.full((_LANES,), c * _CHUNK + rbase + r,
                                        jnp.int32)
                    t = plsc.load_gather(ttid_v, [lane_idx])
                    masks.append(t != 0)

                zeros = jnp.zeros((_LANES,), jnp.float32)

                @plsc.parallel_loop(
                    0, _NSLICE, unroll=2,
                    carry=(tuple([zeros] * _G), tuple([zeros] * _G)))
                def s1_loop(s, acc):
                    accs, accqs = acc
                    sl = pl.ds(s * _LANES, _LANES)
                    tt0 = tt_v[0, sl]
                    tt1 = tt_v[1, sl]
                    new_a = []
                    new_q = []
                    for r in range(_G):
                        x = rows_v[b, rbase + r, sl] + jnp.where(
                            masks[r], tt1, tt0)
                        rows_v[b, rbase + r, sl] = x
                        new_a.append(accs[r] + x)
                        new_q.append(accqs[r] + x * x)
                    return tuple(new_a), tuple(new_q)

                accs, accqs = s1_loop

                means = []
                rvs = []
                for r in range(_G):
                    mean = jnp.sum(accs[r]) * (1.0 / _HIDDEN)
                    var = jnp.maximum(
                        jnp.sum(accqs[r]) * (1.0 / _HIDDEN) - mean * mean,
                        0.0)
                    means.append(jnp.full((_LANES,), mean))
                    rvs.append(_rsqrt_vec(jnp.full((_LANES,), var + _EPS)))

                @plsc.parallel_loop(0, _NSLICE, unroll=2, carry=jnp.int32(0))
                def s2_loop(s, carry2):
                    sl = pl.ds(s * _LANES, _LANES)
                    gm = g_v[sl]
                    bt = b_v[sl]
                    for r in range(_G):
                        x = rows_v[b, rbase + r, sl]
                        rows_v[b, rbase + r, sl] = (
                            (x - means[r]) * rvs[r] * gm + bt)
                    return carry2

                del s2_loop
                return carry

            lax.fori_loop(0, _NG, group_body, jnp.int32(0))

        gh = [None] * _NCHUNK
        sh = [None] * _NCHUNK
        gh[0] = start_gather(0, 0)
        for c in range(_NCHUNK):
            b = c & 1
            nb = b ^ 1
            if c + 1 < _NCHUNK:
                if c - 1 >= 0:
                    sh[c - 1].wait()
                gh[c + 1] = start_gather(c + 1, nb)
            gh[c].wait()
            compute(c, b)
            sh[c] = pltpu.async_copy(
                rows_v.at[b],
                out_hbm.at[pl.ds(tbase + c * _CHUNK, _CHUNK)], ssem[b])
        sh[_NCHUNK - 2].wait()
        sh[_NCHUNK - 1].wait()

    return emb_kernel


_EMB_KERNEL = _make_kernel()


def kernel(input_ids, token_type_ids, word_emb, token_type_emb, ln_gamma,
           ln_beta):
    b, l = input_ids.shape
    ids = input_ids.reshape(b * l).astype(jnp.int32)
    ttids = token_type_ids.reshape(b * l).astype(jnp.int32)
    out = _EMB_KERNEL(ids, ttids, word_emb, token_type_emb, ln_gamma,
                      ln_beta)
    return out.reshape(b, l, word_emb.shape[1])

# --- scband reference (transcript-rebuilt; emitter-appended) ---
"""Pipeline reference for scband-bert-alibi-embeddings-76115410419827 (READ-ONLY COPY).

The authoritative reference and input builder live on the scoring server;
editing this copy changes nothing except your own understanding.
"""

import jax, jax.numpy as jnp
import numpy as np

VOCAB = 100000
HIDDEN = 768
TYPE_VOCAB = 2
B, L = 4, 2048
EPS = 1e-12


def setup_inputs(seed: int = 0) -> dict:
    key = jax.random.key(seed)
    k1, k2, k3, k4, k5, k6 = jax.random.split(key, 6)
    input_ids = jax.random.randint(k1, (B, L), 0, VOCAB, dtype=jnp.int64 if jax.config.jax_enable_x64 else jnp.int32)
    token_type_ids = jax.random.randint(k2, (B, L), 0, TYPE_VOCAB, dtype=jnp.int64 if jax.config.jax_enable_x64 else jnp.int32)
    word_emb = jax.random.normal(k3, (VOCAB, HIDDEN), dtype=jnp.float32) * 0.02
    # padding_idx=0 row is zero in torch nn.Embedding with padding_idx
    word_emb = word_emb.at[0].set(0.0)
    token_type_emb = jax.random.normal(k4, (TYPE_VOCAB, HIDDEN), dtype=jnp.float32) * 0.02
    ln_gamma = jnp.ones((HIDDEN,), dtype=jnp.float32)
    ln_beta = jnp.zeros((HIDDEN,), dtype=jnp.float32)
    return {
        "input_ids": input_ids,
        "token_type_ids": token_type_ids,
        "word_emb": word_emb,
        "token_type_emb": token_type_emb,
        "ln_gamma": ln_gamma,
        "ln_beta": ln_beta,
    }


def _layer_norm(x, gamma, beta, eps=EPS):
    mean = jnp.mean(x, axis=-1, keepdims=True)
    var = jnp.mean(jnp.square(x - mean), axis=-1, keepdims=True)
    return (x - mean) * jax.lax.rsqrt(var + eps) * gamma + beta


def reference(input_ids, token_type_ids, word_emb, token_type_emb, ln_gamma, ln_beta):
    # word embedding lookup (gather)
    inputs_embeds = jnp.take(word_emb, input_ids, axis=0)
    # token type embedding lookup (gather)
    tt_embeds = jnp.take(token_type_emb, token_type_ids, axis=0)
    embeddings = inputs_embeds + tt_embeds
    # LayerNorm; dropout is identity in eval mode
    embeddings = _layer_norm(embeddings, ln_gamma, ln_beta)
    return embeddings

if __name__ == "__main__":
    import jax
    _d = setup_inputs()
    print(jax.jit(kernel)(*tuple(_d.values())))

</pallas_src>

<mosaic_0001>
#map = affine_map<(d0, d1) -> (0)>
#map1 = affine_map<(d0, d1) -> (0, 0)>
module attributes {stable_mosaic.version = 14 : i64} {
  func.func @emb_kernel(%arg0: i32, %arg1: i32, %arg2: memref<8192xi32, #tpu.memory_space<hbm>>, %arg3: memref<8192xi32, #tpu.memory_space<hbm>>, %arg4: memref<100000x768xf32, #tpu.memory_space<hbm>>, %arg5: memref<2x768xf32, #tpu.memory_space<hbm>>, %arg6: memref<768xf32, #tpu.memory_space<hbm>>, %arg7: memref<768xf32, #tpu.memory_space<hbm>>, %arg8: memref<8192x768xf32, #tpu.memory_space<hbm>>, %arg9: memref<256xi32, #tpu.memory_space<vmem>>, %arg10: memref<256xi32, #tpu.memory_space<vmem>>, %arg11: memref<2x64x768xf32, #tpu.memory_space<vmem>>, %arg12: memref<2x768xf32, #tpu.memory_space<vmem>>, %arg13: memref<768xf32, #tpu.memory_space<vmem>>, %arg14: memref<768xf32, #tpu.memory_space<vmem>>, %arg15: memref<!tpu.dma_semaphore, #tpu.memory_space<semaphore_mem>>, %arg16: memref<!tpu.dma_semaphore, #tpu.memory_space<semaphore_mem>>, %arg17: memref<!tpu.dma_semaphore, #tpu.memory_space<semaphore_mem>>, %arg18: memref<!tpu.dma_semaphore, #tpu.memory_space<semaphore_mem>>) attributes {dimension_semantics = [#tpu.dimension_semantics<core_parallel>, #tpu.dimension_semantics<subcore_parallel>], iteration_bounds = array<i64: 2, 16>, scalar_prefetch = 0 : i64, scratch_operands = 10 : i64, tpu.core_type = #tpu.core_type<sc_vector_subcore>, window_params = [{transform_indices = #map}, {transform_indices = #map}, {transform_indices = #map1}, {transform_indices = #map1}, {transform_indices = #map}, {transform_indices = #map}, {transform_indices = #map1}]} {
    %mul3A = arith.constant 2 : i32
    %mul3A_0 = arith.muli %arg1, %mul3A : i32
    %add3A = arith.addi %mul3A_0, %arg0 : i32
    %mul3A_1 = arith.constant 256 : i32
    %mul3A_2 = arith.muli %add3A, %mul3A_1 : i32
    "tpu.region"() ({
      %run_scoped3A = tpu.sem_alloc : memref<!tpu.dma_semaphore, #tpu.memory_space<semaphore_mem>>
      tpu.enqueue_dma source(%arg5 : memref<2x768xf32, #tpu.memory_space<hbm>>) target(%arg12 : memref<2x768xf32, #tpu.memory_space<vmem>>) target_semaphore(%run_scoped3A : memref<!tpu.dma_semaphore, #tpu.memory_space<semaphore_mem>>)
      tpu.wait_dma2 semaphore(%run_scoped3A : memref<!tpu.dma_semaphore, #tpu.memory_space<semaphore_mem>>) src(%arg5 : memref<2x768xf32, #tpu.memory_space<hbm>>) dst(%arg12 : memref<2x768xf32, #tpu.memory_space<vmem>>)
      tpu.yield
    }) : () -> ()
    "tpu.region"() ({
      %run_scoped3A = tpu.sem_alloc : memref<!tpu.dma_semaphore, #tpu.memory_space<semaphore_mem>>
      tpu.enqueue_dma source(%arg6 : memref<768xf32, #tpu.memory_space<hbm>>) target(%arg13 : memref<768xf32, #tpu.memory_space<vmem>>) target_semaphore(%run_scoped3A : memref<!tpu.dma_semaphore, #tpu.memory_space<semaphore_mem>>)
      tpu.wait_dma2 semaphore(%run_scoped3A : memref<!tpu.dma_semaphore, #tpu.memory_space<semaphore_mem>>) src(%arg6 : memref<768xf32, #tpu.memory_space<hbm>>) dst(%arg13 : memref<768xf32, #tpu.memory_space<vmem>>)
      tpu.yield
    }) : () -> ()
    "tpu.region"() ({
      %run_scoped3A = tpu.sem_alloc : memref<!tpu.dma_semaphore, #tpu.memory_space<semaphore_mem>>
      tpu.enqueue_dma source(%arg7 : memref<768xf32, #tpu.memory_space<hbm>>) target(%arg14 : memref<768xf32, #tpu.memory_space<vmem>>) target_semaphore(%run_scoped3A : memref<!tpu.dma_semaphore, #tpu.memory_space<semaphore_mem>>)
      tpu.wait_dma2 semaphore(%run_scoped3A : memref<!tpu.dma_semaphore, #tpu.memory_space<semaphore_mem>>) src(%arg7 : memref<768xf32, #tpu.memory_space<hbm>>) dst(%arg14 : memref<768xf32, #tpu.memory_space<vmem>>)
      tpu.yield
    }) : () -> ()
    "tpu.region"() ({
      %run_scoped3A = tpu.sem_alloc : memref<!tpu.dma_semaphore, #tpu.memory_space<semaphore_mem>>
      %dma_start3A_216 = tpu.memref_slice %arg3[%mul3A_2] : memref<8192xi32, #tpu.memory_space<hbm>> -> memref<256xi32, #tpu.memory_space<hbm>>
      %dma_start3A_217 = tpu.memref_slice %arg3[%mul3A_2] : memref<8192xi32, #tpu.memory_space<hbm>> -> memref<256xi32, #tpu.memory_space<hbm>>
      tpu.enqueue_dma source(%dma_start3A_217 : memref<256xi32, #tpu.memory_space<hbm>>) target(%arg10 : memref<256xi32, #tpu.memory_space<vmem>>) target_semaphore(%run_scoped3A : memref<!tpu.dma_semaphore, #tpu.memory_space<semaphore_mem>>)
      %dma_wait3A_218 = tpu.memref_slice %arg3[%mul3A_2] : memref<8192xi32, #tpu.memory_space<hbm>> -> memref<256xi32, #tpu.memory_space<hbm>>
      %dma_wait3A_219 = tpu.memref_slice %arg3[%mul3A_2] : memref<8192xi32, #tpu.memory_space<hbm>> -> memref<256xi32, #tpu.memory_space<hbm>>
      tpu.wait_dma2 semaphore(%run_scoped3A : memref<!tpu.dma_semaphore, #tpu.memory_space<semaphore_mem>>) src(%dma_wait3A_219 : memref<256xi32, #tpu.memory_space<hbm>>) dst(%arg10 : memref<256xi32, #tpu.memory_space<vmem>>)
      tpu.yield
    }) : () -> ()
    "tpu.region"() ({
      %run_scoped3A = tpu.sem_alloc : memref<!tpu.dma_semaphore, #tpu.memory_space<semaphore_mem>>
      %dma_start3A_216 = tpu.memref_slice %arg2[%mul3A_2] : memref<8192xi32, #tpu.memory_space<hbm>> -> memref<256xi32, #tpu.memory_space<hbm>>
      %dma_start3A_217 = tpu.memref_slice %arg2[%mul3A_2] : memref<8192xi32, #tpu.memory_space<hbm>> -> memref<256xi32, #tpu.memory_space<hbm>>
      tpu.enqueue_dma source(%dma_start3A_217 : memref<256xi32, #tpu.memory_space<hbm>>) target(%arg9 : memref<256xi32, #tpu.memory_space<vmem>>) target_semaphore(%run_scoped3A : memref<!tpu.dma_semaphore, #tpu.memory_space<semaphore_mem>>)
      %dma_wait3A_218 = tpu.memref_slice %arg2[%mul3A_2] : memref<8192xi32, #tpu.memory_space<hbm>> -> memref<256xi32, #tpu.memory_space<hbm>>
      %dma_wait3A_219 = tpu.memref_slice %arg2[%mul3A_2] : memref<8192xi32, #tpu.memory_space<hbm>> -> memref<256xi32, #tpu.memory_space<hbm>>
      tpu.wait_dma2 semaphore(%run_scoped3A : memref<!tpu.dma_semaphore, #tpu.memory_space<semaphore_mem>>) src(%dma_wait3A_219 : memref<256xi32, #tpu.memory_space<hbm>>) dst(%arg9 : memref<256xi32, #tpu.memory_space<vmem>>)
      tpu.yield
    }) : () -> ()
    %dma_start3A = arith.constant 0 : i32
    %dma_start3A_3 = arith.constant 0 : i32
    %dma_start3A_4 = arith.constant 0 : i32
    %dma_start3A_5 = tpu.memref_slice %arg11[%dma_start3A, %dma_start3A_3, %dma_start3A_4] : memref<2x64x768xf32, #tpu.memory_space<vmem>> -> memref<1x64x768xf32, #tpu.memory_space<vmem>>
    %dma_start3A_6 = tpu.memref_squeeze %dma_start3A_5 : memref<1x64x768xf32, #tpu.memory_space<vmem>> -> memref<64x768xf32, #tpu.memory_space<vmem>>
    %dma_start3A_7 = arith.constant 0 : i32
    %dma_start3A_8 = tpu.memref_slice %arg9[%dma_start3A_7] : memref<256xi32, #tpu.memory_space<vmem>> -> memref<64xi32, #tpu.memory_space<vmem>>
    %dma_start3A_9 = arith.constant 0 : i32
    %dma_start3A_10 = arith.constant 0 : i32
    %dma_start3A_11 = tpu.memref_slice %arg4[%dma_start3A_9, %dma_start3A_10] : memref<100000x768xf32, #tpu.memory_space<hbm>> -> memref<100000x768xf32, #tpu.memory_space<hbm>>
    tpu.enqueue_indirect_dma source(%dma_start3A_11 : memref<100000x768xf32, #tpu.memory_space<hbm>>) target(%dma_start3A_6 : memref<64x768xf32, #tpu.memory_space<vmem>>) offsets(%dma_start3A_8 : memref<64xi32, #tpu.memory_space<vmem>>) semaphore(%arg15 : memref<!tpu.dma_semaphore, #tpu.memory_space<semaphore_mem>>)
    %dma_start3A_12 = arith.constant 1 : i32
    %dma_start3A_13 = arith.constant 0 : i32
    %dma_start3A_14 = arith.constant 0 : i32
    %dma_start3A_15 = tpu.memref_slice %arg11[%dma_start3A_12, %dma_start3A_13, %dma_start3A_14] : memref<2x64x768xf32, #tpu.memory_space<vmem>> -> memref<1x64x768xf32, #tpu.memory_space<vmem>>
    %dma_start3A_16 = tpu.memref_squeeze %dma_start3A_15 : memref<1x64x768xf32, #tpu.memory_space<vmem>> -> memref<64x768xf32, #tpu.memory_space<vmem>>
    %dma_start3A_17 = arith.constant 64 : i32
    %dma_start3A_18 = tpu.memref_slice %arg9[%dma_start3A_17] : memref<256xi32, #tpu.memory_space<vmem>> -> memref<64xi32, #tpu.memory_space<vmem>>
    %dma_start3A_19 = arith.constant 0 : i32
    %dma_start3A_20 = arith.constant 0 : i32
    %dma_start3A_21 = tpu.memref_slice %arg4[%dma_start3A_19, %dma_start3A_20] : memref<100000x768xf32, #tpu.memory_space<hbm>> -> memref<100000x768xf32, #tpu.memory_space<hbm>>
    tpu.enqueue_indirect_dma source(%dma_start3A_21 : memref<100000x768xf32, #tpu.memory_space<hbm>>) target(%dma_start3A_16 : memref<64x768xf32, #tpu.memory_space<vmem>>) offsets(%dma_start3A_18 : memref<64xi32, #tpu.memory_space<vmem>>) semaphore(%arg16 : memref<!tpu.dma_semaphore, #tpu.memory_space<semaphore_mem>>)
    %dma_wait3A = arith.constant 0 : i32
    %dma_wait3A_22 = arith.constant 0 : i32
    %dma_wait3A_23 = arith.constant 0 : i32
    %dma_wait3A_24 = tpu.memref_slice %arg11[%dma_wait3A, %dma_wait3A_22, %dma_wait3A_23] : memref<2x64x768xf32, #tpu.memory_space<vmem>> -> memref<1x64x768xf32, #tpu.memory_space<vmem>>
    %dma_wait3A_25 = tpu.memref_squeeze %dma_wait3A_24 : memref<1x64x768xf32, #tpu.memory_space<vmem>> -> memref<64x768xf32, #tpu.memory_space<vmem>>
    %dma_wait3A_26 = arith.constant 0 : i32
    %dma_wait3A_27 = tpu.memref_slice %arg9[%dma_wait3A_26] : memref<256xi32, #tpu.memory_space<vmem>> -> memref<64xi32, #tpu.memory_space<vmem>>
    %dma_wait3A_28 = arith.constant 0 : i32
    %dma_wait3A_29 = arith.constant 0 : i32
    %dma_wait3A_30 = tpu.memref_slice %arg4[%dma_wait3A_28, %dma_wait3A_29] : memref<100000x768xf32, #tpu.memory_space<hbm>> -> memref<100000x768xf32, #tpu.memory_space<hbm>>
    tpu.wait_indirect_dma semaphore(%arg15 : memref<!tpu.dma_semaphore, #tpu.memory_space<semaphore_mem>>) src(%dma_wait3A_30 : memref<100000x768xf32, #tpu.memory_space<hbm>>) dst(%dma_wait3A_25 : memref<64x768xf32, #tpu.memory_space<vmem>>)
    %scan3A = arith.constant 0 : i32
    %scan3A_31 = arith.constant 0 : i32
    %scan3A_32 = arith.constant 8 : i32
    %scan3A_33 = arith.addi %scan3A_31, %scan3A_32 : i32
    %scan3A_34 = arith.constant 1 : i32
    scf.for %scan3A_216 = %scan3A_31 to %scan3A_33 step %scan3A_34  : i32 {
      %mul3A_217 = arith.constant 8 : i32
      %mul3A_218 = arith.muli %scan3A_216, %mul3A_217 : i32
      %add3A_219 = arith.constant 0 : i32
      %add3A_220 = arith.addi %add3A_219, %mul3A_218 : i32
      %add3A_221 = arith.constant 0 : i32
      %add3A_222 = arith.addi %add3A_220, %add3A_221 : i32
      %broadcast_in_dim3A = vector.broadcast %add3A_222 : i32 to vector<16xi32>
      %gather3A = tpu.vector_load_idx %arg10[%broadcast_in_dim3A] : memref<256xi32, #tpu.memory_space<vmem>>[vector<16xi32>], vector<16xi32>,
      %ne3A = arith.constant 0 : i32
      %ne3A_223 = vector.broadcast %ne3A : i32 to vector<16xi32>
      %ne3A_224 = arith.cmpi ne, %gather3A, %ne3A_223 : vector<16xi32>
      %add3A_225 = arith.constant 0 : i32
      %add3A_226 = arith.addi %add3A_225, %mul3A_218 : i32
      %add3A_227 = arith.constant 1 : i32
      %add3A_228 = arith.addi %add3A_226, %add3A_227 : i32
      %broadcast_in_dim3A_229 = vector.broadcast %add3A_228 : i32 to vector<16xi32>
      %gather3A_230 = tpu.vector_load_idx %arg10[%broadcast_in_dim3A_229] : memref<256xi32, #tpu.memory_space<vmem>>[vector<16xi32>], vector<16xi32>,
      %ne3A_231 = arith.constant 0 : i32
      %ne3A_232 = vector.broadcast %ne3A_231 : i32 to vector<16xi32>
      %ne3A_233 = arith.cmpi ne, %gather3A_230, %ne3A_232 : vector<16xi32>
      %add3A_234 = arith.constant 0 : i32
      %add3A_235 = arith.addi %add3A_234, %mul3A_218 : i32
      %add3A_236 = arith.constant 2 : i32
      %add3A_237 = arith.addi %add3A_235, %add3A_236 : i32
      %broadcast_in_dim3A_238 = vector.broadcast %add3A_237 : i32 to vector<16xi32>
      %gather3A_239 = tpu.vector_load_idx %arg10[%broadcast_in_dim3A_238] : memref<256xi32, #tpu.memory_space<vmem>>[vector<16xi32>], vector<16xi32>,
      %ne3A_240 = arith.constant 0 : i32
      %ne3A_241 = vector.broadcast %ne3A_240 : i32 to vector<16xi32>
      %ne3A_242 = arith.cmpi ne, %gather3A_239, %ne3A_241 : vector<16xi32>
      %add3A_243 = arith.constant 0 : i32
      %add3A_244 = arith.addi %add3A_243, %mul3A_218 : i32
      %add3A_245 = arith.constant 3 : i32
      %add3A_246 = arith.addi %add3A_244, %add3A_245 : i32
      %broadcast_in_dim3A_247 = vector.broadcast %add3A_246 : i32 to vector<16xi32>
      %gather3A_248 = tpu.vector_load_idx %arg10[%broadcast_in_dim3A_247] : memref<256xi32, #tpu.memory_space<vmem>>[vector<16xi32>], vector<16xi32>,
      %ne3A_249 = arith.constant 0 : i32
      %ne3A_250 = vector.broadcast %ne3A_249 : i32 to vector<16xi32>
      %ne3A_251 = arith.cmpi ne, %gather3A_248, %ne3A_250 : vector<16xi32>
      %add3A_252 = arith.constant 0 : i32
      %add3A_253 = arith.addi %add3A_252, %mul3A_218 : i32
      %add3A_254 = arith.constant 4 : i32
      %add3A_255 = arith.addi %add3A_253, %add3A_254 : i32
      %broadcast_in_dim3A_256 = vector.broadcast %add3A_255 : i32 to vector<16xi32>
      %gather3A_257 = tpu.vector_load_idx %arg10[%broadcast_in_dim3A_256] : memref<256xi32, #tpu.memory_space<vmem>>[vector<16xi32>], vector<16xi32>,
      %ne3A_258 = arith.constant 0 : i32
      %ne3A_259 = vector.broadcast %ne3A_258 : i32 to vector<16xi32>
      %ne3A_260 = arith.cmpi ne, %gather3A_257, %ne3A_259 : vector<16xi32>
      %add3A_261 = arith.constant 0 : i32
      %add3A_262 = arith.addi %add3A_261, %mul3A_218 : i32
      %add3A_263 = arith.constant 5 : i32
      %add3A_264 = arith.addi %add3A_262, %add3A_263 : i32
      %broadcast_in_dim3A_265 = vector.broadcast %add3A_264 : i32 to vector<16xi32>
      %gather3A_266 = tpu.vector_load_idx %arg10[%broadcast_in_dim3A_265] : memref<256xi32, #tpu.memory_space<vmem>>[vector<16xi32>], vector<16xi32>,
      %ne3A_267 = arith.constant 0 : i32
      %ne3A_268 = vector.broadcast %ne3A_267 : i32 to vector<16xi32>
      %ne3A_269 = arith.cmpi ne, %gather3A_266, %ne3A_268 : vector<16xi32>
      %add3A_270 = arith.constant 0 : i32
      %add3A_271 = arith.addi %add3A_270, %mul3A_218 : i32
      %add3A_272 = arith.constant 6 : i32
      %add3A_273 = arith.addi %add3A_271, %add3A_272 : i32
      %broadcast_in_dim3A_274 = vector.broadcast %add3A_273 : i32 to vector<16xi32>
      %gather3A_275 = tpu.vector_load_idx %arg10[%broadcast_in_dim3A_274] : memref<256xi32, #tpu.memory_space<vmem>>[vector<16xi32>], vector<16xi32>,
      %ne3A_276 = arith.constant 0 : i32
      %ne3A_277 = vector.broadcast %ne3A_276 : i32 to vector<16xi32>
      %ne3A_278 = arith.cmpi ne, %gather3A_275, %ne3A_277 : vector<16xi32>
      %add3A_279 = arith.constant 0 : i32
      %add3A_280 = arith.addi %add3A_279, %mul3A_218 : i32
      %add3A_281 = arith.constant 7 : i32
      %add3A_282 = arith.addi %add3A_280, %add3A_281 : i32
      %broadcast_in_dim3A_283 = vector.broadcast %add3A_282 : i32 to vector<16xi32>
      %gather3A_284 = tpu.vector_load_idx %arg10[%broadcast_in_dim3A_283] : memref<256xi32, #tpu.memory_space<vmem>>[vector<16xi32>], vector<16xi32>,
      %ne3A_285 = arith.constant 0 : i32
      %ne3A_286 = vector.broadcast %ne3A_285 : i32 to vector<16xi32>
      %ne3A_287 = arith.cmpi ne, %gather3A_284, %ne3A_286 : vector<16xi32>
      %broadcast_in_dim3A_288 = arith.constant 0.000000e+00 : f32
      %broadcast_in_dim3A_289 = vector.broadcast %broadcast_in_dim3A_288 : f32 to vector<16xf32>
      %parallel_loop3A = arith.constant 0 : i32
      %parallel_loop3A_290 = arith.constant 48 : i32
      %parallel_loop3A_291 = arith.constant 1 : i32
      %parallel_loop3A_292:16 = scf.for %parallel_loop3A_733 = %parallel_loop3A to %parallel_loop3A_290 step %parallel_loop3A_291 iter_args(%parallel_loop3A_734 = %broadcast_in_dim3A_289, %parallel_loop3A_735 = %broadcast_in_dim3A_289, %parallel_loop3A_736 = %broadcast_in_dim3A_289, %parallel_loop3A_737 = %broadcast_in_dim3A_289, %parallel_loop3A_738 = %broadcast_in_dim3A_289, %parallel_loop3A_739 = %broadcast_in_dim3A_289, %parallel_loop3A_740 = %broadcast_in_dim3A_289, %parallel_loop3A_741 = %broadcast_in_dim3A_289, %parallel_loop3A_742 = %broadcast_in_dim3A_289, %parallel_loop3A_743 = %broadcast_in_dim3A_289, %parallel_loop3A_744 = %broadcast_in_dim3A_289, %parallel_loop3A_745 = %broadcast_in_dim3A_289, %parallel_loop3A_746 = %broadcast_in_dim3A_289, %parallel_loop3A_747 = %broadcast_in_dim3A_289, %parallel_loop3A_748 = %broadcast_in_dim3A_289, %parallel_loop3A_749 = %broadcast_in_dim3A_289) -> (vector<16xf32>, vector<16xf32>, vector<16xf32>, vector<16xf32>, vector<16xf32>, vector<16xf32>, vector<16xf32>, vector<16xf32>, vector<16xf32>, vector<16xf32>, vector<16xf32>, vector<16xf32>, vector<16xf32>, vector<16xf32>, vector<16xf32>, vector<16xf32>)  : i32 {
        %parallel_loop3A_750 = arith.constant 16 : i32
        %parallel_loop3A_751 = arith.muli %parallel_loop3A_733, %parallel_loop3A_750 : i32
        %parallel_loop3A_752 = arith.constant 0 : i32
        %parallel_loop3A_753 = arith.index_cast %parallel_loop3A_752 : i32 to index
        %parallel_loop3A_754 = arith.index_cast %parallel_loop3A_751 : i32 to index
        %parallel_loop3A_755 = tpu.vector_load %arg12[%parallel_loop3A_753, %parallel_loop3A_754] {strides = array<i32>} : memref<2x768xf32, #tpu.memory_space<vmem>>, vector<16xf32>,
        %parallel_loop3A_756 = arith.constant 1 : i32
        %parallel_loop3A_757 = arith.index_cast %parallel_loop3A_756 : i32 to index
        %parallel_loop3A_758 = arith.index_cast %parallel_loop3A_751 : i32 to index
        %parallel_loop3A_759 = tpu.vector_load %arg12[%parallel_loop3A_757, %parallel_loop3A_758] {strides = array<i32>} : memref<2x768xf32, #tpu.memory_space<vmem>>, vector<16xf32>,
        %parallel_loop3A_760 = arith.constant 0 : i32
        %parallel_loop3A_761 = arith.addi %mul3A_218, %parallel_loop3A_760 : i32
        %parallel_loop3A_762 = arith.constant 0 : i32
        %parallel_loop3A_763 = arith.index_cast %parallel_loop3A_762 : i32 to index
        %parallel_loop3A_764 = arith.index_cast %parallel_loop3A_761 : i32 to index
        %parallel_loop3A_765 = arith.index_cast %parallel_loop3A_751 : i32 to index
        %parallel_loop3A_766 = tpu.vector_load %arg11[%parallel_loop3A_763, %parallel_loop3A_764, %parallel_loop3A_765] {strides = array<i32>} : memref<2x64x768xf32, #tpu.memory_space<vmem>>, vector<16xf32>,
        %parallel_loop3A_767 = arith.select %ne3A_224, %parallel_loop3A_759, %parallel_loop3A_755 : vector<16xi1>, vector<16xf32>
        %parallel_loop3A_768 = arith.addf %parallel_loop3A_766, %parallel_loop3A_767 : vector<16xf32>
        %parallel_loop3A_769 = arith.constant 0 : i32
        %parallel_loop3A_770 = arith.addi %mul3A_218, %parallel_loop3A_769 : i32
        %parallel_loop3A_771 = arith.constant 0 : i32
        %parallel_loop3A_772 = arith.index_cast %parallel_loop3A_771 : i32 to index
        %parallel_loop3A_773 = arith.index_cast %parallel_loop3A_770 : i32 to index
        %parallel_loop3A_774 = arith.index_cast %parallel_loop3A_751 : i32 to index
        %parallel_loop3A_775 = tpu.vector_load %arg11[%parallel_loop3A_772, %parallel_loop3A_773, %parallel_loop3A_774] {strides = array<i32>} : memref<2x64x768xf32, #tpu.memory_space<vmem>>, vector<16xf32>,
        tpu.vector_store %arg11[%parallel_loop3A_772, %parallel_loop3A_773, %parallel_loop3A_774], %parallel_loop3A_768 {strides = array<i32>} : memref<2x64x768xf32, #tpu.memory_space<vmem>>, vector<16xf32>,
        %parallel_loop3A_776 = arith.addf %parallel_loop3A_734, %parallel_loop3A_768 : vector<16xf32>
        %parallel_loop3A_777 = arith.mulf %parallel_loop3A_768, %parallel_loop3A_768 : vector<16xf32>
        %parallel_loop3A_778 = arith.addf %parallel_loop3A_742, %parallel_loop3A_777 : vector<16xf32>
        %parallel_loop3A_779 = arith.constant 1 : i32
        %parallel_loop3A_780 = arith.addi %mul3A_218, %parallel_loop3A_779 : i32
        %parallel_loop3A_781 = arith.constant 0 : i32
        %parallel_loop3A_782 = arith.index_cast %parallel_loop3A_781 : i32 to index
        %parallel_loop3A_783 = arith.index_cast %parallel_loop3A_780 : i32 to index
        %parallel_loop3A_784 = arith.index_cast %parallel_loop3A_751 : i32 to index
        %parallel_loop3A_785 = tpu.vector_load %arg11[%parallel_loop3A_782, %parallel_loop3A_783, %parallel_loop3A_784] {strides = array<i32>} : memref<2x64x768xf32, #tpu.memory_space<vmem>>, vector<16xf32>,
        %parallel_loop3A_786 = arith.select %ne3A_233, %parallel_loop3A_759, %parallel_loop3A_755 : vector<16xi1>, vector<16xf32>
        %parallel_loop3A_787 = arith.addf %parallel_loop3A_785, %parallel_loop3A_786 : vector<16xf32>
        %parallel_loop3A_788 = arith.constant 1 : i32
        %parallel_loop3A_789 = arith.addi %mul3A_218, %parallel_loop3A_788 : i32
        %parallel_loop3A_790 = arith.constant 0 : i32
        %parallel_loop3A_791 = arith.index_cast %parallel_loop3A_790 : i32 to index
        %parallel_loop3A_792 = arith.index_cast %parallel_loop3A_789 : i32 to index
        %parallel_loop3A_793 = arith.index_cast %parallel_loop3A_751 : i32 to index
        %parallel_loop3A_794 = tpu.vector_load %arg11[%parallel_loop3A_791, %parallel_loop3A_792, %parallel_loop3A_793] {strides = array<i32>} : memref<2x64x768xf32, #tpu.memory_space<vmem>>, vector<16xf32>,
        tpu.vector_store %arg11[%parallel_loop3A_791, %parallel_loop3A_792, %parallel_loop3A_793], %parallel_loop3A_787 {strides = array<i32>} : memref<2x64x768xf32, #tpu.memory_space<vmem>>, vector<16xf32>,
        %parallel_loop3A_795 = arith.addf %parallel_loop3A_735, %parallel_loop3A_787 : vector<16xf32>
        %parallel_loop3A_796 = arith.mulf %parallel_loop3A_787, %parallel_loop3A_787 : vector<16xf32>
        %parallel_loop3A_797 = arith.addf %parallel_loop3A_743, %parallel_loop3A_796 : vector<16xf32>
        %parallel_loop3A_798 = arith.constant 2 : i32
        %parallel_loop3A_799 = arith.addi %mul3A_218, %parallel_loop3A_798 : i32
        %parallel_loop3A_800 = arith.constant 0 : i32
        %parallel_loop3A_801 = arith.index_cast %parallel_loop3A_800 : i32 to index
        %parallel_loop3A_802 = arith.index_cast %parallel_loop3A_799 : i32 to index
        %parallel_loop3A_803 = arith.index_cast %parallel_loop3A_751 : i32 to index
        %parallel_loop3A_804 = tpu.vector_load %arg11[%parallel_loop3A_801, %parallel_loop3A_802, %parallel_loop3A_803] {strides = array<i32>} : memref<2x64x768xf32, #tpu.memory_space<vmem>>, vector<16xf32>,
        %parallel_loop3A_805 = arith.select %ne3A_242, %parallel_loop3A_759, %parallel_loop3A_755 : vector<16xi1>, vector<16xf32>
        %parallel_loop3A_806 = arith.addf %parallel_loop3A_804, %parallel_loop3A_805 : vector<16xf32>
        %parallel_loop3A_807 = arith.constant 2 : i32
        %parallel_loop3A_808 = arith.addi %mul3A_218, %parallel_loop3A_807 : i32
        %parallel_loop3A_809 = arith.constant 0 : i32
        %parallel_loop3A_810 = arith.index_cast %parallel_loop3A_809 : i32 to index
        %parallel_loop3A_811 = arith.index_cast %parallel_loop3A_808 : i32 to index
        %parallel_loop3A_812 = arith.index_cast %parallel_loop3A_751 : i32 to index
        %parallel_loop3A_813 = tpu.vector_load %arg11[%parallel_loop3A_810, %parallel_loop3A_811, %parallel_loop3A_812] {strides = array<i32>} : memref<2x64x768xf32, #tpu.memory_space<vmem>>, vector<16xf32>,
        tpu.vector_store %arg11[%parallel_loop3A_810, %parallel_loop3A_811, %parallel_loop3A_812], %parallel_loop3A_806 {strides = array<i32>} : memref<2x64x768xf32, #tpu.memory_space<vmem>>, vector<16xf32>,
        %parallel_loop3A_814 = arith.addf %parallel_loop3A_736, %parallel_loop3A_806 : vector<16xf32>
        %parallel_loop3A_815 = arith.mulf %parallel_loop3A_806, %parallel_loop3A_806 : vector<16xf32>
        %parallel_loop3A_816 = arith.addf %parallel_loop3A_744, %parallel_loop3A_815 : vector<16xf32>
        %parallel_loop3A_817 = arith.constant 3 : i32
        %parallel_loop3A_818 = arith.addi %mul3A_218, %parallel_loop3A_817 : i32
        %parallel_loop3A_819 = arith.constant 0 : i32
        %parallel_loop3A_820 = arith.index_cast %parallel_loop3A_819 : i32 to index
        %parallel_loop3A_821 = arith.index_cast %parallel_loop3A_818 : i32 to index
        %parallel_loop3A_822 = arith.index_cast %parallel_loop3A_751 : i32 to index
        %parallel_loop3A_823 = tpu.vector_load %arg11[%parallel_loop3A_820, %parallel_loop3A_821, %parallel_loop3A_822] {strides = array<i32>} : memref<2x64x768xf32, #tpu.memory_space<vmem>>, vector<16xf32>,
        %parallel_loop3A_824 = arith.select %ne3A_251, %parallel_loop3A_759, %parallel_loop3A_755 : vector<16xi1>, vector<16xf32>
        %parallel_loop3A_825 = arith.addf %parallel_loop3A_823, %parallel_loop3A_824 : vector<16xf32>
        %parallel_loop3A_826 = arith.constant 3 : i32
        %parallel_loop3A_827 = arith.addi %mul3A_218, %parallel_loop3A_826 : i32
        %parallel_loop3A_828 = arith.constant 0 : i32
        %parallel_loop3A_829 = arith.index_cast %parallel_loop3A_828 : i32 to index
        %parallel_loop3A_830 = arith.index_cast %parallel_loop3A_827 : i32 to index
        %parallel_loop3A_831 = arith.index_cast %parallel_loop3A_751 : i32 to index
        %parallel_loop3A_832 = tpu.vector_load %arg11[%parallel_loop3A_829, %parallel_loop3A_830, %parallel_loop3A_831] {strides = array<i32>} : memref<2x64x768xf32, #tpu.memory_space<vmem>>, vector<16xf32>,
        tpu.vector_store %arg11[%parallel_loop3A_829, %parallel_loop3A_830, %parallel_loop3A_831], %parallel_loop3A_825 {strides = array<i32>} : memref<2x64x768xf32, #tpu.memory_space<vmem>>, vector<16xf32>,
        %parallel_loop3A_833 = arith.addf %parallel_loop3A_737, %parallel_loop3A_825 : vector<16xf32>
        %parallel_loop3A_834 = arith.mulf %parallel_loop3A_825, %parallel_loop3A_825 : vector<16xf32>
        %parallel_loop3A_835 = arith.addf %parallel_loop3A_745, %parallel_loop3A_834 : vector<16xf32>
        %parallel_loop3A_836 = arith.constant 4 : i32
        %parallel_loop3A_837 = arith.addi %mul3A_218, %parallel_loop3A_836 : i32
        %parallel_loop3A_838 = arith.constant 0 : i32
        %parallel_loop3A_839 = arith.index_cast %parallel_loop3A_838 : i32 to index
        %parallel_loop3A_840 = arith.index_cast %parallel_loop3A_837 : i32 to index
        %parallel_loop3A_841 = arith.index_cast %parallel_loop3A_751 : i32 to index
        %parallel_loop3A_842 = tpu.vector_load %arg11[%parallel_loop3A_839, %parallel_loop3A_840, %parallel_loop3A_841] {strides = array<i32>} : memref<2x64x768xf32, #tpu.memory_space<vmem>>, vector<16xf32>,
        %parallel_loop3A_843 = arith.select %ne3A_260, %parallel_loop3A_759, %parallel_loop3A_755 : vector<16xi1>, vector<16xf32>
        %parallel_loop3A_844 = arith.addf %parallel_loop3A_842, %parallel_loop3A_843 : vector<16xf32>
        %parallel_loop3A_845 = arith.constant 4 : i32
        %parallel_loop3A_846 = arith.addi %mul3A_218, %parallel_loop3A_845 : i32
        %parallel_loop3A_847 = arith.constant 0 : i32
        %parallel_loop3A_848 = arith.index_cast %parallel_loop3A_847 : i32 to index
        %parallel_loop3A_849 = arith.index_cast %parallel_loop3A_846 : i32 to index
        %parallel_loop3A_850 = arith.index_cast %parallel_loop3A_751 : i32 to index
        %parallel_loop3A_851 = tpu.vector_load %arg11[%parallel_loop3A_848, %parallel_loop3A_849, %parallel_loop3A_850] {strides = array<i32>} : memref<2x64x768xf32, #tpu.memory_space<vmem>>, vector<16xf32>,
        tpu.vector_store %arg11[%parallel_loop3A_848, %parallel_loop3A_849, %parallel_loop3A_850], %parallel_loop3A_844 {strides = array<i32>} : memref<2x64x768xf32, #tpu.memory_space<vmem>>, vector<16xf32>,
        %parallel_loop3A_852 = arith.addf %parallel_loop3A_738, %parallel_loop3A_844 : vector<16xf32>
        %parallel_loop3A_853 = arith.mulf %parallel_loop3A_844, %parallel_loop3A_844 : vector<16xf32>
        %parallel_loop3A_854 = arith.addf %parallel_loop3A_746, %parallel_loop3A_853 : vector<16xf32>
        %parallel_loop3A_855 = arith.constant 5 : i32
        %parallel_loop3A_856 = arith.addi %mul3A_218, %parallel_loop3A_855 : i32
        %parallel_loop3A_857 = arith.constant 0 : i32
        %parallel_loop3A_858 = arith.index_cast %parallel_loop3A_857 : i32 to index
        %parallel_loop3A_859 = arith.index_cast %parallel_loop3A_856 : i32 to index
        %parallel_loop3A_860 = arith.index_cast %parallel_loop3A_751 : i32 to index
        %parallel_loop3A_861 = tpu.vector_load %arg11[%parallel_loop3A_858, %parallel_loop3A_859, %parallel_loop3A_860] {strides = array<i32>} : memref<2x64x768xf32, #tpu.memory_space<vmem>>, vector<16xf32>,
        %parallel_loop3A_862 = arith.select %ne3A_269, %parallel_loop3A_759, %parallel_loop3A_755 : vector<16xi1>, vector<16xf32>
        %parallel_loop3A_863 = arith.addf %parallel_loop3A_861, %parallel_loop3A_862 : vector<16xf32>
        %parallel_loop3A_864 = arith.constant 5 : i32
        %parallel_loop3A_865 = arith.addi %mul3A_218, %parallel_loop3A_864 : i32
        %parallel_loop3A_866 = arith.constant 0 : i32
        %parallel_loop3A_867 = arith.index_cast %parallel_loop3A_866 : i32 to index
        %parallel_loop3A_868 = arith.index_cast %parallel_loop3A_865 : i32 to index
        %parallel_loop3A_869 = arith.index_cast %parallel_loop3A_751 : i32 to index
        %parallel_loop3A_870 = tpu.vector_load %arg11[%parallel_loop3A_867, %parallel_loop3A_868, %parallel_loop3A_869] {strides = array<i32>} : memref<2x64x768xf32, #tpu.memory_space<vmem>>, vector<16xf32>,
        tpu.vector_store %arg11[%parallel_loop3A_867, %parallel_loop3A_868, %parallel_loop3A_869], %parallel_loop3A_863 {strides = array<i32>} : memref<2x64x768xf32, #tpu.memory_space<vmem>>, vector<16xf32>,
        %parallel_loop3A_871 = arith.addf %parallel_loop3A_739, %parallel_loop3A_863 : vector<16xf32>
        %parallel_loop3A_872 = arith.mulf %parallel_loop3A_863, %parallel_loop3A_863 : vector<16xf32>
        %parallel_loop3A_873 = arith.addf %parallel_loop3A_747, %parallel_loop3A_872 : vector<16xf32>
        %parallel_loop3A_874 = arith.constant 6 : i32
        %parallel_loop3A_875 = arith.addi %mul3A_218, %parallel_loop3A_874 : i32
        %parallel_loop3A_876 = arith.constant 0 : i32
        %parallel_loop3A_877 = arith.index_cast %parallel_loop3A_876 : i32 to index
        %parallel_loop3A_878 = arith.index_cast %parallel_loop3A_875 : i32 to index
        %parallel_loop3A_879 = arith.index_cast %parallel_loop3A_751 : i32 to index
        %parallel_loop3A_880 = tpu.vector_load %arg11[%parallel_loop3A_877, %parallel_loop3A_878, %parallel_loop3A_879] {strides = array<i32>} : memref<2x64x768xf32, #tpu.memory_space<vmem>>, vector<16xf32>,
        %parallel_loop3A_881 = arith.select %ne3A_278, %parallel_loop3A_759, %parallel_loop3A_755 : vector<16xi1>, vector<16xf32>
        %parallel_loop3A_882 = arith.addf %parallel_loop3A_880, %parallel_loop3A_881 : vector<16xf32>
        %parallel_loop3A_883 = arith.constant 6 : i32
        %parallel_loop3A_884 = arith.addi %mul3A_218, %parallel_loop3A_883 : i32
        %parallel_loop3A_885 = arith.constant 0 : i32
        %parallel_loop3A_886 = arith.index_cast %parallel_loop3A_885 : i32 to index
        %parallel_loop3A_887 = arith.index_cast %parallel_loop3A_884 : i32 to index
        %parallel_loop3A_888 = arith.index_cast %parallel_loop3A_751 : i32 to index
        %parallel_loop3A_889 = tpu.vector_load %arg11[%parallel_loop3A_886, %parallel_loop3A_887, %parallel_loop3A_888] {strides = array<i32>} : memref<2x64x768xf32, #tpu.memory_space<vmem>>, vector<16xf32>,
        tpu.vector_store %arg11[%parallel_loop3A_886, %parallel_loop3A_887, %parallel_loop3A_888], %parallel_loop3A_882 {strides = array<i32>} : memref<2x64x768xf32, #tpu.memory_space<vmem>>, vector<16xf32>,
        %parallel_loop3A_890 = arith.addf %parallel_loop3A_740, %parallel_loop3A_882 : vector<16xf32>
        %parallel_loop3A_891 = arith.mulf %parallel_loop3A_882, %parallel_loop3A_882 : vector<16xf32>
        %parallel_loop3A_892 = arith.addf %parallel_loop3A_748, %parallel_loop3A_891 : vector<16xf32>
        %parallel_loop3A_893 = arith.constant 7 : i32
        %parallel_loop3A_894 = arith.addi %mul3A_218, %parallel_loop3A_893 : i32
        %parallel_loop3A_895 = arith.constant 0 : i32
        %parallel_loop3A_896 = arith.index_cast %parallel_loop3A_895 : i32 to index
        %parallel_loop3A_897 = arith.index_cast %parallel_loop3A_894 : i32 to index
        %parallel_loop3A_898 = arith.index_cast %parallel_loop3A_751 : i32 to index
        %parallel_loop3A_899 = tpu.vector_load %arg11[%parallel_loop3A_896, %parallel_loop3A_897, %parallel_loop3A_898] {strides = array<i32>} : memref<2x64x768xf32, #tpu.memory_space<vmem>>, vector<16xf32>,
        %parallel_loop3A_900 = arith.select %ne3A_287, %parallel_loop3A_759, %parallel_loop3A_755 : vector<16xi1>, vector<16xf32>
        %parallel_loop3A_901 = arith.addf %parallel_loop3A_899, %parallel_loop3A_900 : vector<16xf32>
        %parallel_loop3A_902 = arith.constant 7 : i32
        %parallel_loop3A_903 = arith.addi %mul3A_218, %parallel_loop3A_902 : i32
        %parallel_loop3A_904 = arith.constant 0 : i32
        %parallel_loop3A_905 = arith.index_cast %parallel_loop3A_904 : i32 to index
        %parallel_loop3A_906 = arith.index_cast %parallel_loop3A_903 : i32 to index
        %parallel_loop3A_907 = arith.index_cast %parallel_loop3A_751 : i32 to index
        %parallel_loop3A_908 = tpu.vector_load %arg11[%parallel_loop3A_905, %parallel_loop3A_906, %parallel_loop3A_907] {strides = array<i32>} : memref<2x64x768xf32, #tpu.memory_space<vmem>>, vector<16xf32>,
        tpu.vector_store %arg11[%parallel_loop3A_905, %parallel_loop3A_906, %parallel_loop3A_907], %parallel_loop3A_901 {strides = array<i32>} : memref<2x64x768xf32, #tpu.memory_space<vmem>>, vector<16xf32>,
        %parallel_loop3A_909 = arith.addf %parallel_loop3A_741, %parallel_loop3A_901 : vector<16xf32>
        %parallel_loop3A_910 = arith.mulf %parallel_loop3A_901, %parallel_loop3A_901 : vector<16xf32>
        %parallel_loop3A_911 = arith.addf %parallel_loop3A_749, %parallel_loop3A_910 : vector<16xf32>
        scf.yield %parallel_loop3A_776, %parallel_loop3A_795, %parallel_loop3A_814, %parallel_loop3A_833, %parallel_loop3A_852, %parallel_loop3A_871, %parallel_loop3A_890, %parallel_loop3A_909, %parallel_loop3A_778, %parallel_loop3A_797, %parallel_loop3A_816, %parallel_loop3A_835, %parallel_loop3A_854, %parallel_loop3A_873, %parallel_loop3A_892, %parallel_loop3A_911 : vector<16xf32>, vector<16xf32>, vector<16xf32>, vector<16xf32>, vector<16xf32>, vector<16xf32>, vector<16xf32>, vector<16xf32>, vector<16xf32>, vector<16xf32>, vector<16xf32>, vector<16xf32>, vector<16xf32>, vector<16xf32>, vector<16xf32>, vector<16xf32>
      } {sc.loop_unroll_factor = 2 : i64, sc.parallel_access}
      %reduce_sum3A = arith.constant true
      %reduce_sum3A_293 = vector.broadcast %reduce_sum3A : i1 to vector<16xi1>
      %reduce_sum3A_294 = tpu.scan <sum>, %parallel_loop3A_292#0 masked %reduce_sum3A_293 : vector<16xf32>, vector<16xi1> -> vector<16xf32>
      %reduce_sum3A_295 = vector.extract %reduce_sum3A_294[15] : f32 from vector<16xf32>
      %mul3A_296 = arith.constant 0.00130208337 : f32
      %mul3A_297 = arith.mulf %reduce_sum3A_295, %mul3A_296 : f32
      %reduce_sum3A_298 = arith.constant true
      %reduce_sum3A_299 = vector.broadcast %reduce_sum3A_298 : i1 to vector<16xi1>
      %reduce_sum3A_300 = tpu.scan <sum>, %parallel_loop3A_292#8 masked %reduce_sum3A_299 : vector<16xf32>, vector<16xi1> -> vector<16xf32>
      %reduce_sum3A_301 = vector.extract %reduce_sum3A_300[15] : f32 from vector<16xf32>
      %mul3A_302 = arith.constant 0.00130208337 : f32
      %mul3A_303 = arith.mulf %reduce_sum3A_301, %mul3A_302 : f32
      %mul3A_304 = arith.mulf %mul3A_297, %mul3A_297 : f32
      %sub3A = arith.subf %mul3A_303, %mul3A_304 : f32
      %max3A = arith.constant 0.000000e+00 : f32
      %max3A_305 = arith.maximumf %sub3A, %max3A : f32
      %broadcast_in_dim3A_306 = vector.broadcast %mul3A_297 : f32 to vector<16xf32>
      %add3A_307 = arith.constant 9.99999996E-13 : f32
      %add3A_308 = arith.addf %max3A_305, %add3A_307 : f32
      %broadcast_in_dim3A_309 = vector.broadcast %add3A_308 : f32 to vector<16xf32>
      %bitcast3A = vector.bitcast %broadcast_in_dim3A_309 : vector<16xf32> to vector<16xi32>
      %shift_right_arithmetic3A = arith.constant 1 : i32
      %shift_right_arithmetic3A_310 = vector.broadcast %shift_right_arithmetic3A : i32 to vector<16xi32>
      %shift_right_arithmetic3A_311 = arith.shrsi %bitcast3A, %shift_right_arithmetic3A_310 : vector<16xi32>
      %sub3A_312 = arith.constant 1597463007 : i32
      %sub3A_313 = vector.broadcast %sub3A_312 : i32 to vector<16xi32>
      %sub3A_314 = arith.subi %sub3A_313, %shift_right_arithmetic3A_311 : vector<16xi32>
      %bitcast3A_315 = vector.bitcast %sub3A_314 : vector<16xi32> to vector<16xf32>
      %mul3A_316 = arith.constant 5.000000e-01 : f32
      %mul3A_317 = vector.broadcast %mul3A_316 : f32 to vector<16xf32>
      %mul3A_318 = arith.mulf %mul3A_317, %broadcast_in_dim3A_309 : vector<16xf32>
      %mul3A_319 = arith.mulf %mul3A_318, %bitcast3A_315 : vector<16xf32>
      %mul3A_320 = arith.mulf %mul3A_319, %bitcast3A_315 : vector<16xf32>
      %sub3A_321 = arith.constant 1.500000e+00 : f32
      %sub3A_322 = vector.broadcast %sub3A_321 : f32 to vector<16xf32>
      %sub3A_323 = arith.subf %sub3A_322, %mul3A_320 : vector<16xf32>
      %mul3A_324 = arith.mulf %bitcast3A_315, %sub3A_323 : vector<16xf32>
      %mul3A_325 = arith.constant 5.000000e-01 : f32
      %mul3A_326 = vector.broadcast %mul3A_325 : f32 to vector<16xf32>
      %mul3A_327 = arith.mulf %mul3A_326, %broadcast_in_dim3A_309 : vector<16xf32>
      %mul3A_328 = arith.mulf %mul3A_327, %mul3A_324 : vector<16xf32>
      %mul3A_329 = arith.mulf %mul3A_328, %mul3A_324 : vector<16xf32>
      %sub3A_330 = arith.constant 1.500000e+00 : f32
      %sub3A_331 = vector.broadcast %sub3A_330 : f32 to vector<16xf32>
      %sub3A_332 = arith.subf %sub3A_331, %mul3A_329 : vector<16xf32>
      %mul3A_333 = arith.mulf %mul3A_324, %sub3A_332 : vector<16xf32>
      %mul3A_334 = arith.constant 5.000000e-01 : f32
      %mul3A_335 = vector.broadcast %mul3A_334 : f32 to vector<16xf32>
      %mul3A_336 = arith.mulf %mul3A_335, %broadcast_in_dim3A_309 : vector<16xf32>
      %mul3A_337 = arith.mulf %mul3A_336, %mul3A_333 : vector<16xf32>
      %mul3A_338 = arith.mulf %mul3A_337, %mul3A_333 : vector<16xf32>
      %sub3A_339 = arith.constant 1.500000e+00 : f32
      %sub3A_340 = vector.broadcast %sub3A_339 : f32 to vector<16xf32>
      %sub3A_341 = arith.subf %sub3A_340, %mul3A_338 : vector<16xf32>
      %mul3A_342 = arith.mulf %mul3A_333, %sub3A_341 : vector<16xf32>
      %reduce_sum3A_343 = arith.constant true
      %reduce_sum3A_344 = vector.broadcast %reduce_sum3A_343 : i1 to vector<16xi1>
      %reduce_sum3A_345 = tpu.scan <sum>, %parallel_loop3A_292#1 masked %reduce_sum3A_344 : vector<16xf32>, vector<16xi1> -> vector<16xf32>
      %reduce_sum3A_346 = vector.extract %reduce_sum3A_345[15] : f32 from vector<16xf32>
      %mul3A_347 = arith.constant 0.00130208337 : f32
      %mul3A_348 = arith.mulf %reduce_sum3A_346, %mul3A_347 : f32
      %reduce_sum3A_349 = arith.constant true
      %reduce_sum3A_350 = vector.broadcast %reduce_sum3A_349 : i1 to vector<16xi1>
      %reduce_sum3A_351 = tpu.scan <sum>, %parallel_loop3A_292#9 masked %reduce_sum3A_350 : vector<16xf32>, vector<16xi1> -> vector<16xf32>
      %reduce_sum3A_352 = vector.extract %reduce_sum3A_351[15] : f32 from vector<16xf32>
      %mul3A_353 = arith.constant 0.00130208337 : f32
      %mul3A_354 = arith.mulf %reduce_sum3A_352, %mul3A_353 : f32
      %mul3A_355 = arith.mulf %mul3A_348, %mul3A_348 : f32
      %sub3A_356 = arith.subf %mul3A_354, %mul3A_355 : f32
      %max3A_357 = arith.constant 0.000000e+00 : f32
      %max3A_358 = arith.maximumf %sub3A_356, %max3A_357 : f32
      %broadcast_in_dim3A_359 = vector.broadcast %mul3A_348 : f32 to vector<16xf32>
      %add3A_360 = arith.constant 9.99999996E-13 : f32
      %add3A_361 = arith.addf %max3A_358, %add3A_360 : f32
      %broadcast_in_dim3A_362 = vector.broadcast %add3A_361 : f32 to vector<16xf32>
      %bitcast3A_363 = vector.bitcast %broadcast_in_dim3A_362 : vector<16xf32> to vector<16xi32>
      %shift_right_arithmetic3A_364 = arith.constant 1 : i32
      %shift_right_arithmetic3A_365 = vector.broadcast %shift_right_arithmetic3A_364 : i32 to vector<16xi32>
      %shift_right_arithmetic3A_366 = arith.shrsi %bitcast3A_363, %shift_right_arithmetic3A_365 : vector<16xi32>
      %sub3A_367 = arith.constant 1597463007 : i32
      %sub3A_368 = vector.broadcast %sub3A_367 : i32 to vector<16xi32>
      %sub3A_369 = arith.subi %sub3A_368, %shift_right_arithmetic3A_366 : vector<16xi32>
      %bitcast3A_370 = vector.bitcast %sub3A_369 : vector<16xi32> to vector<16xf32>
      %mul3A_371 = arith.constant 5.000000e-01 : f32
      %mul3A_372 = vector.broadcast %mul3A_371 : f32 to vector<16xf32>
      %mul3A_373 = arith.mulf %mul3A_372, %broadcast_in_dim3A_362 : vector<16xf32>
      %mul3A_374 = arith.mulf %mul3A_373, %bitcast3A_370 : vector<16xf32>
      %mul3A_375 = arith.mulf %mul3A_374, %bitcast3A_370 : vector<16xf32>
      %sub3A_376 = arith.constant 1.500000e+00 : f32
      %sub3A_377 = vector.broadcast %sub3A_376 : f32 to vector<16xf32>
      %sub3A_378 = arith.subf %sub3A_377, %mul3A_375 : vector<16xf32>
      %mul3A_379 = arith.mulf %bitcast3A_370, %sub3A_378 : vector<16xf32>
      %mul3A_380 = arith.constant 5.000000e-01 : f32
      %mul3A_381 = vector.broadcast %mul3A_380 : f32 to vector<16xf32>
      %mul3A_382 = arith.mulf %mul3A_381, %broadcast_in_dim3A_362 : vector<16xf32>
      %mul3A_383 = arith.mulf %mul3A_382, %mul3A_379 : vector<16xf32>
      %mul3A_384 = arith.mulf %mul3A_383, %mul3A_379 : vector<16xf32>
      %sub3A_385 = arith.constant 1.500000e+00 : f32
      %sub3A_386 = vector.broadcast %sub3A_385 : f32 to vector<16xf32>
      %sub3A_387 = arith.subf %sub3A_386, %mul3A_384 : vector<16xf32>
      %mul3A_388 = arith.mulf %mul3A_379, %sub3A_387 : vector<16xf32>
      %mul3A_389 = arith.constant 5.000000e-01 : f32
      %mul3A_390 = vector.broadcast %mul3A_389 : f32 to vector<16xf32>
      %mul3A_391 = arith.mulf %mul3A_390, %broadcast_in_dim3A_362 : vector<16xf32>
      %mul3A_392 = arith.mulf %mul3A_391, %mul3A_388 : vector<16xf32>
      %mul3A_393 = arith.mulf %mul3A_392, %mul3A_388 : vector<16xf32>
      %sub3A_394 = arith.constant 1.500000e+00 : f32
      %sub3A_395 = vector.broadcast %sub3A_394 : f32 to vector<16xf32>
      %sub3A_396 = arith.subf %sub3A_395, %mul3A_393 : vector<16xf32>
      %mul3A_397 = arith.mulf %mul3A_388, %sub3A_396 : vector<16xf32>
      %reduce_sum3A_398 = arith.constant true
      %reduce_sum3A_399 = vector.broadcast %reduce_sum3A_398 : i1 to vector<16xi1>
      %reduce_sum3A_400 = tpu.scan <sum>, %parallel_loop3A_292#2 masked %reduce_sum3A_399 : vector<16xf32>, vector<16xi1> -> vector<16xf32>
      %reduce_sum3A_401 = vector.extract %reduce_sum3A_400[15] : f32 from vector<16xf32>
      %mul3A_402 = arith.constant 0.00130208337 : f32
      %mul3A_403 = arith.mulf %reduce_sum3A_401, %mul3A_402 : f32
      %reduce_sum3A_404 = arith.constant true
      %reduce_sum3A_405 = vector.broadcast %reduce_sum3A_404 : i1 to vector<16xi1>
      %reduce_sum3A_406 = tpu.scan <sum>, %parallel_loop3A_292#10 masked %reduce_sum3A_405 : vector<16xf32>, vector<16xi1> -> vector<16xf32>
      %reduce_sum3A_407 = vector.extract %reduce_sum3A_406[15] : f32 from vector<16xf32>
      %mul3A_408 = arith.constant 0.00130208337 : f32
      %mul3A_409 = arith.mulf %reduce_sum3A_407, %mul3A_408 : f32
      %mul3A_410 = arith.mulf %mul3A_403, %mul3A_403 : f32
      %sub3A_411 = arith.subf %mul3A_409, %mul3A_410 : f32
      %max3A_412 = arith.constant 0.000000e+00 : f32
      %max3A_413 = arith.maximumf %sub3A_411, %max3A_412 : f32
      %broadcast_in_dim3A_414 = vector.broadcast %mul3A_403 : f32 to vector<16xf32>
      %add3A_415 = arith.constant 9.99999996E-13 : f32
      %add3A_416 = arith.addf %max3A_413, %add3A_415 : f32
      %broadcast_in_dim3A_417 = vector.broadcast %add3A_416 : f32 to vector<16xf32>
      %bitcast3A_418 = vector.bitcast %broadcast_in_dim3A_417 : vector<16xf32> to vector<16xi32>
      %shift_right_arithmetic3A_419 = arith.constant 1 : i32
      %shift_right_arithmetic3A_420 = vector.broadcast %shift_right_arithmetic3A_419 : i32 to vector<16xi32>
      %shift_right_arithmetic3A_421 = arith.shrsi %bitcast3A_418, %shift_right_arithmetic3A_420 : vector<16xi32>
      %sub3A_422 = arith.constant 1597463007 : i32
      %sub3A_423 = vector.broadcast %sub3A_422 : i32 to vector<16xi32>
      %sub3A_424 = arith.subi %sub3A_423, %shift_right_arithmetic3A_421 : vector<16xi32>
      %bitcast3A_425 = vector.bitcast %sub3A_424 : vector<16xi32> to vector<16xf32>
      %mul3A_426 = arith.constant 5.000000e-01 : f32
      %mul3A_427 = vector.broadcast %mul3A_426 : f32 to vector<16xf32>
      %mul3A_428 = arith.mulf %mul3A_427, %broadcast_in_dim3A_417 : vector<16xf32>
      %mul3A_429 = arith.mulf %mul3A_428, %bitcast3A_425 : vector<16xf32>
      %mul3A_430 = arith.mulf %mul3A_429, %bitcast3A_425 : vector<16xf32>
      %sub3A_431 = arith.constant 1.500000e+00 : f32
      %sub3A_432 = vector.broadcast %sub3A_431 : f32 to vector<16xf32>
      %sub3A_433 = arith.subf %sub3A_432, %mul3A_430 : vector<16xf32>
      %mul3A_434 = arith.mulf %bitcast3A_425, %sub3A_433 : vector<16xf32>
      %mul3A_435 = arith.constant 5.000000e-01 : f32
      %mul3A_436 = vector.broadcast %mul3A_435 : f32 to vector<16xf32>
      %mul3A_437 = arith.mulf %mul3A_436, %broadcast_in_dim3A_417 : vector<16xf32>
      %mul3A_438 = arith.mulf %mul3A_437, %mul3A_434 : vector<16xf32>
      %mul3A_439 = arith.mulf %mul3A_438, %mul3A_434 : vector<16xf32>
      %sub3A_440 = arith.constant 1.500000e+00 : f32
      %sub3A_441 = vector.broadcast %sub3A_440 : f32 to vector<16xf32>
      %sub3A_442 = arith.subf %sub3A_441, %mul3A_439 : vector<16xf32>
      %mul3A_443 = arith.mulf %mul3A_434, %sub3A_442 : vector<16xf32>
      %mul3A_444 = arith.constant 5.000000e-01 : f32
      %mul3A_445 = vector.broadcast %mul3A_444 : f32 to vector<16xf32>
      %mul3A_446 = arith.mulf %mul3A_445, %broadcast_in_dim3A_417 : vector<16xf32>
      %mul3A_447 = arith.mulf %mul3A_446, %mul3A_443 : vector<16xf32>
      %mul3A_448 = arith.mulf %mul3A_447, %mul3A_443 : vector<16xf32>
      %sub3A_449 = arith.constant 1.500000e+00 : f32
      %sub3A_450 = vector.broadcast %sub3A_449 : f32 to vector<16xf32>
      %sub3A_451 = arith.subf %sub3A_450, %mul3A_448 : vector<16xf32>
      %mul3A_452 = arith.mulf %mul3A_443, %sub3A_451 : vector<16xf32>
      %reduce_sum3A_453 = arith.constant true
      %reduce_sum3A_454 = vector.broadcast %reduce_sum3A_453 : i1 to vector<16xi1>
      %reduce_sum3A_455 = tpu.scan <sum>, %parallel_loop3A_292#3 masked %reduce_sum3A_454 : vector<16xf32>, vector<16xi1> -> vector<16xf32>
      %reduce_sum3A_456 = vector.extract %reduce_sum3A_455[15] : f32 from vector<16xf32>
      %mul3A_457 = arith.constant 0.00130208337 : f32
      %mul3A_458 = arith.mulf %reduce_sum3A_456, %mul3A_457 : f32
      %reduce_sum3A_459 = arith.constant true
      %reduce_sum3A_460 = vector.broadcast %reduce_sum3A_459 : i1 to vector<16xi1>
      %reduce_sum3A_461 = tpu.scan <sum>, %parallel_loop3A_292#11 masked %reduce_sum3A_460 : vector<16xf32>, vector<16xi1> -> vector<16xf32>
      %reduce_sum3A_462 = vector.extract %reduce_sum3A_461[15] : f32 from vector<16xf32>
      %mul3A_463 = arith.constant 0.00130208337 : f32
      %mul3A_464 = arith.mulf %reduce_sum3A_462, %mul3A_463 : f32
      %mul3A_465 = arith.mulf %mul3A_458, %mul3A_458 : f32
      %sub3A_466 = arith.subf %mul3A_464, %mul3A_465 : f32
      %max3A_467 = arith.constant 0.000000e+00 : f32
      %max3A_468 = arith.maximumf %sub3A_466, %max3A_467 : f32
      %broadcast_in_dim3A_469 = vector.broadcast %mul3A_458 : f32 to vector<16xf32>
      %add3A_470 = arith.constant 9.99999996E-13 : f32
      %add3A_471 = arith.addf %max3A_468, %add3A_470 : f32
      %broadcast_in_dim3A_472 = vector.broadcast %add3A_471 : f32 to vector<16xf32>
      %bitcast3A_473 = vector.bitcast %broadcast_in_dim3A_472 : vector<16xf32> to vector<16xi32>
      %shift_right_arithmetic3A_474 = arith.constant 1 : i32
      %shift_right_arithmetic3A_475 = vector.broadcast %shift_right_arithmetic3A_474 : i32 to vector<16xi32>
      %shift_right_arithmetic3A_476 = arith.shrsi %bitcast3A_473, %shift_right_arithmetic3A_475 : vector<16xi32>
      %sub3A_477 = arith.constant 1597463007 : i32
      %sub3A_478 = vector.broadcast %sub3A_477 : i32 to vector<16xi32>
      %sub3A_479 = arith.subi %sub3A_478, %shift_right_arithmetic3A_476 : vector<16xi32>
      %bitcast3A_480 = vector.bitcast %sub3A_479 : vector<16xi32> to vector<16xf32>
      %mul3A_481 = arith.constant 5.000000e-01 : f32
      %mul3A_482 = vector.broadcast %mul3A_481 : f32 to vector<16xf32>
      %mul3A_483 = arith.mulf %mul3A_482, %broadcast_in_dim3A_472 : vector<16xf32>
      %mul3A_484 = arith.mulf %mul3A_483, %bitcast3A_480 : vector<16xf32>
      %mul3A_485 = arith.mulf %mul3A_484, %bitcast3A_480 : vector<16xf32>
      %sub3A_486 = arith.constant 1.500000e+00 : f32
      %sub3A_487 = vector.broadcast %sub3A_486 : f32 to vector<16xf32>
      %sub3A_488 = arith.subf %sub3A_487, %mul3A_485 : vector<16xf32>
      %mul3A_489 = arith.mulf %bitcast3A_480, %sub3A_488 : vector<16xf32>
      %mul3A_490 = arith.constant 5.000000e-01 : f32
      %mul3A_491 = vector.broadcast %mul3A_490 : f32 to vector<16xf32>
      %mul3A_492 = arith.mulf %mul3A_491, %broadcast_in_dim3A_472 : vector<16xf32>
      %mul3A_493 = arith.mulf %mul3A_492, %mul3A_489 : vector<16xf32>
      %mul3A_494 = arith.mulf %mul3A_493, %mul3A_489 : vector<16xf32>
      %sub3A_495 = arith.constant 1.500000e+00 : f32
      %sub3A_496 = vector.broadcast %sub3A_495 : f32 to vector<16xf32>
      %sub3A_497 = arith.subf %sub3A_496, %mul3A_494 : vector<16xf32>
      %mul3A_498 = arith.mulf %mul3A_489, %sub3A_497 : vector<16xf32>
      %mul3A_499 = arith.constant 5.000000e-01 : f32
      %mul3A_500 = vector.broadcast %mul3A_499 : f32 to vector<16xf32>
      %mul3A_501 = arith.mulf %mul3A_500, %broadcast_in_dim3A_472 : vector<16xf32>
      %mul3A_502 = arith.mulf %mul3A_501, %mul3A_498 : vector<16xf32>
      %mul3A_503 = arith.mulf %mul3A_502, %mul3A_498 : vector<16xf32>
      %sub3A_504 = arith.constant 1.500000e+00 : f32
      %sub3A_505 = vector.broadcast %sub3A_504 : f32 to vector<16xf32>
      %sub3A_506 = arith.subf %sub3A_505, %mul3A_503 : vector<16xf32>
      %mul3A_507 = arith.mulf %mul3A_498, %sub3A_506 : vector<16xf32>
      %reduce_sum3A_508 = arith.constant true
      %reduce_sum3A_509 = vector.broadcast %reduce_sum3A_508 : i1 to vector<16xi1>
      %reduce_sum3A_510 = tpu.scan <sum>, %parallel_loop3A_292#4 masked %reduce_sum3A_509 : vector<16xf32>, vector<16xi1> -> vector<16xf32>
      %reduce_sum3A_511 = vector.extract %reduce_sum3A_510[15] : f32 from vector<16xf32>
      %mul3A_512 = arith.constant 0.00130208337 : f32
      %mul3A_513 = arith.mulf %reduce_sum3A_511, %mul3A_512 : f32
      %reduce_sum3A_514 = arith.constant true
      %reduce_sum3A_515 = vector.broadcast %reduce_sum3A_514 : i1 to vector<16xi1>
      %reduce_sum3A_516 = tpu.scan <sum>, %parallel_loop3A_292#12 masked %reduce_sum3A_515 : vector<16xf32>, vector<16xi1> -> vector<16xf32>
      %reduce_sum3A_517 = vector.extract %reduce_sum3A_516[15] : f32 from vector<16xf32>
      %mul3A_518 = arith.constant 0.00130208337 : f32
      %mul3A_519 = arith.mulf %reduce_sum3A_517, %mul3A_518 : f32
      %mul3A_520 = arith.mulf %mul3A_513, %mul3A_513 : f32
      %sub3A_521 = arith.subf %mul3A_519, %mul3A_520 : f32
      %max3A_522 = arith.constant 0.000000e+00 : f32
      %max3A_523 = arith.maximumf %sub3A_521, %max3A_522 : f32
      %broadcast_in_dim3A_524 = vector.broadcast %mul3A_513 : f32 to vector<16xf32>
      %add3A_525 = arith.constant 9.99999996E-13 : f32
      %add3A_526 = arith.addf %max3A_523, %add3A_525 : f32
      %broadcast_in_dim3A_527 = vector.broadcast %add3A_526 : f32 to vector<16xf32>
      %bitcast3A_528 = vector.bitcast %broadcast_in_dim3A_527 : vector<16xf32> to vector<16xi32>
      %shift_right_arithmetic3A_529 = arith.constant 1 : i32
      %shift_right_arithmetic3A_530 = vector.broadcast %shift_right_arithmetic3A_529 : i32 to vector<16xi32>
      %shift_right_arithmetic3A_531 = arith.shrsi %bitcast3A_528, %shift_right_arithmetic3A_530 : vector<16xi32>
      %sub3A_532 = arith.constant 1597463007 : i32
      %sub3A_533 = vector.broadcast %sub3A_532 : i32 to vector<16xi32>
      %sub3A_534 = arith.subi %sub3A_533, %shift_right_arithmetic3A_531 : vector<16xi32>
      %bitcast3A_535 = vector.bitcast %sub3A_534 : vector<16xi32> to vector<16xf32>
      %mul3A_536 = arith.constant 5.000000e-01 : f32
      %mul3A_537 = vector.broadcast %mul3A_536 : f32 to vector<16xf32>
      %mul3A_538 = arith.mulf %mul3A_537, %broadcast_in_dim3A_527 : vector<16xf32>
      %mul3A_539 = arith.mulf %mul3A_538, %bitcast3A_535 : vector<16xf32>
      %mul3A_540 = arith.mulf %mul3A_539, %bitcast3A_535 : vector<16xf32>
      %sub3A_541 = arith.constant 1.500000e+00 : f32
      %sub3A_542 = vector.broadcast %sub3A_541 : f32 to vector<16xf32>
      %sub3A_543 = arith.subf %sub3A_542, %mul3A_540 : vector<16xf32>
      %mul3A_544 = arith.mulf %bitcast3A_535, %sub3A_543 : vector<16xf32>
      %mul3A_545 = arith.constant 5.000000e-01 : f32
      %mul3A_546 = vector.broadcast %mul3A_545 : f32 to vector<16xf32>
      %mul3A_547 = arith.mulf %mul3A_546, %broadcast_in_dim3A_527 : vector<16xf32>
      %mul3A_548 = arith.mulf %mul3A_547, %mul3A_544 : vector<16xf32>
      %mul3A_549 = arith.mulf %mul3A_548, %mul3A_544 : vector<16xf32>
      %sub3A_550 = arith.constant 1.500000e+00 : f32
      %sub3A_551 = vector.broadcast %sub3A_550 : f32 to vector<16xf32>
      %sub3A_552 = arith.subf %sub3A_551, %mul3A_549 : vector<16xf32>
      %mul3A_553 = arith.mulf %mul3A_544, %sub3A_552 : vector<16xf32>
      %mul3A_554 = arith.constant 5.000000e-01 : f32
      %mul3A_555 = vector.broadcast %mul3A_554 : f32 to vector<16xf32>
      %mul3A_556 = arith.mulf %mul3A_555, %broadcast_in_dim3A_527 : vector<16xf32>
      %mul3A_557 = arith.mulf %mul3A_556, %mul3A_553 : vector<16xf32>
      %mul3A_558 = arith.mulf %mul3A_557, %mul3A_553 : vector<16xf32>
      %sub3A_559 = arith.constant 1.500000e+00 : f32
      %sub3A_560 = vector.broadcast %sub3A_559 : f32 to vector<16xf32>
      %sub3A_561 = arith.subf %sub3A_560, %mul3A_558 : vector<16xf32>
      %mul3A_562 = arith.mulf %mul3A_553, %sub3A_561 : vector<16xf32>
      %reduce_sum3A_563 = arith.constant true
      %reduce_sum3A_564 = vector.broadcast %reduce_sum3A_563 : i1 to vector<16xi1>
      %reduce_sum3A_565 = tpu.scan <sum>, %parallel_loop3A_292#5 masked %reduce_sum3A_564 : vector<16xf32>, vector<16xi1> -> vector<16xf32>
      %reduce_sum3A_566 = vector.extract %reduce_sum3A_565[15] : f32 from vector<16xf32>
      %mul3A_567 = arith.constant 0.00130208337 : f32
      %mul3A_568 = arith.mulf %reduce_sum3A_566, %mul3A_567 : f32
      %reduce_sum3A_569 = arith.constant true
      %reduce_sum3A_570 = vector.broadcast %reduce_sum3A_569 : i1 to vector<16xi1>
      %reduce_sum3A_571 = tpu.scan <sum>, %parallel_loop3A_292#13 masked %reduce_sum3A_570 : vector<16xf32>, vector<16xi1> -> vector<16xf32>
      %reduce_sum3A_572 = vector.extract %reduce_sum3A_571[15] : f32 from vector<16xf32>
      %mul3A_573 = arith.constant 0.00130208337 : f32
      %mul3A_574 = arith.mulf %reduce_sum3A_572, %mul3A_573 : f32
      %mul3A_575 = arith.mulf %mul3A_568, %mul3A_568 : f32
      %sub3A_576 = arith.subf %mul3A_574, %mul3A_575 : f32
      %max3A_577 = arith.constant 0.000000e+00 : f32
      %max3A_578 = arith.maximumf %sub3A_576, %max3A_577 : f32
      %broadcast_in_dim3A_579 = vector.broadcast %mul3A_568 : f32 to vector<16xf32>
      %add3A_580 = arith.constant 9.99999996E-13 : f32
      %add3A_581 = arith.addf %max3A_578, %add3A_580 : f32
      %broadcast_in_dim3A_582 = vector.broadcast %add3A_581 : f32 to vector<16xf32>
      %bitcast3A_583 = vector.bitcast %broadcast_in_dim3A_582 : vector<16xf32> to vector<16xi32>
      %shift_right_arithmetic3A_584 = arith.constant 1 : i32
      %shift_right_arithmetic3A_585 = vector.broadcast %shift_right_arithmetic3A_584 : i32 to vector<16xi32>
      %shift_right_arithmetic3A_586 = arith.shrsi %bitcast3A_583, %shift_right_arithmetic3A_585 : vector<16xi32>
      %sub3A_587 = arith.constant 1597463007 : i32
      %sub3A_588 = vector.broadcast %sub3A_587 : i32 to vector<16xi32>
      %sub3A_589 = arith.subi %sub3A_588, %shift_right_arithmetic3A_586 : vector<16xi32>
      %bitcast3A_590 = vector.bitcast %sub3A_589 : vector<16xi32> to vector<16xf32>
      %mul3A_591 = arith.constant 5.000000e-01 : f32
      %mul3A_592 = vector.broadcast %mul3A_591 : f32 to vector<16xf32>
      %mul3A_593 = arith.mulf %mul3A_592, %broadcast_in_dim3A_582 : vector<16xf32>
      %mul3A_594 = arith.mulf %mul3A_593, %bitcast3A_590 : vector<16xf32>
      %mul3A_595 = arith.mulf %mul3A_594, %bitcast3A_590 : vector<16xf32>
      %sub3A_596 = arith.constant 1.500000e+00 : f32
      %sub3A_597 = vector.broadcast %sub3A_596 : f32 to vector<16xf32>
      %sub3A_598 = arith.subf %sub3A_597, %mul3A_595 : vector<16xf32>
      %mul3A_599 = arith.mulf %bitcast3A_590, %sub3A_598 : vector<16xf32>
      %mul3A_600 = arith.constant 5.000000e-01 : f32
      %mul3A_601 = vector.broadcast %mul3A_600 : f32 to vector<16xf32>
      %mul3A_602 = arith.mulf %mul3A_601, %broadcast_in_dim3A_582 : vector<16xf32>
      %mul3A_603 = arith.mulf %mul3A_602, %mul3A_599 : vector<16xf32>
      %mul3A_604 = arith.mulf %mul3A_603, %mul3A_599 : vector<16xf32>
      %sub3A_605 = arith.constant 1.500000e+00 : f32
      %sub3A_606 = vector.broadcast %sub3A_605 : f32 to vector<16xf32>
      %sub3A_607 = arith.subf %sub3A_606, %mul3A_604 : vector<16xf32>
      %mul3A_608 = arith.mulf %mul3A_599, %sub3A_607 : vector<16xf32>
      %mul3A_609 = arith.constant 5.000000e-01 : f32
      %mul3A_610 = vector.broadcast %mul3A_609 : f32 to vector<16xf32>
      %mul3A_611 = arith.mulf %mul3A_610, %broadcast_in_dim3A_582 : vector<16xf32>
      %mul3A_612 = arith.mulf %mul3A_611, %mul3A_608 : vector<16xf32>
      %mul3A_613 = arith.mulf %mul3A_612, %mul3A_608 : vector<16xf32>
      %sub3A_614 = arith.constant 1.500000e+00 : f32
      %sub3A_615 = vector.broadcast %sub3A_614 : f32 to vector<16xf32>
      %sub3A_616 = arith.subf %sub3A_615, %mul3A_613 : vector<16xf32>
      %mul3A_617 = arith.mulf %mul3A_608, %sub3A_616 : vector<16xf32>
      %reduce_sum3A_618 = arith.constant true
      %reduce_sum3A_619 = vector.broadcast %reduce_sum3A_618 : i1 to vector<16xi1>
      %reduce_sum3A_620 = tpu.scan <sum>, %parallel_loop3A_292#6 masked %reduce_sum3A_619 : vector<16xf32>, vector<16xi1> -> vector<16xf32>
      %reduce_sum3A_621 = vector.extract %reduce_sum3A_620[15] : f32 from vector<16xf32>
      %mul3A_622 = arith.constant 0.00130208337 : f32
      %mul3A_623 = arith.mulf %reduce_sum3A_621, %mul3A_622 : f32
      %reduce_sum3A_624 = arith.constant true
      %reduce_sum3A_625 = vector.broadcast %reduce_sum3A_624 : i1 to vector<16xi1>
      %reduce_sum3A_626 = tpu.scan <sum>, %parallel_loop3A_292#14 masked %reduce_sum3A_625 : vector<16xf32>, vector<16xi1> -> vector<16xf32>
      %reduce_sum3A_627 = vector.extract %reduce_sum3A_626[15] : f32 from vector<16xf32>
      %mul3A_628 = arith.constant 0.00130208337 : f32
      %mul3A_629 = arith.mulf %reduce_sum3A_627, %mul3A_628 : f32
      %mul3A_630 = arith.mulf %mul3A_623, %mul3A_623 : f32
      %sub3A_631 = arith.subf %mul3A_629, %mul3A_630 : f32
      %max3A_632 = arith.constant 0.000000e+00 : f32
      %max3A_633 = arith.maximumf %sub3A_631, %max3A_632 : f32
      %broadcast_in_dim3A_634 = vector.broadcast %mul3A_623 : f32 to vector<16xf32>
      %add3A_635 = arith.constant 9.99999996E-13 : f32
      %add3A_636 = arith.addf %max3A_633, %add3A_635 : f32
      %broadcast_in_dim3A_637 = vector.broadcast %add3A_636 : f32 to vector<16xf32>
      %bitcast3A_638 = vector.bitcast %broadcast_in_dim3A_637 : vector<16xf32> to vector<16xi32>
      %shift_right_arithmetic3A_639 = arith.constant 1 : i32
      %shift_right_arithmetic3A_640 = vector.broadcast %shift_right_arithmetic3A_639 : i32 to vector<16xi32>
      %shift_right_arithmetic3A_641 = arith.shrsi %bitcast3A_638, %shift_right_arithmetic3A_640 : vector<16xi32>
      %sub3A_642 = arith.constant 1597463007 : i32
      %sub3A_643 = vector.broadcast %sub3A_642 : i32 to vector<16xi32>
      %sub3A_644 = arith.subi %sub3A_643, %shift_right_arithmetic3A_641 : vector<16xi32>
      %bitcast3A_645 = vector.bitcast %sub3A_644 : vector<16xi32> to vector<16xf32>
      %mul3A_646 = arith.constant 5.000000e-01 : f32
      %mul3A_647 = vector.broadcast %mul3A_646 : f32 to vector<16xf32>
      %mul3A_648 = arith.mulf %mul3A_647, %broadcast_in_dim3A_637 : vector<16xf32>
      %mul3A_649 = arith.mulf %mul3A_648, %bitcast3A_645 : vector<16xf32>
      %mul3A_650 = arith.mulf %mul3A_649, %bitcast3A_645 : vector<16xf32>
      %sub3A_651 = arith.constant 1.500000e+00 : f32
      %sub3A_652 = vector.broadcast %sub3A_651 : f32 to vector<16xf32>
      %sub3A_653 = arith.subf %sub3A_652, %mul3A_650 : vector<16xf32>
      %mul3A_654 = arith.mulf %bitcast3A_645, %sub3A_653 : vector<16xf32>
      %mul3A_655 = arith.constant 5.000000e-01 : f32
      %mul3A_656 = vector.broadcast %mul3A_655 : f32 to vector<16xf32>
      %mul3A_657 = arith.mulf %mul3A_656, %broadcast_in_dim3A_637 : vector<16xf32>
      %mul3A_658 = arith.mulf %mul3A_657, %mul3A_654 : vector<16xf32>
      %mul3A_659 = arith.mulf %mul3A_658, %mul3A_654 : vector<16xf32>
      %sub3A_660 = arith.constant 1.500000e+00 : f32
      %sub3A_661 = vector.broadcast %sub3A_660 : f32 to vector<16xf32>
      %sub3A_662 = arith.subf %sub3A_661, %mul3A_659 : vector<16xf32>
      %mul3A_663 = arith.mulf %mul3A_654, %sub3A_662 : vector<16xf32>
      %mul3A_664 = arith.constant 5.000000e-01 : f32
      %mul3A_665 = vector.broadcast %mul3A_664 : f32 to vector<16xf32>
      %mul3A_666 = arith.mulf %mul3A_665, %broadcast_in_dim3A_637 : vector<16xf32>
      %mul3A_667 = arith.mulf %mul3A_666, %mul3A_663 : vector<16xf32>
      %mul3A_668 = arith.mulf %mul3A_667, %mul3A_663 : vector<16xf32>
      %sub3A_669 = arith.constant 1.500000e+00 : f32
      %sub3A_670 = vector.broadcast %sub3A_669 : f32 to vector<16xf32>
      %sub3A_671 = arith.subf %sub3A_670, %mul3A_668 : vector<16xf32>
      %mul3A_672 = arith.mulf %mul3A_663, %sub3A_671 : vector<16xf32>
      %reduce_sum3A_673 = arith.constant true
      %reduce_sum3A_674 = vector.broadcast %reduce_sum3A_673 : i1 to vector<16xi1>
      %reduce_sum3A_675 = tpu.scan <sum>, %parallel_loop3A_292#7 masked %reduce_sum3A_674 : vector<16xf32>, vector<16xi1> -> vector<16xf32>
      %reduce_sum3A_676 = vector.extract %reduce_sum3A_675[15] : f32 from vector<16xf32>
      %mul3A_677 = arith.constant 0.00130208337 : f32
      %mul3A_678 = arith.mulf %reduce_sum3A_676, %mul3A_677 : f32
      %reduce_sum3A_679 = arith.constant true
      %reduce_sum3A_680 = vector.broadcast %reduce_sum3A_679 : i1 to vector<16xi1>
      %reduce_sum3A_681 = tpu.scan <sum>, %parallel_loop3A_292#15 masked %reduce_sum3A_680 : vector<16xf32>, vector<16xi1> -> vector<16xf32>
      %reduce_sum3A_682 = vector.extract %reduce_sum3A_681[15] : f32 from vector<16xf32>
      %mul3A_683 = arith.constant 0.00130208337 : f32
      %mul3A_684 = arith.mulf %reduce_sum3A_682, %mul3A_683 : f32
      %mul3A_685 = arith.mulf %mul3A_678, %mul3A_678 : f32
      %sub3A_686 = arith.subf %mul3A_684, %mul3A_685 : f32
      %max3A_687 = arith.constant 0.000000e+00 : f32
      %max3A_688 = arith.maximumf %sub3A_686, %max3A_687 : f32
      %broadcast_in_dim3A_689 = vector.broadcast %mul3A_678 : f32 to vector<16xf32>
      %add3A_690 = arith.constant 9.99999996E-13 : f32
      %add3A_691 = arith.addf %max3A_688, %add3A_690 : f32
      %broadcast_in_dim3A_692 = vector.broadcast %add3A_691 : f32 to vector<16xf32>
      %bitcast3A_693 = vector.bitcast %broadcast_in_dim3A_692 : vector<16xf32> to vector<16xi32>
      %shift_right_arithmetic3A_694 = arith.constant 1 : i32
      %shift_right_arithmetic3A_695 = vector.broadcast %shift_right_arithmetic3A_694 : i32 to vector<16xi32>
      %shift_right_arithmetic3A_696 = arith.shrsi %bitcast3A_693, %shift_right_arithmetic3A_695 : vector<16xi32>
      %sub3A_697 = arith.constant 1597463007 : i32
      %sub3A_698 = vector.broadcast %sub3A_697 : i32 to vector<16xi32>
      %sub3A_699 = arith.subi %sub3A_698, %shift_right_arithmetic3A_696 : vector<16xi32>
      %bitcast3A_700 = vector.bitcast %sub3A_699 : vector<16xi32> to vector<16xf32>
      %mul3A_701 = arith.constant 5.000000e-01 : f32
      %mul3A_702 = vector.broadcast %mul3A_701 : f32 to vector<16xf32>
      %mul3A_703 = arith.mulf %mul3A_702, %broadcast_in_dim3A_692 : vector<16xf32>
      %mul3A_704 = arith.mulf %mul3A_703, %bitcast3A_700 : vector<16xf32>
      %mul3A_705 = arith.mulf %mul3A_704, %bitcast3A_700 : vector<16xf32>
      %sub3A_706 = arith.constant 1.500000e+00 : f32
      %sub3A_707 = vector.broadcast %sub3A_706 : f32 to vector<16xf32>
      %sub3A_708 = arith.subf %sub3A_707, %mul3A_705 : vector<16xf32>
      %mul3A_709 = arith.mulf %bitcast3A_700, %sub3A_708 : vector<16xf32>
      %mul3A_710 = arith.constant 5.000000e-01 : f32
      %mul3A_711 = vector.broadcast %mul3A_710 : f32 to vector<16xf32>
      %mul3A_712 = arith.mulf %mul3A_711, %broadcast_in_dim3A_692 : vector<16xf32>
      %mul3A_713 = arith.mulf %mul3A_712, %mul3A_709 : vector<16xf32>
      %mul3A_714 = arith.mulf %mul3A_713, %mul3A_709 : vector<16xf32>
      %sub3A_715 = arith.constant 1.500000e+00 : f32
      %sub3A_716 = vector.broadcast %sub3A_715 : f32 to vector<16xf32>
      %sub3A_717 = arith.subf %sub3A_716, %mul3A_714 : vector<16xf32>
      %mul3A_718 = arith.mulf %mul3A_709, %sub3A_717 : vector<16xf32>
      %mul3A_719 = arith.constant 5.000000e-01 : f32
      %mul3A_720 = vector.broadcast %mul3A_719 : f32 to vector<16xf32>
      %mul3A_721 = arith.mulf %mul3A_720, %broadcast_in_dim3A_692 : vector<16xf32>
      %mul3A_722 = arith.mulf %mul3A_721, %mul3A_718 : vector<16xf32>
      %mul3A_723 = arith.mulf %mul3A_722, %mul3A_718 : vector<16xf32>
      %sub3A_724 = arith.constant 1.500000e+00 : f32
      %sub3A_725 = vector.broadcast %sub3A_724 : f32 to vector<16xf32>
      %sub3A_726 = arith.subf %sub3A_725, %mul3A_723 : vector<16xf32>
      %mul3A_727 = arith.mulf %mul3A_718, %sub3A_726 : vector<16xf32>
      %parallel_loop3A_728 = arith.constant 0 : i32
      %parallel_loop3A_729 = arith.constant 48 : i32
      %parallel_loop3A_730 = arith.constant 1 : i32
      %parallel_loop3A_731 = arith.constant 0 : i32
      %parallel_loop3A_732 = scf.for %parallel_loop3A_733 = %parallel_loop3A_728 to %parallel_loop3A_729 step %parallel_loop3A_730 iter_args(%parallel_loop3A_734 = %parallel_loop3A_731) -> (i32)  : i32 {
        %parallel_loop3A_735 = arith.constant 16 : i32
        %parallel_loop3A_736 = arith.muli %parallel_loop3A_733, %parallel_loop3A_735 : i32
        %parallel_loop3A_737 = arith.index_cast %parallel_loop3A_736 : i32 to index
        %parallel_loop3A_738 = tpu.vector_load %arg13[%parallel_loop3A_737] {strides = array<i32>} : memref<768xf32, #tpu.memory_space<vmem>>, vector<16xf32>,
        %parallel_loop3A_739 = arith.index_cast %parallel_loop3A_736 : i32 to index
        %parallel_loop3A_740 = tpu.vector_load %arg14[%parallel_loop3A_739] {strides = array<i32>} : memref<768xf32, #tpu.memory_space<vmem>>, vector<16xf32>,
        %parallel_loop3A_741 = arith.constant 0 : i32
        %parallel_loop3A_742 = arith.addi %mul3A_218, %parallel_loop3A_741 : i32
        %parallel_loop3A_743 = arith.constant 0 : i32
        %parallel_loop3A_744 = arith.index_cast %parallel_loop3A_743 : i32 to index
        %parallel_loop3A_745 = arith.index_cast %parallel_loop3A_742 : i32 to index
        %parallel_loop3A_746 = arith.index_cast %parallel_loop3A_736 : i32 to index
        %parallel_loop3A_747 = tpu.vector_load %arg11[%parallel_loop3A_744, %parallel_loop3A_745, %parallel_loop3A_746] {strides = array<i32>} : memref<2x64x768xf32, #tpu.memory_space<vmem>>, vector<16xf32>,
        %parallel_loop3A_748 = arith.subf %parallel_loop3A_747, %broadcast_in_dim3A_306 : vector<16xf32>
        %parallel_loop3A_749 = arith.mulf %parallel_loop3A_748, %mul3A_342 : vector<16xf32>
        %parallel_loop3A_750 = arith.mulf %parallel_loop3A_749, %parallel_loop3A_738 : vector<16xf32>
        %parallel_loop3A_751 = arith.addf %parallel_loop3A_750, %parallel_loop3A_740 : vector<16xf32>
        %parallel_loop3A_752 = arith.constant 0 : i32
        %parallel_loop3A_753 = arith.addi %mul3A_218, %parallel_loop3A_752 : i32
        %parallel_loop3A_754 = arith.constant 0 : i32
        %parallel_loop3A_755 = arith.index_cast %parallel_loop3A_754 : i32 to index
        %parallel_loop3A_756 = arith.index_cast %parallel_loop3A_753 : i32 to index
        %parallel_loop3A_757 = arith.index_cast %parallel_loop3A_736 : i32 to index
        %parallel_loop3A_758 = tpu.vector_load %arg11[%parallel_loop3A_755, %parallel_loop3A_756, %parallel_loop3A_757] {strides = array<i32>} : memref<2x64x768xf32, #tpu.memory_space<vmem>>, vector<16xf32>,
        tpu.vector_store %arg11[%parallel_loop3A_755, %parallel_loop3A_756, %parallel_loop3A_757], %parallel_loop3A_751 {strides = array<i32>} : memref<2x64x768xf32, #tpu.memory_space<vmem>>, vector<16xf32>,
        %parallel_loop3A_759 = arith.constant 1 : i32
        %parallel_loop3A_760 = arith.addi %mul3A_218, %parallel_loop3A_759 : i32
        %parallel_loop3A_761 = arith.constant 0 : i32
        %parallel_loop3A_762 = arith.index_cast %parallel_loop3A_761 : i32 to index
        %parallel_loop3A_763 = arith.index_cast %parallel_loop3A_760 : i32 to index
        %parallel_loop3A_764 = arith.index_cast %parallel_loop3A_736 : i32 to index
        %parallel_loop3A_765 = tpu.vector_load %arg11[%parallel_loop3A_762, %parallel_loop3A_763, %parallel_loop3A_764] {strides = array<i32>} : memref<2x64x768xf32, #tpu.memory_space<vmem>>, vector<16xf32>,
        %parallel_loop3A_766 = arith.subf %parallel_loop3A_765, %broadcast_in_dim3A_359 : vector<16xf32>
        %parallel_loop3A_767 = arith.mulf %parallel_loop3A_766, %mul3A_397 : vector<16xf32>
        %parallel_loop3A_768 = arith.mulf %parallel_loop3A_767, %parallel_loop3A_738 : vector<16xf32>
        %parallel_loop3A_769 = arith.addf %parallel_loop3A_768, %parallel_loop3A_740 : vector<16xf32>
        %parallel_loop3A_770 = arith.constant 1 : i32
        %parallel_loop3A_771 = arith.addi %mul3A_218, %parallel_loop3A_770 : i32
        %parallel_loop3A_772 = arith.constant 0 : i32
        %parallel_loop3A_773 = arith.index_cast %parallel_loop3A_772 : i32 to index
        %parallel_loop3A_774 = arith.index_cast %parallel_loop3A_771 : i32 to index
        %parallel_loop3A_775 = arith.index_cast %parallel_loop3A_736 : i32 to index
        %parallel_loop3A_776 = tpu.vector_load %arg11[%parallel_loop3A_773, %parallel_loop3A_774, %parallel_loop3A_775] {strides = array<i32>} : memref<2x64x768xf32, #tpu.memory_space<vmem>>, vector<16xf32>,
        tpu.vector_store %arg11[%parallel_loop3A_773, %parallel_loop3A_774, %parallel_loop3A_775], %parallel_loop3A_769 {strides = array<i32>} : memref<2x64x768xf32, #tpu.memory_space<vmem>>, vector<16xf32>,
        %parallel_loop3A_777 = arith.constant 2 : i32
        %parallel_loop3A_778 = arith.addi %mul3A_218, %parallel_loop3A_777 : i32
        %parallel_loop3A_779 = arith.constant 0 : i32
        %parallel_loop3A_780 = arith.index_cast %parallel_loop3A_779 : i32 to index
        %parallel_loop3A_781 = arith.index_cast %parallel_loop3A_778 : i32 to index
        %parallel_loop3A_782 = arith.index_cast %parallel_loop3A_736 : i32 to index
        %parallel_loop3A_783 = tpu.vector_load %arg11[%parallel_loop3A_780, %parallel_loop3A_781, %parallel_loop3A_782] {strides = array<i32>} : memref<2x64x768xf32, #tpu.memory_space<vmem>>, vector<16xf32>,
        %parallel_loop3A_784 = arith.subf %parallel_loop3A_783, %broadcast_in_dim3A_414 : vector<16xf32>
        %parallel_loop3A_785 = arith.mulf %parallel_loop3A_784, %mul3A_452 : vector<16xf32>
        %parallel_loop3A_786 = arith.mulf %parallel_loop3A_785, %parallel_loop3A_738 : vector<16xf32>
        %parallel_loop3A_787 = arith.addf %parallel_loop3A_786, %parallel_loop3A_740 : vector<16xf32>
        %parallel_loop3A_788 = arith.constant 2 : i32
        %parallel_loop3A_789 = arith.addi %mul3A_218, %parallel_loop3A_788 : i32
        %parallel_loop3A_790 = arith.constant 0 : i32
        %parallel_loop3A_791 = arith.index_cast %parallel_loop3A_790 : i32 to index
        %parallel_loop3A_792 = arith.index_cast %parallel_loop3A_789 : i32 to index
        %parallel_loop3A_793 = arith.index_cast %parallel_loop3A_736 : i32 to index
        %parallel_loop3A_794 = tpu.vector_load %arg11[%parallel_loop3A_791, %parallel_loop3A_792, %parallel_loop3A_793] {strides = array<i32>} : memref<2x64x768xf32, #tpu.memory_space<vmem>>, vector<16xf32>,
        tpu.vector_store %arg11[%parallel_loop3A_791, %parallel_loop3A_792, %parallel_loop3A_793], %parallel_loop3A_787 {strides = array<i32>} : memref<2x64x768xf32, #tpu.memory_space<vmem>>, vector<16xf32>,
        %parallel_loop3A_795 = arith.constant 3 : i32
        %parallel_loop3A_796 = arith.addi %mul3A_218, %parallel_loop3A_795 : i32
        %parallel_loop3A_797 = arith.constant 0 : i32
        %parallel_loop3A_798 = arith.index_cast %parallel_loop3A_797 : i32 to index
        %parallel_loop3A_799 = arith.index_cast %parallel_loop3A_796 : i32 to index
        %parallel_loop3A_800 = arith.index_cast %parallel_loop3A_736 : i32 to index
        %parallel_loop3A_801 = tpu.vector_load %arg11[%parallel_loop3A_798, %parallel_loop3A_799, %parallel_loop3A_800] {strides = array<i32>} : memref<2x64x768xf32, #tpu.memory_space<vmem>>, vector<16xf32>,
        %parallel_loop3A_802 = arith.subf %parallel_loop3A_801, %broadcast_in_dim3A_469 : vector<16xf32>
        %parallel_loop3A_803 = arith.mulf %parallel_loop3A_802, %mul3A_507 : vector<16xf32>
        %parallel_loop3A_804 = arith.mulf %parallel_loop3A_803, %parallel_loop3A_738 : vector<16xf32>
        %parallel_loop3A_805 = arith.addf %parallel_loop3A_804, %parallel_loop3A_740 : vector<16xf32>
        %parallel_loop3A_806 = arith.constant 3 : i32
        %parallel_loop3A_807 = arith.addi %mul3A_218, %parallel_loop3A_806 : i32
        %parallel_loop3A_808 = arith.constant 0 : i32
        %parallel_loop3A_809 = arith.index_cast %parallel_loop3A_808 : i32 to index
        %parallel_loop3A_810 = arith.index_cast %parallel_loop3A_807 : i32 to index
        %parallel_loop3A_811 = arith.index_cast %parallel_loop3A_736 : i32 to index
        %parallel_loop3A_812 = tpu.vector_load %arg11[%parallel_loop3A_809, %parallel_loop3A_810, %parallel_loop3A_811] {strides = array<i32>} : memref<2x64x768xf32, #tpu.memory_space<vmem>>, vector<16xf32>,
        tpu.vector_store %arg11[%parallel_loop3A_809, %parallel_loop3A_810, %parallel_loop3A_811], %parallel_loop3A_805 {strides = array<i32>} : memref<2x64x768xf32, #tpu.memory_space<vmem>>, vector<16xf32>,
        %parallel_loop3A_813 = arith.constant 4 : i32
        %parallel_loop3A_814 = arith.addi %mul3A_218, %parallel_loop3A_813 : i32
        %parallel_loop3A_815 = arith.constant 0 : i32
        %parallel_loop3A_816 = arith.index_cast %parallel_loop3A_815 : i32 to index
        %parallel_loop3A_817 = arith.index_cast %parallel_loop3A_814 : i32 to index
        %parallel_loop3A_818 = arith.index_cast %parallel_loop3A_736 : i32 to index
        %parallel_loop3A_819 = tpu.vector_load %arg11[%parallel_loop3A_816, %parallel_loop3A_817, %parallel_loop3A_818] {strides = array<i32>} : memref<2x64x768xf32, #tpu.memory_space<vmem>>, vector<16xf32>,
        %parallel_loop3A_820 = arith.subf %parallel_loop3A_819, %broadcast_in_dim3A_524 : vector<16xf32>
        %parallel_loop3A_821 = arith.mulf %parallel_loop3A_820, %mul3A_562 : vector<16xf32>
        %parallel_loop3A_822 = arith.mulf %parallel_loop3A_821, %parallel_loop3A_738 : vector<16xf32>
        %parallel_loop3A_823 = arith.addf %parallel_loop3A_822, %parallel_loop3A_740 : vector<16xf32>
        %parallel_loop3A_824 = arith.constant 4 : i32
        %parallel_loop3A_825 = arith.addi %mul3A_218, %parallel_loop3A_824 : i32
        %parallel_loop3A_826 = arith.constant 0 : i32
        %parallel_loop3A_827 = arith.index_cast %parallel_loop3A_826 : i32 to index
        %parallel_loop3A_828 = arith.index_cast %parallel_loop3A_825 : i32 to index
        %parallel_loop3A_829 = arith.index_cast %parallel_loop3A_736 : i32 to index
        %parallel_loop3A_830 = tpu.vector_load %arg11[%parallel_loop3A_827, %parallel_loop3A_828, %parallel_loop3A_829] {strides = array<i32>} : memref<2x64x768xf32, #tpu.memory_space<vmem>>, vector<16xf32>,
        tpu.vector_store %arg11[%parallel_loop3A_827, %parallel_loop3A_828, %parallel_loop3A_829], %parallel_loop3A_823 {strides = array<i32>} : memref<2x64x768xf32, #tpu.memory_space<vmem>>, vector<16xf32>,
        %parallel_loop3A_831 = arith.constant 5 : i32
        %parallel_loop3A_832 = arith.addi %mul3A_218, %parallel_loop3A_831 : i32
        %parallel_loop3A_833 = arith.constant 0 : i32
        %parallel_loop3A_834 = arith.index_cast %parallel_loop3A_833 : i32 to index
        %parallel_loop3A_835 = arith.index_cast %parallel_loop3A_832 : i32 to index
        %parallel_loop3A_836 = arith.index_cast %parallel_loop3A_736 : i32 to index
        %parallel_loop3A_837 = tpu.vector_load %arg11[%parallel_loop3A_834, %parallel_loop3A_835, %parallel_loop3A_836] {strides = array<i32>} : memref<2x64x768xf32, #tpu.memory_space<vmem>>, vector<16xf32>,
        %parallel_loop3A_838 = arith.subf %parallel_loop3A_837, %broadcast_in_dim3A_579 : vector<16xf32>
        %parallel_loop3A_839 = arith.mulf %parallel_loop3A_838, %mul3A_617 : vector<16xf32>
        %parallel_loop3A_840 = arith.mulf %parallel_loop3A_839, %parallel_loop3A_738 : vector<16xf32>
        %parallel_loop3A_841 = arith.addf %parallel_loop3A_840, %parallel_loop3A_740 : vector<16xf32>
        %parallel_loop3A_842 = arith.constant 5 : i32
        %parallel_loop3A_843 = arith.addi %mul3A_218, %parallel_loop3A_842 : i32
        %parallel_loop3A_844 = arith.constant 0 : i32
        %parallel_loop3A_845 = arith.index_cast %parallel_loop3A_844 : i32 to index
        %parallel_loop3A_846 = arith.index_cast %parallel_loop3A_843 : i32 to index
        %parallel_loop3A_847 = arith.index_cast %parallel_loop3A_736 : i32 to index
        %parallel_loop3A_848 = tpu.vector_load %arg11[%parallel_loop3A_845, %parallel_loop3A_846, %parallel_loop3A_847] {strides = array<i32>} : memref<2x64x768xf32, #tpu.memory_space<vmem>>, vector<16xf32>,
        tpu.vector_store %arg11[%parallel_loop3A_845, %parallel_loop3A_846, %parallel_loop3A_847], %parallel_loop3A_841 {strides = array<i32>} : memref<2x64x768xf32, #tpu.memory_space<vmem>>, vector<16xf32>,
        %parallel_loop3A_849 = arith.constant 6 : i32
        %parallel_loop3A_850 = arith.addi %mul3A_218, %parallel_loop3A_849 : i32
        %parallel_loop3A_851 = arith.constant 0 : i32
        %parallel_loop3A_852 = arith.index_cast %parallel_loop3A_851 : i32 to index
        %parallel_loop3A_853 = arith.index_cast %parallel_loop3A_850 : i32 to index
        %parallel_loop3A_854 = arith.index_cast %parallel_loop3A_736 : i32 to index
        %parallel_loop3A_855 = tpu.vector_load %arg11[%parallel_loop3A_852, %parallel_loop3A_853, %parallel_loop3A_854] {strides = array<i32>} : memref<2x64x768xf32, #tpu.memory_space<vmem>>, vector<16xf32>,
        %parallel_loop3A_856 = arith.subf %parallel_loop3A_855, %broadcast_in_dim3A_634 : vector<16xf32>
        %parallel_loop3A_857 = arith.mulf %parallel_loop3A_856, %mul3A_672 : vector<16xf32>
        %parallel_loop3A_858 = arith.mulf %parallel_loop3A_857, %parallel_loop3A_738 : vector<16xf32>
        %parallel_loop3A_859 = arith.addf %parallel_loop3A_858, %parallel_loop3A_740 : vector<16xf32>
        %parallel_loop3A_860 = arith.constant 6 : i32
        %parallel_loop3A_861 = arith.addi %mul3A_218, %parallel_loop3A_860 : i32
        %parallel_loop3A_862 = arith.constant 0 : i32
        %parallel_loop3A_863 = arith.index_cast %parallel_loop3A_862 : i32 to index
        %parallel_loop3A_864 = arith.index_cast %parallel_loop3A_861 : i32 to index
        %parallel_loop3A_865 = arith.index_cast %parallel_loop3A_736 : i32 to index
        %parallel_loop3A_866 = tpu.vector_load %arg11[%parallel_loop3A_863, %parallel_loop3A_864, %parallel_loop3A_865] {strides = array<i32>} : memref<2x64x768xf32, #tpu.memory_space<vmem>>, vector<16xf32>,
        tpu.vector_store %arg11[%parallel_loop3A_863, %parallel_loop3A_864, %parallel_loop3A_865], %parallel_loop3A_859 {strides = array<i32>} : memref<2x64x768xf32, #tpu.memory_space<vmem>>, vector<16xf32>,
        %parallel_loop3A_867 = arith.constant 7 : i32
        %parallel_loop3A_868 = arith.addi %mul3A_218, %parallel_loop3A_867 : i32
        %parallel_loop3A_869 = arith.constant 0 : i32
        %parallel_loop3A_870 = arith.index_cast %parallel_loop3A_869 : i32 to index
        %parallel_loop3A_871 = arith.index_cast %parallel_loop3A_868 : i32 to index
        %parallel_loop3A_872 = arith.index_cast %parallel_loop3A_736 : i32 to index
        %parallel_loop3A_873 = tpu.vector_load %arg11[%parallel_loop3A_870, %parallel_loop3A_871, %parallel_loop3A_872] {strides = array<i32>} : memref<2x64x768xf32, #tpu.memory_space<vmem>>, vector<16xf32>,
        %parallel_loop3A_874 = arith.subf %parallel_loop3A_873, %broadcast_in_dim3A_689 : vector<16xf32>
        %parallel_loop3A_875 = arith.mulf %parallel_loop3A_874, %mul3A_727 : vector<16xf32>
        %parallel_loop3A_876 = arith.mulf %parallel_loop3A_875, %parallel_loop3A_738 : vector<16xf32>
        %parallel_loop3A_877 = arith.addf %parallel_loop3A_876, %parallel_loop3A_740 : vector<16xf32>
        %parallel_loop3A_878 = arith.constant 7 : i32
        %parallel_loop3A_879 = arith.addi %mul3A_218, %parallel_loop3A_878 : i32
        %parallel_loop3A_880 = arith.constant 0 : i32
        %parallel_loop3A_881 = arith.index_cast %parallel_loop3A_880 : i32 to index
        %parallel_loop3A_882 = arith.index_cast %parallel_loop3A_879 : i32 to index
        %parallel_loop3A_883 = arith.index_cast %parallel_loop3A_736 : i32 to index
        %parallel_loop3A_884 = tpu.vector_load %arg11[%parallel_loop3A_881, %parallel_loop3A_882, %parallel_loop3A_883] {strides = array<i32>} : memref<2x64x768xf32, #tpu.memory_space<vmem>>, vector<16xf32>,
        tpu.vector_store %arg11[%parallel_loop3A_881, %parallel_loop3A_882, %parallel_loop3A_883], %parallel_loop3A_877 {strides = array<i32>} : memref<2x64x768xf32, #tpu.memory_space<vmem>>, vector<16xf32>,
        scf.yield %parallel_loop3A_734 : i32
      } {sc.loop_unroll_factor = 2 : i64, sc.parallel_access}
    }
    %scan3A_35 = arith.constant 8 : i32
    %add3A_36 = arith.constant 0 : i32
    %add3A_37 = arith.addi %mul3A_2, %add3A_36 : i32
    %dma_start3A_38 = arith.constant 0 : i32
    %dma_start3A_39 = arith.constant 0 : i32
    %dma_start3A_40 = arith.constant 0 : i32
    %dma_start3A_41 = tpu.memref_slice %arg11[%dma_start3A_38, %dma_start3A_39, %dma_start3A_40] : memref<2x64x768xf32, #tpu.memory_space<vmem>> -> memref<1x64x768xf32, #tpu.memory_space<vmem>>
    %dma_start3A_42 = tpu.memref_squeeze %dma_start3A_41 : memref<1x64x768xf32, #tpu.memory_space<vmem>> -> memref<64x768xf32, #tpu.memory_space<vmem>>
    %dma_start3A_43 = arith.constant 0 : i32
    %dma_start3A_44 = tpu.memref_slice %arg8[%add3A_37, %dma_start3A_43] : memref<8192x768xf32, #tpu.memory_space<hbm>> -> memref<64x768xf32, #tpu.memory_space<hbm>>
    %dma_start3A_45 = arith.constant 0 : i32
    %dma_start3A_46 = tpu.memref_slice %arg8[%add3A_37, %dma_start3A_45] : memref<8192x768xf32, #tpu.memory_space<hbm>> -> memref<64x768xf32, #tpu.memory_space<hbm>>
    %dma_start3A_47 = arith.constant 0 : i32
    %dma_start3A_48 = arith.constant 0 : i32
    %dma_start3A_49 = tpu.memref_slice %arg11[%dma_start3A_38, %dma_start3A_47, %dma_start3A_48] : memref<2x64x768xf32, #tpu.memory_space<vmem>> -> memref<1x64x768xf32, #tpu.memory_space<vmem>>
    %dma_start3A_50 = tpu.memref_squeeze %dma_start3A_49 : memref<1x64x768xf32, #tpu.memory_space<vmem>> -> memref<64x768xf32, #tpu.memory_space<vmem>>
    tpu.enqueue_dma source(%dma_start3A_50 : memref<64x768xf32, #tpu.memory_space<vmem>>) target(%dma_start3A_46 : memref<64x768xf32, #tpu.memory_space<hbm>>) target_semaphore(%arg17 : memref<!tpu.dma_semaphore, #tpu.memory_space<semaphore_mem>>)
    %dma_wait3A_51 = arith.constant 0 : i32
    %dma_wait3A_52 = arith.constant 0 : i32
    %dma_wait3A_53 = arith.constant 0 : i32
    %dma_wait3A_54 = tpu.memref_slice %arg11[%dma_wait3A_51, %dma_wait3A_52, %dma_wait3A_53] : memref<2x64x768xf32, #tpu.memory_space<vmem>> -> memref<1x64x768xf32, #tpu.memory_space<vmem>>
    %dma_wait3A_55 = tpu.memref_squeeze %dma_wait3A_54 : memref<1x64x768xf32, #tpu.memory_space<vmem>> -> memref<64x768xf32, #tpu.memory_space<vmem>>
    %dma_wait3A_56 = arith.constant 0 : i32
    %dma_wait3A_57 = tpu.memref_slice %arg8[%add3A_37, %dma_wait3A_56] : memref<8192x768xf32, #tpu.memory_space<hbm>> -> memref<64x768xf32, #tpu.memory_space<hbm>>
    %dma_wait3A_58 = arith.constant 0 : i32
    %dma_wait3A_59 = tpu.memref_slice %arg8[%add3A_37, %dma_wait3A_58] : memref<8192x768xf32, #tpu.memory_space<hbm>> -> memref<64x768xf32, #tpu.memory_space<hbm>>
    %dma_wait3A_60 = arith.constant 0 : i32
    %dma_wait3A_61 = arith.constant 0 : i32
    %dma_wait3A_62 = tpu.memref_slice %arg11[%dma_wait3A_51, %dma_wait3A_60, %dma_wait3A_61] : memref<2x64x768xf32, #tpu.memory_space<vmem>> -> memref<1x64x768xf32, #tpu.memory_space<vmem>>
    %dma_wait3A_63 = tpu.memref_squeeze %dma_wait3A_62 : memref<1x64x768xf32, #tpu.memory_space<vmem>> -> memref<64x768xf32, #tpu.memory_space<vmem>>
    tpu.wait_dma2 semaphore(%arg17 : memref<!tpu.dma_semaphore, #tpu.memory_space<semaphore_mem>>) src(%dma_wait3A_63 : memref<64x768xf32, #tpu.memory_space<vmem>>) dst(%dma_wait3A_59 : memref<64x768xf32, #tpu.memory_space<hbm>>)
    %dma_start3A_64 = arith.constant 0 : i32
    %dma_start3A_65 = arith.constant 0 : i32
    %dma_start3A_66 = arith.constant 0 : i32
    %dma_start3A_67 = tpu.memref_slice %arg11[%dma_start3A_64, %dma_start3A_65, %dma_start3A_66] : memref<2x64x768xf32, #tpu.memory_space<vmem>> -> memref<1x64x768xf32, #tpu.memory_space<vmem>>
    %dma_start3A_68 = tpu.memref_squeeze %dma_start3A_67 : memref<1x64x768xf32, #tpu.memory_space<vmem>> -> memref<64x768xf32, #tpu.memory_space<vmem>>
    %dma_start3A_69 = arith.constant 128 : i32
    %dma_start3A_70 = tpu.memref_slice %arg9[%dma_start3A_69] : memref<256xi32, #tpu.memory_space<vmem>> -> memref<64xi32, #tpu.memory_space<vmem>>
    %dma_start3A_71 = arith.constant 0 : i32
    %dma_start3A_72 = arith.constant 0 : i32
    %dma_start3A_73 = tpu.memref_slice %arg4[%dma_start3A_71, %dma_start3A_72] : memref<100000x768xf32, #tpu.memory_space<hbm>> -> memref<100000x768xf32, #tpu.memory_space<hbm>>
    tpu.enqueue_indirect_dma source(%dma_start3A_73 : memref<100000x768xf32, #tpu.memory_space<hbm>>) target(%dma_start3A_68 : memref<64x768xf32, #tpu.memory_space<vmem>>) offsets(%dma_start3A_70 : memref<64xi32, #tpu.memory_space<vmem>>) semaphore(%arg15 : memref<!tpu.dma_semaphore, #tpu.memory_space<semaphore_mem>>)
    %dma_wait3A_74 = arith.constant 1 : i32
    %dma_wait3A_75 = arith.constant 0 : i32
    %dma_wait3A_76 = arith.constant 0 : i32
    %dma_wait3A_77 = tpu.memref_slice %arg11[%dma_wait3A_74, %dma_wait3A_75, %dma_wait3A_76] : memref<2x64x768xf32, #tpu.memory_space<vmem>> -> memref<1x64x768xf32, #tpu.memory_space<vmem>>
    %dma_wait3A_78 = tpu.memref_squeeze %dma_wait3A_77 : memref<1x64x768xf32, #tpu.memory_space<vmem>> -> memref<64x768xf32, #tpu.memory_space<vmem>>
    %dma_wait3A_79 = arith.constant 64 : i32
    %dma_wait3A_80 = tpu.memref_slice %arg9[%dma_wait3A_79] : memref<256xi32, #tpu.memory_space<vmem>> -> memref<64xi32, #tpu.memory_space<vmem>>
    %dma_wait3A_81 = arith.constant 0 : i32
    %dma_wait3A_82 = arith.constant 0 : i32
    %dma_wait3A_83 = tpu.memref_slice %arg4[%dma_wait3A_81, %dma_wait3A_82] : memref<100000x768xf32, #tpu.memory_space<hbm>> -> memref<100000x768xf32, #tpu.memory_space<hbm>>
    tpu.wait_indirect_dma semaphore(%arg16 : memref<!tpu.dma_semaphore, #tpu.memory_space<semaphore_mem>>) src(%dma_wait3A_83 : memref<100000x768xf32, #tpu.memory_space<hbm>>) dst(%dma_wait3A_78 : memref<64x768xf32, #tpu.memory_space<vmem>>)
    %scan3A_84 = arith.constant 0 : i32
    %scan3A_85 = arith.constant 0 : i32
    %scan3A_86 = arith.constant 8 : i32
    %scan3A_87 = arith.addi %scan3A_85, %scan3A_86 : i32
    %scan3A_88 = arith.constant 1 : i32
    scf.for %scan3A_216 = %scan3A_85 to %scan3A_87 step %scan3A_88  : i32 {
      %mul3A_217 = arith.constant 8 : i32
      %mul3A_218 = arith.muli %scan3A_216, %mul3A_217 : i32
      %add3A_219 = arith.constant 64 : i32
      %add3A_220 = arith.addi %add3A_219, %mul3A_218 : i32
      %add3A_221 = arith.constant 0 : i32
      %add3A_222 = arith.addi %add3A_220, %add3A_221 : i32
      %broadcast_in_dim3A = vector.broadcast %add3A_222 : i32 to vector<16xi32>
      %gather3A = tpu.vector_load_idx %arg10[%broadcast_in_dim3A] : memref<256xi32, #tpu.memory_space<vmem>>[vector<16xi32>], vector<16xi32>,
      %ne3A = arith.constant 0 : i32
      %ne3A_223 = vector.broadcast %ne3A : i32 to vector<16xi32>
      %ne3A_224 = arith.cmpi ne, %gather3A, %ne3A_223 : vector<16xi32>
      %add3A_225 = arith.constant 64 : i32
      %add3A_226 = arith.addi %add3A_225, %mul3A_218 : i32
      %add3A_227 = arith.constant 1 : i32
      %add3A_228 = arith.addi %add3A_226, %add3A_227 : i32
      %broadcast_in_dim3A_229 = vector.broadcast %add3A_228 : i32 to vector<16xi32>
      %gather3A_230 = tpu.vector_load_idx %arg10[%broadcast_in_dim3A_229] : memref<256xi32, #tpu.memory_space<vmem>>[vector<16xi32>], vector<16xi32>,
      %ne3A_231 = arith.constant 0 : i32
      %ne3A_232 = vector.broadcast %ne3A_231 : i32 to vector<16xi32>
      %ne3A_233 = arith.cmpi ne, %gather3A_230, %ne3A_232 : vector<16xi32>
      %add3A_234 = arith.constant 64 : i32
      %add3A_235 = arith.addi %add3A_234, %mul3A_218 : i32
      %add3A_236 = arith.constant 2 : i32
      %add3A_237 = arith.addi %add3A_235, %add3A_236 : i32
      %broadcast_in_dim3A_238 = vector.broadcast %add3A_237 : i32 to vector<16xi32>
      %gather3A_239 = tpu.vector_load_idx %arg10[%broadcast_in_dim3A_238] : memref<256xi32, #tpu.memory_space<vmem>>[vector<16xi32>], vector<16xi32>,
      %ne3A_240 = arith.constant 0 : i32
      %ne3A_241 = vector.broadcast %ne3A_240 : i32 to vector<16xi32>
      %ne3A_242 = arith.cmpi ne, %gather3A_239, %ne3A_241 : vector<16xi32>
      %add3A_243 = arith.constant 64 : i32
      %add3A_244 = arith.addi %add3A_243, %mul3A_218 : i32
      %add3A_245 = arith.constant 3 : i32
      %add3A_246 = arith.addi %add3A_244, %add3A_245 : i32
      %broadcast_in_dim3A_247 = vector.broadcast %add3A_246 : i32 to vector<16xi32>
      %gather3A_248 = tpu.vector_load_idx %arg10[%broadcast_in_dim3A_247] : memref<256xi32, #tpu.memory_space<vmem>>[vector<16xi32>], vector<16xi32>,
      %ne3A_249 = arith.constant 0 : i32
      %ne3A_250 = vector.broadcast %ne3A_249 : i32 to vector<16xi32>
      %ne3A_251 = arith.cmpi ne, %gather3A_248, %ne3A_250 : vector<16xi32>
      %add3A_252 = arith.constant 64 : i32
      %add3A_253 = arith.addi %add3A_252, %mul3A_218 : i32
      %add3A_254 = arith.constant 4 : i32
      %add3A_255 = arith.addi %add3A_253, %add3A_254 : i32
      %broadcast_in_dim3A_256 = vector.broadcast %add3A_255 : i32 to vector<16xi32>
      %gather3A_257 = tpu.vector_load_idx %arg10[%broadcast_in_dim3A_256] : memref<256xi32, #tpu.memory_space<vmem>>[vector<16xi32>], vector<16xi32>,
      %ne3A_258 = arith.constant 0 : i32
      %ne3A_259 = vector.broadcast %ne3A_258 : i32 to vector<16xi32>
      %ne3A_260 = arith.cmpi ne, %gather3A_257, %ne3A_259 : vector<16xi32>
      %add3A_261 = arith.constant 64 : i32
      %add3A_262 = arith.addi %add3A_261, %mul3A_218 : i32
      %add3A_263 = arith.constant 5 : i32
      %add3A_264 = arith.addi %add3A_262, %add3A_263 : i32
      %broadcast_in_dim3A_265 = vector.broadcast %add3A_264 : i32 to vector<16xi32>
      %gather3A_266 = tpu.vector_load_idx %arg10[%broadcast_in_dim3A_265] : memref<256xi32, #tpu.memory_space<vmem>>[vector<16xi32>], vector<16xi32>,
      %ne3A_267 = arith.constant 0 : i32
      %ne3A_268 = vector.broadcast %ne3A_267 : i32 to vector<16xi32>
      %ne3A_269 = arith.cmpi ne, %gather3A_266, %ne3A_268 : vector<16xi32>
      %add3A_270 = arith.constant 64 : i32
      %add3A_271 = arith.addi %add3A_270, %mul3A_218 : i32
      %add3A_272 = arith.constant 6 : i32
      %add3A_273 = arith.addi %add3A_271, %add3A_272 : i32
      %broadcast_in_dim3A_274 = vector.broadcast %add3A_273 : i32 to vector<16xi32>
      %gather3A_275 = tpu.vector_load_idx %arg10[%broadcast_in_dim3A_274] : memref<256xi32, #tpu.memory_space<vmem>>[vector<16xi32>], vector<16xi32>,
      %ne3A_276 = arith.constant 0 : i32
      %ne3A_277 = vector.broadcast %ne3A_276 : i32 to vector<16xi32>
      %ne3A_278 = arith.cmpi ne, %gather3A_275, %ne3A_277 : vector<16xi32>
      %add3A_279 = arith.constant 64 : i32
      %add3A_280 = arith.addi %add3A_279, %mul3A_218 : i32
      %add3A_281 = arith.constant 7 : i32
      %add3A_282 = arith.addi %add3A_280, %add3A_281 : i32
      %broadcast_in_dim3A_283 = vector.broadcast %add3A_282 : i32 to vector<16xi32>
      %gather3A_284 = tpu.vector_load_idx %arg10[%broadcast_in_dim3A_283] : memref<256xi32, #tpu.memory_space<vmem>>[vector<16xi32>], vector<16xi32>,
      %ne3A_285 = arith.constant 0 : i32
      %ne3A_286 = vector.broadcast %ne3A_285 : i32 to vector<16xi32>
      %ne3A_287 = arith.cmpi ne, %gather3A_284, %ne3A_286 : vector<16xi32>
      %broadcast_in_dim3A_288 = arith.constant 0.000000e+00 : f32
      %broadcast_in_dim3A_289 = vector.broadcast %broadcast_in_dim3A_288 : f32 to vector<16xf32>
      %parallel_loop3A = arith.constant 0 : i32
      %parallel_loop3A_290 = arith.constant 48 : i32
      %parallel_loop3A_291 = arith.constant 1 : i32
      %parallel_loop3A_292:16 = scf.for %parallel_loop3A_733 = %parallel_loop3A to %parallel_loop3A_290 step %parallel_loop3A_291 iter_args(%parallel_loop3A_734 = %broadcast_in_dim3A_289, %parallel_loop3A_735 = %broadcast_in_dim3A_289, %parallel_loop3A_736 = %broadcast_in_dim3A_289, %parallel_loop3A_737 = %broadcast_in_dim3A_289, %parallel_loop3A_738 = %broadcast_in_dim3A_289, %parallel_loop3A_739 = %broadcast_in_dim3A_289, %parallel_loop3A_740 = %broadcast_in_dim3A_289, %parallel_loop3A_741 = %broadcast_in_dim3A_289, %parallel_loop3A_742 = %broadcast_in_dim3A_289, %parallel_loop3A_743 = %broadcast_in_dim3A_289, %parallel_loop3A_744 = %broadcast_in_dim3A_289, %parallel_loop3A_745 = %broadcast_in_dim3A_289, %parallel_loop3A_746 = %broadcast_in_dim3A_289, %parallel_loop3A_747 = %broadcast_in_dim3A_289, %parallel_loop3A_748 = %broadcast_in_dim3A_289, %parallel_loop3A_749 = %broadcast_in_dim3A_289) -> (vector<16xf32>, vector<16xf32>, vector<16xf32>, vector<16xf32>, vector<16xf32>, vector<16xf32>, vector<16xf32>, vector<16xf32>, vector<16xf32>, vector<16xf32>, vector<16xf32>, vector<16xf32>, vector<16xf32>, vector<16xf32>, vector<16xf32>, vector<16xf32>)  : i32 {
        %parallel_loop3A_750 = arith.constant 16 : i32
        %parallel_loop3A_751 = arith.muli %parallel_loop3A_733, %parallel_loop3A_750 : i32
        %parallel_loop3A_752 = arith.constant 0 : i32
        %parallel_loop3A_753 = arith.index_cast %parallel_loop3A_752 : i32 to index
        %parallel_loop3A_754 = arith.index_cast %parallel_loop3A_751 : i32 to index
        %parallel_loop3A_755 = tpu.vector_load %arg12[%parallel_loop3A_753, %parallel_loop3A_754] {strides = array<i32>} : memref<2x768xf32, #tpu.memory_space<vmem>>, vector<16xf32>,
        %parallel_loop3A_756 = arith.constant 1 : i32
        %parallel_loop3A_757 = arith.index_cast %parallel_loop3A_756 : i32 to index
        %parallel_loop3A_758 = arith.index_cast %parallel_loop3A_751 : i32 to index
        %parallel_loop3A_759 = tpu.vector_load %arg12[%parallel_loop3A_757, %parallel_loop3A_758] {strides = array<i32>} : memref<2x768xf32, #tpu.memory_space<vmem>>, vector<16xf32>,
        %parallel_loop3A_760 = arith.constant 0 : i32
        %parallel_loop3A_761 = arith.addi %mul3A_218, %parallel_loop3A_760 : i32
        %parallel_loop3A_762 = arith.constant 1 : i32
        %parallel_loop3A_763 = arith.index_cast %parallel_loop3A_762 : i32 to index
        %parallel_loop3A_764 = arith.index_cast %parallel_loop3A_761 : i32 to index
        %parallel_loop3A_765 = arith.index_cast %parallel_loop3A_751 : i32 to index
        %parallel_loop3A_766 = tpu.vector_load %arg11[%parallel_loop3A_763, %parallel_loop3A_764, %parallel_loop3A_765] {strides = array<i32>} : memref<2x64x768xf32, #tpu.memory_space<vmem>>, vector<16xf32>,
        %parallel_loop3A_767 = arith.select %ne3A_224, %parallel_loop3A_759, %parallel_loop3A_755 : vector<16xi1>, vector<16xf32>
        %parallel_loop3A_768 = arith.addf %parallel_loop3A_766, %parallel_loop3A_767 : vector<16xf32>
        %parallel_loop3A_769 = arith.constant 0 : i32
        %parallel_loop3A_770 = arith.addi %mul3A_218, %parallel_loop3A_769 : i32
        %parallel_loop3A_771 = arith.constant 1 : i32
        %parallel_loop3A_772 = arith.index_cast %parallel_loop3A_771 : i32 to index
        %parallel_loop3A_773 = arith.index_cast %parallel_loop3A_770 : i32 to index
        %parallel_loop3A_774 = arith.index_cast %parallel_loop3A_751 : i32 to index
        %parallel_loop3A_775 = tpu.vector_load %arg11[%parallel_loop3A_772, %parallel_loop3A_773, %parallel_loop3A_774] {strides = array<i32>} : memref<2x64x768xf32, #tpu.memory_space<vmem>>, vector<16xf32>,
        tpu.vector_store %arg11[%parallel_loop3A_772, %parallel_loop3A_773, %parallel_loop3A_774], %parallel_loop3A_768 {strides = array<i32>} : memref<2x64x768xf32, #tpu.memory_space<vmem>>, vector<16xf32>,
        %parallel_loop3A_776 = arith.addf %parallel_loop3A_734, %parallel_loop3A_768 : vector<16xf32>
        %parallel_loop3A_777 = arith.mulf %parallel_loop3A_768, %parallel_loop3A_768 : vector<16xf32>
        %parallel_loop3A_778 = arith.addf %parallel_loop3A_742, %parallel_loop3A_777 : vector<16xf32>
        %parallel_loop3A_779 = arith.constant 1 : i32
        %parallel_loop3A_780 = arith.addi %mul3A_218, %parallel_loop3A_779 : i32
        %parallel_loop3A_781 = arith.constant 1 : i32
        %parallel_loop3A_782 = arith.index_cast %parallel_loop3A_781 : i32 to index
        %parallel_loop3A_783 = arith.index_cast %parallel_loop3A_780 : i32 to index
        %parallel_loop3A_784 = arith.index_cast %parallel_loop3A_751 : i32 to index
        %parallel_loop3A_785 = tpu.vector_load %arg11[%parallel_loop3A_782, %parallel_loop3A_783, %parallel_loop3A_784] {strides = array<i32>} : memref<2x64x768xf32, #tpu.memory_space<vmem>>, vector<16xf32>,
        %parallel_loop3A_786 = arith.select %ne3A_233, %parallel_loop3A_759, %parallel_loop3A_755 : vector<16xi1>, vector<16xf32>
        %parallel_loop3A_787 = arith.addf %parallel_loop3A_785, %parallel_loop3A_786 : vector<16xf32>
        %parallel_loop3A_788 = arith.constant 1 : i32
        %parallel_loop3A_789 = arith.addi %mul3A_218, %parallel_loop3A_788 : i32
        %parallel_loop3A_790 = arith.constant 1 : i32
        %parallel_loop3A_791 = arith.index_cast %parallel_loop3A_790 : i32 to index
        %parallel_loop3A_792 = arith.index_cast %parallel_loop3A_789 : i32 to index
        %parallel_loop3A_793 = arith.index_cast %parallel_loop3A_751 : i32 to index
        %parallel_loop3A_794 = tpu.vector_load %arg11[%parallel_loop3A_791, %parallel_loop3A_792, %parallel_loop3A_793] {strides = array<i32>} : memref<2x64x768xf32, #tpu.memory_space<vmem>>, vector<16xf32>,
        tpu.vector_store %arg11[%parallel_loop3A_791, %parallel_loop3A_792, %parallel_loop3A_793], %parallel_loop3A_787 {strides = array<i32>} : memref<2x64x768xf32, #tpu.memory_space<vmem>>, vector<16xf32>,
        %parallel_loop3A_795 = arith.addf %parallel_loop3A_735, %parallel_loop3A_787 : vector<16xf32>
        %parallel_loop3A_796 = arith.mulf %parallel_loop3A_787, %parallel_loop3A_787 : vector<16xf32>
        %parallel_loop3A_797 = arith.addf %parallel_loop3A_743, %parallel_loop3A_796 : vector<16xf32>
        %parallel_loop3A_798 = arith.constant 2 : i32
        %parallel_loop3A_799 = arith.addi %mul3A_218, %parallel_loop3A_798 : i32
        %parallel_loop3A_800 = arith.constant 1 : i32
        %parallel_loop3A_801 = arith.index_cast %parallel_loop3A_800 : i32 to index
        %parallel_loop3A_802 = arith.index_cast %parallel_loop3A_799 : i32 to index
        %parallel_loop3A_803 = arith.index_cast %parallel_loop3A_751 : i32 to index
        %parallel_loop3A_804 = tpu.vector_load %arg11[%parallel_loop3A_801, %parallel_loop3A_802, %parallel_loop3A_803] {strides = array<i32>} : memref<2x64x768xf32, #tpu.memory_space<vmem>>, vector<16xf32>,
        %parallel_loop3A_805 = arith.select %ne3A_242, %parallel_loop3A_759, %parallel_loop3A_755 : vector<16xi1>, vector<16xf32>
        %parallel_loop3A_806 = arith.addf %parallel_loop3A_804, %parallel_loop3A_805 : vector<16xf32>
        %parallel_loop3A_807 = arith.constant 2 : i32
        %parallel_loop3A_808 = arith.addi %mul3A_218, %parallel_loop3A_807 : i32
        %parallel_loop3A_809 = arith.constant 1 : i32
        %parallel_loop3A_810 = arith.index_cast %parallel_loop3A_809 : i32 to index
        %parallel_loop3A_811 = arith.index_cast %parallel_loop3A_808 : i32 to index
        %parallel_loop3A_812 = arith.index_cast %parallel_loop3A_751 : i32 to index
        %parallel_loop3A_813 = tpu.vector_load %arg11[%parallel_loop3A_810, %parallel_loop3A_811, %parallel_loop3A_812] {strides = array<i32>} : memref<2x64x768xf32, #tpu.memory_space<vmem>>, vector<16xf32>,
        tpu.vector_store %arg11[%parallel_loop3A_810, %parallel_loop3A_811, %parallel_loop3A_812], %parallel_loop3A_806 {strides = array<i32>} : memref<2x64x768xf32, #tpu.memory_space<vmem>>, vector<16xf32>,
        %parallel_loop3A_814 = arith.addf %parallel_loop3A_736, %parallel_loop3A_806 : vector<16xf32>
        %parallel_loop3A_815 = arith.mulf %parallel_loop3A_806, %parallel_loop3A_806 : vector<16xf32>
        %parallel_loop3A_816 = arith.addf %parallel_loop3A_744, %parallel_loop3A_815 : vector<16xf32>
        %parallel_loop3A_817 = arith.constant 3 : i32
        %parallel_loop3A_818 = arith.addi %mul3A_218, %parallel_loop3A_817 : i32
        %parallel_loop3A_819 = arith.constant 1 : i32
        %parallel_loop3A_820 = arith.index_cast %parallel_loop3A_819 : i32 to index
        %parallel_loop3A_821 = arith.index_cast %parallel_loop3A_818 : i32 to index
        %parallel_loop3A_822 = arith.index_cast %parallel_loop3A_751 : i32 to index
        %parallel_loop3A_823 = tpu.vector_load %arg11[%parallel_loop3A_820, %parallel_loop3A_821, %parallel_loop3A_822] {strides = array<i32>} : memref<2x64x768xf32, #tpu.memory_space<vmem>>, vector<16xf32>,
        %parallel_loop3A_824 = arith.select %ne3A_251, %parallel_loop3A_759, %parallel_loop3A_755 : vector<16xi1>, vector<16xf32>
        %parallel_loop3A_825 = arith.addf %parallel_loop3A_823, %parallel_loop3A_824 : vector<16xf32>
        %parallel_loop3A_826 = arith.constant 3 : i32
        %parallel_loop3A_827 = arith.addi %mul3A_218, %parallel_loop3A_826 : i32
        %parallel_loop3A_828 = arith.constant 1 : i32
        %parallel_loop3A_829 = arith.index_cast %parallel_loop3A_828 : i32 to index
        %parallel_loop3A_830 = arith.index_cast %parallel_loop3A_827 : i32 to index
        %parallel_loop3A_831 = arith.index_cast %parallel_loop3A_751 : i32 to index
        %parallel_loop3A_832 = tpu.vector_load %arg11[%parallel_loop3A_829, %parallel_loop3A_830, %parallel_loop3A_831] {strides = array<i32>} : memref<2x64x768xf32, #tpu.memory_space<vmem>>, vector<16xf32>,
        tpu.vector_store %arg11[%parallel_loop3A_829, %parallel_loop3A_830, %parallel_loop3A_831], %parallel_loop3A_825 {strides = array<i32>} : memref<2x64x768xf32, #tpu.memory_space<vmem>>, vector<16xf32>,
        %parallel_loop3A_833 = arith.addf %parallel_loop3A_737, %parallel_loop3A_825 : vector<16xf32>
        %parallel_loop3A_834 = arith.mulf %parallel_loop3A_825, %parallel_loop3A_825 : vector<16xf32>
        %parallel_loop3A_835 = arith.addf %parallel_loop3A_745, %parallel_loop3A_834 : vector<16xf32>
        %parallel_loop3A_836 = arith.constant 4 : i32
        %parallel_loop3A_837 = arith.addi %mul3A_218, %parallel_loop3A_836 : i32
        %parallel_loop3A_838 = arith.constant 1 : i32
        %parallel_loop3A_839 = arith.index_cast %parallel_loop3A_838 : i32 to index
        %parallel_loop3A_840 = arith.index_cast %parallel_loop3A_837 : i32 to index
        %parallel_loop3A_841 = arith.index_cast %parallel_loop3A_751 : i32 to index
        %parallel_loop3A_842 = tpu.vector_load %arg11[%parallel_loop3A_839, %parallel_loop3A_840, %parallel_loop3A_841] {strides = array<i32>} : memref<2x64x768xf32, #tpu.memory_space<vmem>>, vector<16xf32>,
        %parallel_loop3A_843 = arith.select %ne3A_260, %parallel_loop3A_759, %parallel_loop3A_755 : vector<16xi1>, vector<16xf32>
        %parallel_loop3A_844 = arith.addf %parallel_loop3A_842, %parallel_loop3A_843 : vector<16xf32>
        %parallel_loop3A_845 = arith.constant 4 : i32
        %parallel_loop3A_846 = arith.addi %mul3A_218, %parallel_loop3A_845 : i32
        %parallel_loop3A_847 = arith.constant 1 : i32
        %parallel_loop3A_848 = arith.index_cast %parallel_loop3A_847 : i32 to index
        %parallel_loop3A_849 = arith.index_cast %parallel_loop3A_846 : i32 to index
        %parallel_loop3A_850 = arith.index_cast %parallel_loop3A_751 : i32 to index
        %parallel_loop3A_851 = tpu.vector_load %arg11[%parallel_loop3A_848, %parallel_loop3A_849, %parallel_loop3A_850] {strides = array<i32>} : memref<2x64x768xf32, #tpu.memory_space<vmem>>, vector<16xf32>,
        tpu.vector_store %arg11[%parallel_loop3A_848, %parallel_loop3A_849, %parallel_loop3A_850], %parallel_loop3A_844 {strides = array<i32>} : memref<2x64x768xf32, #tpu.memory_space<vmem>>, vector<16xf32>,
        %parallel_loop3A_852 = arith.addf %parallel_loop3A_738, %parallel_loop3A_844 : vector<16xf32>
        %parallel_loop3A_853 = arith.mulf %parallel_loop3A_844, %parallel_loop3A_844 : vector<16xf32>
        %parallel_loop3A_854 = arith.addf %parallel_loop3A_746, %parallel_loop3A_853 : vector<16xf32>
        %parallel_loop3A_855 = arith.constant 5 : i32
        %parallel_loop3A_856 = arith.addi %mul3A_218, %parallel_loop3A_855 : i32
        %parallel_loop3A_857 = arith.constant 1 : i32
        %parallel_loop3A_858 = arith.index_cast %parallel_loop3A_857 : i32 to index
        %parallel_loop3A_859 = arith.index_cast %parallel_loop3A_856 : i32 to index
        %parallel_loop3A_860 = arith.index_cast %parallel_loop3A_751 : i32 to index
        %parallel_loop3A_861 = tpu.vector_load %arg11[%parallel_loop3A_858, %parallel_loop3A_859, %parallel_loop3A_860] {strides = array<i32>} : memref<2x64x768xf32, #tpu.memory_space<vmem>>, vector<16xf32>,
        %parallel_loop3A_862 = arith.select %ne3A_269, %parallel_loop3A_759, %parallel_loop3A_755 : vector<16xi1>, vector<16xf32>
        %parallel_loop3A_863 = arith.addf %parallel_loop3A_861, %parallel_loop3A_862 : vector<16xf32>
        %parallel_loop3A_864 = arith.constant 5 : i32
        %parallel_loop3A_865 = arith.addi %mul3A_218, %parallel_loop3A_864 : i32
        %parallel_loop3A_866 = arith.constant 1 : i32
        %parallel_loop3A_867 = arith.index_cast %parallel_loop3A_866 : i32 to index
        %parallel_loop3A_868 = arith.index_cast %parallel_loop3A_865 : i32 to index
        %parallel_loop3A_869 = arith.index_cast %parallel_loop3A_751 : i32 to index
        %parallel_loop3A_870 = tpu.vector_load %arg11[%parallel_loop3A_867, %parallel_loop3A_868, %parallel_loop3A_869] {strides = array<i32>} : memref<2x64x768xf32, #tpu.memory_space<vmem>>, vector<16xf32>,
        tpu.vector_store %arg11[%parallel_loop3A_867, %parallel_loop3A_868, %parallel_loop3A_869], %parallel_loop3A_863 {strides = array<i32>} : memref<2x64x768xf32, #tpu.memory_space<vmem>>, vector<16xf32>,
        %parallel_loop3A_871 = arith.addf %parallel_loop3A_739, %parallel_loop3A_863 : vector<16xf32>
        %parallel_loop3A_872 = arith.mulf %parallel_loop3A_863, %parallel_loop3A_863 : vector<16xf32>
        %parallel_loop3A_873 = arith.addf %parallel_loop3A_747, %parallel_loop3A_872 : vector<16xf32>
        %parallel_loop3A_874 = arith.constant 6 : i32
        %parallel_loop3A_875 = arith.addi %mul3A_218, %parallel_loop3A_874 : i32
        %parallel_loop3A_876 = arith.constant 1 : i32
        %parallel_loop3A_877 = arith.index_cast %parallel_loop3A_876 : i32 to index
        %parallel_loop3A_878 = arith.index_cast %parallel_loop3A_875 : i32 to index
        %parallel_loop3A_879 = arith.index_cast %parallel_loop3A_751 : i32 to index
        %parallel_loop3A_880 = tpu.vector_load %arg11[%parallel_loop3A_877, %parallel_loop3A_878, %parallel_loop3A_879] {strides = array<i32>} : memref<2x64x768xf32, #tpu.memory_space<vmem>>, vector<16xf32>,
        %parallel_loop3A_881 = arith.select %ne3A_278, %parallel_loop3A_759, %parallel_loop3A_755 : vector<16xi1>, vector<16xf32>
        %parallel_loop3A_882 = arith.addf %parallel_loop3A_880, %parallel_loop3A_881 : vector<16xf32>
        %parallel_loop3A_883 = arith.constant 6 : i32
        %parallel_loop3A_884 = arith.addi %mul3A_218, %parallel_loop3A_883 : i32
        %parallel_loop3A_885 = arith.constant 1 : i32
        %parallel_loop3A_886 = arith.index_cast %parallel_loop3A_885 : i32 to index
        %parallel_loop3A_887 = arith.index_cast %parallel_loop3A_884 : i32 to index
        %parallel_loop3A_888 = arith.index_cast %parallel_loop3A_751 : i32 to index
        %parallel_loop3A_889 = tpu.vector_load %arg11[%parallel_loop3A_886, %parallel_loop3A_887, %parallel_loop3A_888] {strides = array<i32>} : memref<2x64x768xf32, #tpu.memory_space<vmem>>, vector<16xf32>,
        tpu.vector_store %arg11[%parallel_loop3A_886, %parallel_loop3A_887, %parallel_loop3A_888], %parallel_loop3A_882 {strides = array<i32>} : memref<2x64x768xf32, #tpu.memory_space<vmem>>, vector<16xf32>,
        %parallel_loop3A_890 = arith.addf %parallel_loop3A_740, %parallel_loop3A_882 : vector<16xf32>
        %parallel_loop3A_891 = arith.mulf %parallel_loop3A_882, %parallel_loop3A_882 : vector<16xf32>
        %parallel_loop3A_892 = arith.addf %parallel_loop3A_748, %parallel_loop3A_891 : vector<16xf32>
        %parallel_loop3A_893 = arith.constant 7 : i32
        %parallel_loop3A_894 = arith.addi %mul3A_218, %parallel_loop3A_893 : i32
        %parallel_loop3A_895 = arith.constant 1 : i32
        %parallel_loop3A_896 = arith.index_cast %parallel_loop3A_895 : i32 to index
        %parallel_loop3A_897 = arith.index_cast %parallel_loop3A_894 : i32 to index
        %parallel_loop3A_898 = arith.index_cast %parallel_loop3A_751 : i32 to index
        %parallel_loop3A_899 = tpu.vector_load %arg11[%parallel_loop3A_896, %parallel_loop3A_897, %parallel_loop3A_898] {strides = array<i32>} : memref<2x64x768xf32, #tpu.memory_space<vmem>>, vector<16xf32>,
        %parallel_loop3A_900 = arith.select %ne3A_287, %parallel_loop3A_759, %parallel_loop3A_755 : vector<16xi1>, vector<16xf32>
        %parallel_loop3A_901 = arith.addf %parallel_loop3A_899, %parallel_loop3A_900 : vector<16xf32>
        %parallel_loop3A_902 = arith.constant 7 : i32
        %parallel_loop3A_903 = arith.addi %mul3A_218, %parallel_loop3A_902 : i32
        %parallel_loop3A_904 = arith.constant 1 : i32
        %parallel_loop3A_905 = arith.index_cast %parallel_loop3A_904 : i32 to index
        %parallel_loop3A_906 = arith.index_cast %parallel_loop3A_903 : i32 to index
        %parallel_loop3A_907 = arith.index_cast %parallel_loop3A_751 : i32 to index
        %parallel_loop3A_908 = tpu.vector_load %arg11[%parallel_loop3A_905, %parallel_loop3A_906, %parallel_loop3A_907] {strides = array<i32>} : memref<2x64x768xf32, #tpu.memory_space<vmem>>, vector<16xf32>,
        tpu.vector_store %arg11[%parallel_loop3A_905, %parallel_loop3A_906, %parallel_loop3A_907], %parallel_loop3A_901 {strides = array<i32>} : memref<2x64x768xf32, #tpu.memory_space<vmem>>, vector<16xf32>,
        %parallel_loop3A_909 = arith.addf %parallel_loop3A_741, %parallel_loop3A_901 : vector<16xf32>
        %parallel_loop3A_910 = arith.mulf %parallel_loop3A_901, %parallel_loop3A_901 : vector<16xf32>
        %parallel_loop3A_911 = arith.addf %parallel_loop3A_749, %parallel_loop3A_910 : vector<16xf32>
        scf.yield %parallel_loop3A_776, %parallel_loop3A_795, %parallel_loop3A_814, %parallel_loop3A_833, %parallel_loop3A_852, %parallel_loop3A_871, %parallel_loop3A_890, %parallel_loop3A_909, %parallel_loop3A_778, %parallel_loop3A_797, %parallel_loop3A_816, %parallel_loop3A_835, %parallel_loop3A_854, %parallel_loop3A_873, %parallel_loop3A_892, %parallel_loop3A_911 : vector<16xf32>, vector<16xf32>, vector<16xf32>, vector<16xf32>, vector<16xf32>, vector<16xf32>, vector<16xf32>, vector<16xf32>, vector<16xf32>, vector<16xf32>, vector<16xf32>, vector<16xf32>, vector<16xf32>, vector<16xf32>, vector<16xf32>, vector<16xf32>
      } {sc.loop_unroll_factor = 2 : i64, sc.parallel_access}
      %reduce_sum3A = arith.constant true
      %reduce_sum3A_293 = vector.broadcast %reduce_sum3A : i1 to vector<16xi1>
      %reduce_sum3A_294 = tpu.scan <sum>, %parallel_loop3A_292#0 masked %reduce_sum3A_293 : vector<16xf32>, vector<16xi1> -> vector<16xf32>
      %reduce_sum3A_295 = vector.extract %reduce_sum3A_294[15] : f32 from vector<16xf32>
      %mul3A_296 = arith.constant 0.00130208337 : f32
      %mul3A_297 = arith.mulf %reduce_sum3A_295, %mul3A_296 : f32
      %reduce_sum3A_298 = arith.constant true
      %reduce_sum3A_299 = vector.broadcast %reduce_sum3A_298 : i1 to vector<16xi1>
      %reduce_sum3A_300 = tpu.scan <sum>, %parallel_loop3A_292#8 masked %reduce_sum3A_299 : vector<16xf32>, vector<16xi1> -> vector<16xf32>
      %reduce_sum3A_301 = vector.extract %reduce_sum3A_300[15] : f32 from vector<16xf32>
      %mul3A_302 = arith.constant 0.00130208337 : f32
      %mul3A_303 = arith.mulf %reduce_sum3A_301, %mul3A_302 : f32
      %mul3A_304 = arith.mulf %mul3A_297, %mul3A_297 : f32
      %sub3A = arith.subf %mul3A_303, %mul3A_304 : f32
      %max3A = arith.constant 0.000000e+00 : f32
      %max3A_305 = arith.maximumf %sub3A, %max3A : f32
      %broadcast_in_dim3A_306 = vector.broadcast %mul3A_297 : f32 to vector<16xf32>
      %add3A_307 = arith.constant 9.99999996E-13 : f32
      %add3A_308 = arith.addf %max3A_305, %add3A_307 : f32
      %broadcast_in_dim3A_309 = vector.broadcast %add3A_308 : f32 to vector<16xf32>
      %bitcast3A = vector.bitcast %broadcast_in_dim3A_309 : vector<16xf32> to vector<16xi32>
      %shift_right_arithmetic3A = arith.constant 1 : i32
      %shift_right_arithmetic3A_310 = vector.broadcast %shift_right_arithmetic3A : i32 to vector<16xi32>
      %shift_right_arithmetic3A_311 = arith.shrsi %bitcast3A, %shift_right_arithmetic3A_310 : vector<16xi32>
      %sub3A_312 = arith.constant 1597463007 : i32
      %sub3A_313 = vector.broadcast %sub3A_312 : i32 to vector<16xi32>
      %sub3A_314 = arith.subi %sub3A_313, %shift_right_arithmetic3A_311 : vector<16xi32>
      %bitcast3A_315 = vector.bitcast %sub3A_314 : vector<16xi32> to vector<16xf32>
      %mul3A_316 = arith.constant 5.000000e-01 : f32
      %mul3A_317 = vector.broadcast %mul3A_316 : f32 to vector<16xf32>
      %mul3A_318 = arith.mulf %mul3A_317, %broadcast_in_dim3A_309 : vector<16xf32>
      %mul3A_319 = arith.mulf %mul3A_318, %bitcast3A_315 : vector<16xf32>
      %mul3A_320 = arith.mulf %mul3A_319, %bitcast3A_315 : vector<16xf32>
      %sub3A_321 = arith.constant 1.500000e+00 : f32
      %sub3A_322 = vector.broadcast %sub3A_321 : f32 to vector<16xf32>
      %sub3A_323 = arith.subf %sub3A_322, %mul3A_320 : vector<16xf32>
      %mul3A_324 = arith.mulf %bitcast3A_315, %sub3A_323 : vector<16xf32>
      %mul3A_325 = arith.constant 5.000000e-01 : f32
      %mul3A_326 = vector.broadcast %mul3A_325 : f32 to vector<16xf32>
      %mul3A_327 = arith.mulf %mul3A_326, %broadcast_in_dim3A_309 : vector<16xf32>
      %mul3A_328 = arith.mulf %mul3A_327, %mul3A_324 : vector<16xf32>
      %mul3A_329 = arith.mulf %mul3A_328, %mul3A_324 : vector<16xf32>
      %sub3A_330 = arith.constant 1.500000e+00 : f32
      %sub3A_331 = vector.broadcast %sub3A_330 : f32 to vector<16xf32>
      %sub3A_332 = arith.subf %sub3A_331, %mul3A_329 : vector<16xf32>
      %mul3A_333 = arith.mulf %mul3A_324, %sub3A_332 : vector<16xf32>
      %mul3A_334 = arith.constant 5.000000e-01 : f32
      %mul3A_335 = vector.broadcast %mul3A_334 : f32 to vector<16xf32>
      %mul3A_336 = arith.mulf %mul3A_335, %broadcast_in_dim3A_309 : vector<16xf32>
      %mul3A_337 = arith.mulf %mul3A_336, %mul3A_333 : vector<16xf32>
      %mul3A_338 = arith.mulf %mul3A_337, %mul3A_333 : vector<16xf32>
      %sub3A_339 = arith.constant 1.500000e+00 : f32
      %sub3A_340 = vector.broadcast %sub3A_339 : f32 to vector<16xf32>
      %sub3A_341 = arith.subf %sub3A_340, %mul3A_338 : vector<16xf32>
      %mul3A_342 = arith.mulf %mul3A_333, %sub3A_341 : vector<16xf32>
      %reduce_sum3A_343 = arith.constant true
      %reduce_sum3A_344 = vector.broadcast %reduce_sum3A_343 : i1 to vector<16xi1>
      %reduce_sum3A_345 = tpu.scan <sum>, %parallel_loop3A_292#1 masked %reduce_sum3A_344 : vector<16xf32>, vector<16xi1> -> vector<16xf32>
      %reduce_sum3A_346 = vector.extract %reduce_sum3A_345[15] : f32 from vector<16xf32>
      %mul3A_347 = arith.constant 0.00130208337 : f32
      %mul3A_348 = arith.mulf %reduce_sum3A_346, %mul3A_347 : f32
      %reduce_sum3A_349 = arith.constant true
      %reduce_sum3A_350 = vector.broadcast %reduce_sum3A_349 : i1 to vector<16xi1>
      %reduce_sum3A_351 = tpu.scan <sum>, %parallel_loop3A_292#9 masked %reduce_sum3A_350 : vector<16xf32>, vector<16xi1> -> vector<16xf32>
      %reduce_sum3A_352 = vector.extract %reduce_sum3A_351[15] : f32 from vector<16xf32>
      %mul3A_353 = arith.constant 0.00130208337 : f32
      %mul3A_354 = arith.mulf %reduce_sum3A_352, %mul3A_353 : f32
      %mul3A_355 = arith.mulf %mul3A_348, %mul3A_348 : f32
      %sub3A_356 = arith.subf %mul3A_354, %mul3A_355 : f32
      %max3A_357 = arith.constant 0.000000e+00 : f32
      %max3A_358 = arith.maximumf %sub3A_356, %max3A_357 : f32
      %broadcast_in_dim3A_359 = vector.broadcast %mul3A_348 : f32 to vector<16xf32>
      %add3A_360 = arith.constant 9.99999996E-13 : f32
      %add3A_361 = arith.addf %max3A_358, %add3A_360 : f32
      %broadcast_in_dim3A_362 = vector.broadcast %add3A_361 : f32 to vector<16xf32>
      %bitcast3A_363 = vector.bitcast %broadcast_in_dim3A_362 : vector<16xf32> to vector<16xi32>
      %shift_right_arithmetic3A_364 = arith.constant 1 : i32
      %shift_right_arithmetic3A_365 = vector.broadcast %shift_right_arithmetic3A_364 : i32 to vector<16xi32>
      %shift_right_arithmetic3A_366 = arith.shrsi %bitcast3A_363, %shift_right_arithmetic3A_365 : vector<16xi32>
      %sub3A_367 = arith.constant 1597463007 : i32
      %sub3A_368 = vector.broadcast %sub3A_367 : i32 to vector<16xi32>
      %sub3A_369 = arith.subi %sub3A_368, %shift_right_arithmetic3A_366 : vector<16xi32>
      %bitcast3A_370 = vector.bitcast %sub3A_369 : vector<16xi32> to vector<16xf32>
      %mul3A_371 = arith.constant 5.000000e-01 : f32
      %mul3A_372 = vector.broadcast %mul3A_371 : f32 to vector<16xf32>
      %mul3A_373 = arith.mulf %mul3A_372, %broadcast_in_dim3A_362 : vector<16xf32>
      %mul3A_374 = arith.mulf %mul3A_373, %bitcast3A_370 : vector<16xf32>
      %mul3A_375 = arith.mulf %mul3A_374, %bitcast3A_370 : vector<16xf32>
      %sub3A_376 = arith.constant 1.500000e+00 : f32
      %sub3A_377 = vector.broadcast %sub3A_376 : f32 to vector<16xf32>
      %sub3A_378 = arith.subf %sub3A_377, %mul3A_375 : vector<16xf32>
      %mul3A_379 = arith.mulf %bitcast3A_370, %sub3A_378 : vector<16xf32>
      %mul3A_380 = arith.constant 5.000000e-01 : f32
      %mul3A_381 = vector.broadcast %mul3A_380 : f32 to vector<16xf32>
      %mul3A_382 = arith.mulf %mul3A_381, %broadcast_in_dim3A_362 : vector<16xf32>
      %mul3A_383 = arith.mulf %mul3A_382, %mul3A_379 : vector<16xf32>
      %mul3A_384 = arith.mulf %mul3A_383, %mul3A_379 : vector<16xf32>
      %sub3A_385 = arith.constant 1.500000e+00 : f32
      %sub3A_386 = vector.broadcast %sub3A_385 : f32 to vector<16xf32>
      %sub3A_387 = arith.subf %sub3A_386, %mul3A_384 : vector<16xf32>
      %mul3A_388 = arith.mulf %mul3A_379, %sub3A_387 : vector<16xf32>
      %mul3A_389 = arith.constant 5.000000e-01 : f32
      %mul3A_390 = vector.broadcast %mul3A_389 : f32 to vector<16xf32>
      %mul3A_391 = arith.mulf %mul3A_390, %broadcast_in_dim3A_362 : vector<16xf32>
      %mul3A_392 = arith.mulf %mul3A_391, %mul3A_388 : vector<16xf32>
      %mul3A_393 = arith.mulf %mul3A_392, %mul3A_388 : vector<16xf32>
      %sub3A_394 = arith.constant 1.500000e+00 : f32
      %sub3A_395 = vector.broadcast %sub3A_394 : f32 to vector<16xf32>
      %sub3A_396 = arith.subf %sub3A_395, %mul3A_393 : vector<16xf32>
      %mul3A_397 = arith.mulf %mul3A_388, %sub3A_396 : vector<16xf32>
      %reduce_sum3A_398 = arith.constant true
      %reduce_sum3A_399 = vector.broadcast %reduce_sum3A_398 : i1 to vector<16xi1>
      %reduce_sum3A_400 = tpu.scan <sum>, %parallel_loop3A_292#2 masked %reduce_sum3A_399 : vector<16xf32>, vector<16xi1> -> vector<16xf32>
      %reduce_sum3A_401 = vector.extract %reduce_sum3A_400[15] : f32 from vector<16xf32>
      %mul3A_402 = arith.constant 0.00130208337 : f32
      %mul3A_403 = arith.mulf %reduce_sum3A_401, %mul3A_402 : f32
      %reduce_sum3A_404 = arith.constant true
      %reduce_sum3A_405 = vector.broadcast %reduce_sum3A_404 : i1 to vector<16xi1>
      %reduce_sum3A_406 = tpu.scan <sum>, %parallel_loop3A_292#10 masked %reduce_sum3A_405 : vector<16xf32>, vector<16xi1> -> vector<16xf32>
      %reduce_sum3A_407 = vector.extract %reduce_sum3A_406[15] : f32 from vector<16xf32>
      %mul3A_408 = arith.constant 0.00130208337 : f32
      %mul3A_409 = arith.mulf %reduce_sum3A_407, %mul3A_408 : f32
      %mul3A_410 = arith.mulf %mul3A_403, %mul3A_403 : f32
      %sub3A_411 = arith.subf %mul3A_409, %mul3A_410 : f32
      %max3A_412 = arith.constant 0.000000e+00 : f32
      %max3A_413 = arith.maximumf %sub3A_411, %max3A_412 : f32
      %broadcast_in_dim3A_414 = vector.broadcast %mul3A_403 : f32 to vector<16xf32>
      %add3A_415 = arith.constant 9.99999996E-13 : f32
      %add3A_416 = arith.addf %max3A_413, %add3A_415 : f32
      %broadcast_in_dim3A_417 = vector.broadcast %add3A_416 : f32 to vector<16xf32>
      %bitcast3A_418 = vector.bitcast %broadcast_in_dim3A_417 : vector<16xf32> to vector<16xi32>
      %shift_right_arithmetic3A_419 = arith.constant 1 : i32
      %shift_right_arithmetic3A_420 = vector.broadcast %shift_right_arithmetic3A_419 : i32 to vector<16xi32>
      %shift_right_arithmetic3A_421 = arith.shrsi %bitcast3A_418, %shift_right_arithmetic3A_420 : vector<16xi32>
      %sub3A_422 = arith.constant 1597463007 : i32
      %sub3A_423 = vector.broadcast %sub3A_422 : i32 to vector<16xi32>
      %sub3A_424 = arith.subi %sub3A_423, %shift_right_arithmetic3A_421 : vector<16xi32>
      %bitcast3A_425 = vector.bitcast %sub3A_424 : vector<16xi32> to vector<16xf32>
      %mul3A_426 = arith.constant 5.000000e-01 : f32
      %mul3A_427 = vector.broadcast %mul3A_426 : f32 to vector<16xf32>
      %mul3A_428 = arith.mulf %mul3A_427, %broadcast_in_dim3A_417 : vector<16xf32>
      %mul3A_429 = arith.mulf %mul3A_428, %bitcast3A_425 : vector<16xf32>
      %mul3A_430 = arith.mulf %mul3A_429, %bitcast3A_425 : vector<16xf32>
      %sub3A_431 = arith.constant 1.500000e+00 : f32
      %sub3A_432 = vector.broadcast %sub3A_431 : f32 to vector<16xf32>
      %sub3A_433 = arith.subf %sub3A_432, %mul3A_430 : vector<16xf32>
      %mul3A_434 = arith.mulf %bitcast3A_425, %sub3A_433 : vector<16xf32>
      %mul3A_435 = arith.constant 5.000000e-01 : f32
      %mul3A_436 = vector.broadcast %mul3A_435 : f32 to vector<16xf32>
      %mul3A_437 = arith.mulf %mul3A_436, %broadcast_in_dim3A_417 : vector<16xf32>
      %mul3A_438 = arith.mulf %mul3A_437, %mul3A_434 : vector<16xf32>
      %mul3A_439 = arith.mulf %mul3A_438, %mul3A_434 : vector<16xf32>
      %sub3A_440 = arith.constant 1.500000e+00 : f32
      %sub3A_441 = vector.broadcast %sub3A_440 : f32 to vector<16xf32>
      %sub3A_442 = arith.subf %sub3A_441, %mul3A_439 : vector<16xf32>
      %mul3A_443 = arith.mulf %mul3A_434, %sub3A_442 : vector<16xf32>
      %mul3A_444 = arith.constant 5.000000e-01 : f32
      %mul3A_445 = vector.broadcast %mul3A_444 : f32 to vector<16xf32>
      %mul3A_446 = arith.mulf %mul3A_445, %broadcast_in_dim3A_417 : vector<16xf32>
      %mul3A_447 = arith.mulf %mul3A_446, %mul3A_443 : vector<16xf32>
      %mul3A_448 = arith.mulf %mul3A_447, %mul3A_443 : vector<16xf32>
      %sub3A_449 = arith.constant 1.500000e+00 : f32
      %sub3A_450 = vector.broadcast %sub3A_449 : f32 to vector<16xf32>
      %sub3A_451 = arith.subf %sub3A_450, %mul3A_448 : vector<16xf32>
      %mul3A_452 = arith.mulf %mul3A_443, %sub3A_451 : vector<16xf32>
      %reduce_sum3A_453 = arith.constant true
      %reduce_sum3A_454 = vector.broadcast %reduce_sum3A_453 : i1 to vector<16xi1>
      %reduce_sum3A_455 = tpu.scan <sum>, %parallel_loop3A_292#3 masked %reduce_sum3A_454 : vector<16xf32>, vector<16xi1> -> vector<16xf32>
      %reduce_sum3A_456 = vector.extract %reduce_sum3A_455[15] : f32 from vector<16xf32>
      %mul3A_457 = arith.constant 0.00130208337 : f32
      %mul3A_458 = arith.mulf %reduce_sum3A_456, %mul3A_457 : f32
      %reduce_sum3A_459 = arith.constant true
      %reduce_sum3A_460 = vector.broadcast %reduce_sum3A_459 : i1 to vector<16xi1>
      %reduce_sum3A_461 = tpu.scan <sum>, %parallel_loop3A_292#11 masked %reduce_sum3A_460 : vector<16xf32>, vector<16xi1> -> vector<16xf32>
      %reduce_sum3A_462 = vector.extract %reduce_sum3A_461[15] : f32 from vector<16xf32>
      %mul3A_463 = arith.constant 0.00130208337 : f32
      %mul3A_464 = arith.mulf %reduce_sum3A_462, %mul3A_463 : f32
      %mul3A_465 = arith.mulf %mul3A_458, %mul3A_458 : f32
      %sub3A_466 = arith.subf %mul3A_464, %mul3A_465 : f32
      %max3A_467 = arith.constant 0.000000e+00 : f32
      %max3A_468 = arith.maximumf %sub3A_466, %max3A_467 : f32
      %broadcast_in_dim3A_469 = vector.broadcast %mul3A_458 : f32 to vector<16xf32>
      %add3A_470 = arith.constant 9.99999996E-13 : f32
      %add3A_471 = arith.addf %max3A_468, %add3A_470 : f32
      %broadcast_in_dim3A_472 = vector.broadcast %add3A_471 : f32 to vector<16xf32>
      %bitcast3A_473 = vector.bitcast %broadcast_in_dim3A_472 : vector<16xf32> to vector<16xi32>
      %shift_right_arithmetic3A_474 = arith.constant 1 : i32
      %shift_right_arithmetic3A_475 = vector.broadcast %shift_right_arithmetic3A_474 : i32 to vector<16xi32>
      %shift_right_arithmetic3A_476 = arith.shrsi %bitcast3A_473, %shift_right_arithmetic3A_475 : vector<16xi32>
      %sub3A_477 = arith.constant 1597463007 : i32
      %sub3A_478 = vector.broadcast %sub3A_477 : i32 to vector<16xi32>
      %sub3A_479 = arith.subi %sub3A_478, %shift_right_arithmetic3A_476 : vector<16xi32>
      %bitcast3A_480 = vector.bitcast %sub3A_479 : vector<16xi32> to vector<16xf32>
      %mul3A_481 = arith.constant 5.000000e-01 : f32
      %mul3A_482 = vector.broadcast %mul3A_481 : f32 to vector<16xf32>
      %mul3A_483 = arith.mulf %mul3A_482, %broadcast_in_dim3A_472 : vector<16xf32>
      %mul3A_484 = arith.mulf %mul3A_483, %bitcast3A_480 : vector<16xf32>
      %mul3A_485 = arith.mulf %mul3A_484, %bitcast3A_480 : vector<16xf32>
      %sub3A_486 = arith.constant 1.500000e+00 : f32
      %sub3A_487 = vector.broadcast %sub3A_486 : f32 to vector<16xf32>
      %sub3A_488 = arith.subf %sub3A_487, %mul3A_485 : vector<16xf32>
      %mul3A_489 = arith.mulf %bitcast3A_480, %sub3A_488 : vector<16xf32>
      %mul3A_490 = arith.constant 5.000000e-01 : f32
      %mul3A_491 = vector.broadcast %mul3A_490 : f32 to vector<16xf32>
      %mul3A_492 = arith.mulf %mul3A_491, %broadcast_in_dim3A_472 : vector<16xf32>
      %mul3A_493 = arith.mulf %mul3A_492, %mul3A_489 : vector<16xf32>
      %mul3A_494 = arith.mulf %mul3A_493, %mul3A_489 : vector<16xf32>
      %sub3A_495 = arith.constant 1.500000e+00 : f32
      %sub3A_496 = vector.broadcast %sub3A_495 : f32 to vector<16xf32>
      %sub3A_497 = arith.subf %sub3A_496, %mul3A_494 : vector<16xf32>
      %mul3A_498 = arith.mulf %mul3A_489, %sub3A_497 : vector<16xf32>
      %mul3A_499 = arith.constant 5.000000e-01 : f32
      %mul3A_500 = vector.broadcast %mul3A_499 : f32 to vector<16xf32>
      %mul3A_501 = arith.mulf %mul3A_500, %broadcast_in_dim3A_472 : vector<16xf32>
      %mul3A_502 = arith.mulf %mul3A_501, %mul3A_498 : vector<16xf32>
      %mul3A_503 = arith.mulf %mul3A_502, %mul3A_498 : vector<16xf32>
      %sub3A_504 = arith.constant 1.500000e+00 : f32
      %sub3A_505 = vector.broadcast %sub3A_504 : f32 to vector<16xf32>
      %sub3A_506 = arith.subf %sub3A_505, %mul3A_503 : vector<16xf32>
      %mul3A_507 = arith.mulf %mul3A_498, %sub3A_506 : vector<16xf32>
      %reduce_sum3A_508 = arith.constant true
      %reduce_sum3A_509 = vector.broadcast %reduce_sum3A_508 : i1 to vector<16xi1>
      %reduce_sum3A_510 = tpu.scan <sum>, %parallel_loop3A_292#4 masked %reduce_sum3A_509 : vector<16xf32>, vector<16xi1> -> vector<16xf32>
      %reduce_sum3A_511 = vector.extract %reduce_sum3A_510[15] : f32 from vector<16xf32>
      %mul3A_512 = arith.constant 0.00130208337 : f32
      %mul3A_513 = arith.mulf %reduce_sum3A_511, %mul3A_512 : f32
      %reduce_sum3A_514 = arith.constant true
      %reduce_sum3A_515 = vector.broadcast %reduce_sum3A_514 : i1 to vector<16xi1>
      %reduce_sum3A_516 = tpu.scan <sum>, %parallel_loop3A_292#12 masked %reduce_sum3A_515 : vector<16xf32>, vector<16xi1> -> vector<16xf32>
      %reduce_sum3A_517 = vector.extract %reduce_sum3A_516[15] : f32 from vector<16xf32>
      %mul3A_518 = arith.constant 0.00130208337 : f32
      %mul3A_519 = arith.mulf %reduce_sum3A_517, %mul3A_518 : f32
      %mul3A_520 = arith.mulf %mul3A_513, %mul3A_513 : f32
      %sub3A_521 = arith.subf %mul3A_519, %mul3A_520 : f32
      %max3A_522 = arith.constant 0.000000e+00 : f32
      %max3A_523 = arith.maximumf %sub3A_521, %max3A_522 : f32
      %broadcast_in_dim3A_524 = vector.broadcast %mul3A_513 : f32 to vector<16xf32>
      %add3A_525 = arith.constant 9.99999996E-13 : f32
      %add3A_526 = arith.addf %max3A_523, %add3A_525 : f32
      %broadcast_in_dim3A_527 = vector.broadcast %add3A_526 : f32 to vector<16xf32>
      %bitcast3A_528 = vector.bitcast %broadcast_in_dim3A_527 : vector<16xf32> to vector<16xi32>
      %shift_right_arithmetic3A_529 = arith.constant 1 : i32
      %shift_right_arithmetic3A_530 = vector.broadcast %shift_right_arithmetic3A_529 : i32 to vector<16xi32>
      %shift_right_arithmetic3A_531 = arith.shrsi %bitcast3A_528, %shift_right_arithmetic3A_530 : vector<16xi32>
      %sub3A_532 = arith.constant 1597463007 : i32
      %sub3A_533 = vector.broadcast %sub3A_532 : i32 to vector<16xi32>
      %sub3A_534 = arith.subi %sub3A_533, %shift_right_arithmetic3A_531 : vector<16xi32>
      %bitcast3A_535 = vector.bitcast %sub3A_534 : vector<16xi32> to vector<16xf32>
      %mul3A_536 = arith.constant 5.000000e-01 : f32
      %mul3A_537 = vector.broadcast %mul3A_536 : f32 to vector<16xf32>
      %mul3A_538 = arith.mulf %mul3A_537, %broadcast_in_dim3A_527 : vector<16xf32>
      %mul3A_539 = arith.mulf %mul3A_538, %bitcast3A_535 : vector<16xf32>
      %mul3A_540 = arith.mulf %mul3A_539, %bitcast3A_535 : vector<16xf32>
      %sub3A_541 = arith.constant 1.500000e+00 : f32
      %sub3A_542 = vector.broadcast %sub3A_541 : f32 to vector<16xf32>
      %sub3A_543 = arith.subf %sub3A_542, %mul3A_540 : vector<16xf32>
      %mul3A_544 = arith.mulf %bitcast3A_535, %sub3A_543 : vector<16xf32>
      %mul3A_545 = arith.constant 5.000000e-01 : f32
      %mul3A_546 = vector.broadcast %mul3A_545 : f32 to vector<16xf32>
      %mul3A_547 = arith.mulf %mul3A_546, %broadcast_in_dim3A_527 : vector<16xf32>
      %mul3A_548 = arith.mulf %mul3A_547, %mul3A_544 : vector<16xf32>
      %mul3A_549 = arith.mulf %mul3A_548, %mul3A_544 : vector<16xf32>
      %sub3A_550 = arith.constant 1.500000e+00 : f32
      %sub3A_551 = vector.broadcast %sub3A_550 : f32 to vector<16xf32>
      %sub3A_552 = arith.subf %sub3A_551, %mul3A_549 : vector<16xf32>
      %mul3A_553 = arith.mulf %mul3A_544, %sub3A_552 : vector<16xf32>
      %mul3A_554 = arith.constant 5.000000e-01 : f32
      %mul3A_555 = vector.broadcast %mul3A_554 : f32 to vector<16xf32>
      %mul3A_556 = arith.mulf %mul3A_555, %broadcast_in_dim3A_527 : vector<16xf32>
      %mul3A_557 = arith.mulf %mul3A_556, %mul3A_553 : vector<16xf32>
      %mul3A_558 = arith.mulf %mul3A_557, %mul3A_553 : vector<16xf32>
      %sub3A_559 = arith.constant 1.500000e+00 : f32
      %sub3A_560 = vector.broadcast %sub3A_559 : f32 to vector<16xf32>
      %sub3A_561 = arith.subf %sub3A_560, %mul3A_558 : vector<16xf32>
      %mul3A_562 = arith.mulf %mul3A_553, %sub3A_561 : vector<16xf32>
      %reduce_sum3A_563 = arith.constant true
      %reduce_sum3A_564 = vector.broadcast %reduce_sum3A_563 : i1 to vector<16xi1>
      %reduce_sum3A_565 = tpu.scan <sum>, %parallel_loop3A_292#5 masked %reduce_sum3A_564 : vector<16xf32>, vector<16xi1> -> vector<16xf32>
      %reduce_sum3A_566 = vector.extract %reduce_sum3A_565[15] : f32 from vector<16xf32>
      %mul3A_567 = arith.constant 0.00130208337 : f32
      %mul3A_568 = arith.mulf %reduce_sum3A_566, %mul3A_567 : f32
      %reduce_sum3A_569 = arith.constant true
      %reduce_sum3A_570 = vector.broadcast %reduce_sum3A_569 : i1 to vector<16xi1>
      %reduce_sum3A_571 = tpu.scan <sum>, %parallel_loop3A_292#13 masked %reduce_sum3A_570 : vector<16xf32>, vector<16xi1> -> vector<16xf32>
      %reduce_sum3A_572 = vector.extract %reduce_sum3A_571[15] : f32 from vector<16xf32>
      %mul3A_573 = arith.constant 0.00130208337 : f32
      %mul3A_574 = arith.mulf %reduce_sum3A_572, %mul3A_573 : f32
      %mul3A_575 = arith.mulf %mul3A_568, %mul3A_568 : f32
      %sub3A_576 = arith.subf %mul3A_574, %mul3A_575 : f32
      %max3A_577 = arith.constant 0.000000e+00 : f32
      %max3A_578 = arith.maximumf %sub3A_576, %max3A_577 : f32
      %broadcast_in_dim3A_579 = vector.broadcast %mul3A_568 : f32 to vector<16xf32>
      %add3A_580 = arith.constant 9.99999996E-13 : f32
      %add3A_581 = arith.addf %max3A_578, %add3A_580 : f32
      %broadcast_in_dim3A_582 = vector.broadcast %add3A_581 : f32 to vector<16xf32>
      %bitcast3A_583 = vector.bitcast %broadcast_in_dim3A_582 : vector<16xf32> to vector<16xi32>
      %shift_right_arithmetic3A_584 = arith.constant 1 : i32
      %shift_right_arithmetic3A_585 = vector.broadcast %shift_right_arithmetic3A_584 : i32 to vector<16xi32>
      %shift_right_arithmetic3A_586 = arith.shrsi %bitcast3A_583, %shift_right_arithmetic3A_585 : vector<16xi32>
      %sub3A_587 = arith.constant 1597463007 : i32
      %sub3A_588 = vector.broadcast %sub3A_587 : i32 to vector<16xi32>
      %sub3A_589 = arith.subi %sub3A_588, %shift_right_arithmetic3A_586 : vector<16xi32>
      %bitcast3A_590 = vector.bitcast %sub3A_589 : vector<16xi32> to vector<16xf32>
      %mul3A_591 = arith.constant 5.000000e-01 : f32
      %mul3A_592 = vector.broadcast %mul3A_591 : f32 to vector<16xf32>
      %mul3A_593 = arith.mulf %mul3A_592, %broadcast_in_dim3A_582 : vector<16xf32>
      %mul3A_594 = arith.mulf %mul3A_593, %bitcast3A_590 : vector<16xf32>
      %mul3A_595 = arith.mulf %mul3A_594, %bitcast3A_590 : vector<16xf32>
      %sub3A_596 = arith.constant 1.500000e+00 : f32
      %sub3A_597 = vector.broadcast %sub3A_596 : f32 to vector<16xf32>
      %sub3A_598 = arith.subf %sub3A_597, %mul3A_595 : vector<16xf32>
      %mul3A_599 = arith.mulf %bitcast3A_590, %sub3A_598 : vector<16xf32>
      %mul3A_600 = arith.constant 5.000000e-01 : f32
      %mul3A_601 = vector.broadcast %mul3A_600 : f32 to vector<16xf32>
      %mul3A_602 = arith.mulf %mul3A_601, %broadcast_in_dim3A_582 : vector<16xf32>
      %mul3A_603 = arith.mulf %mul3A_602, %mul3A_599 : vector<16xf32>
      %mul3A_604 = arith.mulf %mul3A_603, %mul3A_599 : vector<16xf32>
      %sub3A_605 = arith.constant 1.500000e+00 : f32
      %sub3A_606 = vector.broadcast %sub3A_605 : f32 to vector<16xf32>
      %sub3A_607 = arith.subf %sub3A_606, %mul3A_604 : vector<16xf32>
      %mul3A_608 = arith.mulf %mul3A_599, %sub3A_607 : vector<16xf32>
      %mul3A_609 = arith.constant 5.000000e-01 : f32
      %mul3A_610 = vector.broadcast %mul3A_609 : f32 to vector<16xf32>
      %mul3A_611 = arith.mulf %mul3A_610, %broadcast_in_dim3A_582 : vector<16xf32>
      %mul3A_612 = arith.mulf %mul3A_611, %mul3A_608 : vector<16xf32>
      %mul3A_613 = arith.mulf %mul3A_612, %mul3A_608 : vector<16xf32>
      %sub3A_614 = arith.constant 1.500000e+00 : f32
      %sub3A_615 = vector.broadcast %sub3A_614 : f32 to vector<16xf32>
      %sub3A_616 = arith.subf %sub3A_615, %mul3A_613 : vector<16xf32>
      %mul3A_617 = arith.mulf %mul3A_608, %sub3A_616 : vector<16xf32>
      %reduce_sum3A_618 = arith.constant true
      %reduce_sum3A_619 = vector.broadcast %reduce_sum3A_618 : i1 to vector<16xi1>
      %reduce_sum3A_620 = tpu.scan <sum>, %parallel_loop3A_292#6 masked %reduce_sum3A_619 : vector<16xf32>, vector<16xi1> -> vector<16xf32>
      %reduce_sum3A_621 = vector.extract %reduce_sum3A_620[15] : f32 from vector<16xf32>
      %mul3A_622 = arith.constant 0.00130208337 : f32
      %mul3A_623 = arith.mulf %reduce_sum3A_621, %mul3A_622 : f32
      %reduce_sum3A_624 = arith.constant true
      %reduce_sum3A_625 = vector.broadcast %reduce_sum3A_624 : i1 to vector<16xi1>
      %reduce_sum3A_626 = tpu.scan <sum>, %parallel_loop3A_292#14 masked %reduce_sum3A_625 : vector<16xf32>, vector<16xi1> -> vector<16xf32>
      %reduce_sum3A_627 = vector.extract %reduce_sum3A_626[15] : f32 from vector<16xf32>
      %mul3A_628 = arith.constant 0.00130208337 : f32
      %mul3A_629 = arith.mulf %reduce_sum3A_627, %mul3A_628 : f32
      %mul3A_630 = arith.mulf %mul3A_623, %mul3A_623 : f32
      %sub3A_631 = arith.subf %mul3A_629, %mul3A_630 : f32
      %max3A_632 = arith.constant 0.000000e+00 : f32
      %max3A_633 = arith.maximumf %sub3A_631, %max3A_632 : f32
      %broadcast_in_dim3A_634 = vector.broadcast %mul3A_623 : f32 to vector<16xf32>
      %add3A_635 = arith.constant 9.99999996E-13 : f32
      %add3A_636 = arith.addf %max3A_633, %add3A_635 : f32
      %broadcast_in_dim3A_637 = vector.broadcast %add3A_636 : f32 to vector<16xf32>
      %bitcast3A_638 = vector.bitcast %broadcast_in_dim3A_637 : vector<16xf32> to vector<16xi32>
      %shift_right_arithmetic3A_639 = arith.constant 1 : i32
      %shift_right_arithmetic3A_640 = vector.broadcast %shift_right_arithmetic3A_639 : i32 to vector<16xi32>
      %shift_right_arithmetic3A_641 = arith.shrsi %bitcast3A_638, %shift_right_arithmetic3A_640 : vector<16xi32>
      %sub3A_642 = arith.constant 1597463007 : i32
      %sub3A_643 = vector.broadcast %sub3A_642 : i32 to vector<16xi32>
      %sub3A_644 = arith.subi %sub3A_643, %shift_right_arithmetic3A_641 : vector<16xi32>
      %bitcast3A_645 = vector.bitcast %sub3A_644 : vector<16xi32> to vector<16xf32>
      %mul3A_646 = arith.constant 5.000000e-01 : f32
      %mul3A_647 = vector.broadcast %mul3A_646 : f32 to vector<16xf32>
      %mul3A_648 = arith.mulf %mul3A_647, %broadcast_in_dim3A_637 : vector<16xf32>
      %mul3A_649 = arith.mulf %mul3A_648, %bitcast3A_645 : vector<16xf32>
      %mul3A_650 = arith.mulf %mul3A_649, %bitcast3A_645 : vector<16xf32>
      %sub3A_651 = arith.constant 1.500000e+00 : f32
      %sub3A_652 = vector.broadcast %sub3A_651 : f32 to vector<16xf32>
      %sub3A_653 = arith.subf %sub3A_652, %mul3A_650 : vector<16xf32>
      %mul3A_654 = arith.mulf %bitcast3A_645, %sub3A_653 : vector<16xf32>
      %mul3A_655 = arith.constant 5.000000e-01 : f32
      %mul3A_656 = vector.broadcast %mul3A_655 : f32 to vector<16xf32>
      %mul3A_657 = arith.mulf %mul3A_656, %broadcast_in_dim3A_637 : vector<16xf32>
      %mul3A_658 = arith.mulf %mul3A_657, %mul3A_654 : vector<16xf32>
      %mul3A_659 = arith.mulf %mul3A_658, %mul3A_654 : vector<16xf32>
      %sub3A_660 = arith.constant 1.500000e+00 : f32
      %sub3A_661 = vector.broadcast %sub3A_660 : f32 to vector<16xf32>
      %sub3A_662 = arith.subf %sub3A_661, %mul3A_659 : vector<16xf32>
      %mul3A_663 = arith.mulf %mul3A_654, %sub3A_662 : vector<16xf32>
      %mul3A_664 = arith.constant 5.000000e-01 : f32
      %mul3A_665 = vector.broadcast %mul3A_664 : f32 to vector<16xf32>
      %mul3A_666 = arith.mulf %mul3A_665, %broadcast_in_dim3A_637 : vector<16xf32>
      %mul3A_667 = arith.mulf %mul3A_666, %mul3A_663 : vector<16xf32>
      %mul3A_668 = arith.mulf %mul3A_667, %mul3A_663 : vector<16xf32>
      %sub3A_669 = arith.constant 1.500000e+00 : f32
      %sub3A_670 = vector.broadcast %sub3A_669 : f32 to vector<16xf32>
      %sub3A_671 = arith.subf %sub3A_670, %mul3A_668 : vector<16xf32>
      %mul3A_672 = arith.mulf %mul3A_663, %sub3A_671 : vector<16xf32>
      %reduce_sum3A_673 = arith.constant true
      %reduce_sum3A_674 = vector.broadcast %reduce_sum3A_673 : i1 to vector<16xi1>
      %reduce_sum3A_675 = tpu.scan <sum>, %parallel_loop3A_292#7 masked %reduce_sum3A_674 : vector<16xf32>, vector<16xi1> -> vector<16xf32>
      %reduce_sum3A_676 = vector.extract %reduce_sum3A_675[15] : f32 from vector<16xf32>
      %mul3A_677 = arith.constant 0.00130208337 : f32
      %mul3A_678 = arith.mulf %reduce_sum3A_676, %mul3A_677 : f32
      %reduce_sum3A_679 = arith.constant true
      %reduce_sum3A_680 = vector.broadcast %reduce_sum3A_679 : i1 to vector<16xi1>
      %reduce_sum3A_681 = tpu.scan <sum>, %parallel_loop3A_292#15 masked %reduce_sum3A_680 : vector<16xf32>, vector<16xi1> -> vector<16xf32>
      %reduce_sum3A_682 = vector.extract %reduce_sum3A_681[15] : f32 from vector<16xf32>
      %mul3A_683 = arith.constant 0.00130208337 : f32
      %mul3A_684 = arith.mulf %reduce_sum3A_682, %mul3A_683 : f32
      %mul3A_685 = arith.mulf %mul3A_678, %mul3A_678 : f32
      %sub3A_686 = arith.subf %mul3A_684, %mul3A_685 : f32
      %max3A_687 = arith.constant 0.000000e+00 : f32
      %max3A_688 = arith.maximumf %sub3A_686, %max3A_687 : f32
      %broadcast_in_dim3A_689 = vector.broadcast %mul3A_678 : f32 to vector<16xf32>
      %add3A_690 = arith.constant 9.99999996E-13 : f32
      %add3A_691 = arith.addf %max3A_688, %add3A_690 : f32
      %broadcast_in_dim3A_692 = vector.broadcast %add3A_691 : f32 to vector<16xf32>
      %bitcast3A_693 = vector.bitcast %broadcast_in_dim3A_692 : vector<16xf32> to vector<16xi32>
      %shift_right_arithmetic3A_694 = arith.constant 1 : i32
      %shift_right_arithmetic3A_695 = vector.broadcast %shift_right_arithmetic3A_694 : i32 to vector<16xi32>
      %shift_right_arithmetic3A_696 = arith.shrsi %bitcast3A_693, %shift_right_arithmetic3A_695 : vector<16xi32>
      %sub3A_697 = arith.constant 1597463007 : i32
      %sub3A_698 = vector.broadcast %sub3A_697 : i32 to vector<16xi32>
      %sub3A_699 = arith.subi %sub3A_698, %shift_right_arithmetic3A_696 : vector<16xi32>
      %bitcast3A_700 = vector.bitcast %sub3A_699 : vector<16xi32> to vector<16xf32>
      %mul3A_701 = arith.constant 5.000000e-01 : f32
      %mul3A_702 = vector.broadcast %mul3A_701 : f32 to vector<16xf32>
      %mul3A_703 = arith.mulf %mul3A_702, %broadcast_in_dim3A_692 : vector<16xf32>
      %mul3A_704 = arith.mulf %mul3A_703, %bitcast3A_700 : vector<16xf32>
      %mul3A_705 = arith.mulf %mul3A_704, %bitcast3A_700 : vector<16xf32>
      %sub3A_706 = arith.constant 1.500000e+00 : f32
      %sub3A_707 = vector.broadcast %sub3A_706 : f32 to vector<16xf32>
      %sub3A_708 = arith.subf %sub3A_707, %mul3A_705 : vector<16xf32>
      %mul3A_709 = arith.mulf %bitcast3A_700, %sub3A_708 : vector<16xf32>
      %mul3A_710 = arith.constant 5.000000e-01 : f32
      %mul3A_711 = vector.broadcast %mul3A_710 : f32 to vector<16xf32>
      %mul3A_712 = arith.mulf %mul3A_711, %broadcast_in_dim3A_692 : vector<16xf32>
      %mul3A_713 = arith.mulf %mul3A_712, %mul3A_709 : vector<16xf32>
      %mul3A_714 = arith.mulf %mul3A_713, %mul3A_709 : vector<16xf32>
      %sub3A_715 = arith.constant 1.500000e+00 : f32
      %sub3A_716 = vector.broadcast %sub3A_715 : f32 to vector<16xf32>
      %sub3A_717 = arith.subf %sub3A_716, %mul3A_714 : vector<16xf32>
      %mul3A_718 = arith.mulf %mul3A_709, %sub3A_717 : vector<16xf32>
      %mul3A_719 = arith.constant 5.000000e-01 : f32
      %mul3A_720 = vector.broadcast %mul3A_719 : f32 to vector<16xf32>
      %mul3A_721 = arith.mulf %mul3A_720, %broadcast_in_dim3A_692 : vector<16xf32>
      %mul3A_722 = arith.mulf %mul3A_721, %mul3A_718 : vector<16xf32>
      %mul3A_723 = arith.mulf %mul3A_722, %mul3A_718 : vector<16xf32>
      %sub3A_724 = arith.constant 1.500000e+00 : f32
      %sub3A_725 = vector.broadcast %sub3A_724 : f32 to vector<16xf32>
      %sub3A_726 = arith.subf %sub3A_725, %mul3A_723 : vector<16xf32>
      %mul3A_727 = arith.mulf %mul3A_718, %sub3A_726 : vector<16xf32>
      %parallel_loop3A_728 = arith.constant 0 : i32
      %parallel_loop3A_729 = arith.constant 48 : i32
      %parallel_loop3A_730 = arith.constant 1 : i32
      %parallel_loop3A_731 = arith.constant 0 : i32
      %parallel_loop3A_732 = scf.for %parallel_loop3A_733 = %parallel_loop3A_728 to %parallel_loop3A_729 step %parallel_loop3A_730 iter_args(%parallel_loop3A_734 = %parallel_loop3A_731) -> (i32)  : i32 {
        %parallel_loop3A_735 = arith.constant 16 : i32
        %parallel_loop3A_736 = arith.muli %parallel_loop3A_733, %parallel_loop3A_735 : i32
        %parallel_loop3A_737 = arith.index_cast %parallel_loop3A_736 : i32 to index
        %parallel_loop3A_738 = tpu.vector_load %arg13[%parallel_loop3A_737] {strides = array<i32>} : memref<768xf32, #tpu.memory_space<vmem>>, vector<16xf32>,
        %parallel_loop3A_739 = arith.index_cast %parallel_loop3A_736 : i32 to index
        %parallel_loop3A_740 = tpu.vector_load %arg14[%parallel_loop3A_739] {strides = array<i32>} : memref<768xf32, #tpu.memory_space<vmem>>, vector<16xf32>,
        %parallel_loop3A_741 = arith.constant 0 : i32
        %parallel_loop3A_742 = arith.addi %mul3A_218, %parallel_loop3A_741 : i32
        %parallel_loop3A_743 = arith.constant 1 : i32
        %parallel_loop3A_744 = arith.index_cast %parallel_loop3A_743 : i32 to index
        %parallel_loop3A_745 = arith.index_cast %parallel_loop3A_742 : i32 to index
        %parallel_loop3A_746 = arith.index_cast %parallel_loop3A_736 : i32 to index
        %parallel_loop3A_747 = tpu.vector_load %arg11[%parallel_loop3A_744, %parallel_loop3A_745, %parallel_loop3A_746] {strides = array<i32>} : memref<2x64x768xf32, #tpu.memory_space<vmem>>, vector<16xf32>,
        %parallel_loop3A_748 = arith.subf %parallel_loop3A_747, %broadcast_in_dim3A_306 : vector<16xf32>
        %parallel_loop3A_749 = arith.mulf %parallel_loop3A_748, %mul3A_342 : vector<16xf32>
        %parallel_loop3A_750 = arith.mulf %parallel_loop3A_749, %parallel_loop3A_738 : vector<16xf32>
        %parallel_loop3A_751 = arith.addf %parallel_loop3A_750, %parallel_loop3A_740 : vector<16xf32>
        %parallel_loop3A_752 = arith.constant 0 : i32
        %parallel_loop3A_753 = arith.addi %mul3A_218, %parallel_loop3A_752 : i32
        %parallel_loop3A_754 = arith.constant 1 : i32
        %parallel_loop3A_755 = arith.index_cast %parallel_loop3A_754 : i32 to index
        %parallel_loop3A_756 = arith.index_cast %parallel_loop3A_753 : i32 to index
        %parallel_loop3A_757 = arith.index_cast %parallel_loop3A_736 : i32 to index
        %parallel_loop3A_758 = tpu.vector_load %arg11[%parallel_loop3A_755, %parallel_loop3A_756, %parallel_loop3A_757] {strides = array<i32>} : memref<2x64x768xf32, #tpu.memory_space<vmem>>, vector<16xf32>,
        tpu.vector_store %arg11[%parallel_loop3A_755, %parallel_loop3A_756, %parallel_loop3A_757], %parallel_loop3A_751 {strides = array<i32>} : memref<2x64x768xf32, #tpu.memory_space<vmem>>, vector<16xf32>,
        %parallel_loop3A_759 = arith.constant 1 : i32
        %parallel_loop3A_760 = arith.addi %mul3A_218, %parallel_loop3A_759 : i32
        %parallel_loop3A_761 = arith.constant 1 : i32
        %parallel_loop3A_762 = arith.index_cast %parallel_loop3A_761 : i32 to index
        %parallel_loop3A_763 = arith.index_cast %parallel_loop3A_760 : i32 to index
        %parallel_loop3A_764 = arith.index_cast %parallel_loop3A_736 : i32 to index
        %parallel_loop3A_765 = tpu.vector_load %arg11[%parallel_loop3A_762, %parallel_loop3A_763, %parallel_loop3A_764] {strides = array<i32>} : memref<2x64x768xf32, #tpu.memory_space<vmem>>, vector<16xf32>,
        %parallel_loop3A_766 = arith.subf %parallel_loop3A_765, %broadcast_in_dim3A_359 : vector<16xf32>
        %parallel_loop3A_767 = arith.mulf %parallel_loop3A_766, %mul3A_397 : vector<16xf32>
        %parallel_loop3A_768 = arith.mulf %parallel_loop3A_767, %parallel_loop3A_738 : vector<16xf32>
        %parallel_loop3A_769 = arith.addf %parallel_loop3A_768, %parallel_loop3A_740 : vector<16xf32>
        %parallel_loop3A_770 = arith.constant 1 : i32
        %parallel_loop3A_771 = arith.addi %mul3A_218, %parallel_loop3A_770 : i32
        %parallel_loop3A_772 = arith.constant 1 : i32
        %parallel_loop3A_773 = arith.index_cast %parallel_loop3A_772 : i32 to index
        %parallel_loop3A_774 = arith.index_cast %parallel_loop3A_771 : i32 to index
        %parallel_loop3A_775 = arith.index_cast %parallel_loop3A_736 : i32 to index
        %parallel_loop3A_776 = tpu.vector_load %arg11[%parallel_loop3A_773, %parallel_loop3A_774, %parallel_loop3A_775] {strides = array<i32>} : memref<2x64x768xf32, #tpu.memory_space<vmem>>, vector<16xf32>,
        tpu.vector_store %arg11[%parallel_loop3A_773, %parallel_loop3A_774, %parallel_loop3A_775], %parallel_loop3A_769 {strides = array<i32>} : memref<2x64x768xf32, #tpu.memory_space<vmem>>, vector<16xf32>,
        %parallel_loop3A_777 = arith.constant 2 : i32
        %parallel_loop3A_778 = arith.addi %mul3A_218, %parallel_loop3A_777 : i32
        %parallel_loop3A_779 = arith.constant 1 : i32
        %parallel_loop3A_780 = arith.index_cast %parallel_loop3A_779 : i32 to index
        %parallel_loop3A_781 = arith.index_cast %parallel_loop3A_778 : i32 to index
        %parallel_loop3A_782 = arith.index_cast %parallel_loop3A_736 : i32 to index
        %parallel_loop3A_783 = tpu.vector_load %arg11[%parallel_loop3A_780, %parallel_loop3A_781, %parallel_loop3A_782] {strides = array<i32>} : memref<2x64x768xf32, #tpu.memory_space<vmem>>, vector<16xf32>,
        %parallel_loop3A_784 = arith.subf %parallel_loop3A_783, %broadcast_in_dim3A_414 : vector<16xf32>
        %parallel_loop3A_785 = arith.mulf %parallel_loop3A_784, %mul3A_452 : vector<16xf32>
        %parallel_loop3A_786 = arith.mulf %parallel_loop3A_785, %parallel_loop3A_738 : vector<16xf32>
        %parallel_loop3A_787 = arith.addf %parallel_loop3A_786, %parallel_loop3A_740 : vector<16xf32>
        %parallel_loop3A_788 = arith.constant 2 : i32
        %parallel_loop3A_789 = arith.addi %mul3A_218, %parallel_loop3A_788 : i32
        %parallel_loop3A_790 = arith.constant 1 : i32
        %parallel_loop3A_791 = arith.index_cast %parallel_loop3A_790 : i32 to index
        %parallel_loop3A_792 = arith.index_cast %parallel_loop3A_789 : i32 to index
        %parallel_loop3A_793 = arith.index_cast %parallel_loop3A_736 : i32 to index
        %parallel_loop3A_794 = tpu.vector_load %arg11[%parallel_loop3A_791, %parallel_loop3A_792, %parallel_loop3A_793] {strides = array<i32>} : memref<2x64x768xf32, #tpu.memory_space<vmem>>, vector<16xf32>,
        tpu.vector_store %arg11[%parallel_loop3A_791, %parallel_loop3A_792, %parallel_loop3A_793], %parallel_loop3A_787 {strides = array<i32>} : memref<2x64x768xf32, #tpu.memory_space<vmem>>, vector<16xf32>,
        %parallel_loop3A_795 = arith.constant 3 : i32
        %parallel_loop3A_796 = arith.addi %mul3A_218, %parallel_loop3A_795 : i32
        %parallel_loop3A_797 = arith.constant 1 : i32
        %parallel_loop3A_798 = arith.index_cast %parallel_loop3A_797 : i32 to index
        %parallel_loop3A_799 = arith.index_cast %parallel_loop3A_796 : i32 to index
        %parallel_loop3A_800 = arith.index_cast %parallel_loop3A_736 : i32 to index
        %parallel_loop3A_801 = tpu.vector_load %arg11[%parallel_loop3A_798, %parallel_loop3A_799, %parallel_loop3A_800] {strides = array<i32>} : memref<2x64x768xf32, #tpu.memory_space<vmem>>, vector<16xf32>,
        %parallel_loop3A_802 = arith.subf %parallel_loop3A_801, %broadcast_in_dim3A_469 : vector<16xf32>
        %parallel_loop3A_803 = arith.mulf %parallel_loop3A_802, %mul3A_507 : vector<16xf32>
        %parallel_loop3A_804 = arith.mulf %parallel_loop3A_803, %parallel_loop3A_738 : vector<16xf32>
        %parallel_loop3A_805 = arith.addf %parallel_loop3A_804, %parallel_loop3A_740 : vector<16xf32>
        %parallel_loop3A_806 = arith.constant 3 : i32
        %parallel_loop3A_807 = arith.addi %mul3A_218, %parallel_loop3A_806 : i32
        %parallel_loop3A_808 = arith.constant 1 : i32
        %parallel_loop3A_809 = arith.index_cast %parallel_loop3A_808 : i32 to index
        %parallel_loop3A_810 = arith.index_cast %parallel_loop3A_807 : i32 to index
        %parallel_loop3A_811 = arith.index_cast %parallel_loop3A_736 : i32 to index
        %parallel_loop3A_812 = tpu.vector_load %arg11[%parallel_loop3A_809, %parallel_loop3A_810, %parallel_loop3A_811] {strides = array<i32>} : memref<2x64x768xf32, #tpu.memory_space<vmem>>, vector<16xf32>,
        tpu.vector_store %arg11[%parallel_loop3A_809, %parallel_loop3A_810, %parallel_loop3A_811], %parallel_loop3A_805 {strides = array<i32>} : memref<2x64x768xf32, #tpu.memory_space<vmem>>, vector<16xf32>,
        %parallel_loop3A_813 = arith.constant 4 : i32
        %parallel_loop3A_814 = arith.addi %mul3A_218, %parallel_loop3A_813 : i32
        %parallel_loop3A_815 = arith.constant 1 : i32
        %parallel_loop3A_816 = arith.index_cast %parallel_loop3A_815 : i32 to index
        %parallel_loop3A_817 = arith.index_cast %parallel_loop3A_814 : i32 to index
        %parallel_loop3A_818 = arith.index_cast %parallel_loop3A_736 : i32 to index
        %parallel_loop3A_819 = tpu.vector_load %arg11[%parallel_loop3A_816, %parallel_loop3A_817, %parallel_loop3A_818] {strides = array<i32>} : memref<2x64x768xf32, #tpu.memory_space<vmem>>, vector<16xf32>,
        %parallel_loop3A_820 = arith.subf %parallel_loop3A_819, %broadcast_in_dim3A_524 : vector<16xf32>
        %parallel_loop3A_821 = arith.mulf %parallel_loop3A_820, %mul3A_562 : vector<16xf32>
        %parallel_loop3A_822 = arith.mulf %parallel_loop3A_821, %parallel_loop3A_738 : vector<16xf32>
        %parallel_loop3A_823 = arith.addf %parallel_loop3A_822, %parallel_loop3A_740 : vector<16xf32>
        %parallel_loop3A_824 = arith.constant 4 : i32
        %parallel_loop3A_825 = arith.addi %mul3A_218, %parallel_loop3A_824 : i32
        %parallel_loop3A_826 = arith.constant 1 : i32
        %parallel_loop3A_827 = arith.index_cast %parallel_loop3A_826 : i32 to index
        %parallel_loop3A_828 = arith.index_cast %parallel_loop3A_825 : i32 to index
        %parallel_loop3A_829 = arith.index_cast %parallel_loop3A_736 : i32 to index
        %parallel_loop3A_830 = tpu.vector_load %arg11[%parallel_loop3A_827, %parallel_loop3A_828, %parallel_loop3A_829] {strides = array<i32>} : memref<2x64x768xf32, #tpu.memory_space<vmem>>, vector<16xf32>,
        tpu.vector_store %arg11[%parallel_loop3A_827, %parallel_loop3A_828, %parallel_loop3A_829], %parallel_loop3A_823 {strides = array<i32>} : memref<2x64x768xf32, #tpu.memory_space<vmem>>, vector<16xf32>,
        %parallel_loop3A_831 = arith.constant 5 : i32
        %parallel_loop3A_832 = arith.addi %mul3A_218, %parallel_loop3A_831 : i32
        %parallel_loop3A_833 = arith.constant 1 : i32
        %parallel_loop3A_834 = arith.index_cast %parallel_loop3A_833 : i32 to index
        %parallel_loop3A_835 = arith.index_cast %parallel_loop3A_832 : i32 to index
        %parallel_loop3A_836 = arith.index_cast %parallel_loop3A_736 : i32 to index
        %parallel_loop3A_837 = tpu.vector_load %arg11[%parallel_loop3A_834, %parallel_loop3A_835, %parallel_loop3A_836] {strides = array<i32>} : memref<2x64x768xf32, #tpu.memory_space<vmem>>, vector<16xf32>,
        %parallel_loop3A_838 = arith.subf %parallel_loop3A_837, %broadcast_in_dim3A_579 : vector<16xf32>
        %parallel_loop3A_839 = arith.mulf %parallel_loop3A_838, %mul3A_617 : vector<16xf32>
        %parallel_loop3A_840 = arith.mulf %parallel_loop3A_839, %parallel_loop3A_738 : vector<16xf32>
        %parallel_loop3A_841 = arith.addf %parallel_loop3A_840, %parallel_loop3A_740 : vector<16xf32>
        %parallel_loop3A_842 = arith.constant 5 : i32
        %parallel_loop3A_843 = arith.addi %mul3A_218, %parallel_loop3A_842 : i32
        %parallel_loop3A_844 = arith.constant 1 : i32
        %parallel_loop3A_845 = arith.index_cast %parallel_loop3A_844 : i32 to index
        %parallel_loop3A_846 = arith.index_cast %parallel_loop3A_843 : i32 to index
        %parallel_loop3A_847 = arith.index_cast %parallel_loop3A_736 : i32 to index
        %parallel_loop3A_848 = tpu.vector_load %arg11[%parallel_loop3A_845, %parallel_loop3A_846, %parallel_loop3A_847] {strides = array<i32>} : memref<2x64x768xf32, #tpu.memory_space<vmem>>, vector<16xf32>,
        tpu.vector_store %arg11[%parallel_loop3A_845, %parallel_loop3A_846, %parallel_loop3A_847], %parallel_loop3A_841 {strides = array<i32>} : memref<2x64x768xf32, #tpu.memory_space<vmem>>, vector<16xf32>,
        %parallel_loop3A_849 = arith.constant 6 : i32
        %parallel_loop3A_850 = arith.addi %mul3A_218, %parallel_loop3A_849 : i32
        %parallel_loop3A_851 = arith.constant 1 : i32
        %parallel_loop3A_852 = arith.index_cast %parallel_loop3A_851 : i32 to index
        %parallel_loop3A_853 = arith.index_cast %parallel_loop3A_850 : i32 to index
        %parallel_loop3A_854 = arith.index_cast %parallel_loop3A_736 : i32 to index
        %parallel_loop3A_855 = tpu.vector_load %arg11[%parallel_loop3A_852, %parallel_loop3A_853, %parallel_loop3A_854] {strides = array<i32>} : memref<2x64x768xf32, #tpu.memory_space<vmem>>, vector<16xf32>,
        %parallel_loop3A_856 = arith.subf %parallel_loop3A_855, %broadcast_in_dim3A_634 : vector<16xf32>
        %parallel_loop3A_857 = arith.mulf %parallel_loop3A_856, %mul3A_672 : vector<16xf32>
        %parallel_loop3A_858 = arith.mulf %parallel_loop3A_857, %parallel_loop3A_738 : vector<16xf32>
        %parallel_loop3A_859 = arith.addf %parallel_loop3A_858, %parallel_loop3A_740 : vector<16xf32>
        %parallel_loop3A_860 = arith.constant 6 : i32
        %parallel_loop3A_861 = arith.addi %mul3A_218, %parallel_loop3A_860 : i32
        %parallel_loop3A_862 = arith.constant 1 : i32
        %parallel_loop3A_863 = arith.index_cast %parallel_loop3A_862 : i32 to index
        %parallel_loop3A_864 = arith.index_cast %parallel_loop3A_861 : i32 to index
        %parallel_loop3A_865 = arith.index_cast %parallel_loop3A_736 : i32 to index
        %parallel_loop3A_866 = tpu.vector_load %arg11[%parallel_loop3A_863, %parallel_loop3A_864, %parallel_loop3A_865] {strides = array<i32>} : memref<2x64x768xf32, #tpu.memory_space<vmem>>, vector<16xf32>,
        tpu.vector_store %arg11[%parallel_loop3A_863, %parallel_loop3A_864, %parallel_loop3A_865], %parallel_loop3A_859 {strides = array<i32>} : memref<2x64x768xf32, #tpu.memory_space<vmem>>, vector<16xf32>,
        %parallel_loop3A_867 = arith.constant 7 : i32
        %parallel_loop3A_868 = arith.addi %mul3A_218, %parallel_loop3A_867 : i32
        %parallel_loop3A_869 = arith.constant 1 : i32
        %parallel_loop3A_870 = arith.index_cast %parallel_loop3A_869 : i32 to index
        %parallel_loop3A_871 = arith.index_cast %parallel_loop3A_868 : i32 to index
        %parallel_loop3A_872 = arith.index_cast %parallel_loop3A_736 : i32 to index
        %parallel_loop3A_873 = tpu.vector_load %arg11[%parallel_loop3A_870, %parallel_loop3A_871, %parallel_loop3A_872] {strides = array<i32>} : memref<2x64x768xf32, #tpu.memory_space<vmem>>, vector<16xf32>,
        %parallel_loop3A_874 = arith.subf %parallel_loop3A_873, %broadcast_in_dim3A_689 : vector<16xf32>
        %parallel_loop3A_875 = arith.mulf %parallel_loop3A_874, %mul3A_727 : vector<16xf32>
        %parallel_loop3A_876 = arith.mulf %parallel_loop3A_875, %parallel_loop3A_738 : vector<16xf32>
        %parallel_loop3A_877 = arith.addf %parallel_loop3A_876, %parallel_loop3A_740 : vector<16xf32>
        %parallel_loop3A_878 = arith.constant 7 : i32
        %parallel_loop3A_879 = arith.addi %mul3A_218, %parallel_loop3A_878 : i32
        %parallel_loop3A_880 = arith.constant 1 : i32
        %parallel_loop3A_881 = arith.index_cast %parallel_loop3A_880 : i32 to index
        %parallel_loop3A_882 = arith.index_cast %parallel_loop3A_879 : i32 to index
        %parallel_loop3A_883 = arith.index_cast %parallel_loop3A_736 : i32 to index
        %parallel_loop3A_884 = tpu.vector_load %arg11[%parallel_loop3A_881, %parallel_loop3A_882, %parallel_loop3A_883] {strides = array<i32>} : memref<2x64x768xf32, #tpu.memory_space<vmem>>, vector<16xf32>,
        tpu.vector_store %arg11[%parallel_loop3A_881, %parallel_loop3A_882, %parallel_loop3A_883], %parallel_loop3A_877 {strides = array<i32>} : memref<2x64x768xf32, #tpu.memory_space<vmem>>, vector<16xf32>,
        scf.yield %parallel_loop3A_734 : i32
      } {sc.loop_unroll_factor = 2 : i64, sc.parallel_access}
    }
    %scan3A_89 = arith.constant 8 : i32
    %add3A_90 = arith.constant 64 : i32
    %add3A_91 = arith.addi %mul3A_2, %add3A_90 : i32
    %dma_start3A_92 = arith.constant 1 : i32
    %dma_start3A_93 = arith.constant 0 : i32
    %dma_start3A_94 = arith.constant 0 : i32
    %dma_start3A_95 = tpu.memref_slice %arg11[%dma_start3A_92, %dma_start3A_93, %dma_start3A_94] : memref<2x64x768xf32, #tpu.memory_space<vmem>> -> memref<1x64x768xf32, #tpu.memory_space<vmem>>
    %dma_start3A_96 = tpu.memref_squeeze %dma_start3A_95 : memref<1x64x768xf32, #tpu.memory_space<vmem>> -> memref<64x768xf32, #tpu.memory_space<vmem>>
    %dma_start3A_97 = arith.constant 0 : i32
    %dma_start3A_98 = tpu.memref_slice %arg8[%add3A_91, %dma_start3A_97] : memref<8192x768xf32, #tpu.memory_space<hbm>> -> memref<64x768xf32, #tpu.memory_space<hbm>>
    %dma_start3A_99 = arith.constant 0 : i32
    %dma_start3A_100 = tpu.memref_slice %arg8[%add3A_91, %dma_start3A_99] : memref<8192x768xf32, #tpu.memory_space<hbm>> -> memref<64x768xf32, #tpu.memory_space<hbm>>
    %dma_start3A_101 = arith.constant 0 : i32
    %dma_start3A_102 = arith.constant 0 : i32
    %dma_start3A_103 = tpu.memref_slice %arg11[%dma_start3A_92, %dma_start3A_101, %dma_start3A_102] : memref<2x64x768xf32, #tpu.memory_space<vmem>> -> memref<1x64x768xf32, #tpu.memory_space<vmem>>
    %dma_start3A_104 = tpu.memref_squeeze %dma_start3A_103 : memref<1x64x768xf32, #tpu.memory_space<vmem>> -> memref<64x768xf32, #tpu.memory_space<vmem>>
    tpu.enqueue_dma source(%dma_start3A_104 : memref<64x768xf32, #tpu.memory_space<vmem>>) target(%dma_start3A_100 : memref<64x768xf32, #tpu.memory_space<hbm>>) target_semaphore(%arg18 : memref<!tpu.dma_semaphore, #tpu.memory_space<semaphore_mem>>)
    %dma_wait3A_105 = arith.constant 1 : i32
    %dma_wait3A_106 = arith.constant 0 : i32
    %dma_wait3A_107 = arith.constant 0 : i32
    %dma_wait3A_108 = tpu.memref_slice %arg11[%dma_wait3A_105, %dma_wait3A_106, %dma_wait3A_107] : memref<2x64x768xf32, #tpu.memory_space<vmem>> -> memref<1x64x768xf32, #tpu.memory_space<vmem>>
    %dma_wait3A_109 = tpu.memref_squeeze %dma_wait3A_108 : memref<1x64x768xf32, #tpu.memory_space<vmem>> -> memref<64x768xf32, #tpu.memory_space<vmem>>
    %dma_wait3A_110 = arith.constant 0 : i32
    %dma_wait3A_111 = tpu.memref_slice %arg8[%add3A_91, %dma_wait3A_110] : memref<8192x768xf32, #tpu.memory_space<hbm>> -> memref<64x768xf32, #tpu.memory_space<hbm>>
    %dma_wait3A_112 = arith.constant 0 : i32
    %dma_wait3A_113 = tpu.memref_slice %arg8[%add3A_91, %dma_wait3A_112] : memref<8192x768xf32, #tpu.memory_space<hbm>> -> memref<64x768xf32, #tpu.memory_space<hbm>>
    %dma_wait3A_114 = arith.constant 0 : i32
    %dma_wait3A_115 = arith.constant 0 : i32
    %dma_wait3A_116 = tpu.memref_slice %arg11[%dma_wait3A_105, %dma_wait3A_114, %dma_wait3A_115] : memref<2x64x768xf32, #tpu.memory_space<vmem>> -> memref<1x64x768xf32, #tpu.memory_space<vmem>>
    %dma_wait3A_117 = tpu.memref_squeeze %dma_wait3A_116 : memref<1x64x768xf32, #tpu.memory_space<vmem>> -> memref<64x768xf32, #tpu.memory_space<vmem>>
    tpu.wait_dma2 semaphore(%arg18 : memref<!tpu.dma_semaphore, #tpu.memory_space<semaphore_mem>>) src(%dma_wait3A_117 : memref<64x768xf32, #tpu.memory_space<vmem>>) dst(%dma_wait3A_113 : memref<64x768xf32, #tpu.memory_space<hbm>>)
    %dma_start3A_118 = arith.constant 1 : i32
    %dma_start3A_119 = arith.constant 0 : i32
    %dma_start3A_120 = arith.constant 0 : i32
    %dma_start3A_121 = tpu.memref_slice %arg11[%dma_start3A_118, %dma_start3A_119, %dma_start3A_120] : memref<2x64x768xf32, #tpu.memory_space<vmem>> -> memref<1x64x768xf32, #tpu.memory_space<vmem>>
    %dma_start3A_122 = tpu.memref_squeeze %dma_start3A_121 : memref<1x64x768xf32, #tpu.memory_space<vmem>> -> memref<64x768xf32, #tpu.memory_space<vmem>>
    %dma_start3A_123 = arith.constant 192 : i32
    %dma_start3A_124 = tpu.memref_slice %arg9[%dma_start3A_123] : memref<256xi32, #tpu.memory_space<vmem>> -> memref<64xi32, #tpu.memory_space<vmem>>
    %dma_start3A_125 = arith.constant 0 : i32
    %dma_start3A_126 = arith.constant 0 : i32
    %dma_start3A_127 = tpu.memref_slice %arg4[%dma_start3A_125, %dma_start3A_126] : memref<100000x768xf32, #tpu.memory_space<hbm>> -> memref<100000x768xf32, #tpu.memory_space<hbm>>
    tpu.enqueue_indirect_dma source(%dma_start3A_127 : memref<100000x768xf32, #tpu.memory_space<hbm>>) target(%dma_start3A_122 : memref<64x768xf32, #tpu.memory_space<vmem>>) offsets(%dma_start3A_124 : memref<64xi32, #tpu.memory_space<vmem>>) semaphore(%arg16 : memref<!tpu.dma_semaphore, #tpu.memory_space<semaphore_mem>>)
    %dma_wait3A_128 = arith.constant 0 : i32
    %dma_wait3A_129 = arith.constant 0 : i32
    %dma_wait3A_130 = arith.constant 0 : i32
    %dma_wait3A_131 = tpu.memref_slice %arg11[%dma_wait3A_128, %dma_wait3A_129, %dma_wait3A_130] : memref<2x64x768xf32, #tpu.memory_space<vmem>> -> memref<1x64x768xf32, #tpu.memory_space<vmem>>
    %dma_wait3A_132 = tpu.memref_squeeze %dma_wait3A_131 : memref<1x64x768xf32, #tpu.memory_space<vmem>> -> memref<64x768xf32, #tpu.memory_space<vmem>>
    %dma_wait3A_133 = arith.constant 128 : i32
    %dma_wait3A_134 = tpu.memref_slice %arg9[%dma_wait3A_133] : memref<256xi32, #tpu.memory_space<vmem>> -> memref<64xi32, #tpu.memory_space<vmem>>
    %dma_wait3A_135 = arith.constant 0 : i32
    %dma_wait3A_136 = arith.constant 0 : i32
    %dma_wait3A_137 = tpu.memref_slice %arg4[%dma_wait3A_135, %dma_wait3A_136] : memref<100000x768xf32, #tpu.memory_space<hbm>> -> memref<100000x768xf32, #tpu.memory_space<hbm>>
    tpu.wait_indirect_dma semaphore(%arg15 : memref<!tpu.dma_semaphore, #tpu.memory_space<semaphore_mem>>) src(%dma_wait3A_137 : memref<100000x768xf32, #tpu.memory_space<hbm>>) dst(%dma_wait3A_132 : memref<64x768xf32, #tpu.memory_space<vmem>>)
    %scan3A_138 = arith.constant 0 : i32
    %scan3A_139 = arith.constant 0 : i32
    %scan3A_140 = arith.constant 8 : i32
    %scan3A_141 = arith.addi %scan3A_139, %scan3A_140 : i32
    %scan3A_142 = arith.constant 1 : i32
    scf.for %scan3A_216 = %scan3A_139 to %scan3A_141 step %scan3A_142  : i32 {
      %mul3A_217 = arith.constant 8 : i32
      %mul3A_218 = arith.muli %scan3A_216, %mul3A_217 : i32
      %add3A_219 = arith.constant 128 : i32
      %add3A_220 = arith.addi %add3A_219, %mul3A_218 : i32
      %add3A_221 = arith.constant 0 : i32
      %add3A_222 = arith.addi %add3A_220, %add3A_221 : i32
      %broadcast_in_dim3A = vector.broadcast %add3A_222 : i32 to vector<16xi32>
      %gather3A = tpu.vector_load_idx %arg10[%broadcast_in_dim3A] : memref<256xi32, #tpu.memory_space<vmem>>[vector<16xi32>], vector<16xi32>,
      %ne3A = arith.constant 0 : i32
      %ne3A_223 = vector.broadcast %ne3A : i32 to vector<16xi32>
      %ne3A_224 = arith.cmpi ne, %gather3A, %ne3A_223 : vector<16xi32>
      %add3A_225 = arith.constant 128 : i32
      %add3A_226 = arith.addi %add3A_225, %mul3A_218 : i32
      %add3A_227 = arith.constant 1 : i32
      %add3A_228 = arith.addi %add3A_226, %add3A_227 : i32
      %broadcast_in_dim3A_229 = vector.broadcast %add3A_228 : i32 to vector<16xi32>
      %gather3A_230 = tpu.vector_load_idx %arg10[%broadcast_in_dim3A_229] : memref<256xi32, #tpu.memory_space<vmem>>[vector<16xi32>], vector<16xi32>,
      %ne3A_231 = arith.constant 0 : i32
      %ne3A_232 = vector.broadcast %ne3A_231 : i32 to vector<16xi32>
      %ne3A_233 = arith.cmpi ne, %gather3A_230, %ne3A_232 : vector<16xi32>
      %add3A_234 = arith.constant 128 : i32
      %add3A_235 = arith.addi %add3A_234, %mul3A_218 : i32
      %add3A_236 = arith.constant 2 : i32
      %add3A_237 = arith.addi %add3A_235, %add3A_236 : i32
      %broadcast_in_dim3A_238 = vector.broadcast %add3A_237 : i32 to vector<16xi32>
      %gather3A_239 = tpu.vector_load_idx %arg10[%broadcast_in_dim3A_238] : memref<256xi32, #tpu.memory_space<vmem>>[vector<16xi32>], vector<16xi32>,
      %ne3A_240 = arith.constant 0 : i32
      %ne3A_241 = vector.broadcast %ne3A_240 : i32 to vector<16xi32>
      %ne3A_242 = arith.cmpi ne, %gather3A_239, %ne3A_241 : vector<16xi32>
      %add3A_243 = arith.constant 128 : i32
      %add3A_244 = arith.addi %add3A_243, %mul3A_218 : i32
      %add3A_245 = arith.constant 3 : i32
      %add3A_246 = arith.addi %add3A_244, %add3A_245 : i32
      %broadcast_in_dim3A_247 = vector.broadcast %add3A_246 : i32 to vector<16xi32>
      %gather3A_248 = tpu.vector_load_idx %arg10[%broadcast_in_dim3A_247] : memref<256xi32, #tpu.memory_space<vmem>>[vector<16xi32>], vector<16xi32>,
      %ne3A_249 = arith.constant 0 : i32
      %ne3A_250 = vector.broadcast %ne3A_249 : i32 to vector<16xi32>
      %ne3A_251 = arith.cmpi ne, %gather3A_248, %ne3A_250 : vector<16xi32>
      %add3A_252 = arith.constant 128 : i32
      %add3A_253 = arith.addi %add3A_252, %mul3A_218 : i32
      %add3A_254 = arith.constant 4 : i32
      %add3A_255 = arith.addi %add3A_253, %add3A_254 : i32
      %broadcast_in_dim3A_256 = vector.broadcast %add3A_255 : i32 to vector<16xi32>
      %gather3A_257 = tpu.vector_load_idx %arg10[%broadcast_in_dim3A_256] : memref<256xi32, #tpu.memory_space<vmem>>[vector<16xi32>], vector<16xi32>,
      %ne3A_258 = arith.constant 0 : i32
      %ne3A_259 = vector.broadcast %ne3A_258 : i32 to vector<16xi32>
      %ne3A_260 = arith.cmpi ne, %gather3A_257, %ne3A_259 : vector<16xi32>
      %add3A_261 = arith.constant 128 : i32
      %add3A_262 = arith.addi %add3A_261, %mul3A_218 : i32
      %add3A_263 = arith.constant 5 : i32
      %add3A_264 = arith.addi %add3A_262, %add3A_263 : i32
      %broadcast_in_dim3A_265 = vector.broadcast %add3A_264 : i32 to vector<16xi32>
      %gather3A_266 = tpu.vector_load_idx %arg10[%broadcast_in_dim3A_265] : memref<256xi32, #tpu.memory_space<vmem>>[vector<16xi32>], vector<16xi32>,
      %ne3A_267 = arith.constant 0 : i32
      %ne3A_268 = vector.broadcast %ne3A_267 : i32 to vector<16xi32>
      %ne3A_269 = arith.cmpi ne, %gather3A_266, %ne3A_268 : vector<16xi32>
      %add3A_270 = arith.constant 128 : i32
      %add3A_271 = arith.addi %add3A_270, %mul3A_218 : i32
      %add3A_272 = arith.constant 6 : i32
      %add3A_273 = arith.addi %add3A_271, %add3A_272 : i32
      %broadcast_in_dim3A_274 = vector.broadcast %add3A_273 : i32 to vector<16xi32>
      %gather3A_275 = tpu.vector_load_idx %arg10[%broadcast_in_dim3A_274] : memref<256xi32, #tpu.memory_space<vmem>>[vector<16xi32>], vector<16xi32>,
      %ne3A_276 = arith.constant 0 : i32
      %ne3A_277 = vector.broadcast %ne3A_276 : i32 to vector<16xi32>
      %ne3A_278 = arith.cmpi ne, %gather3A_275, %ne3A_277 : vector<16xi32>
      %add3A_279 = arith.constant 128 : i32
      %add3A_280 = arith.addi %add3A_279, %mul3A_218 : i32
      %add3A_281 = arith.constant 7 : i32
      %add3A_282 = arith.addi %add3A_280, %add3A_281 : i32
      %broadcast_in_dim3A_283 = vector.broadcast %add3A_282 : i32 to vector<16xi32>
      %gather3A_284 = tpu.vector_load_idx %arg10[%broadcast_in_dim3A_283] : memref<256xi32, #tpu.memory_space<vmem>>[vector<16xi32>], vector<16xi32>,
      %ne3A_285 = arith.constant 0 : i32
      %ne3A_286 = vector.broadcast %ne3A_285 : i32 to vector<16xi32>
      %ne3A_287 = arith.cmpi ne, %gather3A_284, %ne3A_286 : vector<16xi32>
      %broadcast_in_dim3A_288 = arith.constant 0.000000e+00 : f32
      %broadcast_in_dim3A_289 = vector.broadcast %broadcast_in_dim3A_288 : f32 to vector<16xf32>
      %parallel_loop3A = arith.constant 0 : i32
      %parallel_loop3A_290 = arith.constant 48 : i32
      %parallel_loop3A_291 = arith.constant 1 : i32
      %parallel_loop3A_292:16 = scf.for %parallel_loop3A_733 = %parallel_loop3A to %parallel_loop3A_290 step %parallel_loop3A_291 iter_args(%parallel_loop3A_734 = %broadcast_in_dim3A_289, %parallel_loop3A_735 = %broadcast_in_dim3A_289, %parallel_loop3A_736 = %broadcast_in_dim3A_289, %parallel_loop3A_737 = %broadcast_in_dim3A_289, %parallel_loop3A_738 = %broadcast_in_dim3A_289, %parallel_loop3A_739 = %broadcast_in_dim3A_289, %parallel_loop3A_740 = %broadcast_in_dim3A_289, %parallel_loop3A_741 = %broadcast_in_dim3A_289, %parallel_loop3A_742 = %broadcast_in_dim3A_289, %parallel_loop3A_743 = %broadcast_in_dim3A_289, %parallel_loop3A_744 = %broadcast_in_dim3A_289, %parallel_loop3A_745 = %broadcast_in_dim3A_289, %parallel_loop3A_746 = %broadcast_in_dim3A_289, %parallel_loop3A_747 = %broadcast_in_dim3A_289, %parallel_loop3A_748 = %broadcast_in_dim3A_289, %parallel_loop3A_749 = %broadcast_in_dim3A_289) -> (vector<16xf32>, vector<16xf32>, vector<16xf32>, vector<16xf32>, vector<16xf32>, vector<16xf32>, vector<16xf32>, vector<16xf32>, vector<16xf32>, vector<16xf32>, vector<16xf32>, vector<16xf32>, vector<16xf32>, vector<16xf32>, vector<16xf32>, vector<16xf32>)  : i32 {
        %parallel_loop3A_750 = arith.constant 16 : i32
        %parallel_loop3A_751 = arith.muli %parallel_loop3A_733, %parallel_loop3A_750 : i32
        %parallel_loop3A_752 = arith.constant 0 : i32
        %parallel_loop3A_753 = arith.index_cast %parallel_loop3A_752 : i32 to index
        %parallel_loop3A_754 = arith.index_cast %parallel_loop3A_751 : i32 to index
        %parallel_loop3A_755 = tpu.vector_load %arg12[%parallel_loop3A_753, %parallel_loop3A_754] {strides = array<i32>} : memref<2x768xf32, #tpu.memory_space<vmem>>, vector<16xf32>,
        %parallel_loop3A_756 = arith.constant 1 : i32
        %parallel_loop3A_757 = arith.index_cast %parallel_loop3A_756 : i32 to index
        %parallel_loop3A_758 = arith.index_cast %parallel_loop3A_751 : i32 to index
        %parallel_loop3A_759 = tpu.vector_load %arg12[%parallel_loop3A_757, %parallel_loop3A_758] {strides = array<i32>} : memref<2x768xf32, #tpu.memory_space<vmem>>, vector<16xf32>,
        %parallel_loop3A_760 = arith.constant 0 : i32
        %parallel_loop3A_761 = arith.addi %mul3A_218, %parallel_loop3A_760 : i32
        %parallel_loop3A_762 = arith.constant 0 : i32
        %parallel_loop3A_763 = arith.index_cast %parallel_loop3A_762 : i32 to index
        %parallel_loop3A_764 = arith.index_cast %parallel_loop3A_761 : i32 to index
        %parallel_loop3A_765 = arith.index_cast %parallel_loop3A_751 : i32 to index
        %parallel_loop3A_766 = tpu.vector_load %arg11[%parallel_loop3A_763, %parallel_loop3A_764, %parallel_loop3A_765] {strides = array<i32>} : memref<2x64x768xf32, #tpu.memory_space<vmem>>, vector<16xf32>,
        %parallel_loop3A_767 = arith.select %ne3A_224, %parallel_loop3A_759, %parallel_loop3A_755 : vector<16xi1>, vector<16xf32>
        %parallel_loop3A_768 = arith.addf %parallel_loop3A_766, %parallel_loop3A_767 : vector<16xf32>
        %parallel_loop3A_769 = arith.constant 0 : i32
        %parallel_loop3A_770 = arith.addi %mul3A_218, %parallel_loop3A_769 : i32
        %parallel_loop3A_771 = arith.constant 0 : i32
        %parallel_loop3A_772 = arith.index_cast %parallel_loop3A_771 : i32 to index
        %parallel_loop3A_773 = arith.index_cast %parallel_loop3A_770 : i32 to index
        %parallel_loop3A_774 = arith.index_cast %parallel_loop3A_751 : i32 to index
        %parallel_loop3A_775 = tpu.vector_load %arg11[%parallel_loop3A_772, %parallel_loop3A_773, %parallel_loop3A_774] {strides = array<i32>} : memref<2x64x768xf32, #tpu.memory_space<vmem>>, vector<16xf32>,
        tpu.vector_store %arg11[%parallel_loop3A_772, %parallel_loop3A_773, %parallel_loop3A_774], %parallel_loop3A_768 {strides = array<i32>} : memref<2x64x768xf32, #tpu.memory_space<vmem>>, vector<16xf32>,
        %parallel_loop3A_776 = arith.addf %parallel_loop3A_734, %parallel_loop3A_768 : vector<16xf32>
        %parallel_loop3A_777 = arith.mulf %parallel_loop3A_768, %parallel_loop3A_768 : vector<16xf32>
        %parallel_loop3A_778 = arith.addf %parallel_loop3A_742, %parallel_loop3A_777 : vector<16xf32>
        %parallel_loop3A_779 = arith.constant 1 : i32
        %parallel_loop3A_780 = arith.addi %mul3A_218, %parallel_loop3A_779 : i32
        %parallel_loop3A_781 = arith.constant 0 : i32
        %parallel_loop3A_782 = arith.index_cast %parallel_loop3A_781 : i32 to index
        %parallel_loop3A_783 = arith.index_cast %parallel_loop3A_780 : i32 to index
        %parallel_loop3A_784 = arith.index_cast %parallel_loop3A_751 : i32 to index
        %parallel_loop3A_785 = tpu.vector_load %arg11[%parallel_loop3A_782, %parallel_loop3A_783, %parallel_loop3A_784] {strides = array<i32>} : memref<2x64x768xf32, #tpu.memory_space<vmem>>, vector<16xf32>,
        %parallel_loop3A_786 = arith.select %ne3A_233, %parallel_loop3A_759, %parallel_loop3A_755 : vector<16xi1>, vector<16xf32>
        %parallel_loop3A_787 = arith.addf %parallel_loop3A_785, %parallel_loop3A_786 : vector<16xf32>
        %parallel_loop3A_788 = arith.constant 1 : i32
        %parallel_loop3A_789 = arith.addi %mul3A_218, %parallel_loop3A_788 : i32
        %parallel_loop3A_790 = arith.constant 0 : i32
        %parallel_loop3A_791 = arith.index_cast %parallel_loop3A_790 : i32 to index
        %parallel_loop3A_792 = arith.index_cast %parallel_loop3A_789 : i32 to index
        %parallel_loop3A_793 = arith.index_cast %parallel_loop3A_751 : i32 to index
        %parallel_loop3A_794 = tpu.vector_load %arg11[%parallel_loop3A_791, %parallel_loop3A_792, %parallel_loop3A_793] {strides = array<i32>} : memref<2x64x768xf32, #tpu.memory_space<vmem>>, vector<16xf32>,
        tpu.vector_store %arg11[%parallel_loop3A_791, %parallel_loop3A_792, %parallel_loop3A_793], %parallel_loop3A_787 {strides = array<i32>} : memref<2x64x768xf32, #tpu.memory_space<vmem>>, vector<16xf32>,
        %parallel_loop3A_795 = arith.addf %parallel_loop3A_735, %parallel_loop3A_787 : vector<16xf32>
        %parallel_loop3A_796 = arith.mulf %parallel_loop3A_787, %parallel_loop3A_787 : vector<16xf32>
        %parallel_loop3A_797 = arith.addf %parallel_loop3A_743, %parallel_loop3A_796 : vector<16xf32>
        %parallel_loop3A_798 = arith.constant 2 : i32
        %parallel_loop3A_799 = arith.addi %mul3A_218, %parallel_loop3A_798 : i32
        %parallel_loop3A_800 = arith.constant 0 : i32
        %parallel_loop3A_801 = arith.index_cast %parallel_loop3A_800 : i32 to index
        %parallel_loop3A_802 = arith.index_cast %parallel_loop3A_799 : i32 to index
        %parallel_loop3A_803 = arith.index_cast %parallel_loop3A_751 : i32 to index
        %parallel_loop3A_804 = tpu.vector_load %arg11[%parallel_loop3A_801, %parallel_loop3A_802, %parallel_loop3A_803] {strides = array<i32>} : memref<2x64x768xf32, #tpu.memory_space<vmem>>, vector<16xf32>,
        %parallel_loop3A_805 = arith.select %ne3A_242, %parallel_loop3A_759, %parallel_loop3A_755 : vector<16xi1>, vector<16xf32>
        %parallel_loop3A_806 = arith.addf %parallel_loop3A_804, %parallel_loop3A_805 : vector<16xf32>
        %parallel_loop3A_807 = arith.constant 2 : i32
        %parallel_loop3A_808 = arith.addi %mul3A_218, %parallel_loop3A_807 : i32
        %parallel_loop3A_809 = arith.constant 0 : i32
        %parallel_loop3A_810 = arith.index_cast %parallel_loop3A_809 : i32 to index
        %parallel_loop3A_811 = arith.index_cast %parallel_loop3A_808 : i32 to index
        %parallel_loop3A_812 = arith.index_cast %parallel_loop3A_751 : i32 to index
        %parallel_loop3A_813 = tpu.vector_load %arg11[%parallel_loop3A_810, %parallel_loop3A_811, %parallel_loop3A_812] {strides = array<i32>} : memref<2x64x768xf32, #tpu.memory_space<vmem>>, vector<16xf32>,
        tpu.vector_store %arg11[%parallel_loop3A_810, %parallel_loop3A_811, %parallel_loop3A_812], %parallel_loop3A_806 {strides = array<i32>} : memref<2x64x768xf32, #tpu.memory_space<vmem>>, vector<16xf32>,
        %parallel_loop3A_814 = arith.addf %parallel_loop3A_736, %parallel_loop3A_806 : vector<16xf32>
        %parallel_loop3A_815 = arith.mulf %parallel_loop3A_806, %parallel_loop3A_806 : vector<16xf32>
        %parallel_loop3A_816 = arith.addf %parallel_loop3A_744, %parallel_loop3A_815 : vector<16xf32>
        %parallel_loop3A_817 = arith.constant 3 : i32
        %parallel_loop3A_818 = arith.addi %mul3A_218, %parallel_loop3A_817 : i32
        %parallel_loop3A_819 = arith.constant 0 : i32
        %parallel_loop3A_820 = arith.index_cast %parallel_loop3A_819 : i32 to index
        %parallel_loop3A_821 = arith.index_cast %parallel_loop3A_818 : i32 to index
        %parallel_loop3A_822 = arith.index_cast %parallel_loop3A_751 : i32 to index
        %parallel_loop3A_823 = tpu.vector_load %arg11[%parallel_loop3A_820, %parallel_loop3A_821, %parallel_loop3A_822] {strides = array<i32>} : memref<2x64x768xf32, #tpu.memory_space<vmem>>, vector<16xf32>,
        %parallel_loop3A_824 = arith.select %ne3A_251, %parallel_loop3A_759, %parallel_loop3A_755 : vector<16xi1>, vector<16xf32>
        %parallel_loop3A_825 = arith.addf %parallel_loop3A_823, %parallel_loop3A_824 : vector<16xf32>
        %parallel_loop3A_826 = arith.constant 3 : i32
        %parallel_loop3A_827 = arith.addi %mul3A_218, %parallel_loop3A_826 : i32
        %parallel_loop3A_828 = arith.constant 0 : i32
        %parallel_loop3A_829 = arith.index_cast %parallel_loop3A_828 : i32 to index
        %parallel_loop3A_830 = arith.index_cast %parallel_loop3A_827 : i32 to index
        %parallel_loop3A_831 = arith.index_cast %parallel_loop3A_751 : i32 to index
        %parallel_loop3A_832 = tpu.vector_load %arg11[%parallel_loop3A_829, %parallel_loop3A_830, %parallel_loop3A_831] {strides = array<i32>} : memref<2x64x768xf32, #tpu.memory_space<vmem>>, vector<16xf32>,
        tpu.vector_store %arg11[%parallel_loop3A_829, %parallel_loop3A_830, %parallel_loop3A_831], %parallel_loop3A_825 {strides = array<i32>} : memref<2x64x768xf32, #tpu.memory_space<vmem>>, vector<16xf32>,
        %parallel_loop3A_833 = arith.addf %parallel_loop3A_737, %parallel_loop3A_825 : vector<16xf32>
        %parallel_loop3A_834 = arith.mulf %parallel_loop3A_825, %parallel_loop3A_825 : vector<16xf32>
        %parallel_loop3A_835 = arith.addf %parallel_loop3A_745, %parallel_loop3A_834 : vector<16xf32>
        %parallel_loop3A_836 = arith.constant 4 : i32
        %parallel_loop3A_837 = arith.addi %mul3A_218, %parallel_loop3A_836 : i32
        %parallel_loop3A_838 = arith.constant 0 : i32
        %parallel_loop3A_839 = arith.index_cast %parallel_loop3A_838 : i32 to index
        %parallel_loop3A_840 = arith.index_cast %parallel_loop3A_837 : i32 to index
        %parallel_loop3A_841 = arith.index_cast %parallel_loop3A_751 : i32 to index
        %parallel_loop3A_842 = tpu.vector_load %arg11[%parallel_loop3A_839, %parallel_loop3A_840, %parallel_loop3A_841] {strides = array<i32>} : memref<2x64x768xf32, #tpu.memory_space<vmem>>, vector<16xf32>,
        %parallel_loop3A_843 = arith.select %ne3A_260, %parallel_loop3A_759, %parallel_loop3A_755 : vector<16xi1>, vector<16xf32>
        %parallel_loop3A_844 = arith.addf %parallel_loop3A_842, %parallel_loop3A_843 : vector<16xf32>
        %parallel_loop3A_845 = arith.constant 4 : i32
        %parallel_loop3A_846 = arith.addi %mul3A_218, %parallel_loop3A_845 : i32
        %parallel_loop3A_847 = arith.constant 0 : i32
        %parallel_loop3A_848 = arith.index_cast %parallel_loop3A_847 : i32 to index
        %parallel_loop3A_849 = arith.index_cast %parallel_loop3A_846 : i32 to index
        %parallel_loop3A_850 = arith.index_cast %parallel_loop3A_751 : i32 to index
        %parallel_loop3A_851 = tpu.vector_load %arg11[%parallel_loop3A_848, %parallel_loop3A_849, %parallel_loop3A_850] {strides = array<i32>} : memref<2x64x768xf32, #tpu.memory_space<vmem>>, vector<16xf32>,
        tpu.vector_store %arg11[%parallel_loop3A_848, %parallel_loop3A_849, %parallel_loop3A_850], %parallel_loop3A_844 {strides = array<i32>} : memref<2x64x768xf32, #tpu.memory_space<vmem>>, vector<16xf32>,
        %parallel_loop3A_852 = arith.addf %parallel_loop3A_738, %parallel_loop3A_844 : vector<16xf32>
        %parallel_loop3A_853 = arith.mulf %parallel_loop3A_844, %parallel_loop3A_844 : vector<16xf32>
        %parallel_loop3A_854 = arith.addf %parallel_loop3A_746, %parallel_loop3A_853 : vector<16xf32>
        %parallel_loop3A_855 = arith.constant 5 : i32
        %parallel_loop3A_856 = arith.addi %mul3A_218, %parallel_loop3A_855 : i32
        %parallel_loop3A_857 = arith.constant 0 : i32
        %parallel_loop3A_858 = arith.index_cast %parallel_loop3A_857 : i32 to index
        %parallel_loop3A_859 = arith.index_cast %parallel_loop3A_856 : i32 to index
        %parallel_loop3A_860 = arith.index_cast %parallel_loop3A_751 : i32 to index
        %parallel_loop3A_861 = tpu.vector_load %arg11[%parallel_loop3A_858, %parallel_loop3A_859, %parallel_loop3A_860] {strides = array<i32>} : memref<2x64x768xf32, #tpu.memory_space<vmem>>, vector<16xf32>,
        %parallel_loop3A_862 = arith.select %ne3A_269, %parallel_loop3A_759, %parallel_loop3A_755 : vector<16xi1>, vector<16xf32>
        %parallel_loop3A_863 = arith.addf %parallel_loop3A_861, %parallel_loop3A_862 : vector<16xf32>
        %parallel_loop3A_864 = arith.constant 5 : i32
        %parallel_loop3A_865 = arith.addi %mul3A_218, %parallel_loop3A_864 : i32
        %parallel_loop3A_866 = arith.constant 0 : i32
        %parallel_loop3A_867 = arith.index_cast %parallel_loop3A_866 : i32 to index
        %parallel_loop3A_868 = arith.index_cast %parallel_loop3A_865 : i32 to index
        %parallel_loop3A_869 = arith.index_cast %parallel_loop3A_751 : i32 to index
        %parallel_loop3A_870 = tpu.vector_load %arg11[%parallel_loop3A_867, %parallel_loop3A_868, %parallel_loop3A_869] {strides = array<i32>} : memref<2x64x768xf32, #tpu.memory_space<vmem>>, vector<16xf32>,
        tpu.vector_store %arg11[%parallel_loop3A_867, %parallel_loop3A_868, %parallel_loop3A_869], %parallel_loop3A_863 {strides = array<i32>} : memref<2x64x768xf32, #tpu.memory_space<vmem>>, vector<16xf32>,
        %parallel_loop3A_871 = arith.addf %parallel_loop3A_739, %parallel_loop3A_863 : vector<16xf32>
        %parallel_loop3A_872 = arith.mulf %parallel_loop3A_863, %parallel_loop3A_863 : vector<16xf32>
        %parallel_loop3A_873 = arith.addf %parallel_loop3A_747, %parallel_loop3A_872 : vector<16xf32>
        %parallel_loop3A_874 = arith.constant 6 : i32
        %parallel_loop3A_875 = arith.addi %mul3A_218, %parallel_loop3A_874 : i32
        %parallel_loop3A_876 = arith.constant 0 : i32
        %parallel_loop3A_877 = arith.index_cast %parallel_loop3A_876 : i32 to index
        %parallel_loop3A_878 = arith.index_cast %parallel_loop3A_875 : i32 to index
        %parallel_loop3A_879 = arith.index_cast %parallel_loop3A_751 : i32 to index
        %parallel_loop3A_880 = tpu.vector_load %arg11[%parallel_loop3A_877, %parallel_loop3A_878, %parallel_loop3A_879] {strides = array<i32>} : memref<2x64x768xf32, #tpu.memory_space<vmem>>, vector<16xf32>,
        %parallel_loop3A_881 = arith.select %ne3A_278, %parallel_loop3A_759, %parallel_loop3A_755 : vector<16xi1>, vector<16xf32>
        %parallel_loop3A_882 = arith.addf %parallel_loop3A_880, %parallel_loop3A_881 : vector<16xf32>
        %parallel_loop3A_883 = arith.constant 6 : i32
        %parallel_loop3A_884 = arith.addi %mul3A_218, %parallel_loop3A_883 : i32
        %parallel_loop3A_885 = arith.constant 0 : i32
        %parallel_loop3A_886 = arith.index_cast %parallel_loop3A_885 : i32 to index
        %parallel_loop3A_887 = arith.index_cast %parallel_loop3A_884 : i32 to index
        %parallel_loop3A_888 = arith.index_cast %parallel_loop3A_751 : i32 to index
        %parallel_loop3A_889 = tpu.vector_load %arg11[%parallel_loop3A_886, %parallel_loop3A_887, %parallel_loop3A_888] {strides = array<i32>} : memref<2x64x768xf32, #tpu.memory_space<vmem>>, vector<16xf32>,
        tpu.vector_store %arg11[%parallel_loop3A_886, %parallel_loop3A_887, %parallel_loop3A_888], %parallel_loop3A_882 {strides = array<i32>} : memref<2x64x768xf32, #tpu.memory_space<vmem>>, vector<16xf32>,
        %parallel_loop3A_890 = arith.addf %parallel_loop3A_740, %parallel_loop3A_882 : vector<16xf32>
        %parallel_loop3A_891 = arith.mulf %parallel_loop3A_882, %parallel_loop3A_882 : vector<16xf32>
        %parallel_loop3A_892 = arith.addf %parallel_loop3A_748, %parallel_loop3A_891 : vector<16xf32>
        %parallel_loop3A_893 = arith.constant 7 : i32
        %parallel_loop3A_894 = arith.addi %mul3A_218, %parallel_loop3A_893 : i32
        %parallel_loop3A_895 = arith.constant 0 : i32
        %parallel_loop3A_896 = arith.index_cast %parallel_loop3A_895 : i32 to index
        %parallel_loop3A_897 = arith.index_cast %parallel_loop3A_894 : i32 to index
        %parallel_loop3A_898 = arith.index_cast %parallel_loop3A_751 : i32 to index
        %parallel_loop3A_899 = tpu.vector_load %arg11[%parallel_loop3A_896, %parallel_loop3A_897, %parallel_loop3A_898] {strides = array<i32>} : memref<2x64x768xf32, #tpu.memory_space<vmem>>, vector<16xf32>,
        %parallel_loop3A_900 = arith.select %ne3A_287, %parallel_loop3A_759, %parallel_loop3A_755 : vector<16xi1>, vector<16xf32>
        %parallel_loop3A_901 = arith.addf %parallel_loop3A_899, %parallel_loop3A_900 : vector<16xf32>
        %parallel_loop3A_902 = arith.constant 7 : i32
        %parallel_loop3A_903 = arith.addi %mul3A_218, %parallel_loop3A_902 : i32
        %parallel_loop3A_904 = arith.constant 0 : i32
        %parallel_loop3A_905 = arith.index_cast %parallel_loop3A_904 : i32 to index
        %parallel_loop3A_906 = arith.index_cast %parallel_loop3A_903 : i32 to index
        %parallel_loop3A_907 = arith.index_cast %parallel_loop3A_751 : i32 to index
        %parallel_loop3A_908 = tpu.vector_load %arg11[%parallel_loop3A_905, %parallel_loop3A_906, %parallel_loop3A_907] {strides = array<i32>} : memref<2x64x768xf32, #tpu.memory_space<vmem>>, vector<16xf32>,
        tpu.vector_store %arg11[%parallel_loop3A_905, %parallel_loop3A_906, %parallel_loop3A_907], %parallel_loop3A_901 {strides = array<i32>} : memref<2x64x768xf32, #tpu.memory_space<vmem>>, vector<16xf32>,
        %parallel_loop3A_909 = arith.addf %parallel_loop3A_741, %parallel_loop3A_901 : vector<16xf32>
        %parallel_loop3A_910 = arith.mulf %parallel_loop3A_901, %parallel_loop3A_901 : vector<16xf32>
        %parallel_loop3A_911 = arith.addf %parallel_loop3A_749, %parallel_loop3A_910 : vector<16xf32>
        scf.yield %parallel_loop3A_776, %parallel_loop3A_795, %parallel_loop3A_814, %parallel_loop3A_833, %parallel_loop3A_852, %parallel_loop3A_871, %parallel_loop3A_890, %parallel_loop3A_909, %parallel_loop3A_778, %parallel_loop3A_797, %parallel_loop3A_816, %parallel_loop3A_835, %parallel_loop3A_854, %parallel_loop3A_873, %parallel_loop3A_892, %parallel_loop3A_911 : vector<16xf32>, vector<16xf32>, vector<16xf32>, vector<16xf32>, vector<16xf32>, vector<16xf32>, vector<16xf32>, vector<16xf32>, vector<16xf32>, vector<16xf32>, vector<16xf32>, vector<16xf32>, vector<16xf32>, vector<16xf32>, vector<16xf32>, vector<16xf32>
      } {sc.loop_unroll_factor = 2 : i64, sc.parallel_access}
      %reduce_sum3A = arith.constant true
      %reduce_sum3A_293 = vector.broadcast %reduce_sum3A : i1 to vector<16xi1>
      %reduce_sum3A_294 = tpu.scan <sum>, %parallel_loop3A_292#0 masked %reduce_sum3A_293 : vector<16xf32>, vector<16xi1> -> vector<16xf32>
      %reduce_sum3A_295 = vector.extract %reduce_sum3A_294[15] : f32 from vector<16xf32>
      %mul3A_296 = arith.constant 0.00130208337 : f32
      %mul3A_297 = arith.mulf %reduce_sum3A_295, %mul3A_296 : f32
      %reduce_sum3A_298 = arith.constant true
      %reduce_sum3A_299 = vector.broadcast %reduce_sum3A_298 : i1 to vector<16xi1>
      %reduce_sum3A_300 = tpu.scan <sum>, %parallel_loop3A_292#8 masked %reduce_sum3A_299 : vector<16xf32>, vector<16xi1> -> vector<16xf32>
      %reduce_sum3A_301 = vector.extract %reduce_sum3A_300[15] : f32 from vector<16xf32>
      %mul3A_302 = arith.constant 0.00130208337 : f32
      %mul3A_303 = arith.mulf %reduce_sum3A_301, %mul3A_302 : f32
      %mul3A_304 = arith.mulf %mul3A_297, %mul3A_297 : f32
      %sub3A = arith.subf %mul3A_303, %mul3A_304 : f32
      %max3A = arith.constant 0.000000e+00 : f32
      %max3A_305 = arith.maximumf %sub3A, %max3A : f32
      %broadcast_in_dim3A_306 = vector.broadcast %mul3A_297 : f32 to vector<16xf32>
      %add3A_307 = arith.constant 9.99999996E-13 : f32
      %add3A_308 = arith.addf %max3A_305, %add3A_307 : f32
      %broadcast_in_dim3A_309 = vector.broadcast %add3A_308 : f32 to vector<16xf32>
      %bitcast3A = vector.bitcast %broadcast_in_dim3A_309 : vector<16xf32> to vector<16xi32>
      %shift_right_arithmetic3A = arith.constant 1 : i32
      %shift_right_arithmetic3A_310 = vector.broadcast %shift_right_arithmetic3A : i32 to vector<16xi32>
      %shift_right_arithmetic3A_311 = arith.shrsi %bitcast3A, %shift_right_arithmetic3A_310 : vector<16xi32>
      %sub3A_312 = arith.constant 1597463007 : i32
      %sub3A_313 = vector.broadcast %sub3A_312 : i32 to vector<16xi32>
      %sub3A_314 = arith.subi %sub3A_313, %shift_right_arithmetic3A_311 : vector<16xi32>
      %bitcast3A_315 = vector.bitcast %sub3A_314 : vector<16xi32> to vector<16xf32>
      %mul3A_316 = arith.constant 5.000000e-01 : f32
      %mul3A_317 = vector.broadcast %mul3A_316 : f32 to vector<16xf32>
      %mul3A_318 = arith.mulf %mul3A_317, %broadcast_in_dim3A_309 : vector<16xf32>
      %mul3A_319 = arith.mulf %mul3A_318, %bitcast3A_315 : vector<16xf32>
      %mul3A_320 = arith.mulf %mul3A_319, %bitcast3A_315 : vector<16xf32>
      %sub3A_321 = arith.constant 1.500000e+00 : f32
      %sub3A_322 = vector.broadcast %sub3A_321 : f32 to vector<16xf32>
      %sub3A_323 = arith.subf %sub3A_322, %mul3A_320 : vector<16xf32>
      %mul3A_324 = arith.mulf %bitcast3A_315, %sub3A_323 : vector<16xf32>
      %mul3A_325 = arith.constant 5.000000e-01 : f32
      %mul3A_326 = vector.broadcast %mul3A_325 : f32 to vector<16xf32>
      %mul3A_327 = arith.mulf %mul3A_326, %broadcast_in_dim3A_309 : vector<16xf32>
      %mul3A_328 = arith.mulf %mul3A_327, %mul3A_324 : vector<16xf32>
      %mul3A_329 = arith.mulf %mul3A_328, %mul3A_324 : vector<16xf32>
      %sub3A_330 = arith.constant 1.500000e+00 : f32
      %sub3A_331 = vector.broadcast %sub3A_330 : f32 to vector<16xf32>
      %sub3A_332 = arith.subf %sub3A_331, %mul3A_329 : vector<16xf32>
      %mul3A_333 = arith.mulf %mul3A_324, %sub3A_332 : vector<16xf32>
      %mul3A_334 = arith.constant 5.000000e-01 : f32
      %mul3A_335 = vector.broadcast %mul3A_334 : f32 to vector<16xf32>
      %mul3A_336 = arith.mulf %mul3A_335, %broadcast_in_dim3A_309 : vector<16xf32>
      %mul3A_337 = arith.mulf %mul3A_336, %mul3A_333 : vector<16xf32>
      %mul3A_338 = arith.mulf %mul3A_337, %mul3A_333 : vector<16xf32>
      %sub3A_339 = arith.constant 1.500000e+00 : f32
      %sub3A_340 = vector.broadcast %sub3A_339 : f32 to vector<16xf32>
      %sub3A_341 = arith.subf %sub3A_340, %mul3A_338 : vector<16xf32>
      %mul3A_342 = arith.mulf %mul3A_333, %sub3A_341 : vector<16xf32>
      %reduce_sum3A_343 = arith.constant true
      %reduce_sum3A_344 = vector.broadcast %reduce_sum3A_343 : i1 to vector<16xi1>
      %reduce_sum3A_345 = tpu.scan <sum>, %parallel_loop3A_292#1 masked %reduce_sum3A_344 : vector<16xf32>, vector<16xi1> -> vector<16xf32>
      %reduce_sum3A_346 = vector.extract %reduce_sum3A_345[15] : f32 from vector<16xf32>
      %mul3A_347 = arith.constant 0.00130208337 : f32
      %mul3A_348 = arith.mulf %reduce_sum3A_346, %mul3A_347 : f32
      %reduce_sum3A_349 = arith.constant true
      %reduce_sum3A_350 = vector.broadcast %reduce_sum3A_349 : i1 to vector<16xi1>
      %reduce_sum3A_351 = tpu.scan <sum>, %parallel_loop3A_292#9 masked %reduce_sum3A_350 : vector<16xf32>, vector<16xi1> -> vector<16xf32>
      %reduce_sum3A_352 = vector.extract %reduce_sum3A_351[15] : f32 from vector<16xf32>
      %mul3A_353 = arith.constant 0.00130208337 : f32
      %mul3A_354 = arith.mulf %reduce_sum3A_352, %mul3A_353 : f32
      %mul3A_355 = arith.mulf %mul3A_348, %mul3A_348 : f32
      %sub3A_356 = arith.subf %mul3A_354, %mul3A_355 : f32
      %max3A_357 = arith.constant 0.000000e+00 : f32
      %max3A_358 = arith.maximumf %sub3A_356, %max3A_357 : f32
      %broadcast_in_dim3A_359 = vector.broadcast %mul3A_348 : f32 to vector<16xf32>
      %add3A_360 = arith.constant 9.99999996E-13 : f32
      %add3A_361 = arith.addf %max3A_358, %add3A_360 : f32
      %broadcast_in_dim3A_362 = vector.broadcast %add3A_361 : f32 to vector<16xf32>
      %bitcast3A_363 = vector.bitcast %broadcast_in_dim3A_362 : vector<16xf32> to vector<16xi32>
      %shift_right_arithmetic3A_364 = arith.constant 1 : i32
      %shift_right_arithmetic3A_365 = vector.broadcast %shift_right_arithmetic3A_364 : i32 to vector<16xi32>
      %shift_right_arithmetic3A_366 = arith.shrsi %bitcast3A_363, %shift_right_arithmetic3A_365 : vector<16xi32>
      %sub3A_367 = arith.constant 1597463007 : i32
      %sub3A_368 = vector.broadcast %sub3A_367 : i32 to vector<16xi32>
      %sub3A_369 = arith.subi %sub3A_368, %shift_right_arithmetic3A_366 : vector<16xi32>
      %bitcast3A_370 = vector.bitcast %sub3A_369 : vector<16xi32> to vector<16xf32>
      %mul3A_371 = arith.constant 5.000000e-01 : f32
      %mul3A_372 = vector.broadcast %mul3A_371 : f32 to vector<16xf32>
      %mul3A_373 = arith.mulf %mul3A_372, %broadcast_in_dim3A_362 : vector<16xf32>
      %mul3A_374 = arith.mulf %mul3A_373, %bitcast3A_370 : vector<16xf32>
      %mul3A_375 = arith.mulf %mul3A_374, %bitcast3A_370 : vector<16xf32>
      %sub3A_376 = arith.constant 1.500000e+00 : f32
      %sub3A_377 = vector.broadcast %sub3A_376 : f32 to vector<16xf32>
      %sub3A_378 = arith.subf %sub3A_377, %mul3A_375 : vector<16xf32>
      %mul3A_379 = arith.mulf %bitcast3A_370, %sub3A_378 : vector<16xf32>
      %mul3A_380 = arith.constant 5.000000e-01 : f32
      %mul3A_381 = vector.broadcast %mul3A_380 : f32 to vector<16xf32>
      %mul3A_382 = arith.mulf %mul3A_381, %broadcast_in_dim3A_362 : vector<16xf32>
      %mul3A_383 = arith.mulf %mul3A_382, %mul3A_379 : vector<16xf32>
      %mul3A_384 = arith.mulf %mul3A_383, %mul3A_379 : vector<16xf32>
      %sub3A_385 = arith.constant 1.500000e+00 : f32
      %sub3A_386 = vector.broadcast %sub3A_385 : f32 to vector<16xf32>
      %sub3A_387 = arith.subf %sub3A_386, %mul3A_384 : vector<16xf32>
      %mul3A_388 = arith.mulf %mul3A_379, %sub3A_387 : vector<16xf32>
      %mul3A_389 = arith.constant 5.000000e-01 : f32
      %mul3A_390 = vector.broadcast %mul3A_389 : f32 to vector<16xf32>
      %mul3A_391 = arith.mulf %mul3A_390, %broadcast_in_dim3A_362 : vector<16xf32>
      %mul3A_392 = arith.mulf %mul3A_391, %mul3A_388 : vector<16xf32>
      %mul3A_393 = arith.mulf %mul3A_392, %mul3A_388 : vector<16xf32>
      %sub3A_394 = arith.constant 1.500000e+00 : f32
      %sub3A_395 = vector.broadcast %sub3A_394 : f32 to vector<16xf32>
      %sub3A_396 = arith.subf %sub3A_395, %mul3A_393 : vector<16xf32>
      %mul3A_397 = arith.mulf %mul3A_388, %sub3A_396 : vector<16xf32>
      %reduce_sum3A_398 = arith.constant true
      %reduce_sum3A_399 = vector.broadcast %reduce_sum3A_398 : i1 to vector<16xi1>
      %reduce_sum3A_400 = tpu.scan <sum>, %parallel_loop3A_292#2 masked %reduce_sum3A_399 : vector<16xf32>, vector<16xi1> -> vector<16xf32>
      %reduce_sum3A_401 = vector.extract %reduce_sum3A_400[15] : f32 from vector<16xf32>
      %mul3A_402 = arith.constant 0.00130208337 : f32
      %mul3A_403 = arith.mulf %reduce_sum3A_401, %mul3A_402 : f32
      %reduce_sum3A_404 = arith.constant true
      %reduce_sum3A_405 = vector.broadcast %reduce_sum3A_404 : i1 to vector<16xi1>
      %reduce_sum3A_406 = tpu.scan <sum>, %parallel_loop3A_292#10 masked %reduce_sum3A_405 : vector<16xf32>, vector<16xi1> -> vector<16xf32>
      %reduce_sum3A_407 = vector.extract %reduce_sum3A_406[15] : f32 from vector<16xf32>
      %mul3A_408 = arith.constant 0.00130208337 : f32
      %mul3A_409 = arith.mulf %reduce_sum3A_407, %mul3A_408 : f32
      %mul3A_410 = arith.mulf %mul3A_403, %mul3A_403 : f32
      %sub3A_411 = arith.subf %mul3A_409, %mul3A_410 : f32
      %max3A_412 = arith.constant 0.000000e+00 : f32
      %max3A_413 = arith.maximumf %sub3A_411, %max3A_412 : f32
      %broadcast_in_dim3A_414 = vector.broadcast %mul3A_403 : f32 to vector<16xf32>
      %add3A_415 = arith.constant 9.99999996E-13 : f32
      %add3A_416 = arith.addf %max3A_413, %add3A_415 : f32
      %broadcast_in_dim3A_417 = vector.broadcast %add3A_416 : f32 to vector<16xf32>
      %bitcast3A_418 = vector.bitcast %broadcast_in_dim3A_417 : vector<16xf32> to vector<16xi32>
      %shift_right_arithmetic3A_419 = arith.constant 1 : i32
      %shift_right_arithmetic3A_420 = vector.broadcast %shift_right_arithmetic3A_419 : i32 to vector<16xi32>
      %shift_right_arithmetic3A_421 = arith.shrsi %bitcast3A_418, %shift_right_arithmetic3A_420 : vector<16xi32>
      %sub3A_422 = arith.constant 1597463007 : i32
      %sub3A_423 = vector.broadcast %sub3A_422 : i32 to vector<16xi32>
      %sub3A_424 = arith.subi %sub3A_423, %shift_right_arithmetic3A_421 : vector<16xi32>
      %bitcast3A_425 = vector.bitcast %sub3A_424 : vector<16xi32> to vector<16xf32>
      %mul3A_426 = arith.constant 5.000000e-01 : f32
      %mul3A_427 = vector.broadcast %mul3A_426 : f32 to vector<16xf32>
      %mul3A_428 = arith.mulf %mul3A_427, %broadcast_in_dim3A_417 : vector<16xf32>
      %mul3A_429 = arith.mulf %mul3A_428, %bitcast3A_425 : vector<16xf32>
      %mul3A_430 = arith.mulf %mul3A_429, %bitcast3A_425 : vector<16xf32>
      %sub3A_431 = arith.constant 1.500000e+00 : f32
      %sub3A_432 = vector.broadcast %sub3A_431 : f32 to vector<16xf32>
      %sub3A_433 = arith.subf %sub3A_432, %mul3A_430 : vector<16xf32>
      %mul3A_434 = arith.mulf %bitcast3A_425, %sub3A_433 : vector<16xf32>
      %mul3A_435 = arith.constant 5.000000e-01 : f32
      %mul3A_436 = vector.broadcast %mul3A_435 : f32 to vector<16xf32>
      %mul3A_437 = arith.mulf %mul3A_436, %broadcast_in_dim3A_417 : vector<16xf32>
      %mul3A_438 = arith.mulf %mul3A_437, %mul3A_434 : vector<16xf32>
      %mul3A_439 = arith.mulf %mul3A_438, %mul3A_434 : vector<16xf32>
      %sub3A_440 = arith.constant 1.500000e+00 : f32
      %sub3A_441 = vector.broadcast %sub3A_440 : f32 to vector<16xf32>
      %sub3A_442 = arith.subf %sub3A_441, %mul3A_439 : vector<16xf32>
      %mul3A_443 = arith.mulf %mul3A_434, %sub3A_442 : vector<16xf32>
      %mul3A_444 = arith.constant 5.000000e-01 : f32
      %mul3A_445 = vector.broadcast %mul3A_444 : f32 to vector<16xf32>
      %mul3A_446 = arith.mulf %mul3A_445, %broadcast_in_dim3A_417 : vector<16xf32>
      %mul3A_447 = arith.mulf %mul3A_446, %mul3A_443 : vector<16xf32>
      %mul3A_448 = arith.mulf %mul3A_447, %mul3A_443 : vector<16xf32>
      %sub3A_449 = arith.constant 1.500000e+00 : f32
      %sub3A_450 = vector.broadcast %sub3A_449 : f32 to vector<16xf32>
      %sub3A_451 = arith.subf %sub3A_450, %mul3A_448 : vector<16xf32>
      %mul3A_452 = arith.mulf %mul3A_443, %sub3A_451 : vector<16xf32>
      %reduce_sum3A_453 = arith.constant true
      %reduce_sum3A_454 = vector.broadcast %reduce_sum3A_453 : i1 to vector<16xi1>
      %reduce_sum3A_455 = tpu.scan <sum>, %parallel_loop3A_292#3 masked %reduce_sum3A_454 : vector<16xf32>, vector<16xi1> -> vector<16xf32>
      %reduce_sum3A_456 = vector.extract %reduce_sum3A_455[15] : f32 from vector<16xf32>
      %mul3A_457 = arith.constant 0.00130208337 : f32
      %mul3A_458 = arith.mulf %reduce_sum3A_456, %mul3A_457 : f32
      %reduce_sum3A_459 = arith.constant true
      %reduce_sum3A_460 = vector.broadcast %reduce_sum3A_459 : i1 to vector<16xi1>
      %reduce_sum3A_461 = tpu.scan <sum>, %parallel_loop3A_292#11 masked %reduce_sum3A_460 : vector<16xf32>, vector<16xi1> -> vector<16xf32>
      %reduce_sum3A_462 = vector.extract %reduce_sum3A_461[15] : f32 from vector<16xf32>
      %mul3A_463 = arith.constant 0.00130208337 : f32
      %mul3A_464 = arith.mulf %reduce_sum3A_462, %mul3A_463 : f32
      %mul3A_465 = arith.mulf %mul3A_458, %mul3A_458 : f32
      %sub3A_466 = arith.subf %mul3A_464, %mul3A_465 : f32
      %max3A_467 = arith.constant 0.000000e+00 : f32
      %max3A_468 = arith.maximumf %sub3A_466, %max3A_467 : f32
      %broadcast_in_dim3A_469 = vector.broadcast %mul3A_458 : f32 to vector<16xf32>
      %add3A_470 = arith.constant 9.99999996E-13 : f32
      %add3A_471 = arith.addf %max3A_468, %add3A_470 : f32
      %broadcast_in_dim3A_472 = vector.broadcast %add3A_471 : f32 to vector<16xf32>
      %bitcast3A_473 = vector.bitcast %broadcast_in_dim3A_472 : vector<16xf32> to vector<16xi32>
      %shift_right_arithmetic3A_474 = arith.constant 1 : i32
      %shift_right_arithmetic3A_475 = vector.broadcast %shift_right_arithmetic3A_474 : i32 to vector<16xi32>
      %shift_right_arithmetic3A_476 = arith.shrsi %bitcast3A_473, %shift_right_arithmetic3A_475 : vector<16xi32>
      %sub3A_477 = arith.constant 1597463007 : i32
      %sub3A_478 = vector.broadcast %sub3A_477 : i32 to vector<16xi32>
      %sub3A_479 = arith.subi %sub3A_478, %shift_right_arithmetic3A_476 : vector<16xi32>
      %bitcast3A_480 = vector.bitcast %sub3A_479 : vector<16xi32> to vector<16xf32>
      %mul3A_481 = arith.constant 5.000000e-01 : f32
      %mul3A_482 = vector.broadcast %mul3A_481 : f32 to vector<16xf32>
      %mul3A_483 = arith.mulf %mul3A_482, %broadcast_in_dim3A_472 : vector<16xf32>
      %mul3A_484 = arith.mulf %mul3A_483, %bitcast3A_480 : vector<16xf32>
      %mul3A_485 = arith.mulf %mul3A_484, %bitcast3A_480 : vector<16xf32>
      %sub3A_486 = arith.constant 1.500000e+00 : f32
      %sub3A_487 = vector.broadcast %sub3A_486 : f32 to vector<16xf32>
      %sub3A_488 = arith.subf %sub3A_487, %mul3A_485 : vector<16xf32>
      %mul3A_489 = arith.mulf %bitcast3A_480, %sub3A_488 : vector<16xf32>
      %mul3A_490 = arith.constant 5.000000e-01 : f32
      %mul3A_491 = vector.broadcast %mul3A_490 : f32 to vector<16xf32>
      %mul3A_492 = arith.mulf %mul3A_491, %broadcast_in_dim3A_472 : vector<16xf32>
      %mul3A_493 = arith.mulf %mul3A_492, %mul3A_489 : vector<16xf32>
      %mul3A_494 = arith.mulf %mul3A_493, %mul3A_489 : vector<16xf32>
      %sub3A_495 = arith.constant 1.500000e+00 : f32
      %sub3A_496 = vector.broadcast %sub3A_495 : f32 to vector<16xf32>
      %sub3A_497 = arith.subf %sub3A_496, %mul3A_494 : vector<16xf32>
      %mul3A_498 = arith.mulf %mul3A_489, %sub3A_497 : vector<16xf32>
      %mul3A_499 = arith.constant 5.000000e-01 : f32
      %mul3A_500 = vector.broadcast %mul3A_499 : f32 to vector<16xf32>
      %mul3A_501 = arith.mulf %mul3A_500, %broadcast_in_dim3A_472 : vector<16xf32>
      %mul3A_502 = arith.mulf %mul3A_501, %mul3A_498 : vector<16xf32>
      %mul3A_503 = arith.mulf %mul3A_502, %mul3A_498 : vector<16xf32>
      %sub3A_504 = arith.constant 1.500000e+00 : f32
      %sub3A_505 = vector.broadcast %sub3A_504 : f32 to vector<16xf32>
      %sub3A_506 = arith.subf %sub3A_505, %mul3A_503 : vector<16xf32>
      %mul3A_507 = arith.mulf %mul3A_498, %sub3A_506 : vector<16xf32>
      %reduce_sum3A_508 = arith.constant true
      %reduce_sum3A_509 = vector.broadcast %reduce_sum3A_508 : i1 to vector<16xi1>
      %reduce_sum3A_510 = tpu.scan <sum>, %parallel_loop3A_292#4 masked %reduce_sum3A_509 : vector<16xf32>, vector<16xi1> -> vector<16xf32>
      %reduce_sum3A_511 = vector.extract %reduce_sum3A_510[15] : f32 from vector<16xf32>
      %mul3A_512 = arith.constant 0.00130208337 : f32
      %mul3A_513 = arith.mulf %reduce_sum3A_511, %mul3A_512 : f32
      %reduce_sum3A_514 = arith.constant true
      %reduce_sum3A_515 = vector.broadcast %reduce_sum3A_514 : i1 to vector<16xi1>
      %reduce_sum3A_516 = tpu.scan <sum>, %parallel_loop3A_292#12 masked %reduce_sum3A_515 : vector<16xf32>, vector<16xi1> -> vector<16xf32>
      %reduce_sum3A_517 = vector.extract %reduce_sum3A_516[15] : f32 from vector<16xf32>
      %mul3A_518 = arith.constant 0.00130208337 : f32
      %mul3A_519 = arith.mulf %reduce_sum3A_517, %mul3A_518 : f32
      %mul3A_520 = arith.mulf %mul3A_513, %mul3A_513 : f32
      %sub3A_521 = arith.subf %mul3A_519, %mul3A_520 : f32
      %max3A_522 = arith.constant 0.000000e+00 : f32
      %max3A_523 = arith.maximumf %sub3A_521, %max3A_522 : f32
      %broadcast_in_dim3A_524 = vector.broadcast %mul3A_513 : f32 to vector<16xf32>
      %add3A_525 = arith.constant 9.99999996E-13 : f32
      %add3A_526 = arith.addf %max3A_523, %add3A_525 : f32
      %broadcast_in_dim3A_527 = vector.broadcast %add3A_526 : f32 to vector<16xf32>
      %bitcast3A_528 = vector.bitcast %broadcast_in_dim3A_527 : vector<16xf32> to vector<16xi32>
      %shift_right_arithmetic3A_529 = arith.constant 1 : i32
      %shift_right_arithmetic3A_530 = vector.broadcast %shift_right_arithmetic3A_529 : i32 to vector<16xi32>
      %shift_right_arithmetic3A_531 = arith.shrsi %bitcast3A_528, %shift_right_arithmetic3A_530 : vector<16xi32>
      %sub3A_532 = arith.constant 1597463007 : i32
      %sub3A_533 = vector.broadcast %sub3A_532 : i32 to vector<16xi32>
      %sub3A_534 = arith.subi %sub3A_533, %shift_right_arithmetic3A_531 : vector<16xi32>
      %bitcast3A_535 = vector.bitcast %sub3A_534 : vector<16xi32> to vector<16xf32>
      %mul3A_536 = arith.constant 5.000000e-01 : f32
      %mul3A_537 = vector.broadcast %mul3A_536 : f32 to vector<16xf32>
      %mul3A_538 = arith.mulf %mul3A_537, %broadcast_in_dim3A_527 : vector<16xf32>
      %mul3A_539 = arith.mulf %mul3A_538, %bitcast3A_535 : vector<16xf32>
      %mul3A_540 = arith.mulf %mul3A_539, %bitcast3A_535 : vector<16xf32>
      %sub3A_541 = arith.constant 1.500000e+00 : f32
      %sub3A_542 = vector.broadcast %sub3A_541 : f32 to vector<16xf32>
      %sub3A_543 = arith.subf %sub3A_542, %mul3A_540 : vector<16xf32>
      %mul3A_544 = arith.mulf %bitcast3A_535, %sub3A_543 : vector<16xf32>
      %mul3A_545 = arith.constant 5.000000e-01 : f32
      %mul3A_546 = vector.broadcast %mul3A_545 : f32 to vector<16xf32>
      %mul3A_547 = arith.mulf %mul3A_546, %broadcast_in_dim3A_527 : vector<16xf32>
      %mul3A_548 = arith.mulf %mul3A_547, %mul3A_544 : vector<16xf32>
      %mul3A_549 = arith.mulf %mul3A_548, %mul3A_544 : vector<16xf32>
      %sub3A_550 = arith.constant 1.500000e+00 : f32
      %sub3A_551 = vector.broadcast %sub3A_550 : f32 to vector<16xf32>
      %sub3A_552 = arith.subf %sub3A_551, %mul3A_549 : vector<16xf32>
      %mul3A_553 = arith.mulf %mul3A_544, %sub3A_552 : vector<16xf32>
      %mul3A_554 = arith.constant 5.000000e-01 : f32
      %mul3A_555 = vector.broadcast %mul3A_554 : f32 to vector<16xf32>
      %mul3A_556 = arith.mulf %mul3A_555, %broadcast_in_dim3A_527 : vector<16xf32>
      %mul3A_557 = arith.mulf %mul3A_556, %mul3A_553 : vector<16xf32>
      %mul3A_558 = arith.mulf %mul3A_557, %mul3A_553 : vector<16xf32>
      %sub3A_559 = arith.constant 1.500000e+00 : f32
      %sub3A_560 = vector.broadcast %sub3A_559 : f32 to vector<16xf32>
      %sub3A_561 = arith.subf %sub3A_560, %mul3A_558 : vector<16xf32>
      %mul3A_562 = arith.mulf %mul3A_553, %sub3A_561 : vector<16xf32>
      %reduce_sum3A_563 = arith.constant true
      %reduce_sum3A_564 = vector.broadcast %reduce_sum3A_563 : i1 to vector<16xi1>
      %reduce_sum3A_565 = tpu.scan <sum>, %parallel_loop3A_292#5 masked %reduce_sum3A_564 : vector<16xf32>, vector<16xi1> -> vector<16xf32>
      %reduce_sum3A_566 = vector.extract %reduce_sum3A_565[15] : f32 from vector<16xf32>
      %mul3A_567 = arith.constant 0.00130208337 : f32
      %mul3A_568 = arith.mulf %reduce_sum3A_566, %mul3A_567 : f32
      %reduce_sum3A_569 = arith.constant true
      %reduce_sum3A_570 = vector.broadcast %reduce_sum3A_569 : i1 to vector<16xi1>
      %reduce_sum3A_571 = tpu.scan <sum>, %parallel_loop3A_292#13 masked %reduce_sum3A_570 : vector<16xf32>, vector<16xi1> -> vector<16xf32>
      %reduce_sum3A_572 = vector.extract %reduce_sum3A_571[15] : f32 from vector<16xf32>
      %mul3A_573 = arith.constant 0.00130208337 : f32
      %mul3A_574 = arith.mulf %reduce_sum3A_572, %mul3A_573 : f32
      %mul3A_575 = arith.mulf %mul3A_568, %mul3A_568 : f32
      %sub3A_576 = arith.subf %mul3A_574, %mul3A_575 : f32
      %max3A_577 = arith.constant 0.000000e+00 : f32
      %max3A_578 = arith.maximumf %sub3A_576, %max3A_577 : f32
      %broadcast_in_dim3A_579 = vector.broadcast %mul3A_568 : f32 to vector<16xf32>
      %add3A_580 = arith.constant 9.99999996E-13 : f32
      %add3A_581 = arith.addf %max3A_578, %add3A_580 : f32
      %broadcast_in_dim3A_582 = vector.broadcast %add3A_581 : f32 to vector<16xf32>
      %bitcast3A_583 = vector.bitcast %broadcast_in_dim3A_582 : vector<16xf32> to vector<16xi32>
      %shift_right_arithmetic3A_584 = arith.constant 1 : i32
      %shift_right_arithmetic3A_585 = vector.broadcast %shift_right_arithmetic3A_584 : i32 to vector<16xi32>
      %shift_right_arithmetic3A_586 = arith.shrsi %bitcast3A_583, %shift_right_arithmetic3A_585 : vector<16xi32>
      %sub3A_587 = arith.constant 1597463007 : i32
      %sub3A_588 = vector.broadcast %sub3A_587 : i32 to vector<16xi32>
      %sub3A_589 = arith.subi %sub3A_588, %shift_right_arithmetic3A_586 : vector<16xi32>
      %bitcast3A_590 = vector.bitcast %sub3A_589 : vector<16xi32> to vector<16xf32>
      %mul3A_591 = arith.constant 5.000000e-01 : f32
      %mul3A_592 = vector.broadcast %mul3A_591 : f32 to vector<16xf32>
      %mul3A_593 = arith.mulf %mul3A_592, %broadcast_in_dim3A_582 : vector<16xf32>
      %mul3A_594 = arith.mulf %mul3A_593, %bitcast3A_590 : vector<16xf32>
      %mul3A_595 = arith.mulf %mul3A_594, %bitcast3A_590 : vector<16xf32>
      %sub3A_596 = arith.constant 1.500000e+00 : f32
      %sub3A_597 = vector.broadcast %sub3A_596 : f32 to vector<16xf32>
      %sub3A_598 = arith.subf %sub3A_597, %mul3A_595 : vector<16xf32>
      %mul3A_599 = arith.mulf %bitcast3A_590, %sub3A_598 : vector<16xf32>
      %mul3A_600 = arith.constant 5.000000e-01 : f32
      %mul3A_601 = vector.broadcast %mul3A_600 : f32 to vector<16xf32>
      %mul3A_602 = arith.mulf %mul3A_601, %broadcast_in_dim3A_582 : vector<16xf32>
      %mul3A_603 = arith.mulf %mul3A_602, %mul3A_599 : vector<16xf32>
      %mul3A_604 = arith.mulf %mul3A_603, %mul3A_599 : vector<16xf32>
      %sub3A_605 = arith.constant 1.500000e+00 : f32
      %sub3A_606 = vector.broadcast %sub3A_605 : f32 to vector<16xf32>
      %sub3A_607 = arith.subf %sub3A_606, %mul3A_604 : vector<16xf32>
      %mul3A_608 = arith.mulf %mul3A_599, %sub3A_607 : vector<16xf32>
      %mul3A_609 = arith.constant 5.000000e-01 : f32
      %mul3A_610 = vector.broadcast %mul3A_609 : f32 to vector<16xf32>
      %mul3A_611 = arith.mulf %mul3A_610, %broadcast_in_dim3A_582 : vector<16xf32>
      %mul3A_612 = arith.mulf %mul3A_611, %mul3A_608 : vector<16xf32>
      %mul3A_613 = arith.mulf %mul3A_612, %mul3A_608 : vector<16xf32>
      %sub3A_614 = arith.constant 1.500000e+00 : f32
      %sub3A_615 = vector.broadcast %sub3A_614 : f32 to vector<16xf32>
      %sub3A_616 = arith.subf %sub3A_615, %mul3A_613 : vector<16xf32>
      %mul3A_617 = arith.mulf %mul3A_608, %sub3A_616 : vector<16xf32>
      %reduce_sum3A_618 = arith.constant true
      %reduce_sum3A_619 = vector.broadcast %reduce_sum3A_618 : i1 to vector<16xi1>
      %reduce_sum3A_620 = tpu.scan <sum>, %parallel_loop3A_292#6 masked %reduce_sum3A_619 : vector<16xf32>, vector<16xi1> -> vector<16xf32>
      %reduce_sum3A_621 = vector.extract %reduce_sum3A_620[15] : f32 from vector<16xf32>
      %mul3A_622 = arith.constant 0.00130208337 : f32
      %mul3A_623 = arith.mulf %reduce_sum3A_621, %mul3A_622 : f32
      %reduce_sum3A_624 = arith.constant true
      %reduce_sum3A_625 = vector.broadcast %reduce_sum3A_624 : i1 to vector<16xi1>
      %reduce_sum3A_626 = tpu.scan <sum>, %parallel_loop3A_292#14 masked %reduce_sum3A_625 : vector<16xf32>, vector<16xi1> -> vector<16xf32>
      %reduce_sum3A_627 = vector.extract %reduce_sum3A_626[15] : f32 from vector<16xf32>
      %mul3A_628 = arith.constant 0.00130208337 : f32
      %mul3A_629 = arith.mulf %reduce_sum3A_627, %mul3A_628 : f32
      %mul3A_630 = arith.mulf %mul3A_623, %mul3A_623 : f32
      %sub3A_631 = arith.subf %mul3A_629, %mul3A_630 : f32
      %max3A_632 = arith.constant 0.000000e+00 : f32
      %max3A_633 = arith.maximumf %sub3A_631, %max3A_632 : f32
      %broadcast_in_dim3A_634 = vector.broadcast %mul3A_623 : f32 to vector<16xf32>
      %add3A_635 = arith.constant 9.99999996E-13 : f32
      %add3A_636 = arith.addf %max3A_633, %add3A_635 : f32
      %broadcast_in_dim3A_637 = vector.broadcast %add3A_636 : f32 to vector<16xf32>
      %bitcast3A_638 = vector.bitcast %broadcast_in_dim3A_637 : vector<16xf32> to vector<16xi32>
      %shift_right_arithmetic3A_639 = arith.constant 1 : i32
      %shift_right_arithmetic3A_640 = vector.broadcast %shift_right_arithmetic3A_639 : i32 to vector<16xi32>
      %shift_right_arithmetic3A_641 = arith.shrsi %bitcast3A_638, %shift_right_arithmetic3A_640 : vector<16xi32>
      %sub3A_642 = arith.constant 1597463007 : i32
      %sub3A_643 = vector.broadcast %sub3A_642 : i32 to vector<16xi32>
      %sub3A_644 = arith.subi %sub3A_643, %shift_right_arithmetic3A_641 : vector<16xi32>
      %bitcast3A_645 = vector.bitcast %sub3A_644 : vector<16xi32> to vector<16xf32>
      %mul3A_646 = arith.constant 5.000000e-01 : f32
      %mul3A_647 = vector.broadcast %mul3A_646 : f32 to vector<16xf32>
      %mul3A_648 = arith.mulf %mul3A_647, %broadcast_in_dim3A_637 : vector<16xf32>
      %mul3A_649 = arith.mulf %mul3A_648, %bitcast3A_645 : vector<16xf32>
      %mul3A_650 = arith.mulf %mul3A_649, %bitcast3A_645 : vector<16xf32>
      %sub3A_651 = arith.constant 1.500000e+00 : f32
      %sub3A_652 = vector.broadcast %sub3A_651 : f32 to vector<16xf32>
      %sub3A_653 = arith.subf %sub3A_652, %mul3A_650 : vector<16xf32>
      %mul3A_654 = arith.mulf %bitcast3A_645, %sub3A_653 : vector<16xf32>
      %mul3A_655 = arith.constant 5.000000e-01 : f32
      %mul3A_656 = vector.broadcast %mul3A_655 : f32 to vector<16xf32>
      %mul3A_657 = arith.mulf %mul3A_656, %broadcast_in_dim3A_637 : vector<16xf32>
      %mul3A_658 = arith.mulf %mul3A_657, %mul3A_654 : vector<16xf32>
      %mul3A_659 = arith.mulf %mul3A_658, %mul3A_654 : vector<16xf32>
      %sub3A_660 = arith.constant 1.500000e+00 : f32
      %sub3A_661 = vector.broadcast %sub3A_660 : f32 to vector<16xf32>
      %sub3A_662 = arith.subf %sub3A_661, %mul3A_659 : vector<16xf32>
      %mul3A_663 = arith.mulf %mul3A_654, %sub3A_662 : vector<16xf32>
      %mul3A_664 = arith.constant 5.000000e-01 : f32
      %mul3A_665 = vector.broadcast %mul3A_664 : f32 to vector<16xf32>
      %mul3A_666 = arith.mulf %mul3A_665, %broadcast_in_dim3A_637 : vector<16xf32>
      %mul3A_667 = arith.mulf %mul3A_666, %mul3A_663 : vector<16xf32>
      %mul3A_668 = arith.mulf %mul3A_667, %mul3A_663 : vector<16xf32>
      %sub3A_669 = arith.constant 1.500000e+00 : f32
      %sub3A_670 = vector.broadcast %sub3A_669 : f32 to vector<16xf32>
      %sub3A_671 = arith.subf %sub3A_670, %mul3A_668 : vector<16xf32>
      %mul3A_672 = arith.mulf %mul3A_663, %sub3A_671 : vector<16xf32>
      %reduce_sum3A_673 = arith.constant true
      %reduce_sum3A_674 = vector.broadcast %reduce_sum3A_673 : i1 to vector<16xi1>
      %reduce_sum3A_675 = tpu.scan <sum>, %parallel_loop3A_292#7 masked %reduce_sum3A_674 : vector<16xf32>, vector<16xi1> -> vector<16xf32>
      %reduce_sum3A_676 = vector.extract %reduce_sum3A_675[15] : f32 from vector<16xf32>
      %mul3A_677 = arith.constant 0.00130208337 : f32
      %mul3A_678 = arith.mulf %reduce_sum3A_676, %mul3A_677 : f32
      %reduce_sum3A_679 = arith.constant true
      %reduce_sum3A_680 = vector.broadcast %reduce_sum3A_679 : i1 to vector<16xi1>
      %reduce_sum3A_681 = tpu.scan <sum>, %parallel_loop3A_292#15 masked %reduce_sum3A_680 : vector<16xf32>, vector<16xi1> -> vector<16xf32>
      %reduce_sum3A_682 = vector.extract %reduce_sum3A_681[15] : f32 from vector<16xf32>
      %mul3A_683 = arith.constant 0.00130208337 : f32
      %mul3A_684 = arith.mulf %reduce_sum3A_682, %mul3A_683 : f32
      %mul3A_685 = arith.mulf %mul3A_678, %mul3A_678 : f32
      %sub3A_686 = arith.subf %mul3A_684, %mul3A_685 : f32
      %max3A_687 = arith.constant 0.000000e+00 : f32
      %max3A_688 = arith.maximumf %sub3A_686, %max3A_687 : f32
      %broadcast_in_dim3A_689 = vector.broadcast %mul3A_678 : f32 to vector<16xf32>
      %add3A_690 = arith.constant 9.99999996E-13 : f32
      %add3A_691 = arith.addf %max3A_688, %add3A_690 : f32
      %broadcast_in_dim3A_692 = vector.broadcast %add3A_691 : f32 to vector<16xf32>
      %bitcast3A_693 = vector.bitcast %broadcast_in_dim3A_692 : vector<16xf32> to vector<16xi32>
      %shift_right_arithmetic3A_694 = arith.constant 1 : i32
      %shift_right_arithmetic3A_695 = vector.broadcast %shift_right_arithmetic3A_694 : i32 to vector<16xi32>
      %shift_right_arithmetic3A_696 = arith.shrsi %bitcast3A_693, %shift_right_arithmetic3A_695 : vector<16xi32>
      %sub3A_697 = arith.constant 1597463007 : i32
      %sub3A_698 = vector.broadcast %sub3A_697 : i32 to vector<16xi32>
      %sub3A_699 = arith.subi %sub3A_698, %shift_right_arithmetic3A_696 : vector<16xi32>
      %bitcast3A_700 = vector.bitcast %sub3A_699 : vector<16xi32> to vector<16xf32>
      %mul3A_701 = arith.constant 5.000000e-01 : f32
      %mul3A_702 = vector.broadcast %mul3A_701 : f32 to vector<16xf32>
      %mul3A_703 = arith.mulf %mul3A_702, %broadcast_in_dim3A_692 : vector<16xf32>
      %mul3A_704 = arith.mulf %mul3A_703, %bitcast3A_700 : vector<16xf32>
      %mul3A_705 = arith.mulf %mul3A_704, %bitcast3A_700 : vector<16xf32>
      %sub3A_706 = arith.constant 1.500000e+00 : f32
      %sub3A_707 = vector.broadcast %sub3A_706 : f32 to vector<16xf32>
      %sub3A_708 = arith.subf %sub3A_707, %mul3A_705 : vector<16xf32>
      %mul3A_709 = arith.mulf %bitcast3A_700, %sub3A_708 : vector<16xf32>
      %mul3A_710 = arith.constant 5.000000e-01 : f32
      %mul3A_711 = vector.broadcast %mul3A_710 : f32 to vector<16xf32>
      %mul3A_712 = arith.mulf %mul3A_711, %broadcast_in_dim3A_692 : vector<16xf32>
      %mul3A_713 = arith.mulf %mul3A_712, %mul3A_709 : vector<16xf32>
      %mul3A_714 = arith.mulf %mul3A_713, %mul3A_709 : vector<16xf32>
      %sub3A_715 = arith.constant 1.500000e+00 : f32
      %sub3A_716 = vector.broadcast %sub3A_715 : f32 to vector<16xf32>
      %sub3A_717 = arith.subf %sub3A_716, %mul3A_714 : vector<16xf32>
      %mul3A_718 = arith.mulf %mul3A_709, %sub3A_717 : vector<16xf32>
      %mul3A_719 = arith.constant 5.000000e-01 : f32
      %mul3A_720 = vector.broadcast %mul3A_719 : f32 to vector<16xf32>
      %mul3A_721 = arith.mulf %mul3A_720, %broadcast_in_dim3A_692 : vector<16xf32>
      %mul3A_722 = arith.mulf %mul3A_721, %mul3A_718 : vector<16xf32>
      %mul3A_723 = arith.mulf %mul3A_722, %mul3A_718 : vector<16xf32>
      %sub3A_724 = arith.constant 1.500000e+00 : f32
      %sub3A_725 = vector.broadcast %sub3A_724 : f32 to vector<16xf32>
      %sub3A_726 = arith.subf %sub3A_725, %mul3A_723 : vector<16xf32>
      %mul3A_727 = arith.mulf %mul3A_718, %sub3A_726 : vector<16xf32>
      %parallel_loop3A_728 = arith.constant 0 : i32
      %parallel_loop3A_729 = arith.constant 48 : i32
      %parallel_loop3A_730 = arith.constant 1 : i32
      %parallel_loop3A_731 = arith.constant 0 : i32
      %parallel_loop3A_732 = scf.for %parallel_loop3A_733 = %parallel_loop3A_728 to %parallel_loop3A_729 step %parallel_loop3A_730 iter_args(%parallel_loop3A_734 = %parallel_loop3A_731) -> (i32)  : i32 {
        %parallel_loop3A_735 = arith.constant 16 : i32
        %parallel_loop3A_736 = arith.muli %parallel_loop3A_733, %parallel_loop3A_735 : i32
        %parallel_loop3A_737 = arith.index_cast %parallel_loop3A_736 : i32 to index
        %parallel_loop3A_738 = tpu.vector_load %arg13[%parallel_loop3A_737] {strides = array<i32>} : memref<768xf32, #tpu.memory_space<vmem>>, vector<16xf32>,
        %parallel_loop3A_739 = arith.index_cast %parallel_loop3A_736 : i32 to index
        %parallel_loop3A_740 = tpu.vector_load %arg14[%parallel_loop3A_739] {strides = array<i32>} : memref<768xf32, #tpu.memory_space<vmem>>, vector<16xf32>,
        %parallel_loop3A_741 = arith.constant 0 : i32
        %parallel_loop3A_742 = arith.addi %mul3A_218, %parallel_loop3A_741 : i32
        %parallel_loop3A_743 = arith.constant 0 : i32
        %parallel_loop3A_744 = arith.index_cast %parallel_loop3A_743 : i32 to index
        %parallel_loop3A_745 = arith.index_cast %parallel_loop3A_742 : i32 to index
        %parallel_loop3A_746 = arith.index_cast %parallel_loop3A_736 : i32 to index
        %parallel_loop3A_747 = tpu.vector_load %arg11[%parallel_loop3A_744, %parallel_loop3A_745, %parallel_loop3A_746] {strides = array<i32>} : memref<2x64x768xf32, #tpu.memory_space<vmem>>, vector<16xf32>,
        %parallel_loop3A_748 = arith.subf %parallel_loop3A_747, %broadcast_in_dim3A_306 : vector<16xf32>
        %parallel_loop3A_749 = arith.mulf %parallel_loop3A_748, %mul3A_342 : vector<16xf32>
        %parallel_loop3A_750 = arith.mulf %parallel_loop3A_749, %parallel_loop3A_738 : vector<16xf32>
        %parallel_loop3A_751 = arith.addf %parallel_loop3A_750, %parallel_loop3A_740 : vector<16xf32>
        %parallel_loop3A_752 = arith.constant 0 : i32
        %parallel_loop3A_753 = arith.addi %mul3A_218, %parallel_loop3A_752 : i32
        %parallel_loop3A_754 = arith.constant 0 : i32
        %parallel_loop3A_755 = arith.index_cast %parallel_loop3A_754 : i32 to index
        %parallel_loop3A_756 = arith.index_cast %parallel_loop3A_753 : i32 to index
        %parallel_loop3A_757 = arith.index_cast %parallel_loop3A_736 : i32 to index
        %parallel_loop3A_758 = tpu.vector_load %arg11[%parallel_loop3A_755, %parallel_loop3A_756, %parallel_loop3A_757] {strides = array<i32>} : memref<2x64x768xf32, #tpu.memory_space<vmem>>, vector<16xf32>,
        tpu.vector_store %arg11[%parallel_loop3A_755, %parallel_loop3A_756, %parallel_loop3A_757], %parallel_loop3A_751 {strides = array<i32>} : memref<2x64x768xf32, #tpu.memory_space<vmem>>, vector<16xf32>,
        %parallel_loop3A_759 = arith.constant 1 : i32
        %parallel_loop3A_760 = arith.addi %mul3A_218, %parallel_loop3A_759 : i32
        %parallel_loop3A_761 = arith.constant 0 : i32
        %parallel_loop3A_762 = arith.index_cast %parallel_loop3A_761 : i32 to index
        %parallel_loop3A_763 = arith.index_cast %parallel_loop3A_760 : i32 to index
        %parallel_loop3A_764 = arith.index_cast %parallel_loop3A_736 : i32 to index
        %parallel_loop3A_765 = tpu.vector_load %arg11[%parallel_loop3A_762, %parallel_loop3A_763, %parallel_loop3A_764] {strides = array<i32>} : memref<2x64x768xf32, #tpu.memory_space<vmem>>, vector<16xf32>,
        %parallel_loop3A_766 = arith.subf %parallel_loop3A_765, %broadcast_in_dim3A_359 : vector<16xf32>
        %parallel_loop3A_767 = arith.mulf %parallel_loop3A_766, %mul3A_397 : vector<16xf32>
        %parallel_loop3A_768 = arith.mulf %parallel_loop3A_767, %parallel_loop3A_738 : vector<16xf32>
        %parallel_loop3A_769 = arith.addf %parallel_loop3A_768, %parallel_loop3A_740 : vector<16xf32>
        %parallel_loop3A_770 = arith.constant 1 : i32
        %parallel_loop3A_771 = arith.addi %mul3A_218, %parallel_loop3A_770 : i32
        %parallel_loop3A_772 = arith.constant 0 : i32
        %parallel_loop3A_773 = arith.index_cast %parallel_loop3A_772 : i32 to index
        %parallel_loop3A_774 = arith.index_cast %parallel_loop3A_771 : i32 to index
        %parallel_loop3A_775 = arith.index_cast %parallel_loop3A_736 : i32 to index
        %parallel_loop3A_776 = tpu.vector_load %arg11[%parallel_loop3A_773, %parallel_loop3A_774, %parallel_loop3A_775] {strides = array<i32>} : memref<2x64x768xf32, #tpu.memory_space<vmem>>, vector<16xf32>,
        tpu.vector_store %arg11[%parallel_loop3A_773, %parallel_loop3A_774, %parallel_loop3A_775], %parallel_loop3A_769 {strides = array<i32>} : memref<2x64x768xf32, #tpu.memory_space<vmem>>, vector<16xf32>,
        %parallel_loop3A_777 = arith.constant 2 : i32
        %parallel_loop3A_778 = arith.addi %mul3A_218, %parallel_loop3A_777 : i32
        %parallel_loop3A_779 = arith.constant 0 : i32
        %parallel_loop3A_780 = arith.index_cast %parallel_loop3A_779 : i32 to index
        %parallel_loop3A_781 = arith.index_cast %parallel_loop3A_778 : i32 to index
        %parallel_loop3A_782 = arith.index_cast %parallel_loop3A_736 : i32 to index
        %parallel_loop3A_783 = tpu.vector_load %arg11[%parallel_loop3A_780, %parallel_loop3A_781, %parallel_loop3A_782] {strides = array<i32>} : memref<2x64x768xf32, #tpu.memory_space<vmem>>, vector<16xf32>,
        %parallel_loop3A_784 = arith.subf %parallel_loop3A_783, %broadcast_in_dim3A_414 : vector<16xf32>
        %parallel_loop3A_785 = arith.mulf %parallel_loop3A_784, %mul3A_452 : vector<16xf32>
        %parallel_loop3A_786 = arith.mulf %parallel_loop3A_785, %parallel_loop3A_738 : vector<16xf32>
        %parallel_loop3A_787 = arith.addf %parallel_loop3A_786, %parallel_loop3A_740 : vector<16xf32>
        %parallel_loop3A_788 = arith.constant 2 : i32
        %parallel_loop3A_789 = arith.addi %mul3A_218, %parallel_loop3A_788 : i32
        %parallel_loop3A_790 = arith.constant 0 : i32
        %parallel_loop3A_791 = arith.index_cast %parallel_loop3A_790 : i32 to index
        %parallel_loop3A_792 = arith.index_cast %parallel_loop3A_789 : i32 to index
        %parallel_loop3A_793 = arith.index_cast %parallel_loop3A_736 : i32 to index
        %parallel_loop3A_794 = tpu.vector_load %arg11[%parallel_loop3A_791, %parallel_loop3A_792, %parallel_loop3A_793] {strides = array<i32>} : memref<2x64x768xf32, #tpu.memory_space<vmem>>, vector<16xf32>,
        tpu.vector_store %arg11[%parallel_loop3A_791, %parallel_loop3A_792, %parallel_loop3A_793], %parallel_loop3A_787 {strides = array<i32>} : memref<2x64x768xf32, #tpu.memory_space<vmem>>, vector<16xf32>,
        %parallel_loop3A_795 = arith.constant 3 : i32
        %parallel_loop3A_796 = arith.addi %mul3A_218, %parallel_loop3A_795 : i32
        %parallel_loop3A_797 = arith.constant 0 : i32
        %parallel_loop3A_798 = arith.index_cast %parallel_loop3A_797 : i32 to index
        %parallel_loop3A_799 = arith.index_cast %parallel_loop3A_796 : i32 to index
        %parallel_loop3A_800 = arith.index_cast %parallel_loop3A_736 : i32 to index
        %parallel_loop3A_801 = tpu.vector_load %arg11[%parallel_loop3A_798, %parallel_loop3A_799, %parallel_loop3A_800] {strides = array<i32>} : memref<2x64x768xf32, #tpu.memory_space<vmem>>, vector<16xf32>,
        %parallel_loop3A_802 = arith.subf %parallel_loop3A_801, %broadcast_in_dim3A_469 : vector<16xf32>
        %parallel_loop3A_803 = arith.mulf %parallel_loop3A_802, %mul3A_507 : vector<16xf32>
        %parallel_loop3A_804 = arith.mulf %parallel_loop3A_803, %parallel_loop3A_738 : vector<16xf32>
        %parallel_loop3A_805 = arith.addf %parallel_loop3A_804, %parallel_loop3A_740 : vector<16xf32>
        %parallel_loop3A_806 = arith.constant 3 : i32
        %parallel_loop3A_807 = arith.addi %mul3A_218, %parallel_loop3A_806 : i32
        %parallel_loop3A_808 = arith.constant 0 : i32
        %parallel_loop3A_809 = arith.index_cast %parallel_loop3A_808 : i32 to index
        %parallel_loop3A_810 = arith.index_cast %parallel_loop3A_807 : i32 to index
        %parallel_loop3A_811 = arith.index_cast %parallel_loop3A_736 : i32 to index
        %parallel_loop3A_812 = tpu.vector_load %arg11[%parallel_loop3A_809, %parallel_loop3A_810, %parallel_loop3A_811] {strides = array<i32>} : memref<2x64x768xf32, #tpu.memory_space<vmem>>, vector<16xf32>,
        tpu.vector_store %arg11[%parallel_loop3A_809, %parallel_loop3A_810, %parallel_loop3A_811], %parallel_loop3A_805 {strides = array<i32>} : memref<2x64x768xf32, #tpu.memory_space<vmem>>, vector<16xf32>,
        %parallel_loop3A_813 = arith.constant 4 : i32
        %parallel_loop3A_814 = arith.addi %mul3A_218, %parallel_loop3A_813 : i32
        %parallel_loop3A_815 = arith.constant 0 : i32
        %parallel_loop3A_816 = arith.index_cast %parallel_loop3A_815 : i32 to index
        %parallel_loop3A_817 = arith.index_cast %parallel_loop3A_814 : i32 to index
        %parallel_loop3A_818 = arith.index_cast %parallel_loop3A_736 : i32 to index
        %parallel_loop3A_819 = tpu.vector_load %arg11[%parallel_loop3A_816, %parallel_loop3A_817, %parallel_loop3A_818] {strides = array<i32>} : memref<2x64x768xf32, #tpu.memory_space<vmem>>, vector<16xf32>,
        %parallel_loop3A_820 = arith.subf %parallel_loop3A_819, %broadcast_in_dim3A_524 : vector<16xf32>
        %parallel_loop3A_821 = arith.mulf %parallel_loop3A_820, %mul3A_562 : vector<16xf32>
        %parallel_loop3A_822 = arith.mulf %parallel_loop3A_821, %parallel_loop3A_738 : vector<16xf32>
        %parallel_loop3A_823 = arith.addf %parallel_loop3A_822, %parallel_loop3A_740 : vector<16xf32>
        %parallel_loop3A_824 = arith.constant 4 : i32
        %parallel_loop3A_825 = arith.addi %mul3A_218, %parallel_loop3A_824 : i32
        %parallel_loop3A_826 = arith.constant 0 : i32
        %parallel_loop3A_827 = arith.index_cast %parallel_loop3A_826 : i32 to index
        %parallel_loop3A_828 = arith.index_cast %parallel_loop3A_825 : i32 to index
        %parallel_loop3A_829 = arith.index_cast %parallel_loop3A_736 : i32 to index
        %parallel_loop3A_830 = tpu.vector_load %arg11[%parallel_loop3A_827, %parallel_loop3A_828, %parallel_loop3A_829] {strides = array<i32>} : memref<2x64x768xf32, #tpu.memory_space<vmem>>, vector<16xf32>,
        tpu.vector_store %arg11[%parallel_loop3A_827, %parallel_loop3A_828, %parallel_loop3A_829], %parallel_loop3A_823 {strides = array<i32>} : memref<2x64x768xf32, #tpu.memory_space<vmem>>, vector<16xf32>,
        %parallel_loop3A_831 = arith.constant 5 : i32
        %parallel_loop3A_832 = arith.addi %mul3A_218, %parallel_loop3A_831 : i32
        %parallel_loop3A_833 = arith.constant 0 : i32
        %parallel_loop3A_834 = arith.index_cast %parallel_loop3A_833 : i32 to index
        %parallel_loop3A_835 = arith.index_cast %parallel_loop3A_832 : i32 to index
        %parallel_loop3A_836 = arith.index_cast %parallel_loop3A_736 : i32 to index
        %parallel_loop3A_837 = tpu.vector_load %arg11[%parallel_loop3A_834, %parallel_loop3A_835, %parallel_loop3A_836] {strides = array<i32>} : memref<2x64x768xf32, #tpu.memory_space<vmem>>, vector<16xf32>,
        %parallel_loop3A_838 = arith.subf %parallel_loop3A_837, %broadcast_in_dim3A_579 : vector<16xf32>
        %parallel_loop3A_839 = arith.mulf %parallel_loop3A_838, %mul3A_617 : vector<16xf32>
        %parallel_loop3A_840 = arith.mulf %parallel_loop3A_839, %parallel_loop3A_738 : vector<16xf32>
        %parallel_loop3A_841 = arith.addf %parallel_loop3A_840, %parallel_loop3A_740 : vector<16xf32>
        %parallel_loop3A_842 = arith.constant 5 : i32
        %parallel_loop3A_843 = arith.addi %mul3A_218, %parallel_loop3A_842 : i32
        %parallel_loop3A_844 = arith.constant 0 : i32
        %parallel_loop3A_845 = arith.index_cast %parallel_loop3A_844 : i32 to index
        %parallel_loop3A_846 = arith.index_cast %parallel_loop3A_843 : i32 to index
        %parallel_loop3A_847 = arith.index_cast %parallel_loop3A_736 : i32 to index
        %parallel_loop3A_848 = tpu.vector_load %arg11[%parallel_loop3A_845, %parallel_loop3A_846, %parallel_loop3A_847] {strides = array<i32>} : memref<2x64x768xf32, #tpu.memory_space<vmem>>, vector<16xf32>,
        tpu.vector_store %arg11[%parallel_loop3A_845, %parallel_loop3A_846, %parallel_loop3A_847], %parallel_loop3A_841 {strides = array<i32>} : memref<2x64x768xf32, #tpu.memory_space<vmem>>, vector<16xf32>,
        %parallel_loop3A_849 = arith.constant 6 : i32
        %parallel_loop3A_850 = arith.addi %mul3A_218, %parallel_loop3A_849 : i32
        %parallel_loop3A_851 = arith.constant 0 : i32
        %parallel_loop3A_852 = arith.index_cast %parallel_loop3A_851 : i32 to index
        %parallel_loop3A_853 = arith.index_cast %parallel_loop3A_850 : i32 to index
        %parallel_loop3A_854 = arith.index_cast %parallel_loop3A_736 : i32 to index
        %parallel_loop3A_855 = tpu.vector_load %arg11[%parallel_loop3A_852, %parallel_loop3A_853, %parallel_loop3A_854] {strides = array<i32>} : memref<2x64x768xf32, #tpu.memory_space<vmem>>, vector<16xf32>,
        %parallel_loop3A_856 = arith.subf %parallel_loop3A_855, %broadcast_in_dim3A_634 : vector<16xf32>
        %parallel_loop3A_857 = arith.mulf %parallel_loop3A_856, %mul3A_672 : vector<16xf32>
        %parallel_loop3A_858 = arith.mulf %parallel_loop3A_857, %parallel_loop3A_738 : vector<16xf32>
        %parallel_loop3A_859 = arith.addf %parallel_loop3A_858, %parallel_loop3A_740 : vector<16xf32>
        %parallel_loop3A_860 = arith.constant 6 : i32
        %parallel_loop3A_861 = arith.addi %mul3A_218, %parallel_loop3A_860 : i32
        %parallel_loop3A_862 = arith.constant 0 : i32
        %parallel_loop3A_863 = arith.index_cast %parallel_loop3A_862 : i32 to index
        %parallel_loop3A_864 = arith.index_cast %parallel_loop3A_861 : i32 to index
        %parallel_loop3A_865 = arith.index_cast %parallel_loop3A_736 : i32 to index
        %parallel_loop3A_866 = tpu.vector_load %arg11[%parallel_loop3A_863, %parallel_loop3A_864, %parallel_loop3A_865] {strides = array<i32>} : memref<2x64x768xf32, #tpu.memory_space<vmem>>, vector<16xf32>,
        tpu.vector_store %arg11[%parallel_loop3A_863, %parallel_loop3A_864, %parallel_loop3A_865], %parallel_loop3A_859 {strides = array<i32>} : memref<2x64x768xf32, #tpu.memory_space<vmem>>, vector<16xf32>,
        %parallel_loop3A_867 = arith.constant 7 : i32
        %parallel_loop3A_868 = arith.addi %mul3A_218, %parallel_loop3A_867 : i32
        %parallel_loop3A_869 = arith.constant 0 : i32
        %parallel_loop3A_870 = arith.index_cast %parallel_loop3A_869 : i32 to index
        %parallel_loop3A_871 = arith.index_cast %parallel_loop3A_868 : i32 to index
        %parallel_loop3A_872 = arith.index_cast %parallel_loop3A_736 : i32 to index
        %parallel_loop3A_873 = tpu.vector_load %arg11[%parallel_loop3A_870, %parallel_loop3A_871, %parallel_loop3A_872] {strides = array<i32>} : memref<2x64x768xf32, #tpu.memory_space<vmem>>, vector<16xf32>,
        %parallel_loop3A_874 = arith.subf %parallel_loop3A_873, %broadcast_in_dim3A_689 : vector<16xf32>
        %parallel_loop3A_875 = arith.mulf %parallel_loop3A_874, %mul3A_727 : vector<16xf32>
        %parallel_loop3A_876 = arith.mulf %parallel_loop3A_875, %parallel_loop3A_738 : vector<16xf32>
        %parallel_loop3A_877 = arith.addf %parallel_loop3A_876, %parallel_loop3A_740 : vector<16xf32>
        %parallel_loop3A_878 = arith.constant 7 : i32
        %parallel_loop3A_879 = arith.addi %mul3A_218, %parallel_loop3A_878 : i32
        %parallel_loop3A_880 = arith.constant 0 : i32
        %parallel_loop3A_881 = arith.index_cast %parallel_loop3A_880 : i32 to index
        %parallel_loop3A_882 = arith.index_cast %parallel_loop3A_879 : i32 to index
        %parallel_loop3A_883 = arith.index_cast %parallel_loop3A_736 : i32 to index
        %parallel_loop3A_884 = tpu.vector_load %arg11[%parallel_loop3A_881, %parallel_loop3A_882, %parallel_loop3A_883] {strides = array<i32>} : memref<2x64x768xf32, #tpu.memory_space<vmem>>, vector<16xf32>,
        tpu.vector_store %arg11[%parallel_loop3A_881, %parallel_loop3A_882, %parallel_loop3A_883], %parallel_loop3A_877 {strides = array<i32>} : memref<2x64x768xf32, #tpu.memory_space<vmem>>, vector<16xf32>,
        scf.yield %parallel_loop3A_734 : i32
      } {sc.loop_unroll_factor = 2 : i64, sc.parallel_access}
    }
    %scan3A_143 = arith.constant 8 : i32
    %add3A_144 = arith.constant 128 : i32
    %add3A_145 = arith.addi %mul3A_2, %add3A_144 : i32
    %dma_start3A_146 = arith.constant 0 : i32
    %dma_start3A_147 = arith.constant 0 : i32
    %dma_start3A_148 = arith.constant 0 : i32
    %dma_start3A_149 = tpu.memref_slice %arg11[%dma_start3A_146, %dma_start3A_147, %dma_start3A_148] : memref<2x64x768xf32, #tpu.memory_space<vmem>> -> memref<1x64x768xf32, #tpu.memory_space<vmem>>
    %dma_start3A_150 = tpu.memref_squeeze %dma_start3A_149 : memref<1x64x768xf32, #tpu.memory_space<vmem>> -> memref<64x768xf32, #tpu.memory_space<vmem>>
    %dma_start3A_151 = arith.constant 0 : i32
    %dma_start3A_152 = tpu.memref_slice %arg8[%add3A_145, %dma_start3A_151] : memref<8192x768xf32, #tpu.memory_space<hbm>> -> memref<64x768xf32, #tpu.memory_space<hbm>>
    %dma_start3A_153 = arith.constant 0 : i32
    %dma_start3A_154 = tpu.memref_slice %arg8[%add3A_145, %dma_start3A_153] : memref<8192x768xf32, #tpu.memory_space<hbm>> -> memref<64x768xf32, #tpu.memory_space<hbm>>
    %dma_start3A_155 = arith.constant 0 : i32
    %dma_start3A_156 = arith.constant 0 : i32
    %dma_start3A_157 = tpu.memref_slice %arg11[%dma_start3A_146, %dma_start3A_155, %dma_start3A_156] : memref<2x64x768xf32, #tpu.memory_space<vmem>> -> memref<1x64x768xf32, #tpu.memory_space<vmem>>
    %dma_start3A_158 = tpu.memref_squeeze %dma_start3A_157 : memref<1x64x768xf32, #tpu.memory_space<vmem>> -> memref<64x768xf32, #tpu.memory_space<vmem>>
    tpu.enqueue_dma source(%dma_start3A_158 : memref<64x768xf32, #tpu.memory_space<vmem>>) target(%dma_start3A_154 : memref<64x768xf32, #tpu.memory_space<hbm>>) target_semaphore(%arg17 : memref<!tpu.dma_semaphore, #tpu.memory_space<semaphore_mem>>)
    %dma_wait3A_159 = arith.constant 1 : i32
    %dma_wait3A_160 = arith.constant 0 : i32
    %dma_wait3A_161 = arith.constant 0 : i32
    %dma_wait3A_162 = tpu.memref_slice %arg11[%dma_wait3A_159, %dma_wait3A_160, %dma_wait3A_161] : memref<2x64x768xf32, #tpu.memory_space<vmem>> -> memref<1x64x768xf32, #tpu.memory_space<vmem>>
    %dma_wait3A_163 = tpu.memref_squeeze %dma_wait3A_162 : memref<1x64x768xf32, #tpu.memory_space<vmem>> -> memref<64x768xf32, #tpu.memory_space<vmem>>
    %dma_wait3A_164 = arith.constant 192 : i32
    %dma_wait3A_165 = tpu.memref_slice %arg9[%dma_wait3A_164] : memref<256xi32, #tpu.memory_space<vmem>> -> memref<64xi32, #tpu.memory_space<vmem>>
    %dma_wait3A_166 = arith.constant 0 : i32
    %dma_wait3A_167 = arith.constant 0 : i32
    %dma_wait3A_168 = tpu.memref_slice %arg4[%dma_wait3A_166, %dma_wait3A_167] : memref<100000x768xf32, #tpu.memory_space<hbm>> -> memref<100000x768xf32, #tpu.memory_space<hbm>>
    tpu.wait_indirect_dma semaphore(%arg16 : memref<!tpu.dma_semaphore, #tpu.memory_space<semaphore_mem>>) src(%dma_wait3A_168 : memref<100000x768xf32, #tpu.memory_space<hbm>>) dst(%dma_wait3A_163 : memref<64x768xf32, #tpu.memory_space<vmem>>)
    %scan3A_169 = arith.constant 0 : i32
    %scan3A_170 = arith.constant 0 : i32
    %scan3A_171 = arith.constant 8 : i32
    %scan3A_172 = arith.addi %scan3A_170, %scan3A_171 : i32
    %scan3A_173 = arith.constant 1 : i32
    scf.for %scan3A_216 = %scan3A_170 to %scan3A_172 step %scan3A_173  : i32 {
      %mul3A_217 = arith.constant 8 : i32
      %mul3A_218 = arith.muli %scan3A_216, %mul3A_217 : i32
      %add3A_219 = arith.constant 192 : i32
      %add3A_220 = arith.addi %add3A_219, %mul3A_218 : i32
      %add3A_221 = arith.constant 0 : i32
      %add3A_222 = arith.addi %add3A_220, %add3A_221 : i32
      %broadcast_in_dim3A = vector.broadcast %add3A_222 : i32 to vector<16xi32>
      %gather3A = tpu.vector_load_idx %arg10[%broadcast_in_dim3A] : memref<256xi32, #tpu.memory_space<vmem>>[vector<16xi32>], vector<16xi32>,
      %ne3A = arith.constant 0 : i32
      %ne3A_223 = vector.broadcast %ne3A : i32 to vector<16xi32>
      %ne3A_224 = arith.cmpi ne, %gather3A, %ne3A_223 : vector<16xi32>
      %add3A_225 = arith.constant 192 : i32
      %add3A_226 = arith.addi %add3A_225, %mul3A_218 : i32
      %add3A_227 = arith.constant 1 : i32
      %add3A_228 = arith.addi %add3A_226, %add3A_227 : i32
      %broadcast_in_dim3A_229 = vector.broadcast %add3A_228 : i32 to vector<16xi32>
      %gather3A_230 = tpu.vector_load_idx %arg10[%broadcast_in_dim3A_229] : memref<256xi32, #tpu.memory_space<vmem>>[vector<16xi32>], vector<16xi32>,
      %ne3A_231 = arith.constant 0 : i32
      %ne3A_232 = vector.broadcast %ne3A_231 : i32 to vector<16xi32>
      %ne3A_233 = arith.cmpi ne, %gather3A_230, %ne3A_232 : vector<16xi32>
      %add3A_234 = arith.constant 192 : i32
      %add3A_235 = arith.addi %add3A_234, %mul3A_218 : i32
      %add3A_236 = arith.constant 2 : i32
      %add3A_237 = arith.addi %add3A_235, %add3A_236 : i32
      %broadcast_in_dim3A_238 = vector.broadcast %add3A_237 : i32 to vector<16xi32>
      %gather3A_239 = tpu.vector_load_idx %arg10[%broadcast_in_dim3A_238] : memref<256xi32, #tpu.memory_space<vmem>>[vector<16xi32>], vector<16xi32>,
      %ne3A_240 = arith.constant 0 : i32
      %ne3A_241 = vector.broadcast %ne3A_240 : i32 to vector<16xi32>
      %ne3A_242 = arith.cmpi ne, %gather3A_239, %ne3A_241 : vector<16xi32>
      %add3A_243 = arith.constant 192 : i32
      %add3A_244 = arith.addi %add3A_243, %mul3A_218 : i32
      %add3A_245 = arith.constant 3 : i32
      %add3A_246 = arith.addi %add3A_244, %add3A_245 : i32
      %broadcast_in_dim3A_247 = vector.broadcast %add3A_246 : i32 to vector<16xi32>
      %gather3A_248 = tpu.vector_load_idx %arg10[%broadcast_in_dim3A_247] : memref<256xi32, #tpu.memory_space<vmem>>[vector<16xi32>], vector<16xi32>,
      %ne3A_249 = arith.constant 0 : i32
      %ne3A_250 = vector.broadcast %ne3A_249 : i32 to vector<16xi32>
      %ne3A_251 = arith.cmpi ne, %gather3A_248, %ne3A_250 : vector<16xi32>
      %add3A_252 = arith.constant 192 : i32
      %add3A_253 = arith.addi %add3A_252, %mul3A_218 : i32
      %add3A_254 = arith.constant 4 : i32
      %add3A_255 = arith.addi %add3A_253, %add3A_254 : i32
      %broadcast_in_dim3A_256 = vector.broadcast %add3A_255 : i32 to vector<16xi32>
      %gather3A_257 = tpu.vector_load_idx %arg10[%broadcast_in_dim3A_256] : memref<256xi32, #tpu.memory_space<vmem>>[vector<16xi32>], vector<16xi32>,
      %ne3A_258 = arith.constant 0 : i32
      %ne3A_259 = vector.broadcast %ne3A_258 : i32 to vector<16xi32>
      %ne3A_260 = arith.cmpi ne, %gather3A_257, %ne3A_259 : vector<16xi32>
      %add3A_261 = arith.constant 192 : i32
      %add3A_262 = arith.addi %add3A_261, %mul3A_218 : i32
      %add3A_263 = arith.constant 5 : i32
      %add3A_264 = arith.addi %add3A_262, %add3A_263 : i32
      %broadcast_in_dim3A_265 = vector.broadcast %add3A_264 : i32 to vector<16xi32>
      %gather3A_266 = tpu.vector_load_idx %arg10[%broadcast_in_dim3A_265] : memref<256xi32, #tpu.memory_space<vmem>>[vector<16xi32>], vector<16xi32>,
      %ne3A_267 = arith.constant 0 : i32
      %ne3A_268 = vector.broadcast %ne3A_267 : i32 to vector<16xi32>
      %ne3A_269 = arith.cmpi ne, %gather3A_266, %ne3A_268 : vector<16xi32>
      %add3A_270 = arith.constant 192 : i32
      %add3A_271 = arith.addi %add3A_270, %mul3A_218 : i32
      %add3A_272 = arith.constant 6 : i32
      %add3A_273 = arith.addi %add3A_271, %add3A_272 : i32
      %broadcast_in_dim3A_274 = vector.broadcast %add3A_273 : i32 to vector<16xi32>
      %gather3A_275 = tpu.vector_load_idx %arg10[%broadcast_in_dim3A_274] : memref<256xi32, #tpu.memory_space<vmem>>[vector<16xi32>], vector<16xi32>,
      %ne3A_276 = arith.constant 0 : i32
      %ne3A_277 = vector.broadcast %ne3A_276 : i32 to vector<16xi32>
      %ne3A_278 = arith.cmpi ne, %gather3A_275, %ne3A_277 : vector<16xi32>
      %add3A_279 = arith.constant 192 : i32
      %add3A_280 = arith.addi %add3A_279, %mul3A_218 : i32
      %add3A_281 = arith.constant 7 : i32
      %add3A_282 = arith.addi %add3A_280, %add3A_281 : i32
      %broadcast_in_dim3A_283 = vector.broadcast %add3A_282 : i32 to vector<16xi32>
      %gather3A_284 = tpu.vector_load_idx %arg10[%broadcast_in_dim3A_283] : memref<256xi32, #tpu.memory_space<vmem>>[vector<16xi32>], vector<16xi32>,
      %ne3A_285 = arith.constant 0 : i32
      %ne3A_286 = vector.broadcast %ne3A_285 : i32 to vector<16xi32>
      %ne3A_287 = arith.cmpi ne, %gather3A_284, %ne3A_286 : vector<16xi32>
      %broadcast_in_dim3A_288 = arith.constant 0.000000e+00 : f32
      %broadcast_in_dim3A_289 = vector.broadcast %broadcast_in_dim3A_288 : f32 to vector<16xf32>
      %parallel_loop3A = arith.constant 0 : i32
      %parallel_loop3A_290 = arith.constant 48 : i32
      %parallel_loop3A_291 = arith.constant 1 : i32
      %parallel_loop3A_292:16 = scf.for %parallel_loop3A_733 = %parallel_loop3A to %parallel_loop3A_290 step %parallel_loop3A_291 iter_args(%parallel_loop3A_734 = %broadcast_in_dim3A_289, %parallel_loop3A_735 = %broadcast_in_dim3A_289, %parallel_loop3A_736 = %broadcast_in_dim3A_289, %parallel_loop3A_737 = %broadcast_in_dim3A_289, %parallel_loop3A_738 = %broadcast_in_dim3A_289, %parallel_loop3A_739 = %broadcast_in_dim3A_289, %parallel_loop3A_740 = %broadcast_in_dim3A_289, %parallel_loop3A_741 = %broadcast_in_dim3A_289, %parallel_loop3A_742 = %broadcast_in_dim3A_289, %parallel_loop3A_743 = %broadcast_in_dim3A_289, %parallel_loop3A_744 = %broadcast_in_dim3A_289, %parallel_loop3A_745 = %broadcast_in_dim3A_289, %parallel_loop3A_746 = %broadcast_in_dim3A_289, %parallel_loop3A_747 = %broadcast_in_dim3A_289, %parallel_loop3A_748 = %broadcast_in_dim3A_289, %parallel_loop3A_749 = %broadcast_in_dim3A_289) -> (vector<16xf32>, vector<16xf32>, vector<16xf32>, vector<16xf32>, vector<16xf32>, vector<16xf32>, vector<16xf32>, vector<16xf32>, vector<16xf32>, vector<16xf32>, vector<16xf32>, vector<16xf32>, vector<16xf32>, vector<16xf32>, vector<16xf32>, vector<16xf32>)  : i32 {
        %parallel_loop3A_750 = arith.constant 16 : i32
        %parallel_loop3A_751 = arith.muli %parallel_loop3A_733, %parallel_loop3A_750 : i32
        %parallel_loop3A_752 = arith.constant 0 : i32
        %parallel_loop3A_753 = arith.index_cast %parallel_loop3A_752 : i32 to index
        %parallel_loop3A_754 = arith.index_cast %parallel_loop3A_751 : i32 to index
        %parallel_loop3A_755 = tpu.vector_load %arg12[%parallel_loop3A_753, %parallel_loop3A_754] {strides = array<i32>} : memref<2x768xf32, #tpu.memory_space<vmem>>, vector<16xf32>,
        %parallel_loop3A_756 = arith.constant 1 : i32
        %parallel_loop3A_757 = arith.index_cast %parallel_loop3A_756 : i32 to index
        %parallel_loop3A_758 = arith.index_cast %parallel_loop3A_751 : i32 to index
        %parallel_loop3A_759 = tpu.vector_load %arg12[%parallel_loop3A_757, %parallel_loop3A_758] {strides = array<i32>} : memref<2x768xf32, #tpu.memory_space<vmem>>, vector<16xf32>,
        %parallel_loop3A_760 = arith.constant 0 : i32
        %parallel_loop3A_761 = arith.addi %mul3A_218, %parallel_loop3A_760 : i32
        %parallel_loop3A_762 = arith.constant 1 : i32
        %parallel_loop3A_763 = arith.index_cast %parallel_loop3A_762 : i32 to index
        %parallel_loop3A_764 = arith.index_cast %parallel_loop3A_761 : i32 to index
        %parallel_loop3A_765 = arith.index_cast %parallel_loop3A_751 : i32 to index
        %parallel_loop3A_766 = tpu.vector_load %arg11[%parallel_loop3A_763, %parallel_loop3A_764, %parallel_loop3A_765] {strides = array<i32>} : memref<2x64x768xf32, #tpu.memory_space<vmem>>, vector<16xf32>,
        %parallel_loop3A_767 = arith.select %ne3A_224, %parallel_loop3A_759, %parallel_loop3A_755 : vector<16xi1>, vector<16xf32>
        %parallel_loop3A_768 = arith.addf %parallel_loop3A_766, %parallel_loop3A_767 : vector<16xf32>
        %parallel_loop3A_769 = arith.constant 0 : i32
        %parallel_loop3A_770 = arith.addi %mul3A_218, %parallel_loop3A_769 : i32
        %parallel_loop3A_771 = arith.constant 1 : i32
        %parallel_loop3A_772 = arith.index_cast %parallel_loop3A_771 : i32 to index
        %parallel_loop3A_773 = arith.index_cast %parallel_loop3A_770 : i32 to index
        %parallel_loop3A_774 = arith.index_cast %parallel_loop3A_751 : i32 to index
        %parallel_loop3A_775 = tpu.vector_load %arg11[%parallel_loop3A_772, %parallel_loop3A_773, %parallel_loop3A_774] {strides = array<i32>} : memref<2x64x768xf32, #tpu.memory_space<vmem>>, vector<16xf32>,
        tpu.vector_store %arg11[%parallel_loop3A_772, %parallel_loop3A_773, %parallel_loop3A_774], %parallel_loop3A_768 {strides = array<i32>} : memref<2x64x768xf32, #tpu.memory_space<vmem>>, vector<16xf32>,
        %parallel_loop3A_776 = arith.addf %parallel_loop3A_734, %parallel_loop3A_768 : vector<16xf32>
        %parallel_loop3A_777 = arith.mulf %parallel_loop3A_768, %parallel_loop3A_768 : vector<16xf32>
        %parallel_loop3A_778 = arith.addf %parallel_loop3A_742, %parallel_loop3A_777 : vector<16xf32>
        %parallel_loop3A_779 = arith.constant 1 : i32
        %parallel_loop3A_780 = arith.addi %mul3A_218, %parallel_loop3A_779 : i32
        %parallel_loop3A_781 = arith.constant 1 : i32
        %parallel_loop3A_782 = arith.index_cast %parallel_loop3A_781 : i32 to index
        %parallel_loop3A_783 = arith.index_cast %parallel_loop3A_780 : i32 to index
        %parallel_loop3A_784 = arith.index_cast %parallel_loop3A_751 : i32 to index
        %parallel_loop3A_785 = tpu.vector_load %arg11[%parallel_loop3A_782, %parallel_loop3A_783, %parallel_loop3A_784] {strides = array<i32>} : memref<2x64x768xf32, #tpu.memory_space<vmem>>, vector<16xf32>,
        %parallel_loop3A_786 = arith.select %ne3A_233, %parallel_loop3A_759, %parallel_loop3A_755 : vector<16xi1>, vector<16xf32>
        %parallel_loop3A_787 = arith.addf %parallel_loop3A_785, %parallel_loop3A_786 : vector<16xf32>
        %parallel_loop3A_788 = arith.constant 1 : i32
        %parallel_loop3A_789 = arith.addi %mul3A_218, %parallel_loop3A_788 : i32
        %parallel_loop3A_790 = arith.constant 1 : i32
        %parallel_loop3A_791 = arith.index_cast %parallel_loop3A_790 : i32 to index
        %parallel_loop3A_792 = arith.index_cast %parallel_loop3A_789 : i32 to index
        %parallel_loop3A_793 = arith.index_cast %parallel_loop3A_751 : i32 to index
        %parallel_loop3A_794 = tpu.vector_load %arg11[%parallel_loop3A_791, %parallel_loop3A_792, %parallel_loop3A_793] {strides = array<i32>} : memref<2x64x768xf32, #tpu.memory_space<vmem>>, vector<16xf32>,
        tpu.vector_store %arg11[%parallel_loop3A_791, %parallel_loop3A_792, %parallel_loop3A_793], %parallel_loop3A_787 {strides = array<i32>} : memref<2x64x768xf32, #tpu.memory_space<vmem>>, vector<16xf32>,
        %parallel_loop3A_795 = arith.addf %parallel_loop3A_735, %parallel_loop3A_787 : vector<16xf32>
        %parallel_loop3A_796 = arith.mulf %parallel_loop3A_787, %parallel_loop3A_787 : vector<16xf32>
        %parallel_loop3A_797 = arith.addf %parallel_loop3A_743, %parallel_loop3A_796 : vector<16xf32>
        %parallel_loop3A_798 = arith.constant 2 : i32
        %parallel_loop3A_799 = arith.addi %mul3A_218, %parallel_loop3A_798 : i32
        %parallel_loop3A_800 = arith.constant 1 : i32
        %parallel_loop3A_801 = arith.index_cast %parallel_loop3A_800 : i32 to index
        %parallel_loop3A_802 = arith.index_cast %parallel_loop3A_799 : i32 to index
        %parallel_loop3A_803 = arith.index_cast %parallel_loop3A_751 : i32 to index
        %parallel_loop3A_804 = tpu.vector_load %arg11[%parallel_loop3A_801, %parallel_loop3A_802, %parallel_loop3A_803] {strides = array<i32>} : memref<2x64x768xf32, #tpu.memory_space<vmem>>, vector<16xf32>,
        %parallel_loop3A_805 = arith.select %ne3A_242, %parallel_loop3A_759, %parallel_loop3A_755 : vector<16xi1>, vector<16xf32>
        %parallel_loop3A_806 = arith.addf %parallel_loop3A_804, %parallel_loop3A_805 : vector<16xf32>
        %parallel_loop3A_807 = arith.constant 2 : i32
        %parallel_loop3A_808 = arith.addi %mul3A_218, %parallel_loop3A_807 : i32
        %parallel_loop3A_809 = arith.constant 1 : i32
        %parallel_loop3A_810 = arith.index_cast %parallel_loop3A_809 : i32 to index
        %parallel_loop3A_811 = arith.index_cast %parallel_loop3A_808 : i32 to index
        %parallel_loop3A_812 = arith.index_cast %parallel_loop3A_751 : i32 to index
        %parallel_loop3A_813 = tpu.vector_load %arg11[%parallel_loop3A_810, %parallel_loop3A_811, %parallel_loop3A_812] {strides = array<i32>} : memref<2x64x768xf32, #tpu.memory_space<vmem>>, vector<16xf32>,
        tpu.vector_store %arg11[%parallel_loop3A_810, %parallel_loop3A_811, %parallel_loop3A_812], %parallel_loop3A_806 {strides = array<i32>} : memref<2x64x768xf32, #tpu.memory_space<vmem>>, vector<16xf32>,
        %parallel_loop3A_814 = arith.addf %parallel_loop3A_736, %parallel_loop3A_806 : vector<16xf32>
        %parallel_loop3A_815 = arith.mulf %parallel_loop3A_806, %parallel_loop3A_806 : vector<16xf32>
        %parallel_loop3A_816 = arith.addf %parallel_loop3A_744, %parallel_loop3A_815 : vector<16xf32>
        %parallel_loop3A_817 = arith.constant 3 : i32
        %parallel_loop3A_818 = arith.addi %mul3A_218, %parallel_loop3A_817 : i32
        %parallel_loop3A_819 = arith.constant 1 : i32
        %parallel_loop3A_820 = arith.index_cast %parallel_loop3A_819 : i32 to index
        %parallel_loop3A_821 = arith.index_cast %parallel_loop3A_818 : i32 to index
        %parallel_loop3A_822 = arith.index_cast %parallel_loop3A_751 : i32 to index
        %parallel_loop3A_823 = tpu.vector_load %arg11[%parallel_loop3A_820, %parallel_loop3A_821, %parallel_loop3A_822] {strides = array<i32>} : memref<2x64x768xf32, #tpu.memory_space<vmem>>, vector<16xf32>,
        %parallel_loop3A_824 = arith.select %ne3A_251, %parallel_loop3A_759, %parallel_loop3A_755 : vector<16xi1>, vector<16xf32>
        %parallel_loop3A_825 = arith.addf %parallel_loop3A_823, %parallel_loop3A_824 : vector<16xf32>
        %parallel_loop3A_826 = arith.constant 3 : i32
        %parallel_loop3A_827 = arith.addi %mul3A_218, %parallel_loop3A_826 : i32
        %parallel_loop3A_828 = arith.constant 1 : i32
        %parallel_loop3A_829 = arith.index_cast %parallel_loop3A_828 : i32 to index
        %parallel_loop3A_830 = arith.index_cast %parallel_loop3A_827 : i32 to index
        %parallel_loop3A_831 = arith.index_cast %parallel_loop3A_751 : i32 to index
        %parallel_loop3A_832 = tpu.vector_load %arg11[%parallel_loop3A_829, %parallel_loop3A_830, %parallel_loop3A_831] {strides = array<i32>} : memref<2x64x768xf32, #tpu.memory_space<vmem>>, vector<16xf32>,
        tpu.vector_store %arg11[%parallel_loop3A_829, %parallel_loop3A_830, %parallel_loop3A_831], %parallel_loop3A_825 {strides = array<i32>} : memref<2x64x768xf32, #tpu.memory_space<vmem>>, vector<16xf32>,
        %parallel_loop3A_833 = arith.addf %parallel_loop3A_737, %parallel_loop3A_825 : vector<16xf32>
        %parallel_loop3A_834 = arith.mulf %parallel_loop3A_825, %parallel_loop3A_825 : vector<16xf32>
        %parallel_loop3A_835 = arith.addf %parallel_loop3A_745, %parallel_loop3A_834 : vector<16xf32>
        %parallel_loop3A_836 = arith.constant 4 : i32
        %parallel_loop3A_837 = arith.addi %mul3A_218, %parallel_loop3A_836 : i32
        %parallel_loop3A_838 = arith.constant 1 : i32
        %parallel_loop3A_839 = arith.index_cast %parallel_loop3A_838 : i32 to index
        %parallel_loop3A_840 = arith.index_cast %parallel_loop3A_837 : i32 to index
        %parallel_loop3A_841 = arith.index_cast %parallel_loop3A_751 : i32 to index
        %parallel_loop3A_842 = tpu.vector_load %arg11[%parallel_loop3A_839, %parallel_loop3A_840, %parallel_loop3A_841] {strides = array<i32>} : memref<2x64x768xf32, #tpu.memory_space<vmem>>, vector<16xf32>,
        %parallel_loop3A_843 = arith.select %ne3A_260, %parallel_loop3A_759, %parallel_loop3A_755 : vector<16xi1>, vector<16xf32>
        %parallel_loop3A_844 = arith.addf %parallel_loop3A_842, %parallel_loop3A_843 : vector<16xf32>
        %parallel_loop3A_845 = arith.constant 4 : i32
        %parallel_loop3A_846 = arith.addi %mul3A_218, %parallel_loop3A_845 : i32
        %parallel_loop3A_847 = arith.constant 1 : i32
        %parallel_loop3A_848 = arith.index_cast %parallel_loop3A_847 : i32 to index
        %parallel_loop3A_849 = arith.index_cast %parallel_loop3A_846 : i32 to index
        %parallel_loop3A_850 = arith.index_cast %parallel_loop3A_751 : i32 to index
        %parallel_loop3A_851 = tpu.vector_load %arg11[%parallel_loop3A_848, %parallel_loop3A_849, %parallel_loop3A_850] {strides = array<i32>} : memref<2x64x768xf32, #tpu.memory_space<vmem>>, vector<16xf32>,
        tpu.vector_store %arg11[%parallel_loop3A_848, %parallel_loop3A_849, %parallel_loop3A_850], %parallel_loop3A_844 {strides = array<i32>} : memref<2x64x768xf32, #tpu.memory_space<vmem>>, vector<16xf32>,
        %parallel_loop3A_852 = arith.addf %parallel_loop3A_738, %parallel_loop3A_844 : vector<16xf32>
        %parallel_loop3A_853 = arith.mulf %parallel_loop3A_844, %parallel_loop3A_844 : vector<16xf32>
        %parallel_loop3A_854 = arith.addf %parallel_loop3A_746, %parallel_loop3A_853 : vector<16xf32>
        %parallel_loop3A_855 = arith.constant 5 : i32
        %parallel_loop3A_856 = arith.addi %mul3A_218, %parallel_loop3A_855 : i32
        %parallel_loop3A_857 = arith.constant 1 : i32
        %parallel_loop3A_858 = arith.index_cast %parallel_loop3A_857 : i32 to index
        %parallel_loop3A_859 = arith.index_cast %parallel_loop3A_856 : i32 to index
        %parallel_loop3A_860 = arith.index_cast %parallel_loop3A_751 : i32 to index
        %parallel_loop3A_861 = tpu.vector_load %arg11[%parallel_loop3A_858, %parallel_loop3A_859, %parallel_loop3A_860] {strides = array<i32>} : memref<2x64x768xf32, #tpu.memory_space<vmem>>, vector<16xf32>,
        %parallel_loop3A_862 = arith.select %ne3A_269, %parallel_loop3A_759, %parallel_loop3A_755 : vector<16xi1>, vector<16xf32>
        %parallel_loop3A_863 = arith.addf %parallel_loop3A_861, %parallel_loop3A_862 : vector<16xf32>
        %parallel_loop3A_864 = arith.constant 5 : i32
        %parallel_loop3A_865 = arith.addi %mul3A_218, %parallel_loop3A_864 : i32
        %parallel_loop3A_866 = arith.constant 1 : i32
        %parallel_loop3A_867 = arith.index_cast %parallel_loop3A_866 : i32 to index
        %parallel_loop3A_868 = arith.index_cast %parallel_loop3A_865 : i32 to index
        %parallel_loop3A_869 = arith.index_cast %parallel_loop3A_751 : i32 to index
        %parallel_loop3A_870 = tpu.vector_load %arg11[%parallel_loop3A_867, %parallel_loop3A_868, %parallel_loop3A_869] {strides = array<i32>} : memref<2x64x768xf32, #tpu.memory_space<vmem>>, vector<16xf32>,
        tpu.vector_store %arg11[%parallel_loop3A_867, %parallel_loop3A_868, %parallel_loop3A_869], %parallel_loop3A_863 {strides = array<i32>} : memref<2x64x768xf32, #tpu.memory_space<vmem>>, vector<16xf32>,
        %parallel_loop3A_871 = arith.addf %parallel_loop3A_739, %parallel_loop3A_863 : vector<16xf32>
        %parallel_loop3A_872 = arith.mulf %parallel_loop3A_863, %parallel_loop3A_863 : vector<16xf32>
        %parallel_loop3A_873 = arith.addf %parallel_loop3A_747, %parallel_loop3A_872 : vector<16xf32>
        %parallel_loop3A_874 = arith.constant 6 : i32
        %parallel_loop3A_875 = arith.addi %mul3A_218, %parallel_loop3A_874 : i32
        %parallel_loop3A_876 = arith.constant 1 : i32
        %parallel_loop3A_877 = arith.index_cast %parallel_loop3A_876 : i32 to index
        %parallel_loop3A_878 = arith.index_cast %parallel_loop3A_875 : i32 to index
        %parallel_loop3A_879 = arith.index_cast %parallel_loop3A_751 : i32 to index
        %parallel_loop3A_880 = tpu.vector_load %arg11[%parallel_loop3A_877, %parallel_loop3A_878, %parallel_loop3A_879] {strides = array<i32>} : memref<2x64x768xf32, #tpu.memory_space<vmem>>, vector<16xf32>,
        %parallel_loop3A_881 = arith.select %ne3A_278, %parallel_loop3A_759, %parallel_loop3A_755 : vector<16xi1>, vector<16xf32>
        %parallel_loop3A_882 = arith.addf %parallel_loop3A_880, %parallel_loop3A_881 : vector<16xf32>
        %parallel_loop3A_883 = arith.constant 6 : i32
        %parallel_loop3A_884 = arith.addi %mul3A_218, %parallel_loop3A_883 : i32
        %parallel_loop3A_885 = arith.constant 1 : i32
        %parallel_loop3A_886 = arith.index_cast %parallel_loop3A_885 : i32 to index
        %parallel_loop3A_887 = arith.index_cast %parallel_loop3A_884 : i32 to index
        %parallel_loop3A_888 = arith.index_cast %parallel_loop3A_751 : i32 to index
        %parallel_loop3A_889 = tpu.vector_load %arg11[%parallel_loop3A_886, %parallel_loop3A_887, %parallel_loop3A_888] {strides = array<i32>} : memref<2x64x768xf32, #tpu.memory_space<vmem>>, vector<16xf32>,
        tpu.vector_store %arg11[%parallel_loop3A_886, %parallel_loop3A_887, %parallel_loop3A_888], %parallel_loop3A_882 {strides = array<i32>} : memref<2x64x768xf32, #tpu.memory_space<vmem>>, vector<16xf32>,
        %parallel_loop3A_890 = arith.addf %parallel_loop3A_740, %parallel_loop3A_882 : vector<16xf32>
        %parallel_loop3A_891 = arith.mulf %parallel_loop3A_882, %parallel_loop3A_882 : vector<16xf32>
        %parallel_loop3A_892 = arith.addf %parallel_loop3A_748, %parallel_loop3A_891 : vector<16xf32>
        %parallel_loop3A_893 = arith.constant 7 : i32
        %parallel_loop3A_894 = arith.addi %mul3A_218, %parallel_loop3A_893 : i32
        %parallel_loop3A_895 = arith.constant 1 : i32
        %parallel_loop3A_896 = arith.index_cast %parallel_loop3A_895 : i32 to index
        %parallel_loop3A_897 = arith.index_cast %parallel_loop3A_894 : i32 to index
        %parallel_loop3A_898 = arith.index_cast %parallel_loop3A_751 : i32 to index
        %parallel_loop3A_899 = tpu.vector_load %arg11[%parallel_loop3A_896, %parallel_loop3A_897, %parallel_loop3A_898] {strides = array<i32>} : memref<2x64x768xf32, #tpu.memory_space<vmem>>, vector<16xf32>,
        %parallel_loop3A_900 = arith.select %ne3A_287, %parallel_loop3A_759, %parallel_loop3A_755 : vector<16xi1>, vector<16xf32>
        %parallel_loop3A_901 = arith.addf %parallel_loop3A_899, %parallel_loop3A_900 : vector<16xf32>
        %parallel_loop3A_902 = arith.constant 7 : i32
        %parallel_loop3A_903 = arith.addi %mul3A_218, %parallel_loop3A_902 : i32
        %parallel_loop3A_904 = arith.constant 1 : i32
        %parallel_loop3A_905 = arith.index_cast %parallel_loop3A_904 : i32 to index
        %parallel_loop3A_906 = arith.index_cast %parallel_loop3A_903 : i32 to index
        %parallel_loop3A_907 = arith.index_cast %parallel_loop3A_751 : i32 to index
        %parallel_loop3A_908 = tpu.vector_load %arg11[%parallel_loop3A_905, %parallel_loop3A_906, %parallel_loop3A_907] {strides = array<i32>} : memref<2x64x768xf32, #tpu.memory_space<vmem>>, vector<16xf32>,
        tpu.vector_store %arg11[%parallel_loop3A_905, %parallel_loop3A_906, %parallel_loop3A_907], %parallel_loop3A_901 {strides = array<i32>} : memref<2x64x768xf32, #tpu.memory_space<vmem>>, vector<16xf32>,
        %parallel_loop3A_909 = arith.addf %parallel_loop3A_741, %parallel_loop3A_901 : vector<16xf32>
        %parallel_loop3A_910 = arith.mulf %parallel_loop3A_901, %parallel_loop3A_901 : vector<16xf32>
        %parallel_loop3A_911 = arith.addf %parallel_loop3A_749, %parallel_loop3A_910 : vector<16xf32>
        scf.yield %parallel_loop3A_776, %parallel_loop3A_795, %parallel_loop3A_814, %parallel_loop3A_833, %parallel_loop3A_852, %parallel_loop3A_871, %parallel_loop3A_890, %parallel_loop3A_909, %parallel_loop3A_778, %parallel_loop3A_797, %parallel_loop3A_816, %parallel_loop3A_835, %parallel_loop3A_854, %parallel_loop3A_873, %parallel_loop3A_892, %parallel_loop3A_911 : vector<16xf32>, vector<16xf32>, vector<16xf32>, vector<16xf32>, vector<16xf32>, vector<16xf32>, vector<16xf32>, vector<16xf32>, vector<16xf32>, vector<16xf32>, vector<16xf32>, vector<16xf32>, vector<16xf32>, vector<16xf32>, vector<16xf32>, vector<16xf32>
      } {sc.loop_unroll_factor = 2 : i64, sc.parallel_access}
      %reduce_sum3A = arith.constant true
      %reduce_sum3A_293 = vector.broadcast %reduce_sum3A : i1 to vector<16xi1>
      %reduce_sum3A_294 = tpu.scan <sum>, %parallel_loop3A_292#0 masked %reduce_sum3A_293 : vector<16xf32>, vector<16xi1> -> vector<16xf32>
      %reduce_sum3A_295 = vector.extract %reduce_sum3A_294[15] : f32 from vector<16xf32>
      %mul3A_296 = arith.constant 0.00130208337 : f32
      %mul3A_297 = arith.mulf %reduce_sum3A_295, %mul3A_296 : f32
      %reduce_sum3A_298 = arith.constant true
      %reduce_sum3A_299 = vector.broadcast %reduce_sum3A_298 : i1 to vector<16xi1>
      %reduce_sum3A_300 = tpu.scan <sum>, %parallel_loop3A_292#8 masked %reduce_sum3A_299 : vector<16xf32>, vector<16xi1> -> vector<16xf32>
      %reduce_sum3A_301 = vector.extract %reduce_sum3A_300[15] : f32 from vector<16xf32>
      %mul3A_302 = arith.constant 0.00130208337 : f32
      %mul3A_303 = arith.mulf %reduce_sum3A_301, %mul3A_302 : f32
      %mul3A_304 = arith.mulf %mul3A_297, %mul3A_297 : f32
      %sub3A = arith.subf %mul3A_303, %mul3A_304 : f32
      %max3A = arith.constant 0.000000e+00 : f32
      %max3A_305 = arith.maximumf %sub3A, %max3A : f32
      %broadcast_in_dim3A_306 = vector.broadcast %mul3A_297 : f32 to vector<16xf32>
      %add3A_307 = arith.constant 9.99999996E-13 : f32
      %add3A_308 = arith.addf %max3A_305, %add3A_307 : f32
      %broadcast_in_dim3A_309 = vector.broadcast %add3A_308 : f32 to vector<16xf32>
      %bitcast3A = vector.bitcast %broadcast_in_dim3A_309 : vector<16xf32> to vector<16xi32>
      %shift_right_arithmetic3A = arith.constant 1 : i32
      %shift_right_arithmetic3A_310 = vector.broadcast %shift_right_arithmetic3A : i32 to vector<16xi32>
      %shift_right_arithmetic3A_311 = arith.shrsi %bitcast3A, %shift_right_arithmetic3A_310 : vector<16xi32>
      %sub3A_312 = arith.constant 1597463007 : i32
      %sub3A_313 = vector.broadcast %sub3A_312 : i32 to vector<16xi32>
      %sub3A_314 = arith.subi %sub3A_313, %shift_right_arithmetic3A_311 : vector<16xi32>
      %bitcast3A_315 = vector.bitcast %sub3A_314 : vector<16xi32> to vector<16xf32>
      %mul3A_316 = arith.constant 5.000000e-01 : f32
      %mul3A_317 = vector.broadcast %mul3A_316 : f32 to vector<16xf32>
      %mul3A_318 = arith.mulf %mul3A_317, %broadcast_in_dim3A_309 : vector<16xf32>
      %mul3A_319 = arith.mulf %mul3A_318, %bitcast3A_315 : vector<16xf32>
      %mul3A_320 = arith.mulf %mul3A_319, %bitcast3A_315 : vector<16xf32>
      %sub3A_321 = arith.constant 1.500000e+00 : f32
      %sub3A_322 = vector.broadcast %sub3A_321 : f32 to vector<16xf32>
      %sub3A_323 = arith.subf %sub3A_322, %mul3A_320 : vector<16xf32>
      %mul3A_324 = arith.mulf %bitcast3A_315, %sub3A_323 : vector<16xf32>
      %mul3A_325 = arith.constant 5.000000e-01 : f32
      %mul3A_326 = vector.broadcast %mul3A_325 : f32 to vector<16xf32>
      %mul3A_327 = arith.mulf %mul3A_326, %broadcast_in_dim3A_309 : vector<16xf32>
      %mul3A_328 = arith.mulf %mul3A_327, %mul3A_324 : vector<16xf32>
      %mul3A_329 = arith.mulf %mul3A_328, %mul3A_324 : vector<16xf32>
      %sub3A_330 = arith.constant 1.500000e+00 : f32
      %sub3A_331 = vector.broadcast %sub3A_330 : f32 to vector<16xf32>
      %sub3A_332 = arith.subf %sub3A_331, %mul3A_329 : vector<16xf32>
      %mul3A_333 = arith.mulf %mul3A_324, %sub3A_332 : vector<16xf32>
      %mul3A_334 = arith.constant 5.000000e-01 : f32
      %mul3A_335 = vector.broadcast %mul3A_334 : f32 to vector<16xf32>
      %mul3A_336 = arith.mulf %mul3A_335, %broadcast_in_dim3A_309 : vector<16xf32>
      %mul3A_337 = arith.mulf %mul3A_336, %mul3A_333 : vector<16xf32>
      %mul3A_338 = arith.mulf %mul3A_337, %mul3A_333 : vector<16xf32>
      %sub3A_339 = arith.constant 1.500000e+00 : f32
      %sub3A_340 = vector.broadcast %sub3A_339 : f32 to vector<16xf32>
      %sub3A_341 = arith.subf %sub3A_340, %mul3A_338 : vector<16xf32>
      %mul3A_342 = arith.mulf %mul3A_333, %sub3A_341 : vector<16xf32>
      %reduce_sum3A_343 = arith.constant true
      %reduce_sum3A_344 = vector.broadcast %reduce_sum3A_343 : i1 to vector<16xi1>
      %reduce_sum3A_345 = tpu.scan <sum>, %parallel_loop3A_292#1 masked %reduce_sum3A_344 : vector<16xf32>, vector<16xi1> -> vector<16xf32>
      %reduce_sum3A_346 = vector.extract %reduce_sum3A_345[15] : f32 from vector<16xf32>
      %mul3A_347 = arith.constant 0.00130208337 : f32
      %mul3A_348 = arith.mulf %reduce_sum3A_346, %mul3A_347 : f32
      %reduce_sum3A_349 = arith.constant true
      %reduce_sum3A_350 = vector.broadcast %reduce_sum3A_349 : i1 to vector<16xi1>
      %reduce_sum3A_351 = tpu.scan <sum>, %parallel_loop3A_292#9 masked %reduce_sum3A_350 : vector<16xf32>, vector<16xi1> -> vector<16xf32>
      %reduce_sum3A_352 = vector.extract %reduce_sum3A_351[15] : f32 from vector<16xf32>
      %mul3A_353 = arith.constant 0.00130208337 : f32
      %mul3A_354 = arith.mulf %reduce_sum3A_352, %mul3A_353 : f32
      %mul3A_355 = arith.mulf %mul3A_348, %mul3A_348 : f32
      %sub3A_356 = arith.subf %mul3A_354, %mul3A_355 : f32
      %max3A_357 = arith.constant 0.000000e+00 : f32
      %max3A_358 = arith.maximumf %sub3A_356, %max3A_357 : f32
      %broadcast_in_dim3A_359 = vector.broadcast %mul3A_348 : f32 to vector<16xf32>
      %add3A_360 = arith.constant 9.99999996E-13 : f32
      %add3A_361 = arith.addf %max3A_358, %add3A_360 : f32
      %broadcast_in_dim3A_362 = vector.broadcast %add3A_361 : f32 to vector<16xf32>
      %bitcast3A_363 = vector.bitcast %broadcast_in_dim3A_362 : vector<16xf32> to vector<16xi32>
      %shift_right_arithmetic3A_364 = arith.constant 1 : i32
      %shift_right_arithmetic3A_365 = vector.broadcast %shift_right_arithmetic3A_364 : i32 to vector<16xi32>
      %shift_right_arithmetic3A_366 = arith.shrsi %bitcast3A_363, %shift_right_arithmetic3A_365 : vector<16xi32>
      %sub3A_367 = arith.constant 1597463007 : i32
      %sub3A_368 = vector.broadcast %sub3A_367 : i32 to vector<16xi32>
      %sub3A_369 = arith.subi %sub3A_368, %shift_right_arithmetic3A_366 : vector<16xi32>
      %bitcast3A_370 = vector.bitcast %sub3A_369 : vector<16xi32> to vector<16xf32>
      %mul3A_371 = arith.constant 5.000000e-01 : f32
      %mul3A_372 = vector.broadcast %mul3A_371 : f32 to vector<16xf32>
      %mul3A_373 = arith.mulf %mul3A_372, %broadcast_in_dim3A_362 : vector<16xf32>
      %mul3A_374 = arith.mulf %mul3A_373, %bitcast3A_370 : vector<16xf32>
      %mul3A_375 = arith.mulf %mul3A_374, %bitcast3A_370 : vector<16xf32>
      %sub3A_376 = arith.constant 1.500000e+00 : f32
      %sub3A_377 = vector.broadcast %sub3A_376 : f32 to vector<16xf32>
      %sub3A_378 = arith.subf %sub3A_377, %mul3A_375 : vector<16xf32>
      %mul3A_379 = arith.mulf %bitcast3A_370, %sub3A_378 : vector<16xf32>
      %mul3A_380 = arith.constant 5.000000e-01 : f32
      %mul3A_381 = vector.broadcast %mul3A_380 : f32 to vector<16xf32>
      %mul3A_382 = arith.mulf %mul3A_381, %broadcast_in_dim3A_362 : vector<16xf32>
      %mul3A_383 = arith.mulf %mul3A_382, %mul3A_379 : vector<16xf32>
      %mul3A_384 = arith.mulf %mul3A_383, %mul3A_379 : vector<16xf32>
      %sub3A_385 = arith.constant 1.500000e+00 : f32
      %sub3A_386 = vector.broadcast %sub3A_385 : f32 to vector<16xf32>
      %sub3A_387 = arith.subf %sub3A_386, %mul3A_384 : vector<16xf32>
      %mul3A_388 = arith.mulf %mul3A_379, %sub3A_387 : vector<16xf32>
      %mul3A_389 = arith.constant 5.000000e-01 : f32
      %mul3A_390 = vector.broadcast %mul3A_389 : f32 to vector<16xf32>
      %mul3A_391 = arith.mulf %mul3A_390, %broadcast_in_dim3A_362 : vector<16xf32>
      %mul3A_392 = arith.mulf %mul3A_391, %mul3A_388 : vector<16xf32>
      %mul3A_393 = arith.mulf %mul3A_392, %mul3A_388 : vector<16xf32>
      %sub3A_394 = arith.constant 1.500000e+00 : f32
      %sub3A_395 = vector.broadcast %sub3A_394 : f32 to vector<16xf32>
      %sub3A_396 = arith.subf %sub3A_395, %mul3A_393 : vector<16xf32>
      %mul3A_397 = arith.mulf %mul3A_388, %sub3A_396 : vector<16xf32>
      %reduce_sum3A_398 = arith.constant true
      %reduce_sum3A_399 = vector.broadcast %reduce_sum3A_398 : i1 to vector<16xi1>
      %reduce_sum3A_400 = tpu.scan <sum>, %parallel_loop3A_292#2 masked %reduce_sum3A_399 : vector<16xf32>, vector<16xi1> -> vector<16xf32>
      %reduce_sum3A_401 = vector.extract %reduce_sum3A_400[15] : f32 from vector<16xf32>
      %mul3A_402 = arith.constant 0.00130208337 : f32
      %mul3A_403 = arith.mulf %reduce_sum3A_401, %mul3A_402 : f32
      %reduce_sum3A_404 = arith.constant true
      %reduce_sum3A_405 = vector.broadcast %reduce_sum3A_404 : i1 to vector<16xi1>
      %reduce_sum3A_406 = tpu.scan <sum>, %parallel_loop3A_292#10 masked %reduce_sum3A_405 : vector<16xf32>, vector<16xi1> -> vector<16xf32>
      %reduce_sum3A_407 = vector.extract %reduce_sum3A_406[15] : f32 from vector<16xf32>
      %mul3A_408 = arith.constant 0.00130208337 : f32
      %mul3A_409 = arith.mulf %reduce_sum3A_407, %mul3A_408 : f32
      %mul3A_410 = arith.mulf %mul3A_403, %mul3A_403 : f32
      %sub3A_411 = arith.subf %mul3A_409, %mul3A_410 : f32
      %max3A_412 = arith.constant 0.000000e+00 : f32
      %max3A_413 = arith.maximumf %sub3A_411, %max3A_412 : f32
      %broadcast_in_dim3A_414 = vector.broadcast %mul3A_403 : f32 to vector<16xf32>
      %add3A_415 = arith.constant 9.99999996E-13 : f32
      %add3A_416 = arith.addf %max3A_413, %add3A_415 : f32
      %broadcast_in_dim3A_417 = vector.broadcast %add3A_416 : f32 to vector<16xf32>
      %bitcast3A_418 = vector.bitcast %broadcast_in_dim3A_417 : vector<16xf32> to vector<16xi32>
      %shift_right_arithmetic3A_419 = arith.constant 1 : i32
      %shift_right_arithmetic3A_420 = vector.broadcast %shift_right_arithmetic3A_419 : i32 to vector<16xi32>
      %shift_right_arithmetic3A_421 = arith.shrsi %bitcast3A_418, %shift_right_arithmetic3A_420 : vector<16xi32>
      %sub3A_422 = arith.constant 1597463007 : i32
      %sub3A_423 = vector.broadcast %sub3A_422 : i32 to vector<16xi32>
      %sub3A_424 = arith.subi %sub3A_423, %shift_right_arithmetic3A_421 : vector<16xi32>
      %bitcast3A_425 = vector.bitcast %sub3A_424 : vector<16xi32> to vector<16xf32>
      %mul3A_426 = arith.constant 5.000000e-01 : f32
      %mul3A_427 = vector.broadcast %mul3A_426 : f32 to vector<16xf32>
      %mul3A_428 = arith.mulf %mul3A_427, %broadcast_in_dim3A_417 : vector<16xf32>
      %mul3A_429 = arith.mulf %mul3A_428, %bitcast3A_425 : vector<16xf32>
      %mul3A_430 = arith.mulf %mul3A_429, %bitcast3A_425 : vector<16xf32>
      %sub3A_431 = arith.constant 1.500000e+00 : f32
      %sub3A_432 = vector.broadcast %sub3A_431 : f32 to vector<16xf32>
      %sub3A_433 = arith.subf %sub3A_432, %mul3A_430 : vector<16xf32>
      %mul3A_434 = arith.mulf %bitcast3A_425, %sub3A_433 : vector<16xf32>
      %mul3A_435 = arith.constant 5.000000e-01 : f32
      %mul3A_436 = vector.broadcast %mul3A_435 : f32 to vector<16xf32>
      %mul3A_437 = arith.mulf %mul3A_436, %broadcast_in_dim3A_417 : vector<16xf32>
      %mul3A_438 = arith.mulf %mul3A_437, %mul3A_434 : vector<16xf32>
      %mul3A_439 = arith.mulf %mul3A_438, %mul3A_434 : vector<16xf32>
      %sub3A_440 = arith.constant 1.500000e+00 : f32
      %sub3A_441 = vector.broadcast %sub3A_440 : f32 to vector<16xf32>
      %sub3A_442 = arith.subf %sub3A_441, %mul3A_439 : vector<16xf32>
      %mul3A_443 = arith.mulf %mul3A_434, %sub3A_442 : vector<16xf32>
      %mul3A_444 = arith.constant 5.000000e-01 : f32
      %mul3A_445 = vector.broadcast %mul3A_444 : f32 to vector<16xf32>
      %mul3A_446 = arith.mulf %mul3A_445, %broadcast_in_dim3A_417 : vector<16xf32>
      %mul3A_447 = arith.mulf %mul3A_446, %mul3A_443 : vector<16xf32>
      %mul3A_448 = arith.mulf %mul3A_447, %mul3A_443 : vector<16xf32>
      %sub3A_449 = arith.constant 1.500000e+00 : f32
      %sub3A_450 = vector.broadcast %sub3A_449 : f32 to vector<16xf32>
      %sub3A_451 = arith.subf %sub3A_450, %mul3A_448 : vector<16xf32>
      %mul3A_452 = arith.mulf %mul3A_443, %sub3A_451 : vector<16xf32>
      %reduce_sum3A_453 = arith.constant true
      %reduce_sum3A_454 = vector.broadcast %reduce_sum3A_453 : i1 to vector<16xi1>
      %reduce_sum3A_455 = tpu.scan <sum>, %parallel_loop3A_292#3 masked %reduce_sum3A_454 : vector<16xf32>, vector<16xi1> -> vector<16xf32>
      %reduce_sum3A_456 = vector.extract %reduce_sum3A_455[15] : f32 from vector<16xf32>
      %mul3A_457 = arith.constant 0.00130208337 : f32
      %mul3A_458 = arith.mulf %reduce_sum3A_456, %mul3A_457 : f32
      %reduce_sum3A_459 = arith.constant true
      %reduce_sum3A_460 = vector.broadcast %reduce_sum3A_459 : i1 to vector<16xi1>
      %reduce_sum3A_461 = tpu.scan <sum>, %parallel_loop3A_292#11 masked %reduce_sum3A_460 : vector<16xf32>, vector<16xi1> -> vector<16xf32>
      %reduce_sum3A_462 = vector.extract %reduce_sum3A_461[15] : f32 from vector<16xf32>
      %mul3A_463 = arith.constant 0.00130208337 : f32
      %mul3A_464 = arith.mulf %reduce_sum3A_462, %mul3A_463 : f32
      %mul3A_465 = arith.mulf %mul3A_458, %mul3A_458 : f32
      %sub3A_466 = arith.subf %mul3A_464, %mul3A_465 : f32
      %max3A_467 = arith.constant 0.000000e+00 : f32
      %max3A_468 = arith.maximumf %sub3A_466, %max3A_467 : f32
      %broadcast_in_dim3A_469 = vector.broadcast %mul3A_458 : f32 to vector<16xf32>
      %add3A_470 = arith.constant 9.99999996E-13 : f32
      %add3A_471 = arith.addf %max3A_468, %add3A_470 : f32
      %broadcast_in_dim3A_472 = vector.broadcast %add3A_471 : f32 to vector<16xf32>
      %bitcast3A_473 = vector.bitcast %broadcast_in_dim3A_472 : vector<16xf32> to vector<16xi32>
      %shift_right_arithmetic3A_474 = arith.constant 1 : i32
      %shift_right_arithmetic3A_475 = vector.broadcast %shift_right_arithmetic3A_474 : i32 to vector<16xi32>
      %shift_right_arithmetic3A_476 = arith.shrsi %bitcast3A_473, %shift_right_arithmetic3A_475 : vector<16xi32>
      %sub3A_477 = arith.constant 1597463007 : i32
      %sub3A_478 = vector.broadcast %sub3A_477 : i32 to vector<16xi32>
      %sub3A_479 = arith.subi %sub3A_478, %shift_right_arithmetic3A_476 : vector<16xi32>
      %bitcast3A_480 = vector.bitcast %sub3A_479 : vector<16xi32> to vector<16xf32>
      %mul3A_481 = arith.constant 5.000000e-01 : f32
      %mul3A_482 = vector.broadcast %mul3A_481 : f32 to vector<16xf32>
      %mul3A_483 = arith.mulf %mul3A_482, %broadcast_in_dim3A_472 : vector<16xf32>
      %mul3A_484 = arith.mulf %mul3A_483, %bitcast3A_480 : vector<16xf32>
      %mul3A_485 = arith.mulf %mul3A_484, %bitcast3A_480 : vector<16xf32>
      %sub3A_486 = arith.constant 1.500000e+00 : f32
      %sub3A_487 = vector.broadcast %sub3A_486 : f32 to vector<16xf32>
      %sub3A_488 = arith.subf %sub3A_487, %mul3A_485 : vector<16xf32>
      %mul3A_489 = arith.mulf %bitcast3A_480, %sub3A_488 : vector<16xf32>
      %mul3A_490 = arith.constant 5.000000e-01 : f32
      %mul3A_491 = vector.broadcast %mul3A_490 : f32 to vector<16xf32>
      %mul3A_492 = arith.mulf %mul3A_491, %broadcast_in_dim3A_472 : vector<16xf32>
      %mul3A_493 = arith.mulf %mul3A_492, %mul3A_489 : vector<16xf32>
      %mul3A_494 = arith.mulf %mul3A_493, %mul3A_489 : vector<16xf32>
      %sub3A_495 = arith.constant 1.500000e+00 : f32
      %sub3A_496 = vector.broadcast %sub3A_495 : f32 to vector<16xf32>
      %sub3A_497 = arith.subf %sub3A_496, %mul3A_494 : vector<16xf32>
      %mul3A_498 = arith.mulf %mul3A_489, %sub3A_497 : vector<16xf32>
      %mul3A_499 = arith.constant 5.000000e-01 : f32
      %mul3A_500 = vector.broadcast %mul3A_499 : f32 to vector<16xf32>
      %mul3A_501 = arith.mulf %mul3A_500, %broadcast_in_dim3A_472 : vector<16xf32>
      %mul3A_502 = arith.mulf %mul3A_501, %mul3A_498 : vector<16xf32>
      %mul3A_503 = arith.mulf %mul3A_502, %mul3A_498 : vector<16xf32>
      %sub3A_504 = arith.constant 1.500000e+00 : f32
      %sub3A_505 = vector.broadcast %sub3A_504 : f32 to vector<16xf32>
      %sub3A_506 = arith.subf %sub3A_505, %mul3A_503 : vector<16xf32>
      %mul3A_507 = arith.mulf %mul3A_498, %sub3A_506 : vector<16xf32>
      %reduce_sum3A_508 = arith.constant true
      %reduce_sum3A_509 = vector.broadcast %reduce_sum3A_508 : i1 to vector<16xi1>
      %reduce_sum3A_510 = tpu.scan <sum>, %parallel_loop3A_292#4 masked %reduce_sum3A_509 : vector<16xf32>, vector<16xi1> -> vector<16xf32>
      %reduce_sum3A_511 = vector.extract %reduce_sum3A_510[15] : f32 from vector<16xf32>
      %mul3A_512 = arith.constant 0.00130208337 : f32
      %mul3A_513 = arith.mulf %reduce_sum3A_511, %mul3A_512 : f32
      %reduce_sum3A_514 = arith.constant true
      %reduce_sum3A_515 = vector.broadcast %reduce_sum3A_514 : i1 to vector<16xi1>
      %reduce_sum3A_516 = tpu.scan <sum>, %parallel_loop3A_292#12 masked %reduce_sum3A_515 : vector<16xf32>, vector<16xi1> -> vector<16xf32>
      %reduce_sum3A_517 = vector.extract %reduce_sum3A_516[15] : f32 from vector<16xf32>
      %mul3A_518 = arith.constant 0.00130208337 : f32
      %mul3A_519 = arith.mulf %reduce_sum3A_517, %mul3A_518 : f32
      %mul3A_520 = arith.mulf %mul3A_513, %mul3A_513 : f32
      %sub3A_521 = arith.subf %mul3A_519, %mul3A_520 : f32
      %max3A_522 = arith.constant 0.000000e+00 : f32
      %max3A_523 = arith.maximumf %sub3A_521, %max3A_522 : f32
      %broadcast_in_dim3A_524 = vector.broadcast %mul3A_513 : f32 to vector<16xf32>
      %add3A_525 = arith.constant 9.99999996E-13 : f32
      %add3A_526 = arith.addf %max3A_523, %add3A_525 : f32
      %broadcast_in_dim3A_527 = vector.broadcast %add3A_526 : f32 to vector<16xf32>
      %bitcast3A_528 = vector.bitcast %broadcast_in_dim3A_527 : vector<16xf32> to vector<16xi32>
      %shift_right_arithmetic3A_529 = arith.constant 1 : i32
      %shift_right_arithmetic3A_530 = vector.broadcast %shift_right_arithmetic3A_529 : i32 to vector<16xi32>
      %shift_right_arithmetic3A_531 = arith.shrsi %bitcast3A_528, %shift_right_arithmetic3A_530 : vector<16xi32>
      %sub3A_532 = arith.constant 1597463007 : i32
      %sub3A_533 = vector.broadcast %sub3A_532 : i32 to vector<16xi32>
      %sub3A_534 = arith.subi %sub3A_533, %shift_right_arithmetic3A_531 : vector<16xi32>
      %bitcast3A_535 = vector.bitcast %sub3A_534 : vector<16xi32> to vector<16xf32>
      %mul3A_536 = arith.constant 5.000000e-01 : f32
      %mul3A_537 = vector.broadcast %mul3A_536 : f32 to vector<16xf32>
      %mul3A_538 = arith.mulf %mul3A_537, %broadcast_in_dim3A_527 : vector<16xf32>
      %mul3A_539 = arith.mulf %mul3A_538, %bitcast3A_535 : vector<16xf32>
      %mul3A_540 = arith.mulf %mul3A_539, %bitcast3A_535 : vector<16xf32>
      %sub3A_541 = arith.constant 1.500000e+00 : f32
      %sub3A_542 = vector.broadcast %sub3A_541 : f32 to vector<16xf32>
      %sub3A_543 = arith.subf %sub3A_542, %mul3A_540 : vector<16xf32>
      %mul3A_544 = arith.mulf %bitcast3A_535, %sub3A_543 : vector<16xf32>
      %mul3A_545 = arith.constant 5.000000e-01 : f32
      %mul3A_546 = vector.broadcast %mul3A_545 : f32 to vector<16xf32>
      %mul3A_547 = arith.mulf %mul3A_546, %broadcast_in_dim3A_527 : vector<16xf32>
      %mul3A_548 = arith.mulf %mul3A_547, %mul3A_544 : vector<16xf32>
      %mul3A_549 = arith.mulf %mul3A_548, %mul3A_544 : vector<16xf32>
      %sub3A_550 = arith.constant 1.500000e+00 : f32
      %sub3A_551 = vector.broadcast %sub3A_550 : f32 to vector<16xf32>
      %sub3A_552 = arith.subf %sub3A_551, %mul3A_549 : vector<16xf32>
      %mul3A_553 = arith.mulf %mul3A_544, %sub3A_552 : vector<16xf32>
      %mul3A_554 = arith.constant 5.000000e-01 : f32
      %mul3A_555 = vector.broadcast %mul3A_554 : f32 to vector<16xf32>
      %mul3A_556 = arith.mulf %mul3A_555, %broadcast_in_dim3A_527 : vector<16xf32>
      %mul3A_557 = arith.mulf %mul3A_556, %mul3A_553 : vector<16xf32>
      %mul3A_558 = arith.mulf %mul3A_557, %mul3A_553 : vector<16xf32>
      %sub3A_559 = arith.constant 1.500000e+00 : f32
      %sub3A_560 = vector.broadcast %sub3A_559 : f32 to vector<16xf32>
      %sub3A_561 = arith.subf %sub3A_560, %mul3A_558 : vector<16xf32>
      %mul3A_562 = arith.mulf %mul3A_553, %sub3A_561 : vector<16xf32>
      %reduce_sum3A_563 = arith.constant true
      %reduce_sum3A_564 = vector.broadcast %reduce_sum3A_563 : i1 to vector<16xi1>
      %reduce_sum3A_565 = tpu.scan <sum>, %parallel_loop3A_292#5 masked %reduce_sum3A_564 : vector<16xf32>, vector<16xi1> -> vector<16xf32>
      %reduce_sum3A_566 = vector.extract %reduce_sum3A_565[15] : f32 from vector<16xf32>
      %mul3A_567 = arith.constant 0.00130208337 : f32
      %mul3A_568 = arith.mulf %reduce_sum3A_566, %mul3A_567 : f32
      %reduce_sum3A_569 = arith.constant true
      %reduce_sum3A_570 = vector.broadcast %reduce_sum3A_569 : i1 to vector<16xi1>
      %reduce_sum3A_571 = tpu.scan <sum>, %parallel_loop3A_292#13 masked %reduce_sum3A_570 : vector<16xf32>, vector<16xi1> -> vector<16xf32>
      %reduce_sum3A_572 = vector.extract %reduce_sum3A_571[15] : f32 from vector<16xf32>
      %mul3A_573 = arith.constant 0.00130208337 : f32
      %mul3A_574 = arith.mulf %reduce_sum3A_572, %mul3A_573 : f32
      %mul3A_575 = arith.mulf %mul3A_568, %mul3A_568 : f32
      %sub3A_576 = arith.subf %mul3A_574, %mul3A_575 : f32
      %max3A_577 = arith.constant 0.000000e+00 : f32
      %max3A_578 = arith.maximumf %sub3A_576, %max3A_577 : f32
      %broadcast_in_dim3A_579 = vector.broadcast %mul3A_568 : f32 to vector<16xf32>
      %add3A_580 = arith.constant 9.99999996E-13 : f32
      %add3A_581 = arith.addf %max3A_578, %add3A_580 : f32
      %broadcast_in_dim3A_582 = vector.broadcast %add3A_581 : f32 to vector<16xf32>
      %bitcast3A_583 = vector.bitcast %broadcast_in_dim3A_582 : vector<16xf32> to vector<16xi32>
      %shift_right_arithmetic3A_584 = arith.constant 1 : i32
      %shift_right_arithmetic3A_585 = vector.broadcast %shift_right_arithmetic3A_584 : i32 to vector<16xi32>
      %shift_right_arithmetic3A_586 = arith.shrsi %bitcast3A_583, %shift_right_arithmetic3A_585 : vector<16xi32>
      %sub3A_587 = arith.constant 1597463007 : i32
      %sub3A_588 = vector.broadcast %sub3A_587 : i32 to vector<16xi32>
      %sub3A_589 = arith.subi %sub3A_588, %shift_right_arithmetic3A_586 : vector<16xi32>
      %bitcast3A_590 = vector.bitcast %sub3A_589 : vector<16xi32> to vector<16xf32>
      %mul3A_591 = arith.constant 5.000000e-01 : f32
      %mul3A_592 = vector.broadcast %mul3A_591 : f32 to vector<16xf32>
      %mul3A_593 = arith.mulf %mul3A_592, %broadcast_in_dim3A_582 : vector<16xf32>
      %mul3A_594 = arith.mulf %mul3A_593, %bitcast3A_590 : vector<16xf32>
      %mul3A_595 = arith.mulf %mul3A_594, %bitcast3A_590 : vector<16xf32>
      %sub3A_596 = arith.constant 1.500000e+00 : f32
      %sub3A_597 = vector.broadcast %sub3A_596 : f32 to vector<16xf32>
      %sub3A_598 = arith.subf %sub3A_597, %mul3A_595 : vector<16xf32>
      %mul3A_599 = arith.mulf %bitcast3A_590, %sub3A_598 : vector<16xf32>
      %mul3A_600 = arith.constant 5.000000e-01 : f32
      %mul3A_601 = vector.broadcast %mul3A_600 : f32 to vector<16xf32>
      %mul3A_602 = arith.mulf %mul3A_601, %broadcast_in_dim3A_582 : vector<16xf32>
      %mul3A_603 = arith.mulf %mul3A_602, %mul3A_599 : vector<16xf32>
      %mul3A_604 = arith.mulf %mul3A_603, %mul3A_599 : vector<16xf32>
      %sub3A_605 = arith.constant 1.500000e+00 : f32
      %sub3A_606 = vector.broadcast %sub3A_605 : f32 to vector<16xf32>
      %sub3A_607 = arith.subf %sub3A_606, %mul3A_604 : vector<16xf32>
      %mul3A_608 = arith.mulf %mul3A_599, %sub3A_607 : vector<16xf32>
      %mul3A_609 = arith.constant 5.000000e-01 : f32
      %mul3A_610 = vector.broadcast %mul3A_609 : f32 to vector<16xf32>
      %mul3A_611 = arith.mulf %mul3A_610, %broadcast_in_dim3A_582 : vector<16xf32>
      %mul3A_612 = arith.mulf %mul3A_611, %mul3A_608 : vector<16xf32>
      %mul3A_613 = arith.mulf %mul3A_612, %mul3A_608 : vector<16xf32>
      %sub3A_614 = arith.constant 1.500000e+00 : f32
      %sub3A_615 = vector.broadcast %sub3A_614 : f32 to vector<16xf32>
      %sub3A_616 = arith.subf %sub3A_615, %mul3A_613 : vector<16xf32>
      %mul3A_617 = arith.mulf %mul3A_608, %sub3A_616 : vector<16xf32>
      %reduce_sum3A_618 = arith.constant true
      %reduce_sum3A_619 = vector.broadcast %reduce_sum3A_618 : i1 to vector<16xi1>
      %reduce_sum3A_620 = tpu.scan <sum>, %parallel_loop3A_292#6 masked %reduce_sum3A_619 : vector<16xf32>, vector<16xi1> -> vector<16xf32>
      %reduce_sum3A_621 = vector.extract %reduce_sum3A_620[15] : f32 from vector<16xf32>
      %mul3A_622 = arith.constant 0.00130208337 : f32
      %mul3A_623 = arith.mulf %reduce_sum3A_621, %mul3A_622 : f32
      %reduce_sum3A_624 = arith.constant true
      %reduce_sum3A_625 = vector.broadcast %reduce_sum3A_624 : i1 to vector<16xi1>
      %reduce_sum3A_626 = tpu.scan <sum>, %parallel_loop3A_292#14 masked %reduce_sum3A_625 : vector<16xf32>, vector<16xi1> -> vector<16xf32>
      %reduce_sum3A_627 = vector.extract %reduce_sum3A_626[15] : f32 from vector<16xf32>
      %mul3A_628 = arith.constant 0.00130208337 : f32
      %mul3A_629 = arith.mulf %reduce_sum3A_627, %mul3A_628 : f32
      %mul3A_630 = arith.mulf %mul3A_623, %mul3A_623 : f32
      %sub3A_631 = arith.subf %mul3A_629, %mul3A_630 : f32
      %max3A_632 = arith.constant 0.000000e+00 : f32
      %max3A_633 = arith.maximumf %sub3A_631, %max3A_632 : f32
      %broadcast_in_dim3A_634 = vector.broadcast %mul3A_623 : f32 to vector<16xf32>
      %add3A_635 = arith.constant 9.99999996E-13 : f32
      %add3A_636 = arith.addf %max3A_633, %add3A_635 : f32
      %broadcast_in_dim3A_637 = vector.broadcast %add3A_636 : f32 to vector<16xf32>
      %bitcast3A_638 = vector.bitcast %broadcast_in_dim3A_637 : vector<16xf32> to vector<16xi32>
      %shift_right_arithmetic3A_639 = arith.constant 1 : i32
      %shift_right_arithmetic3A_640 = vector.broadcast %shift_right_arithmetic3A_639 : i32 to vector<16xi32>
      %shift_right_arithmetic3A_641 = arith.shrsi %bitcast3A_638, %shift_right_arithmetic3A_640 : vector<16xi32>
      %sub3A_642 = arith.constant 1597463007 : i32
      %sub3A_643 = vector.broadcast %sub3A_642 : i32 to vector<16xi32>
      %sub3A_644 = arith.subi %sub3A_643, %shift_right_arithmetic3A_641 : vector<16xi32>
      %bitcast3A_645 = vector.bitcast %sub3A_644 : vector<16xi32> to vector<16xf32>
      %mul3A_646 = arith.constant 5.000000e-01 : f32
      %mul3A_647 = vector.broadcast %mul3A_646 : f32 to vector<16xf32>
      %mul3A_648 = arith.mulf %mul3A_647, %broadcast_in_dim3A_637 : vector<16xf32>
      %mul3A_649 = arith.mulf %mul3A_648, %bitcast3A_645 : vector<16xf32>
      %mul3A_650 = arith.mulf %mul3A_649, %bitcast3A_645 : vector<16xf32>
      %sub3A_651 = arith.constant 1.500000e+00 : f32
      %sub3A_652 = vector.broadcast %sub3A_651 : f32 to vector<16xf32>
      %sub3A_653 = arith.subf %sub3A_652, %mul3A_650 : vector<16xf32>
      %mul3A_654 = arith.mulf %bitcast3A_645, %sub3A_653 : vector<16xf32>
      %mul3A_655 = arith.constant 5.000000e-01 : f32
      %mul3A_656 = vector.broadcast %mul3A_655 : f32 to vector<16xf32>
      %mul3A_657 = arith.mulf %mul3A_656, %broadcast_in_dim3A_637 : vector<16xf32>
      %mul3A_658 = arith.mulf %mul3A_657, %mul3A_654 : vector<16xf32>
      %mul3A_659 = arith.mulf %mul3A_658, %mul3A_654 : vector<16xf32>
      %sub3A_660 = arith.constant 1.500000e+00 : f32
      %sub3A_661 = vector.broadcast %sub3A_660 : f32 to vector<16xf32>
      %sub3A_662 = arith.subf %sub3A_661, %mul3A_659 : vector<16xf32>
      %mul3A_663 = arith.mulf %mul3A_654, %sub3A_662 : vector<16xf32>
      %mul3A_664 = arith.constant 5.000000e-01 : f32
      %mul3A_665 = vector.broadcast %mul3A_664 : f32 to vector<16xf32>
      %mul3A_666 = arith.mulf %mul3A_665, %broadcast_in_dim3A_637 : vector<16xf32>
      %mul3A_667 = arith.mulf %mul3A_666, %mul3A_663 : vector<16xf32>
      %mul3A_668 = arith.mulf %mul3A_667, %mul3A_663 : vector<16xf32>
      %sub3A_669 = arith.constant 1.500000e+00 : f32
      %sub3A_670 = vector.broadcast %sub3A_669 : f32 to vector<16xf32>
      %sub3A_671 = arith.subf %sub3A_670, %mul3A_668 : vector<16xf32>
      %mul3A_672 = arith.mulf %mul3A_663, %sub3A_671 : vector<16xf32>
      %reduce_sum3A_673 = arith.constant true
      %reduce_sum3A_674 = vector.broadcast %reduce_sum3A_673 : i1 to vector<16xi1>
      %reduce_sum3A_675 = tpu.scan <sum>, %parallel_loop3A_292#7 masked %reduce_sum3A_674 : vector<16xf32>, vector<16xi1> -> vector<16xf32>
      %reduce_sum3A_676 = vector.extract %reduce_sum3A_675[15] : f32 from vector<16xf32>
      %mul3A_677 = arith.constant 0.00130208337 : f32
      %mul3A_678 = arith.mulf %reduce_sum3A_676, %mul3A_677 : f32
      %reduce_sum3A_679 = arith.constant true
      %reduce_sum3A_680 = vector.broadcast %reduce_sum3A_679 : i1 to vector<16xi1>
      %reduce_sum3A_681 = tpu.scan <sum>, %parallel_loop3A_292#15 masked %reduce_sum3A_680 : vector<16xf32>, vector<16xi1> -> vector<16xf32>
      %reduce_sum3A_682 = vector.extract %reduce_sum3A_681[15] : f32 from vector<16xf32>
      %mul3A_683 = arith.constant 0.00130208337 : f32
      %mul3A_684 = arith.mulf %reduce_sum3A_682, %mul3A_683 : f32
      %mul3A_685 = arith.mulf %mul3A_678, %mul3A_678 : f32
      %sub3A_686 = arith.subf %mul3A_684, %mul3A_685 : f32
      %max3A_687 = arith.constant 0.000000e+00 : f32
      %max3A_688 = arith.maximumf %sub3A_686, %max3A_687 : f32
      %broadcast_in_dim3A_689 = vector.broadcast %mul3A_678 : f32 to vector<16xf32>
      %add3A_690 = arith.constant 9.99999996E-13 : f32
      %add3A_691 = arith.addf %max3A_688, %add3A_690 : f32
      %broadcast_in_dim3A_692 = vector.broadcast %add3A_691 : f32 to vector<16xf32>
      %bitcast3A_693 = vector.bitcast %broadcast_in_dim3A_692 : vector<16xf32> to vector<16xi32>
      %shift_right_arithmetic3A_694 = arith.constant 1 : i32
      %shift_right_arithmetic3A_695 = vector.broadcast %shift_right_arithmetic3A_694 : i32 to vector<16xi32>
      %shift_right_arithmetic3A_696 = arith.shrsi %bitcast3A_693, %shift_right_arithmetic3A_695 : vector<16xi32>
      %sub3A_697 = arith.constant 1597463007 : i32
      %sub3A_698 = vector.broadcast %sub3A_697 : i32 to vector<16xi32>
      %sub3A_699 = arith.subi %sub3A_698, %shift_right_arithmetic3A_696 : vector<16xi32>
      %bitcast3A_700 = vector.bitcast %sub3A_699 : vector<16xi32> to vector<16xf32>
      %mul3A_701 = arith.constant 5.000000e-01 : f32
      %mul3A_702 = vector.broadcast %mul3A_701 : f32 to vector<16xf32>
      %mul3A_703 = arith.mulf %mul3A_702, %broadcast_in_dim3A_692 : vector<16xf32>
      %mul3A_704 = arith.mulf %mul3A_703, %bitcast3A_700 : vector<16xf32>
      %mul3A_705 = arith.mulf %mul3A_704, %bitcast3A_700 : vector<16xf32>
      %sub3A_706 = arith.constant 1.500000e+00 : f32
      %sub3A_707 = vector.broadcast %sub3A_706 : f32 to vector<16xf32>
      %sub3A_708 = arith.subf %sub3A_707, %mul3A_705 : vector<16xf32>
      %mul3A_709 = arith.mulf %bitcast3A_700, %sub3A_708 : vector<16xf32>
      %mul3A_710 = arith.constant 5.000000e-01 : f32
      %mul3A_711 = vector.broadcast %mul3A_710 : f32 to vector<16xf32>
      %mul3A_712 = arith.mulf %mul3A_711, %broadcast_in_dim3A_692 : vector<16xf32>
      %mul3A_713 = arith.mulf %mul3A_712, %mul3A_709 : vector<16xf32>
      %mul3A_714 = arith.mulf %mul3A_713, %mul3A_709 : vector<16xf32>
      %sub3A_715 = arith.constant 1.500000e+00 : f32
      %sub3A_716 = vector.broadcast %sub3A_715 : f32 to vector<16xf32>
      %sub3A_717 = arith.subf %sub3A_716, %mul3A_714 : vector<16xf32>
      %mul3A_718 = arith.mulf %mul3A_709, %sub3A_717 : vector<16xf32>
      %mul3A_719 = arith.constant 5.000000e-01 : f32
      %mul3A_720 = vector.broadcast %mul3A_719 : f32 to vector<16xf32>
      %mul3A_721 = arith.mulf %mul3A_720, %broadcast_in_dim3A_692 : vector<16xf32>
      %mul3A_722 = arith.mulf %mul3A_721, %mul3A_718 : vector<16xf32>
      %mul3A_723 = arith.mulf %mul3A_722, %mul3A_718 : vector<16xf32>
      %sub3A_724 = arith.constant 1.500000e+00 : f32
      %sub3A_725 = vector.broadcast %sub3A_724 : f32 to vector<16xf32>
      %sub3A_726 = arith.subf %sub3A_725, %mul3A_723 : vector<16xf32>
      %mul3A_727 = arith.mulf %mul3A_718, %sub3A_726 : vector<16xf32>
      %parallel_loop3A_728 = arith.constant 0 : i32
      %parallel_loop3A_729 = arith.constant 48 : i32
      %parallel_loop3A_730 = arith.constant 1 : i32
      %parallel_loop3A_731 = arith.constant 0 : i32
      %parallel_loop3A_732 = scf.for %parallel_loop3A_733 = %parallel_loop3A_728 to %parallel_loop3A_729 step %parallel_loop3A_730 iter_args(%parallel_loop3A_734 = %parallel_loop3A_731) -> (i32)  : i32 {
        %parallel_loop3A_735 = arith.constant 16 : i32
        %parallel_loop3A_736 = arith.muli %parallel_loop3A_733, %parallel_loop3A_735 : i32
        %parallel_loop3A_737 = arith.index_cast %parallel_loop3A_736 : i32 to index
        %parallel_loop3A_738 = tpu.vector_load %arg13[%parallel_loop3A_737] {strides = array<i32>} : memref<768xf32, #tpu.memory_space<vmem>>, vector<16xf32>,
        %parallel_loop3A_739 = arith.index_cast %parallel_loop3A_736 : i32 to index
        %parallel_loop3A_740 = tpu.vector_load %arg14[%parallel_loop3A_739] {strides = array<i32>} : memref<768xf32, #tpu.memory_space<vmem>>, vector<16xf32>,
        %parallel_loop3A_741 = arith.constant 0 : i32
        %parallel_loop3A_742 = arith.addi %mul3A_218, %parallel_loop3A_741 : i32
        %parallel_loop3A_743 = arith.constant 1 : i32
        %parallel_loop3A_744 = arith.index_cast %parallel_loop3A_743 : i32 to index
        %parallel_loop3A_745 = arith.index_cast %parallel_loop3A_742 : i32 to index
        %parallel_loop3A_746 = arith.index_cast %parallel_loop3A_736 : i32 to index
        %parallel_loop3A_747 = tpu.vector_load %arg11[%parallel_loop3A_744, %parallel_loop3A_745, %parallel_loop3A_746] {strides = array<i32>} : memref<2x64x768xf32, #tpu.memory_space<vmem>>, vector<16xf32>,
        %parallel_loop3A_748 = arith.subf %parallel_loop3A_747, %broadcast_in_dim3A_306 : vector<16xf32>
        %parallel_loop3A_749 = arith.mulf %parallel_loop3A_748, %mul3A_342 : vector<16xf32>
        %parallel_loop3A_750 = arith.mulf %parallel_loop3A_749, %parallel_loop3A_738 : vector<16xf32>
        %parallel_loop3A_751 = arith.addf %parallel_loop3A_750, %parallel_loop3A_740 : vector<16xf32>
        %parallel_loop3A_752 = arith.constant 0 : i32
        %parallel_loop3A_753 = arith.addi %mul3A_218, %parallel_loop3A_752 : i32
        %parallel_loop3A_754 = arith.constant 1 : i32
        %parallel_loop3A_755 = arith.index_cast %parallel_loop3A_754 : i32 to index
        %parallel_loop3A_756 = arith.index_cast %parallel_loop3A_753 : i32 to index
        %parallel_loop3A_757 = arith.index_cast %parallel_loop3A_736 : i32 to index
        %parallel_loop3A_758 = tpu.vector_load %arg11[%parallel_loop3A_755, %parallel_loop3A_756, %parallel_loop3A_757] {strides = array<i32>} : memref<2x64x768xf32, #tpu.memory_space<vmem>>, vector<16xf32>,
        tpu.vector_store %arg11[%parallel_loop3A_755, %parallel_loop3A_756, %parallel_loop3A_757], %parallel_loop3A_751 {strides = array<i32>} : memref<2x64x768xf32, #tpu.memory_space<vmem>>, vector<16xf32>,
        %parallel_loop3A_759 = arith.constant 1 : i32
        %parallel_loop3A_760 = arith.addi %mul3A_218, %parallel_loop3A_759 : i32
        %parallel_loop3A_761 = arith.constant 1 : i32
        %parallel_loop3A_762 = arith.index_cast %parallel_loop3A_761 : i32 to index
        %parallel_loop3A_763 = arith.index_cast %parallel_loop3A_760 : i32 to index
        %parallel_loop3A_764 = arith.index_cast %parallel_loop3A_736 : i32 to index
        %parallel_loop3A_765 = tpu.vector_load %arg11[%parallel_loop3A_762, %parallel_loop3A_763, %parallel_loop3A_764] {strides = array<i32>} : memref<2x64x768xf32, #tpu.memory_space<vmem>>, vector<16xf32>,
        %parallel_loop3A_766 = arith.subf %parallel_loop3A_765, %broadcast_in_dim3A_359 : vector<16xf32>
        %parallel_loop3A_767 = arith.mulf %parallel_loop3A_766, %mul3A_397 : vector<16xf32>
        %parallel_loop3A_768 = arith.mulf %parallel_loop3A_767, %parallel_loop3A_738 : vector<16xf32>
        %parallel_loop3A_769 = arith.addf %parallel_loop3A_768, %parallel_loop3A_740 : vector<16xf32>
        %parallel_loop3A_770 = arith.constant 1 : i32
        %parallel_loop3A_771 = arith.addi %mul3A_218, %parallel_loop3A_770 : i32
        %parallel_loop3A_772 = arith.constant 1 : i32
        %parallel_loop3A_773 = arith.index_cast %parallel_loop3A_772 : i32 to index
        %parallel_loop3A_774 = arith.index_cast %parallel_loop3A_771 : i32 to index
        %parallel_loop3A_775 = arith.index_cast %parallel_loop3A_736 : i32 to index
        %parallel_loop3A_776 = tpu.vector_load %arg11[%parallel_loop3A_773, %parallel_loop3A_774, %parallel_loop3A_775] {strides = array<i32>} : memref<2x64x768xf32, #tpu.memory_space<vmem>>, vector<16xf32>,
        tpu.vector_store %arg11[%parallel_loop3A_773, %parallel_loop3A_774, %parallel_loop3A_775], %parallel_loop3A_769 {strides = array<i32>} : memref<2x64x768xf32, #tpu.memory_space<vmem>>, vector<16xf32>,
        %parallel_loop3A_777 = arith.constant 2 : i32
        %parallel_loop3A_778 = arith.addi %mul3A_218, %parallel_loop3A_777 : i32
        %parallel_loop3A_779 = arith.constant 1 : i32
        %parallel_loop3A_780 = arith.index_cast %parallel_loop3A_779 : i32 to index
        %parallel_loop3A_781 = arith.index_cast %parallel_loop3A_778 : i32 to index
        %parallel_loop3A_782 = arith.index_cast %parallel_loop3A_736 : i32 to index
        %parallel_loop3A_783 = tpu.vector_load %arg11[%parallel_loop3A_780, %parallel_loop3A_781, %parallel_loop3A_782] {strides = array<i32>} : memref<2x64x768xf32, #tpu.memory_space<vmem>>, vector<16xf32>,
        %parallel_loop3A_784 = arith.subf %parallel_loop3A_783, %broadcast_in_dim3A_414 : vector<16xf32>
        %parallel_loop3A_785 = arith.mulf %parallel_loop3A_784, %mul3A_452 : vector<16xf32>
        %parallel_loop3A_786 = arith.mulf %parallel_loop3A_785, %parallel_loop3A_738 : vector<16xf32>
        %parallel_loop3A_787 = arith.addf %parallel_loop3A_786, %parallel_loop3A_740 : vector<16xf32>
        %parallel_loop3A_788 = arith.constant 2 : i32
        %parallel_loop3A_789 = arith.addi %mul3A_218, %parallel_loop3A_788 : i32
        %parallel_loop3A_790 = arith.constant 1 : i32
        %parallel_loop3A_791 = arith.index_cast %parallel_loop3A_790 : i32 to index
        %parallel_loop3A_792 = arith.index_cast %parallel_loop3A_789 : i32 to index
        %parallel_loop3A_793 = arith.index_cast %parallel_loop3A_736 : i32 to index
        %parallel_loop3A_794 = tpu.vector_load %arg11[%parallel_loop3A_791, %parallel_loop3A_792, %parallel_loop3A_793] {strides = array<i32>} : memref<2x64x768xf32, #tpu.memory_space<vmem>>, vector<16xf32>,
        tpu.vector_store %arg11[%parallel_loop3A_791, %parallel_loop3A_792, %parallel_loop3A_793], %parallel_loop3A_787 {strides = array<i32>} : memref<2x64x768xf32, #tpu.memory_space<vmem>>, vector<16xf32>,
        %parallel_loop3A_795 = arith.constant 3 : i32
        %parallel_loop3A_796 = arith.addi %mul3A_218, %parallel_loop3A_795 : i32
        %parallel_loop3A_797 = arith.constant 1 : i32
        %parallel_loop3A_798 = arith.index_cast %parallel_loop3A_797 : i32 to index
        %parallel_loop3A_799 = arith.index_cast %parallel_loop3A_796 : i32 to index
        %parallel_loop3A_800 = arith.index_cast %parallel_loop3A_736 : i32 to index
        %parallel_loop3A_801 = tpu.vector_load %arg11[%parallel_loop3A_798, %parallel_loop3A_799, %parallel_loop3A_800] {strides = array<i32>} : memref<2x64x768xf32, #tpu.memory_space<vmem>>, vector<16xf32>,
        %parallel_loop3A_802 = arith.subf %parallel_loop3A_801, %broadcast_in_dim3A_469 : vector<16xf32>
        %parallel_loop3A_803 = arith.mulf %parallel_loop3A_802, %mul3A_507 : vector<16xf32>
        %parallel_loop3A_804 = arith.mulf %parallel_loop3A_803, %parallel_loop3A_738 : vector<16xf32>
        %parallel_loop3A_805 = arith.addf %parallel_loop3A_804, %parallel_loop3A_740 : vector<16xf32>
        %parallel_loop3A_806 = arith.constant 3 : i32
        %parallel_loop3A_807 = arith.addi %mul3A_218, %parallel_loop3A_806 : i32
        %parallel_loop3A_808 = arith.constant 1 : i32
        %parallel_loop3A_809 = arith.index_cast %parallel_loop3A_808 : i32 to index
        %parallel_loop3A_810 = arith.index_cast %parallel_loop3A_807 : i32 to index
        %parallel_loop3A_811 = arith.index_cast %parallel_loop3A_736 : i32 to index
        %parallel_loop3A_812 = tpu.vector_load %arg11[%parallel_loop3A_809, %parallel_loop3A_810, %parallel_loop3A_811] {strides = array<i32>} : memref<2x64x768xf32, #tpu.memory_space<vmem>>, vector<16xf32>,
        tpu.vector_store %arg11[%parallel_loop3A_809, %parallel_loop3A_810, %parallel_loop3A_811], %parallel_loop3A_805 {strides = array<i32>} : memref<2x64x768xf32, #tpu.memory_space<vmem>>, vector<16xf32>,
        %parallel_loop3A_813 = arith.constant 4 : i32
        %parallel_loop3A_814 = arith.addi %mul3A_218, %parallel_loop3A_813 : i32
        %parallel_loop3A_815 = arith.constant 1 : i32
        %parallel_loop3A_816 = arith.index_cast %parallel_loop3A_815 : i32 to index
        %parallel_loop3A_817 = arith.index_cast %parallel_loop3A_814 : i32 to index
        %parallel_loop3A_818 = arith.index_cast %parallel_loop3A_736 : i32 to index
        %parallel_loop3A_819 = tpu.vector_load %arg11[%parallel_loop3A_816, %parallel_loop3A_817, %parallel_loop3A_818] {strides = array<i32>} : memref<2x64x768xf32, #tpu.memory_space<vmem>>, vector<16xf32>,
        %parallel_loop3A_820 = arith.subf %parallel_loop3A_819, %broadcast_in_dim3A_524 : vector<16xf32>
        %parallel_loop3A_821 = arith.mulf %parallel_loop3A_820, %mul3A_562 : vector<16xf32>
        %parallel_loop3A_822 = arith.mulf %parallel_loop3A_821, %parallel_loop3A_738 : vector<16xf32>
        %parallel_loop3A_823 = arith.addf %parallel_loop3A_822, %parallel_loop3A_740 : vector<16xf32>
        %parallel_loop3A_824 = arith.constant 4 : i32
        %parallel_loop3A_825 = arith.addi %mul3A_218, %parallel_loop3A_824 : i32
        %parallel_loop3A_826 = arith.constant 1 : i32
        %parallel_loop3A_827 = arith.index_cast %parallel_loop3A_826 : i32 to index
        %parallel_loop3A_828 = arith.index_cast %parallel_loop3A_825 : i32 to index
        %parallel_loop3A_829 = arith.index_cast %parallel_loop3A_736 : i32 to index
        %parallel_loop3A_830 = tpu.vector_load %arg11[%parallel_loop3A_827, %parallel_loop3A_828, %parallel_loop3A_829] {strides = array<i32>} : memref<2x64x768xf32, #tpu.memory_space<vmem>>, vector<16xf32>,
        tpu.vector_store %arg11[%parallel_loop3A_827, %parallel_loop3A_828, %parallel_loop3A_829], %parallel_loop3A_823 {strides = array<i32>} : memref<2x64x768xf32, #tpu.memory_space<vmem>>, vector<16xf32>,
        %parallel_loop3A_831 = arith.constant 5 : i32
        %parallel_loop3A_832 = arith.addi %mul3A_218, %parallel_loop3A_831 : i32
        %parallel_loop3A_833 = arith.constant 1 : i32
        %parallel_loop3A_834 = arith.index_cast %parallel_loop3A_833 : i32 to index
        %parallel_loop3A_835 = arith.index_cast %parallel_loop3A_832 : i32 to index
        %parallel_loop3A_836 = arith.index_cast %parallel_loop3A_736 : i32 to index
        %parallel_loop3A_837 = tpu.vector_load %arg11[%parallel_loop3A_834, %parallel_loop3A_835, %parallel_loop3A_836] {strides = array<i32>} : memref<2x64x768xf32, #tpu.memory_space<vmem>>, vector<16xf32>,
        %parallel_loop3A_838 = arith.subf %parallel_loop3A_837, %broadcast_in_dim3A_579 : vector<16xf32>
        %parallel_loop3A_839 = arith.mulf %parallel_loop3A_838, %mul3A_617 : vector<16xf32>
        %parallel_loop3A_840 = arith.mulf %parallel_loop3A_839, %parallel_loop3A_738 : vector<16xf32>
        %parallel_loop3A_841 = arith.addf %parallel_loop3A_840, %parallel_loop3A_740 : vector<16xf32>
        %parallel_loop3A_842 = arith.constant 5 : i32
        %parallel_loop3A_843 = arith.addi %mul3A_218, %parallel_loop3A_842 : i32
        %parallel_loop3A_844 = arith.constant 1 : i32
        %parallel_loop3A_845 = arith.index_cast %parallel_loop3A_844 : i32 to index
        %parallel_loop3A_846 = arith.index_cast %parallel_loop3A_843 : i32 to index
        %parallel_loop3A_847 = arith.index_cast %parallel_loop3A_736 : i32 to index
        %parallel_loop3A_848 = tpu.vector_load %arg11[%parallel_loop3A_845, %parallel_loop3A_846, %parallel_loop3A_847] {strides = array<i32>} : memref<2x64x768xf32, #tpu.memory_space<vmem>>, vector<16xf32>,
        tpu.vector_store %arg11[%parallel_loop3A_845, %parallel_loop3A_846, %parallel_loop3A_847], %parallel_loop3A_841 {strides = array<i32>} : memref<2x64x768xf32, #tpu.memory_space<vmem>>, vector<16xf32>,
        %parallel_loop3A_849 = arith.constant 6 : i32
        %parallel_loop3A_850 = arith.addi %mul3A_218, %parallel_loop3A_849 : i32
        %parallel_loop3A_851 = arith.constant 1 : i32
        %parallel_loop3A_852 = arith.index_cast %parallel_loop3A_851 : i32 to index
        %parallel_loop3A_853 = arith.index_cast %parallel_loop3A_850 : i32 to index
        %parallel_loop3A_854 = arith.index_cast %parallel_loop3A_736 : i32 to index
        %parallel_loop3A_855 = tpu.vector_load %arg11[%parallel_loop3A_852, %parallel_loop3A_853, %parallel_loop3A_854] {strides = array<i32>} : memref<2x64x768xf32, #tpu.memory_space<vmem>>, vector<16xf32>,
        %parallel_loop3A_856 = arith.subf %parallel_loop3A_855, %broadcast_in_dim3A_634 : vector<16xf32>
        %parallel_loop3A_857 = arith.mulf %parallel_loop3A_856, %mul3A_672 : vector<16xf32>
        %parallel_loop3A_858 = arith.mulf %parallel_loop3A_857, %parallel_loop3A_738 : vector<16xf32>
        %parallel_loop3A_859 = arith.addf %parallel_loop3A_858, %parallel_loop3A_740 : vector<16xf32>
        %parallel_loop3A_860 = arith.constant 6 : i32
        %parallel_loop3A_861 = arith.addi %mul3A_218, %parallel_loop3A_860 : i32
        %parallel_loop3A_862 = arith.constant 1 : i32
        %parallel_loop3A_863 = arith.index_cast %parallel_loop3A_862 : i32 to index
        %parallel_loop3A_864 = arith.index_cast %parallel_loop3A_861 : i32 to index
        %parallel_loop3A_865 = arith.index_cast %parallel_loop3A_736 : i32 to index
        %parallel_loop3A_866 = tpu.vector_load %arg11[%parallel_loop3A_863, %parallel_loop3A_864, %parallel_loop3A_865] {strides = array<i32>} : memref<2x64x768xf32, #tpu.memory_space<vmem>>, vector<16xf32>,
        tpu.vector_store %arg11[%parallel_loop3A_863, %parallel_loop3A_864, %parallel_loop3A_865], %parallel_loop3A_859 {strides = array<i32>} : memref<2x64x768xf32, #tpu.memory_space<vmem>>, vector<16xf32>,
        %parallel_loop3A_867 = arith.constant 7 : i32
        %parallel_loop3A_868 = arith.addi %mul3A_218, %parallel_loop3A_867 : i32
        %parallel_loop3A_869 = arith.constant 1 : i32
        %parallel_loop3A_870 = arith.index_cast %parallel_loop3A_869 : i32 to index
        %parallel_loop3A_871 = arith.index_cast %parallel_loop3A_868 : i32 to index
        %parallel_loop3A_872 = arith.index_cast %parallel_loop3A_736 : i32 to index
        %parallel_loop3A_873 = tpu.vector_load %arg11[%parallel_loop3A_870, %parallel_loop3A_871, %parallel_loop3A_872] {strides = array<i32>} : memref<2x64x768xf32, #tpu.memory_space<vmem>>, vector<16xf32>,
        %parallel_loop3A_874 = arith.subf %parallel_loop3A_873, %broadcast_in_dim3A_689 : vector<16xf32>
        %parallel_loop3A_875 = arith.mulf %parallel_loop3A_874, %mul3A_727 : vector<16xf32>
        %parallel_loop3A_876 = arith.mulf %parallel_loop3A_875, %parallel_loop3A_738 : vector<16xf32>
        %parallel_loop3A_877 = arith.addf %parallel_loop3A_876, %parallel_loop3A_740 : vector<16xf32>
        %parallel_loop3A_878 = arith.constant 7 : i32
        %parallel_loop3A_879 = arith.addi %mul3A_218, %parallel_loop3A_878 : i32
        %parallel_loop3A_880 = arith.constant 1 : i32
        %parallel_loop3A_881 = arith.index_cast %parallel_loop3A_880 : i32 to index
        %parallel_loop3A_882 = arith.index_cast %parallel_loop3A_879 : i32 to index
        %parallel_loop3A_883 = arith.index_cast %parallel_loop3A_736 : i32 to index
        %parallel_loop3A_884 = tpu.vector_load %arg11[%parallel_loop3A_881, %parallel_loop3A_882, %parallel_loop3A_883] {strides = array<i32>} : memref<2x64x768xf32, #tpu.memory_space<vmem>>, vector<16xf32>,
        tpu.vector_store %arg11[%parallel_loop3A_881, %parallel_loop3A_882, %parallel_loop3A_883], %parallel_loop3A_877 {strides = array<i32>} : memref<2x64x768xf32, #tpu.memory_space<vmem>>, vector<16xf32>,
        scf.yield %parallel_loop3A_734 : i32
      } {sc.loop_unroll_factor = 2 : i64, sc.parallel_access}
    }
    %scan3A_174 = arith.constant 8 : i32
    %add3A_175 = arith.constant 192 : i32
    %add3A_176 = arith.addi %mul3A_2, %add3A_175 : i32
    %dma_start3A_177 = arith.constant 1 : i32
    %dma_start3A_178 = arith.constant 0 : i32
    %dma_start3A_179 = arith.constant 0 : i32
    %dma_start3A_180 = tpu.memref_slice %arg11[%dma_start3A_177, %dma_start3A_178, %dma_start3A_179] : memref<2x64x768xf32, #tpu.memory_space<vmem>> -> memref<1x64x768xf32, #tpu.memory_space<vmem>>
    %dma_start3A_181 = tpu.memref_squeeze %dma_start3A_180 : memref<1x64x768xf32, #tpu.memory_space<vmem>> -> memref<64x768xf32, #tpu.memory_space<vmem>>
    %dma_start3A_182 = arith.constant 0 : i32
    %dma_start3A_183 = tpu.memref_slice %arg8[%add3A_176, %dma_start3A_182] : memref<8192x768xf32, #tpu.memory_space<hbm>> -> memref<64x768xf32, #tpu.memory_space<hbm>>
    %dma_start3A_184 = arith.constant 0 : i32
    %dma_start3A_185 = tpu.memref_slice %arg8[%add3A_176, %dma_start3A_184] : memref<8192x768xf32, #tpu.memory_space<hbm>> -> memref<64x768xf32, #tpu.memory_space<hbm>>
    %dma_start3A_186 = arith.constant 0 : i32
    %dma_start3A_187 = arith.constant 0 : i32
    %dma_start3A_188 = tpu.memref_slice %arg11[%dma_start3A_177, %dma_start3A_186, %dma_start3A_187] : memref<2x64x768xf32, #tpu.memory_space<vmem>> -> memref<1x64x768xf32, #tpu.memory_space<vmem>>
    %dma_start3A_189 = tpu.memref_squeeze %dma_start3A_188 : memref<1x64x768xf32, #tpu.memory_space<vmem>> -> memref<64x768xf32, #tpu.memory_space<vmem>>
    tpu.enqueue_dma source(%dma_start3A_189 : memref<64x768xf32, #tpu.memory_space<vmem>>) target(%dma_start3A_185 : memref<64x768xf32, #tpu.memory_space<hbm>>) target_semaphore(%arg18 : memref<!tpu.dma_semaphore, #tpu.memory_space<semaphore_mem>>)
    %dma_wait3A_190 = arith.constant 0 : i32
    %dma_wait3A_191 = arith.constant 0 : i32
    %dma_wait3A_192 = arith.constant 0 : i32
    %dma_wait3A_193 = tpu.memref_slice %arg11[%dma_wait3A_190, %dma_wait3A_191, %dma_wait3A_192] : memref<2x64x768xf32, #tpu.memory_space<vmem>> -> memref<1x64x768xf32, #tpu.memory_space<vmem>>
    %dma_wait3A_194 = tpu.memref_squeeze %dma_wait3A_193 : memref<1x64x768xf32, #tpu.memory_space<vmem>> -> memref<64x768xf32, #tpu.memory_space<vmem>>
    %dma_wait3A_195 = arith.constant 0 : i32
    %dma_wait3A_196 = tpu.memref_slice %arg8[%add3A_145, %dma_wait3A_195] : memref<8192x768xf32, #tpu.memory_space<hbm>> -> memref<64x768xf32, #tpu.memory_space<hbm>>
    %dma_wait3A_197 = arith.constant 0 : i32
    %dma_wait3A_198 = tpu.memref_slice %arg8[%add3A_145, %dma_wait3A_197] : memref<8192x768xf32, #tpu.memory_space<hbm>> -> memref<64x768xf32, #tpu.memory_space<hbm>>
    %dma_wait3A_199 = arith.constant 0 : i32
    %dma_wait3A_200 = arith.constant 0 : i32
    %dma_wait3A_201 = tpu.memref_slice %arg11[%dma_wait3A_190, %dma_wait3A_199, %dma_wait3A_200] : memref<2x64x768xf32, #tpu.memory_space<vmem>> -> memref<1x64x768xf32, #tpu.memory_space<vmem>>
    %dma_wait3A_202 = tpu.memref_squeeze %dma_wait3A_201 : memref<1x64x768xf32, #tpu.memory_space<vmem>> -> memref<64x768xf32, #tpu.memory_space<vmem>>
    tpu.wait_dma2 semaphore(%arg17 : memref<!tpu.dma_semaphore, #tpu.memory_space<semaphore_mem>>) src(%dma_wait3A_202 : memref<64x768xf32, #tpu.memory_space<vmem>>) dst(%dma_wait3A_198 : memref<64x768xf32, #tpu.memory_space<hbm>>)
    %dma_wait3A_203 = arith.constant 1 : i32
    %dma_wait3A_204 = arith.constant 0 : i32
    %dma_wait3A_205 = arith.constant 0 : i32
    %dma_wait3A_206 = tpu.memref_slice %arg11[%dma_wait3A_203, %dma_wait3A_204, %dma_wait3A_205] : memref<2x64x768xf32, #tpu.memory_space<vmem>> -> memref<1x64x768xf32, #tpu.memory_space<vmem>>
    %dma_wait3A_207 = tpu.memref_squeeze %dma_wait3A_206 : memref<1x64x768xf32, #tpu.memory_space<vmem>> -> memref<64x768xf32, #tpu.memory_space<vmem>>
    %dma_wait3A_208 = arith.constant 0 : i32
    %dma_wait3A_209 = tpu.memref_slice %arg8[%add3A_176, %dma_wait3A_208] : memref<8192x768xf32, #tpu.memory_space<hbm>> -> memref<64x768xf32, #tpu.memory_space<hbm>>
    %dma_wait3A_210 = arith.constant 0 : i32
    %dma_wait3A_211 = tpu.memref_slice %arg8[%add3A_176, %dma_wait3A_210] : memref<8192x768xf32, #tpu.memory_space<hbm>> -> memref<64x768xf32, #tpu.memory_space<hbm>>
    %dma_wait3A_212 = arith.constant 0 : i32
    %dma_wait3A_213 = arith.constant 0 : i32
    %dma_wait3A_214 = tpu.memref_slice %arg11[%dma_wait3A_203, %dma_wait3A_212, %dma_wait3A_213] : memref<2x64x768xf32, #tpu.memory_space<vmem>> -> memref<1x64x768xf32, #tpu.memory_space<vmem>>
    %dma_wait3A_215 = tpu.memref_squeeze %dma_wait3A_214 : memref<1x64x768xf32, #tpu.memory_space<vmem>> -> memref<64x768xf32, #tpu.memory_space<vmem>>
    tpu.wait_dma2 semaphore(%arg18 : memref<!tpu.dma_semaphore, #tpu.memory_space<semaphore_mem>>) src(%dma_wait3A_215 : memref<64x768xf32, #tpu.memory_space<vmem>>) dst(%dma_wait3A_211 : memref<64x768xf32, #tpu.memory_space<hbm>>)
    return
  }
}

</mosaic_0001>

<sc_bundles>
// kernel: kernel.3.cloned.1.call-start
scs
__scs_entry_jumppad:
0x0: {  	(pc) =	sbr.rel $0x88, $3  }
0x1: {  	(tag) =	ssettag $0x0;
	lr =	simm.s32 $0x1  }
0x2: {  	[smem:$0x3F9B] =	sst lr;
	_ =	strace $0xD0000000  }
0x3: {  	_ = 	snop  }
0x4: {  	_ = 	snop  }
0x5: {  	_ = 	snop  }
0x6: {  	_ = 	snop  }
0x7: {  	_ = 	snop  }
__scs_overlays_trampoline_lowered:
0x8: {  	[smem:$0x3FAA] =	sst s0  }
0x9: {  	[smem:$0x3FAB] =	sst s1  }
0xa: {  	[smem:$0x3FAC] =	sst s2  }
0xb: {  	[smem:$0x3FAD] =	sst s3  }
0xc: {  	[smem:$0x3FAE] =	sst s4  }
0xd: {  	[smem:$0x3FAF] =	sst s5  }
0xe: {  	[smem:$0x3FB0] =	sst s6  }
0xf: {  	[smem:$0x3FB1] =	sst s7  }
0x10: {  	[smem:$0x3FB2] =	sst s8  }
0x11: {  	[smem:$0x3FB3] =	sst s9;
	s0 =	simm.s32 @!p0 $0x0  }
0x12: {  	s1 =	sld [smem:$0x3F99];
	s0 =	simm.s32 @p0 $0x1  }
0x13: {  	[smem:$0x3FB4] =	sst s0;
	s0 =	simm.s32 @!p1 $0x0  }
0x14: {  	s2 =	sld [smem:$0x3F98];
	s0 =	simm.s32 @p1 $0x1  }
0x15: {  	[smem:$0x3FB5] =	sst s0;
	s0 =	simm.s32 @!p2 $0x0  }
0x16: {  	s3 =	sld [smem:$0x3FDB];
	s0 =	simm.s32 @p2 $0x1  }
0x17: {  	s4 =	simm.s32 $0x1BF5;
	[smem:$0x3FB7] =	sst s0  }
0x18: {  	s0 =	sld [smem:$0x3F9A];
	_ =	swait.ge [sflag:s4], $0x0  }
0x19: {  	s7 =	sld [smem:$0x3F9B]  }
0x1a: {  	s8 =	sadd.s32 $0xFFFFE003, lr  }
0x1b: {  	s9 =	sadd.s32 $0xFFFFFEF7, lr;
	s5 =	simm.s32 $0xFFFFFFFF;
	p2 =	slt.u32 s8, $0xFFFFF086  }
0x1c: {  	p1 =	slt.u32 s9, $0xF7A;
	s5 =	simm.s32 @!p2 $0x0  }
0x1d: {  	s5 =	simm.s32 @p1 $0x1;
	p0 =	seq.s32 s7, s2  }
0x1e: {  	s7 =	smul.u32 @!p0 $0xF7A, s2;
	p2 =	seq.s32 @!p0 s5, $0x0  }
0x1f: {  	s9 =	smul.u32 $0xF7A, s1;
	s8 =	simm.s32 @!p0 $0x1BF5;
	p2 =	por !p2, p0  }
0x20: {  	[sflag:s8] =	ssyncset.s32 @!p0 $0xFFFFF086;
	s6 =	sadd.s32 @!p0 s3, s7;
	s7 =	simm.s32 @!p0 $0x108  }
0x21: {  	s3 =	sadd.s32 s3, s9;
	s6 =	sadd.s32 @!p0 $0x88, s6;
	s7 =	simm.s32 @p2 $0x1082  }
0x22: {  	[simem:s7], [sflag:s8] =	dma.local @!p0 [hbm:s6], $0xF7A  }
0x23: {  	s9 =	sor.u32 $0xD0000000, s2;
	s6 =	simm.s32 $0x108;
	_ =	swait.ge @!p0 [sflag:s8], $0x0  }
0x24: {  	s3 =	sadd.s32 $0x88, s3;
	s6 =	simm.s32 @!p1 $0x1082;
	[sflag:s4] =	ssyncset.s32 $0xFFFFF086  }
0x25: {  	[simem:s6], [sflag:s4] =	dma.local [hbm:s3], $0xF7A  }
0x26: {  	[smem:$0x3F9B] =	sst s1;
	(tag) =	ssettag s2;
	_ =	strace s9  }
0x27: {  	s1 =	sld [smem:$0x3FAB]  }
0x28: {  	s2 =	sld [smem:$0x3FAC]  }
0x29: {  	s4 =	sld [smem:$0x3FAE]  }
0x2a: {  	p0 =	seq.s32 s5, $0x0;
	s5 =	sld [smem:$0x3FAF]  }
0x2b: {  	s6 =	sld [smem:$0x3FB0]  }
0x2c: {  	s7 =	sld [smem:$0x3FB1]  }
0x2d: {  	s3 =	simm.s32 $0x108;
	s8 =	sld [smem:$0x3FB2]  }
0x2e: {  	s3 =	simm.s32 @!p0 $0x1082;
	s9 =	sld [smem:$0x3FB3]  }
0x2f: {  	lr =	sadd.s32 s0, s3;
	s0 =	sld [smem:$0x3FAA]  }
0x30: {  	s3 =	sld [smem:$0x3FAD]  }
0x31: {  	[smem:$0x3FB6] =	sst s10  }
0x32: {  	s10 =	sld [smem:$0x3FB4];
	_ =	sdelay $0x3  }
0x33: {  	p0 =	seq.s32 s10, $0x1;
	s10 =	sld [smem:$0x3FB6];
	_ =	sdelay $0x3  }
0x34: {  	[smem:$0x3FB6] =	sst s10  }
0x35: {  	s10 =	sld [smem:$0x3FB5];
	_ =	sdelay $0x3  }
0x36: {  	p1 =	seq.s32 s10, $0x1;
	s10 =	sld [smem:$0x3FB6];
	_ =	sdelay $0x3  }
0x37: {  	[smem:$0x3FB6] =	sst s10  }
0x38: {  	s10 =	sld [smem:$0x3FB7]  }
0x39: {  	_ = 	snop;
	(pc) =	sbr.ind lr, $3  }
0x3a: {  	_ = 	snop  }
0x3b: {  	_ = 	snop  }
0x3c: {  	p2 =	seq.s32 s10, $0x1;
	s10 =	sld [smem:$0x3FB6]  }
0x3d: {  	_ =	shalt  }
0x3e: {  	_ =	shalt  }
0x3f: {  	_ =	shalt  }
0x40: {  	_ =	shalt  }
0x41: {  	_ =	shalt  }
0x42: {  	_ =	shalt  }
0x43: {  	_ =	shalt  }
0x44: {  	_ =	shalt  }
0x45: {  	_ =	shalt  }
0x46: {  	_ =	shalt  }
0x47: {  	_ =	shalt  }
0x48: {  	_ =	shalt  }
0x49: {  	_ =	shalt  }
0x4a: {  	_ =	shalt  }
0x4b: {  	_ =	shalt  }
0x4c: {  	_ =	shalt  }
0x4d: {  	_ =	shalt  }
0x4e: {  	_ =	shalt  }
0x4f: {  	_ =	shalt  }
0x50: {  	_ =	shalt  }
0x51: {  	_ =	shalt  }
0x52: {  	_ =	shalt  }
0x53: {  	_ =	shalt  }
0x54: {  	_ =	shalt  }
0x55: {  	_ =	shalt  }
0x56: {  	_ =	shalt  }
0x57: {  	_ =	shalt  }
0x58: {  	_ =	shalt  }
0x59: {  	_ =	shalt  }
0x5a: {  	_ =	shalt  }
0x5b: {  	_ =	shalt  }
0x5c: {  	_ =	shalt  }
0x5d: {  	_ =	shalt  }
0x5e: {  	_ =	shalt  }
0x5f: {  	_ =	shalt  }
0x60: {  	_ =	shalt  }
0x61: {  	_ =	shalt  }
0x62: {  	_ =	shalt  }
0x63: {  	_ =	shalt  }
0x64: {  	_ =	shalt  }
0x65: {  	_ =	shalt  }
0x66: {  	_ =	shalt  }
0x67: {  	_ =	shalt  }
0x68: {  	_ =	shalt  }
0x69: {  	_ =	shalt  }
0x6a: {  	_ =	shalt  }
0x6b: {  	_ =	shalt  }
0x6c: {  	_ =	shalt  }
0x6d: {  	_ =	shalt  }
0x6e: {  	_ =	shalt  }
0x6f: {  	_ =	shalt  }
0x70: {  	_ =	shalt  }
0x71: {  	_ =	shalt  }
0x72: {  	_ =	shalt  }
0x73: {  	_ =	shalt  }
0x74: {  	_ =	shalt  }
0x75: {  	_ =	shalt  }
0x76: {  	_ =	shalt  }
0x77: {  	_ =	shalt  }
0x78: {  	_ =	shalt  }
0x79: {  	_ =	shalt  }
0x7a: {  	_ =	shalt  }
0x7b: {  	_ =	shalt  }
0x7c: {  	_ =	shalt  }
0x7d: {  	_ =	shalt  }
0x7e: {  	_ =	shalt  }
0x7f: {  	_ =	shalt  }
0x80: {  	_ =	shalt  }
0x81: {  	_ =	shalt  }
0x82: {  	_ =	shalt  }
0x83: {  	_ =	shalt  }
0x84: {  	_ =	shalt  }
0x85: {  	_ =	shalt  }
0x86: {  	_ =	shalt  }
0x87: {  	_ =	shalt  }
.Lfunc_end0:
.L_simem_size_0:
called_computation_lowered:
.L_overlay_start_0:
0x88: {  	s2 =	sld [smem:$0x3FD9]  }
0x89: {  	s3 =	sld [smem:$0x3FFE];
	_ =	sdelay $0x1  }
0x8a: {  	s1 =	srdreg.scid  }
0x8b: {  	s0 =	sand.u32 $0x1, s1  }
0x8c: {  	s17 =	sshll.u32 s0, $0xA;
	s2 =	sadd.s32 s3, s2  }
0x8d: {  	s2 =	sadd.s32 s2, s17  }
0x8e: {  	[smem:$0x3FC2] =	sst s2  }
0x8f: {  	_ = 	snop  }
0x90: {  	s2 =	sld [smem:$0x3FC7]  }
0x91: {  	s18 =	sld [smem:$0x3FC6]  }
0x92: {  	s4 =	sld [smem:$0x3FC5]  }
0x93: {  	s5 =	sld [smem:$0x3FC4]  }
0x94: {  	s6 =	sld [smem:$0x3FD0];
	(tm) =	ssettm $0x1  }
0x95: {  	s7 =	sld [smem:$0x3FFB];
	_ =	sdelay $0x3  }
0x96: {  	_ =	strace s7  }
0x97: {  	s7 =	sld [smem:$0x3FFC];
	_ =	sdelay $0x3  }
0x98: {  	_ =	strace s7  }
0x99: {  	s7 =	sld [smem:$0x3FFD];
	_ =	sdelay $0x3  }
0x9a: {  	_ =	strace s7  }
0x9b: {  	_ =	strace $0x8FFFFFFF  }
0x9c: {  	s19 =	sld [smem:$0x3FDB];
	_ =	sdelay $0x1  }
0x9d: {  	s8 =	simm.s32 $_scs_section_size  }
0x9e: {  	s9 =	simm.s32 $_size__tile_overlayer_lowered;
	s10 =	simm.s32 $_tile_overlayer_lowered  }
0x9f: {  	s22 =	simm.s32 $0x1BFF;
	s21 =	sshll.u32 s10, $0x1;
	s7 =	sadd.s32 s8, s19  }
0xa0: {  	s11 =	simm.s32 $0x0;
	s20 =	sshll.u32 s9, $0x1;
	s9 =	sadd.s32 s21, s7  }
0xa1: {  	[timem:s11], [sflag:s22] =	dma.local [hbm:s9], s20  }
0xa2: {  	_ =	swait.ge [sflag:s22], s20  }
0xa3: {  	s8 =	ssub.s32 $0x0, s20;
	[sflag:s22] =	ssyncset.done $0x0  }
0xa4: {  	[sflag:s22] =	ssyncadd.s32 s8;
	_ =	sdelay $0x1  }
0xa5: {  	s23 =	simm.s32 $0x1B8B  }
0xa6: {  	_ =	swait.ge [sflag:s23], $0x1  }
0xa7: {  	[sflag:s23] =	ssyncset.done $0x0  }
0xa8: {  	s25 =	simm.s32 $0x1B8E;
	s24 =	sld [smem:$0x3FFE];
	[sflag:s23] =	ssyncadd.s32 $0xFFFFFFFF  }
0xa9: {  	s26 =	simm.s32 $execute0_lowered;
	[smem:$0x3FD2] =	sst s25  }
0xaa: {  	s9 =	sshll.u32 s26, $0x1;
	_ =	strace $0x80000046;
	[dreg:$0x1] =	wrdreg $0xFFFFFFFF  }
0xab: {  	s28 =	simm.s32 $_size_execute0_lowered;
	s7 =	sadd.s32 s7, s9;
	[dreg:$0x0] =	wrdreg $0x0  }
0xac: {  	s9 =	sshll.u32 s28, $0x1;
	[dreg:$0x2] =	wrdreg s7  }
0xad: {  	[dreg:$0x3] =	wrdreg s9  }
0xae: {  	[dreg:$0x4] =	wrdreg $0xC0  }
0xaf: {  	_ =	task [dreg:s11], $0x5FFFF  }
0xb0: {  	[dreg:$0x1] =	wrdreg $0xFFFFFFFF  }
0xb1: {  	[dreg:$0x0] =	wrdreg $0x60  }
0xb2: {  	[dreg:$0x2] =	wrdreg s24  }
0xb3: {  	[dreg:$0x3] =	wrdreg s2  }
0xb4: {  	[dreg:$0x4] =	wrdreg s18  }
0xb5: {  	[dreg:$0x5] =	wrdreg s4  }
0xb6: {  	[dreg:$0x6] =	wrdreg s5  }
0xb7: {  	[dreg:$0x7] =	wrdreg s6  }
0xb8: {  	[dreg:$0x8] =	wrdreg $0x9  }
0xb9: {  	_ =	task.clear_ibuf [dreg:s11], $0x9FFFF;
	_ =	strace $0x90000046  }
0xba: {  	s29 =	simm.s32 $0x9;
	_ =	strace $0x80000048  }
0xbb: {  	_ =	swait.ge [sflag:s29], $0x1  }
0xbc: {  	[sflag:s29] =	ssyncadd.s32 $0xFFFFFFFF  }
0xbd: {  	_ =	strace $0x90000048  }
0xbe: {  	_ =	sfence  }
0xbf: {  	s30 =	sld [smem:$0x0];
	_ =	sdelay $0x2  }
0xc0: {  	s31 =	sshll.u32 s1, $0xD;
	s1 =	sshrl.u32 s1, $0x2  }
0xc1: {  	s3 =	sand.u32 $0x4000, s31;
	s1 =	sadd.s32 s1, s30  }
0xc2: {  	s0 =	sor.u32 s3, s0;
	s1 =	sshll.u32 s1, $0x11  }
0xc3: {  	s0 =	sor.u32 s1, s0  }
0xc4: {  	s0 =	sadd.s32 $0x8F2B, s0  }
0xc5: {  	[sflag:s0] =	ssyncadd.remote.s32 $0x1  }
0xc6: {  	_ =	sfence.sel $0xFFFF  }
0xc7: {  	[dreg:$0x0] =	wrdreg $0xFFFFFFFF;
	(pc) =	sbr.abs _section_cstart, $3  }
0xc8: {  	[dreg:$0x1] =	wrdreg $0xFFFFFFFF  }
0xc9: {  	_ =	task.clear_ibuf [dreg:s11], $0x2FFFF;
	_ =	strace $0x9FFFFFFF  }
0xca: {  	(tm) =	ssettm $0x7FFFFFFF  }
0xcb: {  	_ =	shalt  }
tec
execute0_lowered:
.L_overlay_start_1:
0x0: {  	(tag) =	ssettag $0x1  }
0x1: {  	s0 =	rddreg [dreg:$0x0]  }
0x2: {  	s1 =	rddreg [dreg:$0x1]  }
0x3: {  	s2 =	rddreg [dreg:$0x5]  }
0x4: {  	s3 =	srdreg.scid;
	s4 =	stileid.u32  }
0x5: {  	s6 =	simm.s32 $0x0;
	s17 =	simm.s32 $0x5;
	s20 =	simm.s32 $0x100  }
0x6: {  	s16 =	simm.s32 $0x200;
	s18 =	simm.s32 $0x3;
	s3 =	sand.u32 $0x1, s3  }
0x7: {  	s19 =	simm.s32 $0x2;
	s4 =	sshll.u32 s4, $0x6;
	s5 =	sshll.u32 s3, $0x5  }
0x8: {  	[smem:$0x7FF] =	sst s6;
	s3 =	ssub.s32 $0x2, s3;
	s4 =	sor.u32 s5, s4  }
0x9: {  	_ =	strace $0x80000047;
	s25 =	sshrl.u32 s3, $0x1;
	s0 =	sadd.s32 s4, s0  }
0xa: {  	s7 =	smul.u32 $0x1800, s4;
	s3 =	ssub.s32 s3, s25;
	s26 =	sadd.s32 $0x800, s0  }
0xb: {  	s4 =	smul.u32 $0x300, s4;
	s0 =	sadd.s32 $0x400, s0;
	[dreg:$0x7] =	wrdreg s26  }
0xc: {  	s22 =	simm.s32 $0x4;
	s31 =	smax.u32 s3, $0x1;
	[dreg:$0x8] =	wrdreg s0  }
0xd: {  	s28 =	sshrl.u32 s7, $0x3;
	s4 =	sadd.s32 s2, s4;
	[dreg:$0xd] =	wrdreg s31  }
0xe: {  	s0 =	sadd.s32 s2, s28;
	[dreg:$0x9] =	wrdreg s4;
	s29 =	sadd.s32 $0x1800, s4  }
0xf: {  	v2 =	vlaneseq.u32;
	s23 =	simm.s32 $0x0;
	[dreg:$0xa] =	wrdreg s29;
	s30 =	sadd.s32 $0x3000, s0  }
0x10: {  	vm0 =	vmmov $0xffff;
	s9 =	sadd.s32 $0x100, s1;
	v1 =	vshrl.u32 v2, $0x3;
	s0 =	sadd.s32 $0x4800, s0;
	[dreg:$0xb] =	wrdreg s30  }
0x11: {  	s11 =	sadd.s32 $0x200, s1;
	v0 =	vand.u32 $0x7, v2;
	v2 =	vor.u32 $0x8, v2;
	v1 =	vmul.u32 $0x8, v1;
	s3 =	simm.s32 $0xC200;
	[dreg:$0xc] =	wrdreg s0  }
.LBB2_1:
0x12: {  	s0 =	rddreg [dreg:$0x2];
	s2 =	simm.s32 $0x18200  }
0x13: {  	[tilespmem:s2], [sflag:$0x5] =	stream.linear.gather [hbm4b:s0+s6], $0x600, $0x38;
	[tilespmem:$0x18E00] =	vst v63  }
0x14: {  	_ =	swait.ge [sflag:s17], $0x600  }
0x15: {  	[sflag:s17] =	ssyncset.done $0x0  }
0x16: {  	[sflag:s17] =	ssyncadd.s32 $0xFFFFFA00  }
0x17: {  	s10 =	simm.s32 $0x18800;
	s8 =	rddreg [dreg:$0x3]  }
0x18: {  	[tilespmem:s10], [sflag:$0x5] =	stream.linear.gather [hbm4b:s8+s6], $0x300, $0x38;
	[tilespmem:$0x18E00] =	vst v63  }
0x19: {  	_ =	swait.ge [sflag:s17], $0x300  }
0x1a: {  	[sflag:s17] =	ssyncset.done $0x0  }
0x1b: {  	[sflag:s17] =	ssyncadd.s32 $0xFFFFFD00  }
0x1c: {  	s13 =	simm.s32 $0x18B00;
	s12 =	rddreg [dreg:$0x4]  }
0x1d: {  	[tilespmem:s13], [sflag:$0x5] =	stream.linear.gather [hbm4b:s12+s6], $0x300, $0x38;
	[tilespmem:$0x18E00] =	vst v63  }
0x1e: {  	_ =	swait.ge [sflag:s17], $0x300  }
0x1f: {  	[sflag:s17] =	ssyncset.done $0x0  }
0x20: {  	s14 =	rddreg [dreg:$0x7];
	[sflag:s17] =	ssyncadd.s32 $0xFFFFFD00  }
0x21: {  	[tilespmem:s20], [sflag:$0x5] =	stream.linear.gather [hbm4b:s14+s6], $0x100, $0x38;
	[tilespmem:$0x18E00] =	vst v63  }
0x22: {  	_ =	swait.ge [sflag:s17], $0x100  }
0x23: {  	[sflag:s17] =	ssyncset.done $0x0  }
0x24: {  	s15 =	rddreg [dreg:$0x8];
	[sflag:s17] =	ssyncadd.s32 $0xFFFFFF00  }
0x25: {  	[tilespmem:s6], [sflag:$0x5] =	stream.linear.gather [hbm4b:s15+s6], $0x100, $0x38;
	[tilespmem:$0x18E00] =	vst v63  }
0x26: {  	_ =	swait.ge [sflag:s17], $0x100  }
0x27: {  	[sflag:s17] =	ssyncset.done $0x0  }
0x28: {  	[sflag:s17] =	ssyncadd.s32 $0xFFFFFF00  }
0x29: {  	v3 =	vld [tilespmem:$0x0];
	_ =	sdelay $0x4  }
0x2a: {  	v4 =	vshrl.u32 v3, $0x3  }
0x2b: {  	v4 =	vmul.u32 $0x30, v4  }
0x2c: {  	v3 =	vand.u32 $0x7, v3  }
0x2d: {  	v3 =	vor.u32 v3, v4  }
0x2e: {  	v4 =	vperm.xlane v3, v0;
	_ =	sdelay $0x1  }
0x2f: {  	v4 =	vadd.s32 v1, v4;
	_ =	sdelay $0x3  }
0x30: {  	v3 =	vperm.xlane v3, v2  }
0x31: {  	[tilespmem:s16], [sflag:$0x1] =	stream.indirect_vreg.gather [hbm4b:s1+s6], $0x80, v4, vm0, $0xb8;
	[tilespmem:$0x18E00] =	vst v63  }
0x32: {  	s21 =	simm.s32 $0xA00;
	v3 =	vadd.s32 v1, v3  }
0x33: {  	[tilespmem:s21], [sflag:$0x1] =	stream.indirect_vreg.gather [hbm4b:s9+s6], $0x80, v4, vm0, $0xb8;
	[tilespmem:$0x18E00] =	vst v63  }
0x34: {  	s24 =	simm.s32 $0x1200  }
0x35: {  	[tilespmem:s24], [sflag:$0x1] =	stream.indirect_vreg.gather [hbm4b:s11+s6], $0x80, v4, vm0, $0xb8;
	[tilespmem:$0x18E00] =	vst v63  }
0x36: {  	s25 =	simm.s32 $0x1A00  }
0x37: {  	[tilespmem:s25], [sflag:$0x1] =	stream.indirect_vreg.gather [hbm4b:s1+s6], $0x80, v3, vm0, $0xb8;
	[tilespmem:$0x18E00] =	vst v63  }
0x38: {  	s26 =	simm.s32 $0x2200  }
0x39: {  	[tilespmem:s26], [sflag:$0x1] =	stream.indirect_vreg.gather [hbm4b:s9+s6], $0x80, v3, vm0, $0xb8;
	[tilespmem:$0x18E00] =	vst v63  }
0x3a: {  	s28 =	simm.s32 $0x2A00  }
0x3b: {  	[tilespmem:s28], [sflag:$0x1] =	stream.indirect_vreg.gather [hbm4b:s11+s6], $0x80, v3, vm0, $0xb8;
	[tilespmem:$0x18E00] =	vst v63  }
0x3c: {  	v3 =	vld [tilespmem:$0x10];
	_ =	sdelay $0x4  }
0x3d: {  	v57 =	vshrl.u32 v3, $0x3  }
0x3e: {  	v4 =	vmul.u32 $0x30, v57  }
0x3f: {  	v3 =	vand.u32 $0x7, v3  }
0x40: {  	v3 =	vor.u32 v3, v4  }
0x41: {  	v4 =	vperm.xlane v3, v0;
	_ =	sdelay $0x1  }
0x42: {  	v4 =	vadd.s32 v1, v4;
	_ =	sdelay $0x3  }
0x43: {  	s29 =	simm.s32 $0x3200;
	v3 =	vperm.xlane v3, v2  }
0x44: {  	[tilespmem:s29], [sflag:$0x1] =	stream.indirect_vreg.gather [hbm4b:s1+s6], $0x80, v4, vm0, $0xb8;
	[tilespmem:$0x18E00] =	vst v63  }
0x45: {  	s30 =	simm.s32 $0x3A00;
	v3 =	vadd.s32 v1, v3  }
0x46: {  	[tilespmem:s30], [sflag:$0x1] =	stream.indirect_vreg.gather [hbm4b:s9+s6], $0x80, v4, vm0, $0xb8;
	[tilespmem:$0x18E00] =	vst v63  }
0x47: {  	s31 =	simm.s32 $0x4200  }
0x48: {  	[tilespmem:s31], [sflag:$0x1] =	stream.indirect_vreg.gather [hbm4b:s11+s6], $0x80, v4, vm0, $0xb8;
	[tilespmem:$0x18E00] =	vst v63  }
0x49: {  	s2 =	simm.s32 $0x4A00  }
0x4a: {  	[tilespmem:s2], [sflag:$0x1] =	stream.indirect_vreg.gather [hbm4b:s1+s6], $0x80, v3, vm0, $0xb8;
	[tilespmem:$0x18E00] =	vst v63  }
0x4b: {  	s4 =	simm.s32 $0x5200  }
0x4c: {  	[tilespmem:s4], [sflag:$0x1] =	stream.indirect_vreg.gather [hbm4b:s9+s6], $0x80, v3, vm0, $0xb8;
	[tilespmem:$0x18E00] =	vst v63  }
0x4d: {  	s5 =	simm.s32 $0x5A00  }
0x4e: {  	[tilespmem:s5], [sflag:$0x1] =	stream.indirect_vreg.gather [hbm4b:s11+s6], $0x80, v3, vm0, $0xb8;
	[tilespmem:$0x18E00] =	vst v63  }
0x4f: {  	v3 =	vld [tilespmem:$0x20];
	_ =	sdelay $0x4  }
0x50: {  	v58 =	vshrl.u32 v3, $0x3  }
0x51: {  	v4 =	vmul.u32 $0x30, v58  }
0x52: {  	v3 =	vand.u32 $0x7, v3  }
0x53: {  	v3 =	vor.u32 v3, v4  }
0x54: {  	v4 =	vperm.xlane v3, v0;
	_ =	sdelay $0x1  }
0x55: {  	v4 =	vadd.s32 v1, v4;
	_ =	sdelay $0x3  }
0x56: {  	s7 =	simm.s32 $0x6200;
	v3 =	vperm.xlane v3, v2  }
0x57: {  	[tilespmem:s7], [sflag:$0x1] =	stream.indirect_vreg.gather [hbm4b:s1+s6], $0x80, v4, vm0, $0xb8;
	[tilespmem:$0x18E00] =	vst v63  }
0x58: {  	s8 =	simm.s32 $0x6A00;
	v3 =	vadd.s32 v1, v3  }
0x59: {  	[tilespmem:s8], [sflag:$0x1] =	stream.indirect_vreg.gather [hbm4b:s9+s6], $0x80, v4, vm0, $0xb8;
	[tilespmem:$0x18E00] =	vst v63  }
0x5a: {  	s10 =	simm.s32 $0x7200  }
0x5b: {  	[tilespmem:s10], [sflag:$0x1] =	stream.indirect_vreg.gather [hbm4b:s11+s6], $0x80, v4, vm0, $0xb8;
	[tilespmem:$0x18E00] =	vst v63  }
0x5c: {  	s12 =	simm.s32 $0x7A00  }
0x5d: {  	[tilespmem:s12], [sflag:$0x1] =	stream.indirect_vreg.gather [hbm4b:s1+s6], $0x80, v3, vm0, $0xb8;
	[tilespmem:$0x18E00] =	vst v63  }
0x5e: {  	s13 =	simm.s32 $0x8200  }
0x5f: {  	[tilespmem:s13], [sflag:$0x1] =	stream.indirect_vreg.gather [hbm4b:s9+s6], $0x80, v3, vm0, $0xb8;
	[tilespmem:$0x18E00] =	vst v63  }
0x60: {  	s14 =	simm.s32 $0x8A00  }
0x61: {  	[tilespmem:s14], [sflag:$0x1] =	stream.indirect_vreg.gather [hbm4b:s11+s6], $0x80, v3, vm0, $0xb8;
	[tilespmem:$0x18E00] =	vst v63  }
0x62: {  	v3 =	vld [tilespmem:$0x30];
	_ =	sdelay $0x4  }
0x63: {  	v59 =	vshrl.u32 v3, $0x3  }
0x64: {  	v4 =	vmul.u32 $0x30, v59  }
0x65: {  	v3 =	vand.u32 $0x7, v3  }
0x66: {  	v3 =	vor.u32 v3, v4  }
0x67: {  	v4 =	vperm.xlane v3, v0;
	_ =	sdelay $0x1  }
0x68: {  	v4 =	vadd.s32 v1, v4;
	_ =	sdelay $0x3  }
0x69: {  	s15 =	simm.s32 $0x9200;
	v3 =	vperm.xlane v3, v2  }
0x6a: {  	[tilespmem:s15], [sflag:$0x1] =	stream.indirect_vreg.gather [hbm4b:s1+s6], $0x80, v4, vm0, $0xb8;
	[tilespmem:$0x18E00] =	vst v63  }
0x6b: {  	s16 =	simm.s32 $0x9A00;
	v3 =	vadd.s32 v1, v3  }
0x6c: {  	[tilespmem:s16], [sflag:$0x1] =	stream.indirect_vreg.gather [hbm4b:s9+s6], $0x80, v4, vm0, $0xb8;
	[tilespmem:$0x18E00] =	vst v63  }
0x6d: {  	s21 =	simm.s32 $0xA200  }
0x6e: {  	[tilespmem:s21], [sflag:$0x1] =	stream.indirect_vreg.gather [hbm4b:s11+s6], $0x80, v4, vm0, $0xb8;
	[tilespmem:$0x18E00] =	vst v63  }
0x6f: {  	s24 =	simm.s32 $0xAA00  }
0x70: {  	[tilespmem:s24], [sflag:$0x1] =	stream.indirect_vreg.gather [hbm4b:s1+s6], $0x80, v3, vm0, $0xb8;
	[tilespmem:$0x18E00] =	vst v63  }
0x71: {  	s25 =	simm.s32 $0xB200  }
0x72: {  	[tilespmem:s25], [sflag:$0x1] =	stream.indirect_vreg.gather [hbm4b:s9+s6], $0x80, v3, vm0, $0xb8;
	[tilespmem:$0x18E00] =	vst v63  }
0x73: {  	s26 =	simm.s32 $0xBA00  }
0x74: {  	[tilespmem:s26], [sflag:$0x1] =	stream.indirect_vreg.gather [hbm4b:s11+s6], $0x80, v3, vm0, $0xb8;
	[tilespmem:$0x18E00] =	vst v63  }
0x75: {  	v3 =	vld [tilespmem:$0x40];
	_ =	sdelay $0x4  }
0x76: {  	v60 =	vshrl.u32 v3, $0x3  }
0x77: {  	v4 =	vmul.u32 $0x30, v60  }
0x78: {  	v3 =	vand.u32 $0x7, v3  }
0x79: {  	v3 =	vor.u32 v3, v4  }
0x7a: {  	v4 =	vperm.xlane v3, v0;
	_ =	sdelay $0x1  }
0x7b: {  	v4 =	vadd.s32 v1, v4;
	_ =	sdelay $0x3  }
0x7c: {  	v3 =	vperm.xlane v3, v2  }
0x7d: {  	[tilespmem:s3], [sflag:$0x2] =	stream.indirect_vreg.gather [hbm4b:s1+s6], $0x80, v4, vm0, $0xb8;
	[tilespmem:$0x18E00] =	vst v63  }
0x7e: {  	s28 =	simm.s32 $0xCA00;
	v3 =	vadd.s32 v1, v3  }
0x7f: {  	[tilespmem:s28], [sflag:$0x2] =	stream.indirect_vreg.gather [hbm4b:s9+s6], $0x80, v4, vm0, $0xb8;
	[tilespmem:$0x18E00] =	vst v63  }
0x80: {  	s29 =	simm.s32 $0xD200  }
0x81: {  	[tilespmem:s29], [sflag:$0x2] =	stream.indirect_vreg.gather [hbm4b:s11+s6], $0x80, v4, vm0, $0xb8;
	[tilespmem:$0x18E00] =	vst v63  }
0x82: {  	s30 =	simm.s32 $0xDA00  }
0x83: {  	[tilespmem:s30], [sflag:$0x2] =	stream.indirect_vreg.gather [hbm4b:s1+s6], $0x80, v3, vm0, $0xb8;
	[tilespmem:$0x18E00] =	vst v63  }
0x84: {  	s31 =	simm.s32 $0xE200  }
0x85: {  	[tilespmem:s31], [sflag:$0x2] =	stream.indirect_vreg.gather [hbm4b:s9+s6], $0x80, v3, vm0, $0xb8;
	[tilespmem:$0x18E00] =	vst v63  }
0x86: {  	s2 =	simm.s32 $0xEA00  }
0x87: {  	[tilespmem:s2], [sflag:$0x2] =	stream.indirect_vreg.gather [hbm4b:s11+s6], $0x80, v3, vm0, $0xb8;
	[tilespmem:$0x18E00] =	vst v63  }
0x88: {  	v3 =	vld [tilespmem:$0x50];
	_ =	sdelay $0x4  }
0x89: {  	v61 =	vshrl.u32 v3, $0x3  }
0x8a: {  	v4 =	vmul.u32 $0x30, v61  }
0x8b: {  	v3 =	vand.u32 $0x7, v3  }
0x8c: {  	v3 =	vor.u32 v3, v4  }
0x8d: {  	v4 =	vperm.xlane v3, v0;
	_ =	sdelay $0x1  }
0x8e: {  	v4 =	vadd.s32 v1, v4;
	_ =	sdelay $0x3  }
0x8f: {  	s3 =	simm.s32 $0xF200;
	v3 =	vperm.xlane v3, v2  }
0x90: {  	[tilespmem:s3], [sflag:$0x2] =	stream.indirect_vreg.gather [hbm4b:s1+s6], $0x80, v4, vm0, $0xb8;
	[tilespmem:$0x18E00] =	vst v63  }
0x91: {  	s4 =	simm.s32 $0xFA00;
	v3 =	vadd.s32 v1, v3  }
0x92: {  	[tilespmem:s4], [sflag:$0x2] =	stream.indirect_vreg.gather [hbm4b:s9+s6], $0x80, v4, vm0, $0xb8;
	[tilespmem:$0x18E00] =	vst v63  }
0x93: {  	s5 =	simm.s32 $0x10200  }
0x94: {  	[tilespmem:s5], [sflag:$0x2] =	stream.indirect_vreg.gather [hbm4b:s11+s6], $0x80, v4, vm0, $0xb8;
	[tilespmem:$0x18E00] =	vst v63  }
0x95: {  	s7 =	simm.s32 $0x10A00  }
0x96: {  	[tilespmem:s7], [sflag:$0x2] =	stream.indirect_vreg.gather [hbm4b:s1+s6], $0x80, v3, vm0, $0xb8;
	[tilespmem:$0x18E00] =	vst v63  }
0x97: {  	s8 =	simm.s32 $0x11200  }
0x98: {  	[tilespmem:s8], [sflag:$0x2] =	stream.indirect_vreg.gather [hbm4b:s9+s6], $0x80, v3, vm0, $0xb8;
	[tilespmem:$0x18E00] =	vst v63  }
0x99: {  	s10 =	simm.s32 $0x11A00  }
0x9a: {  	[tilespmem:s10], [sflag:$0x2] =	stream.indirect_vreg.gather [hbm4b:s11+s6], $0x80, v3, vm0, $0xb8;
	[tilespmem:$0x18E00] =	vst v63  }
0x9b: {  	v3 =	vld [tilespmem:$0x60];
	_ =	sdelay $0x4  }
0x9c: {  	v62 =	vshrl.u32 v3, $0x3  }
0x9d: {  	v4 =	vmul.u32 $0x30, v62  }
0x9e: {  	v3 =	vand.u32 $0x7, v3  }
0x9f: {  	v3 =	vor.u32 v3, v4  }
0xa0: {  	v4 =	vperm.xlane v3, v0;
	_ =	sdelay $0x1  }
0xa1: {  	v4 =	vadd.s32 v1, v4;
	_ =	sdelay $0x3  }
0xa2: {  	s12 =	simm.s32 $0x12200;
	v3 =	vperm.xlane v3, v2  }
0xa3: {  	[tilespmem:s12], [sflag:$0x2] =	stream.indirect_vreg.gather [hbm4b:s1+s6], $0x80, v4, vm0, $0xb8;
	[tilespmem:$0x18E00] =	vst v63  }
0xa4: {  	s13 =	simm.s32 $0x12A00;
	v3 =	vadd.s32 v1, v3  }
0xa5: {  	[tilespmem:s13], [sflag:$0x2] =	stream.indirect_vreg.gather [hbm4b:s9+s6], $0x80, v4, vm0, $0xb8;
	[tilespmem:$0x18E00] =	vst v63  }
0xa6: {  	s14 =	simm.s32 $0x13200  }
0xa7: {  	[tilespmem:s14], [sflag:$0x2] =	stream.indirect_vreg.gather [hbm4b:s11+s6], $0x80, v4, vm0, $0xb8;
	[tilespmem:$0x18E00] =	vst v63  }
0xa8: {  	s15 =	simm.s32 $0x13A00  }
0xa9: {  	[tilespmem:s15], [sflag:$0x2] =	stream.indirect_vreg.gather [hbm4b:s1+s6], $0x80, v3, vm0, $0xb8;
	[tilespmem:$0x18E00] =	vst v63  }
0xaa: {  	s16 =	simm.s32 $0x14200  }
0xab: {  	[tilespmem:s16], [sflag:$0x2] =	stream.indirect_vreg.gather [hbm4b:s9+s6], $0x80, v3, vm0, $0xb8;
	[tilespmem:$0x18E00] =	vst v63  }
0xac: {  	s21 =	simm.s32 $0x14A00  }
0xad: {  	[tilespmem:s21], [sflag:$0x2] =	stream.indirect_vreg.gather [hbm4b:s11+s6], $0x80, v3, vm0, $0xb8;
	[tilespmem:$0x18E00] =	vst v63  }
0xae: {  	v3 =	vld [tilespmem:$0x70];
	_ =	sdelay $0x4  }
0xaf: {  	v63 =	vshrl.u32 v3, $0x3  }
0xb0: {  	v4 =	vmul.u32 $0x30, v63  }
0xb1: {  	v3 =	vand.u32 $0x7, v3  }
0xb2: {  	v3 =	vor.u32 v3, v4  }
0xb3: {  	v4 =	vperm.xlane v3, v0;
	_ =	sdelay $0x1  }
0xb4: {  	v4 =	vadd.s32 v1, v4;
	_ =	sdelay $0x3  }
0xb5: {  	s24 =	simm.s32 $0x15200;
	v3 =	vperm.xlane v3, v2  }
0xb6: {  	[tilespmem:s24], [sflag:$0x2] =	stream.indirect_vreg.gather [hbm4b:s1+s6], $0x80, v4, vm0, $0xb8;
	[tilespmem:$0x18E00] =	vst v63  }
0xb7: {  	s25 =	simm.s32 $0x15A00;
	v3 =	vadd.s32 v1, v3  }
0xb8: {  	[tilespmem:s25], [sflag:$0x2] =	stream.indirect_vreg.gather [hbm4b:s9+s6], $0x80, v4, vm0, $0xb8;
	[tilespmem:$0x18E00] =	vst v63  }
0xb9: {  	s26 =	simm.s32 $0x16200  }
0xba: {  	[tilespmem:s26], [sflag:$0x2] =	stream.indirect_vreg.gather [hbm4b:s11+s6], $0x80, v4, vm0, $0xb8;
	[tilespmem:$0x18E00] =	vst v63  }
0xbb: {  	s28 =	simm.s32 $0x16A00  }
0xbc: {  	[tilespmem:s28], [sflag:$0x2] =	stream.indirect_vreg.gather [hbm4b:s1+s6], $0x80, v3, vm0, $0xb8;
	[tilespmem:$0x18E00] =	vst v63  }
0xbd: {  	s29 =	simm.s32 $0x17200  }
0xbe: {  	[tilespmem:s29], [sflag:$0x2] =	stream.indirect_vreg.gather [hbm4b:s9+s6], $0x80, v3, vm0, $0xb8;
	[tilespmem:$0x18E00] =	vst v63  }
0xbf: {  	s30 =	simm.s32 $0x17A00;
	s31 =	simm.s32 $0x1  }
0xc0: {  	[tilespmem:s30], [sflag:$0x2] =	stream.indirect_vreg.gather [hbm4b:s11+s6], $0x80, v3, vm0, $0xb8;
	[tilespmem:$0x18E00] =	vst v63  }
0xc1: {  	_ =	swait.ge [sflag:s31], $0xC000  }
0xc2: {  	[sflag:s31] =	ssyncset.done $0x0  }
0xc3: {  	s24 =	simm.s32 $0x0;
	[sflag:s31] =	ssyncadd.s32 $0xFFFF4000  }
.LBB2_2:
0xc4: {  	s0 =	sshll.u32 s24, $0x3;
	s21 =	sshllo.u32 s24, $0x3  }
0xc5: {  	s25 =	smul.u32 $0x6000, s24;
	s30 =	simm.s32 $0x0;
	s4 =	simm.s32 $0x0  }
0xc6: {  	s2 =	sor.u32 $0x1, s0;
	s13 =	sor.u32 $0x2, s0;
	s14 =	sor.u32 $0x3, s0  }
0xc7: {  	s15 =	sor.u32 $0x4, s0;
	s16 =	sor.u32 $0x5, s0;
	v10 =	vmov s21;
	s4 =	sand.u32 $0xFFFFFF00, s4  }
0xc8: {  	v3 =	vmov s0;
	s0 =	sor.u32 $0x6, s0;
	s29 =	sand.u32 $0x60, s30;
	s4 =	sadd.s32 $0x18200, s4  }
0xc9: {  	s26 =	simm.s32 $0x0;
	v9 =	vmov s0;
	s0 =	sshra.s32 s25, $0x2;
	s31 =	sor.u32 s29, s4  }
0xca: {  	v3 =	vbroadcast v3, $0x0;
	v4 =	vmov s2;
	v5 =	vmov s13;
	s2 =	sand.u32 $0x3FFFFC00, s26;
	s25 =	sor.u32 $0x200, s0;
	v21 =	vld [tilespmem:s31+$0x0]  }
0xcb: {  	v6 =	vmov s14;
	s3 =	sor.u32 $0x10, s29;
	v5 =	vbroadcast v5, $0x0;
	s2 =	sadd.s32 s2, s25;
	v27 =	vld [tilespmem:s31+$0x80]  }
0xcc: {  	v8 =	vmov s16;
	v6 =	vbroadcast v6, $0x0;
	s26 =	sadd.s32 s3, s2;
	v10 =	vld.idx.msk [tilespmem:v10+s20+$0x0], $0xffff  }
0xcd: {  	v8 =	vbroadcast v8, $0x0;
	s3 =	sor.u32 s3, s4;
	v11 =	vld [tilespmem:s26+$0x0]  }
0xce: {  	v7 =	vmov s15;
	v9 =	vbroadcast v9, $0x0;
	v16 =	vld [tilespmem:s3+$0x0]  }
0xcf: {  	v7 =	vbroadcast v7, $0x0;
	v17 =	vld [tilespmem:s3+$0x80]  }
0xd0: {  	v4 =	vbroadcast v4, $0x0;
	v3 =	vld.idx.msk [tilespmem:v3+s20+$0x0], $0xffff  }
0xd1: {  	v5 =	vld.idx.msk [tilespmem:v5+s20+$0x0], $0xffff  }
0xd2: {  	v6 =	vld.idx.msk [tilespmem:v6+s20+$0x0], $0xffff  }
0xd3: {  	v8 =	vld.idx.msk [tilespmem:v8+s20+$0x0], $0xffff  }
0xd4: {  	v9 =	vld.idx.msk [tilespmem:v9+s20+$0x0], $0xffff  }
0xd5: {  	v7 =	vld.idx.msk [tilespmem:v7+s20+$0x0], $0xffff  }
0xd6: {  	v4 =	vld.idx.msk [tilespmem:v4+s20+$0x0], $0xffff  }
0xd7: {  	v12 =	vimm.f32 $0.0e+00;
	v13 =	vld [tilespmem:s26+$0x80]  }
0xd8: {  	v26 =	vimm.f32 $0.0e+00;
	v28 =	vimm.f32 $0.0e+00;
	v14 =	vld [tilespmem:s26+$0x100];
	vm1 =	veq.s32 v10, $0x0  }
0xd9: {  	v15 =	vld [tilespmem:s26+$0x180];
	vm6 =	veq.s32 v3, $0x0;
	vm2 =	veq.s32 v9, $0x0;
	vm3 =	veq.s32 v8, $0x0  }
0xda: {  	s28 =	sadd.s32 s29, s2;
	v18 =	vld [tilespmem:s26+$0x200];
	vm4 =	veq.s32 v7, $0x0;
	vm5 =	veq.s32 v6, $0x0;
	vm7 =	veq.s32 v5, $0x0  }
0xdb: {  	v23 =	vld [tilespmem:s28+$0x80];
	vm8 =	veq.s32 v4, $0x0;
	v5 =	vsel vm6, v16, v17;
	v24 =	vsel vm6, v21, v27  }
0xdc: {  	v32 =	vld [tilespmem:s28+$0x100];
	v6 =	vsel vm8, v16, v17;
	v7 =	vsel vm7, v16, v17;
	v9 =	vsel vm5, v16, v17  }
0xdd: {  	v10 =	vld [tilespmem:s28+$0x0];
	v19 =	vsel vm4, v16, v17;
	v20 =	vsel vm3, v16, v17;
	v22 =	vsel vm2, v16, v17  }
0xde: {  	v34 =	vld [tilespmem:s28+$0x180];
	v25 =	vsel vm8, v21, v27;
	v17 =	vsel vm1, v16, v17;
	v33 =	vsel vm7, v21, v27  }
0xdf: {  	v3 =	vld [tilespmem:s26+$0x280];
	v31 =	vadd.f32 v5, v11;
	v37 =	vsel vm5, v21, v27;
	v35 =	vsel vm4, v21, v27  }
0xe0: {  	v4 =	vld [tilespmem:s26+$0x300];
	v38 =	vsel vm3, v21, v27;
	v16 =	vadd.f32 v13, v6;
	v29 =	vadd.f32 v14, v7  }
0xe1: {  	v8 =	vld [tilespmem:s26+$0x380];
	v41 =	vsel vm2, v21, v27;
	v7 =	vadd.f32 v15, v9;
	v6 =	vadd.f32 v18, v19  }
0xe2: {  	v36 =	vld [tilespmem:s28+$0x200];
	v11 =	vadd.f32 v24, v10;
	v10 =	vadd.f32 v23, v25;
	v15 =	vimm.f32 $0.0e+00  }
0xe3: {  	v39 =	vld [tilespmem:s28+$0x280];
	v13 =	vimm.f32 $0.0e+00;
	v14 =	vimm.f32 $0.0e+00;
	v25 =	vimm.f32 $0.0e+00  }
0xe4: {  	v40 =	vld [tilespmem:s28+$0x300];
	v24 =	vimm.f32 $0.0e+00;
	v23 =	vimm.f32 $0.0e+00;
	v19 =	vimm.f32 $0.0e+00  }
0xe5: {  	v30 =	vld [tilespmem:s28+$0x380];
	v18 =	vimm.f32 $0.0e+00;
	v9 =	vimm.f32 $0.0e+00;
	[tilespmem:s26+$0x0] =	vst v31;
	v5 =	vadd.f32 v3, v20  }
0xe6: {  	[tilespmem:s26+$0x80] =	vst v16;
	v20 =	vimm.f32 $0.0e+00;
	v4 =	vadd.f32 v4, v22;
	v3 =	vadd.f32 v8, v17  }
0xe7: {  	s7 =	simm.s32 $0x0;
	[tilespmem:s26+$0x100] =	vst v29;
	v22 =	vimm.f32 $0.0e+00;
	v17 =	vimm.f32 $0.0e+00;
	v8 =	vimm.f32 $0.0e+00  }
.LBB2_3:
0xe8: {  	s7 =	sadd.s32 $0x2, s7;
	v32 =	vadd.f32 v32, v33;
	v33 =	vadd.f32 v34, v37;
	v21 =	vsel vm1, v21, v27;
	[tilespmem:s26+$0x180] =	vst v7  }
0xe9: {  	v34 =	vadd.f32 v36, v35;
	v35 =	vadd.f32 v39, v38;
	s30 =	sadd.s32 $0x20, s30;
	s3 =	sshll.u32 s7, $0x7;
	p0 =	slt.u32 s7, $0x2E;
	[tilespmem:s28+$0x0] =	vst v11;
	v27 =	vmul.f32 v11, v11  }
0xea: {  	s0 =	sand.u32 $0x60, s30;
	v36 =	vmul.f32 v10, v10;
	v37 =	vadd.f32 v40, v41;
	s2 =	sand.u32 $0x3FFFFC00, s3;
	[tilespmem:s28+$0x80] =	vst v10;
	v30 =	vadd.f32 v30, v21  }
0xeb: {  	v11 =	vadd.f32 v11, v12;
	s4 =	sor.u32 $0x10, s0;
	v21 =	vmul.f32 v31, v31;
	s2 =	sadd.s32 s2, s25;
	v15 =	vadd.f32 v27, v15;
	[tilespmem:s28+$0x100] =	vst v32  }
0xec: {  	v10 =	vadd.f32 v10, v13;
	v14 =	vadd.f32 v36, v14;
	v27 =	vmul.f32 v16, v16;
	s8 =	sadd.s32 s4, s2;
	[tilespmem:s28+$0x180] =	vst v33  }
0xed: {  	v36 =	vmul.f32 v32, v32;
	v12 =	vadd.f32 v31, v11;
	v38 =	vld [tilespmem:s8+$0x0];
	[tilespmem:s28+$0x200] =	vst v34;
	v15 =	vadd.f32 v21, v15  }
0xee: {  	v13 =	vadd.f32 v16, v10;
	v21 =	vmul.f32 v33, v33;
	v14 =	vadd.f32 v27, v14;
	v11 =	vld [tilespmem:s8+$0x80];
	[tilespmem:s28+$0x280] =	vst v35  }
0xef: {  	v16 =	vadd.f32 v32, v25;
	v26 =	vadd.f32 v36, v26;
	v27 =	vmul.f32 v29, v29;
	v10 =	vld [tilespmem:s8+$0x100];
	[tilespmem:s28+$0x300] =	vst v37  }
0xf0: {  	s3 =	sshra.s32 s3, $0x2;
	v24 =	vadd.f32 v33, v24;
	v21 =	vadd.f32 v21, v28;
	v28 =	vmul.f32 v7, v7;
	v41 =	vld [tilespmem:s8+$0x180];
	[tilespmem:s28+$0x380] =	vst v30  }
0xf1: {  	s3 =	sand.u32 $0xFFFFFF00, s3;
	v31 =	vmul.f32 v34, v34;
	v25 =	vadd.f32 v29, v16;
	v26 =	vadd.f32 v27, v26;
	v42 =	vld [tilespmem:s8+$0x200];
	[tilespmem:s26+$0x200] =	vst v6  }
0xf2: {  	s3 =	sadd.s32 $0x18200, s3;
	v24 =	vadd.f32 v7, v24;
	v16 =	vmul.f32 v35, v35;
	v28 =	vadd.f32 v28, v21;
	v43 =	vld [tilespmem:s8+$0x280];
	[tilespmem:s26+$0x280] =	vst v5  }
0xf3: {  	s4 =	sor.u32 s4, s3;
	v7 =	vadd.f32 v34, v23;
	v21 =	vadd.f32 v31, v22;
	v22 =	vmul.f32 v6, v6;
	v44 =	vld [tilespmem:s8+$0x300];
	[tilespmem:s26+$0x300] =	vst v4  }
0xf4: {  	v20 =	vadd.f32 v35, v20;
	v16 =	vadd.f32 v16, v19;
	v19 =	vmul.f32 v5, v5;
	v29 =	vld [tilespmem:s4+$0x0];
	[tilespmem:s26+$0x380] =	vst v3;
	s26 =	smov.u32 s8  }
0xf5: {  	v27 =	vmul.f32 v37, v37;
	v23 =	vadd.f32 v6, v7;
	v22 =	vadd.f32 v22, v21;
	v31 =	vld [tilespmem:s4+$0x80]  }
0xf6: {  	v20 =	vadd.f32 v5, v20;
	s3 =	sor.u32 s0, s3;
	v6 =	vmul.f32 v30, v30;
	v19 =	vadd.f32 v19, v16;
	v45 =	vld [tilespmem:s26+$0x380]  }
0xf7: {  	v7 =	vadd.f32 v27, v17;
	v5 =	vadd.f32 v37, v18;
	v16 =	vmul.f32 v4, v4;
	v21 =	vld [tilespmem:s3+$0x0]  }
0xf8: {  	v9 =	vadd.f32 v30, v9;
	s28 =	sadd.s32 s0, s2;
	v6 =	vadd.f32 v6, v8;
	v8 =	vmul.f32 v3, v3;
	v27 =	vld [tilespmem:s3+$0x80]  }
0xf9: {  	v18 =	vadd.f32 v4, v5;
	v17 =	vadd.f32 v16, v7;
	v46 =	vld [tilespmem:s28+$0x0]  }
0xfa: {  	v9 =	vadd.f32 v3, v9;
	v8 =	vadd.f32 v8, v6;
	v47 =	vld [tilespmem:s28+$0x80];
	v4 =	vsel vm6, v29, v31  }
0xfb: {  	v3 =	vsel vm8, v29, v31;
	v5 =	vsel vm7, v29, v31;
	v6 =	vsel vm5, v29, v31;
	v32 =	vld [tilespmem:s28+$0x100]  }
0xfc: {  	v48 =	vsel vm4, v29, v31;
	v49 =	vsel vm3, v29, v31;
	v50 =	vsel vm2, v29, v31;
	v34 =	vld [tilespmem:s28+$0x180]  }
0xfd: {  	v53 =	vsel vm1, v29, v31;
	v51 =	vsel vm6, v21, v27;
	v52 =	vsel vm8, v21, v27;
	v36 =	vld [tilespmem:s28+$0x200]  }
.Ltmp0:
0xfe: {  	v31 =	vadd.f32 v4, v38;
	v16 =	vadd.f32 v11, v3;
	v33 =	vsel vm7, v21, v27;
	v39 =	vld [tilespmem:s28+$0x280];
	(pc) =	sbr.rel @p0 .LBB2_3-.Ltmp0, $4  }
0xff: {  	v29 =	vadd.f32 v10, v5;
	v7 =	vadd.f32 v41, v6;
	v37 =	vsel vm5, v21, v27;
	v40 =	vld [tilespmem:s28+$0x300]  }
0x100: {  	v6 =	vadd.f32 v42, v48;
	v5 =	vadd.f32 v43, v49;
	v35 =	vsel vm4, v21, v27;
	v30 =	vld [tilespmem:s28+$0x380];
	[tilespmem:s26+$0x0] =	vst v31  }
0x101: {  	v4 =	vadd.f32 v44, v50;
	v3 =	vadd.f32 v45, v53;
	v38 =	vsel vm3, v21, v27;
	[tilespmem:s26+$0x80] =	vst v16  }
0x102: {  	v41 =	vsel vm2, v21, v27;
	v11 =	vadd.f32 v51, v46;
	v10 =	vadd.f32 v47, v52;
	[tilespmem:s26+$0x100] =	vst v29  }
0x103: {  	_ = 	snop  }
0x104: {  	v42 =	vmul.f32 v11, v11  }
0x105: {  	v12 =	vadd.f32 v11, v12  }
0x106: {  	v49 =	vmul.f32 v31, v31;
	v15 =	vadd.f32 v42, v15  }
0x107: {  	v12 =	vadd.f32 v31, v12;
	v31 =	vmul.f32 v10, v10  }
0x108: {  	v13 =	vadd.f32 v10, v13;
	v15 =	vadd.f32 v49, v15  }
0x109: {  	v14 =	vadd.f32 v31, v14;
	v31 =	vmul.f32 v16, v16;
	(xrf2) =	vadd.scan.msk.f32 $0xffff, v12  }
0x10a: {  	v12 =	vadd.f32 v16, v13;
	(xrf2) =	vadd.scan.msk.f32 $0xffff, v15  }
0x10b: {  	v16 =	vadd.f32 v32, v33;
	v13 =	vadd.f32 v31, v14  }
0x10c: {  	(xrf2) =	vadd.scan.msk.f32 $0xffff, v12  }
0x10d: {  	v31 =	vmul.f32 v16, v16;
	(xrf2) =	vadd.scan.msk.f32 $0xffff, v13  }
0x10e: {  	v14 =	vadd.f32 v36, v35;
	v25 =	vadd.f32 v16, v25  }
0x10f: {  	v15 =	vadd.f32 v34, v37;
	v26 =	vadd.f32 v31, v26;
	v31 =	vmul.f32 v29, v29  }
0x110: {  	v12 =	vadd.f32 v40, v41;
	v25 =	vadd.f32 v29, v25;
	v29 =	vmul.f32 v14, v14  }
0x111: {  	v13 =	vadd.f32 v39, v38;
	v50 =	vmul.f32 v15, v15;
	v24 =	vadd.f32 v15, v24  }
0x112: {  	v51 =	vmul.f32 v7, v7;
	v23 =	vadd.f32 v14, v23;
	v26 =	vadd.f32 v31, v26  }
0x113: {  	v28 =	vadd.f32 v50, v28;
	v24 =	vadd.f32 v7, v24;
	v31, _, _ =	vpop (xrf2);
	(xrf2) =	vadd.scan.msk.f32 $0xffff, v25;
	v25 =	vmul.f32 v6, v6  }
0x114: {  	v22 =	vadd.f32 v29, v22;
	(v2sf) =	vpush v31, $0xF;
	v29, _, _ =	vpop (xrf2)  }
0x115: {  	v28 =	vadd.f32 v51, v28;
	(xrf2) =	vadd.scan.msk.f32 $0xffff, v26;
	(v2sf) =	vpush v29, $0xF  }
0x116: {  	v20 =	vadd.f32 v13, v20;
	v23 =	vadd.f32 v6, v23;
	v26, _, _ =	vpop (xrf2);
	(xrf2) =	vadd.scan.msk.f32 $0xffff, v24  }
0x117: {  	v52 =	vmul.f32 v13, v13;
	v22 =	vadd.f32 v25, v22;
	(v2sf) =	vpush v26, $0xF;
	v25, _, _ =	vpop (xrf2);
	(xrf2) =	vadd.scan.msk.f32 $0xffff, v28  }
0x118: {  	v20 =	vadd.f32 v5, v20;
	(v2sf) =	vpush v25, $0xF;
	(xrf2) =	vadd.scan.msk.f32 $0xffff, v23  }
0x119: {  	v19 =	vadd.f32 v52, v19;
	v24 =	vmul.f32 v5, v5;
	(xrf2) =	vadd.scan.msk.f32 $0xffff, v22  }
0x11a: {  	v18 =	vadd.f32 v12, v18;
	(xrf2) =	vadd.scan.msk.f32 $0xffff, v20;
	v20 =	vmul.f32 v12, v12  }
0x11b: {  	v19 =	vadd.f32 v24, v19  }
0x11c: {  	v22 =	vadd.f32 v4, v18;
	v18 =	vsel vm1, v21, v27  }
0x11d: {  	v18 =	vadd.f32 v30, v18;
	(xrf2) =	vadd.scan.msk.f32 $0xffff, v19;
	v19 =	vmul.f32 v4, v4;
	v17 =	vadd.f32 v20, v17  }
0x11e: {  	v20, _, _ =	vpop (xrf2)  }
0x11f: {  	(xrf2) =	vadd.scan.msk.f32 $0xffff, v22;
	v22 =	vmul.f32 v18, v18;
	v17 =	vadd.f32 v19, v17;
	v21, _, _ =	vpop (xrf2);
	(v2sf) =	vpush v20, $0xF  }
0x120: {  	v9 =	vadd.f32 v18, v9;
	(v2sf) =	vpush v21, $0xF  }
0x121: {  	v8 =	vadd.f32 v22, v8;
	v20 =	vmul.f32 v3, v3;
	v19, _, _ =	vpop (xrf2)  }
0x122: {  	v9 =	vadd.f32 v3, v9;
	(v2sf) =	vpush v19, $0xF;
	v19, _, _ =	vpop (xrf2)  }
0x123: {  	(xrf2) =	vadd.scan.msk.f32 $0xffff, v17;
	v8 =	vadd.f32 v20, v8;
	v17, _, _ =	vpop (xrf2);
	(v2sf) =	vpush v19, $0xF;
	s0 =	spop (v2sf)  }
0x124: {  	(xrf2) =	vadd.scan.msk.f32 $0xffff, v9;
	(v2sf) =	vpush v17, $0xF;
	s30 =	smul.f32 $1.302083370e-03, s0;
	s10 =	spop (v2sf)  }
0x125: {  	v19, _, _ =	vpop (xrf2);
	(xrf2) =	vadd.scan.msk.f32 $0xffff, v8;
	s2 =	smul.f32 $1.302083370e-03, s10  }
0x126: {  	v17, _, _ =	vpop (xrf2);
	(v2sf) =	vpush v19, $0xF;
	s3 =	smul.f32 s30, s30;
	s12 =	spop (v2sf)  }
0x127: {  	v9, _, _ =	vpop (xrf2);
	(v2sf) =	vpush v17, $0xF;
	s0 =	smul.f32 $1.302083370e-03, s12;
	s4 =	spop (v2sf)  }
0x128: {  	(v2sf) =	vpush v9, $0xF;
	s4 =	smul.f32 $1.302083370e-03, s4  }
0x129: {  	v8, _, _ =	vpop (xrf2);
	s2 =	ssub.f32 s2, s3;
	s13 =	smul.f32 s0, s0  }
0x12a: {  	(v2sf) =	vpush v8, $0xF  }
0x12b: {  	s2 =	smax.f32 s2, $0.0e+00;
	s3 =	ssub.f32 s4, s13  }
0x12c: {  	s2 =	sadd.f32 $9.999999960e-13, s2  }
0x12d: {  	v8, _, _ =	vpop (xrf2);
	s3 =	smax.f32 s3, $0.0e+00  }
0x12e: {  	(v2sf) =	vpush v8, $0xF;
	v8, _, _ =	vpop (xrf2);
	v9 =	vmov s2;
	s14 =	spop (v2sf);
	s15 =	sadd.f32 $9.999999960e-13, s3  }
0x12f: {  	v17 =	vshra.s32 v9, $0x1;
	(v2sf) =	vpush v8, $0xF;
	v8, _, _ =	vpop (xrf2);
	v9 =	vmul.f32 $5.000000000e-01, v9;
	s7 =	spop (v2sf);
	s3 =	smul.f32 $1.302083370e-03, s14  }
0x130: {  	(v2sf) =	vpush v8, $0xF;
	v8 =	vsub.s32 $0x5F3759DF, v17;
	v19 =	vmov s15;
	s7 =	smul.f32 $1.302083370e-03, s7  }
0x131: {  	s16 =	spop (v2sf);
	v20 =	vmul.f32 v8, v9;
	v17 =	vshra.s32 v19, $0x1;
	v19 =	vmul.f32 $5.000000000e-01, v19;
	s31 =	smul.f32 s3, s3  }
0x132: {  	s21 =	spop (v2sf);
	s8 =	smul.f32 $1.302083370e-03, s16;
	v17 =	vsub.s32 $0x5F3759DF, v17  }
0x133: {  	s12 =	spop (v2sf);
	v20 =	vmul.f32 v8, v20;
	s13 =	smul.f32 $1.302083370e-03, s21;
	v21 =	vmul.f32 v17, v19  }
0x134: {  	s15 =	smul.f32 s8, s8;
	s7 =	ssub.f32 s7, s31  }
0x135: {  	s4 =	smul.f32 $1.302083370e-03, s12;
	s5 =	spop (v2sf);
	v20 =	vsub.f32 $1.500000000e+00, v20;
	v21 =	vmul.f32 v17, v21  }
0x136: {  	s29 =	spop (v2sf);
	s7 =	smax.f32 s7, $0.0e+00  }
0x137: {  	s21 =	ssub.f32 s13, s15;
	s14 =	spop (v2sf);
	v8 =	vmul.f32 v8, v20;
	v21 =	vsub.f32 $1.500000000e+00, v21  }
0x138: {  	s16 =	sadd.f32 $9.999999960e-13, s7;
	s7 =	smul.f32 $1.302083370e-03, s29  }
0x139: {  	s12 =	spop (v2sf);
	s13 =	smul.f32 $1.302083370e-03, s14;
	v20 =	vmul.f32 v8, v9;
	v17 =	vmul.f32 v17, v21  }
0x13a: {  	s2 =	smax.f32 s21, $0.0e+00;
	s15 =	smul.f32 s7, s7  }
0x13b: {  	s31 =	smul.f32 $1.302083370e-03, s12;
	s2 =	sadd.f32 $9.999999960e-13, s2;
	v20 =	vmul.f32 v20, v8;
	v21 =	vmul.f32 v17, v19  }
0x13c: {  	s5 =	smul.f32 $1.302083370e-03, s5;
	v22 =	vmov s16;
	s13 =	ssub.f32 s13, s15  }
0x13d: {  	v23 =	vshra.s32 v22, $0x1;
	s29 =	spop (v2sf);
	s21 =	smul.f32 s31, s31;
	v20 =	vsub.f32 $1.500000000e+00, v20;
	v21 =	vmul.f32 v21, v17  }
0x13e: {  	v22 =	vmul.f32 $5.000000000e-01, v22;
	v23 =	vsub.s32 $0x5F3759DF, v23;
	v25 =	vmov s2;
	s12 =	smul.f32 $1.302083370e-03, s29;
	s13 =	smax.f32 s13, $0.0e+00  }
0x13f: {  	s10 =	smul.f32 s4, s4;
	s13 =	sadd.f32 $9.999999960e-13, s13;
	v8 =	vmul.f32 v20, v8;
	v20 =	vshra.s32 v25, $0x1;
	v21 =	vsub.f32 $1.500000000e+00, v21  }
0x140: {  	v24 =	vmul.f32 v23, v22;
	s16 =	spop (v2sf);
	s12 =	ssub.f32 s12, s21;
	v25 =	vmul.f32 $5.000000000e-01, v25;
	v20 =	vsub.s32 $0x5F3759DF, v20  }
0x141: {  	s5 =	ssub.f32 s5, s10;
	s2 =	smul.f32 $1.302083370e-03, s16;
	v26 =	vmov s13;
	v9 =	vmul.f32 v8, v9;
	v17 =	vmul.f32 v21, v17  }
0x142: {  	s29 =	spop (v2sf);
	s12 =	smax.f32 s12, $0.0e+00;
	v29 =	vshra.s32 v26, $0x1;
	v26 =	vmul.f32 $5.000000000e-01, v26;
	v21 =	vmul.f32 v23, v24  }
0x143: {  	s16 =	smul.f32 $1.302083370e-03, s29;
	s15 =	sadd.f32 $9.999999960e-13, s12;
	v24 =	vmul.f32 v20, v25;
	v29 =	vsub.s32 $0x5F3759DF, v29;
	v19 =	vmul.f32 v17, v19  }
0x144: {  	s5 =	smax.f32 s5, $0.0e+00;
	s29 =	smul.f32 s2, s2;
	v9 =	vmul.f32 v9, v8;
	v31 =	vmul.f32 v29, v26;
	v21 =	vsub.f32 $1.500000000e+00, v21  }
0x145: {  	s5 =	sadd.f32 $9.999999960e-13, s5;
	v28 =	vmov s15;
	v24 =	vmul.f32 v20, v24;
	v19 =	vmul.f32 v19, v17  }
0x146: {  	s10 =	ssub.f32 s16, s29;
	v54 =	vshra.s32 v28, $0x1;
	v28 =	vmul.f32 $5.000000000e-01, v28;
	v21 =	vmul.f32 v23, v21  }
0x147: {  	[tilespmem:s28+$0x0] =	vst v11;
	v9 =	vsub.f32 $1.500000000e+00, v9;
	v11 =	vmul.f32 v29, v31;
	v19 =	vsub.f32 $1.500000000e+00, v19  }
0x148: {  	s10 =	smax.f32 s10, $0.0e+00;
	v23 =	vmov s5;
	v24 =	vsub.f32 $1.500000000e+00, v24;
	v27 =	vmul.f32 v21, v22  }
0x149: {  	s10 =	sadd.f32 $9.999999960e-13, s10;
	v8 =	vmul.f32 v9, v8;
	v11 =	vsub.f32 $1.500000000e+00, v11;
	v9 =	vmul.f32 v19, v17  }
0x14a: {  	v17 =	vmul.f32 v27, v21;
	v27 =	vshra.s32 v23, $0x1;
	v23 =	vmul.f32 $5.000000000e-01, v23  }
0x14b: {  	v20 =	vmul.f32 v20, v24;
	v24 =	vmov s10;
	v27 =	vsub.s32 $0x5F3759DF, v27  }
0x14c: {  	v53 =	vshra.s32 v24, $0x1;
	v24 =	vmul.f32 $5.000000000e-01, v24;
	v30 =	vmul.f32 v27, v23  }
0x14d: {  	v11 =	vmul.f32 v29, v11;
	v19 =	vmul.f32 v20, v25;
	v32 =	vsub.s32 $0x5F3759DF, v53  }
0x14e: {  	[tilespmem:s26+$0x180] =	vst v7;
	v55 =	vmul.f32 v32, v24;
	v7 =	vmul.f32 v27, v30;
	v30 =	vsub.s32 $0x5F3759DF, v54  }
0x14f: {  	[tilespmem:s28+$0x80] =	vst v10;
	v19 =	vmul.f32 v19, v20;
	v31 =	vmul.f32 v30, v28  }
0x150: {  	[tilespmem:s28+$0x100] =	vst v16;
	v10 =	vsub.f32 $1.500000000e+00, v17;
	v17 =	vmul.f32 v32, v55;
	v7 =	vsub.f32 $1.500000000e+00, v7  }
0x151: {  	[tilespmem:s28+$0x300] =	vst v12;
	v12 =	vmul.f32 v11, v26;
	v16 =	vsub.f32 $1.500000000e+00, v19;
	v19 =	vmul.f32 v30, v31  }
0x152: {  	[tilespmem:s28+$0x180] =	vst v15;
	v15 =	vmul.f32 v10, v21;
	v21 =	vmul.f32 v27, v7;
	v7 =	vsub.f32 $1.500000000e+00, v17  }
0x153: {  	[tilespmem:s28+$0x200] =	vst v14;
	v12 =	vmul.f32 v12, v11;
	v10 =	vsub.f32 $1.500000000e+00, v19  }
0x154: {  	[tilespmem:s28+$0x280] =	vst v13;
	v13 =	vmul.f32 v21, v23;
	v14 =	vmul.f32 v32, v7  }
0x155: {  	[tilespmem:s26+$0x200] =	vst v6;
	v6 =	vmov s3;
	v17 =	vmul.f32 v30, v10  }
0x156: {  	[tilespmem:s28+$0x380] =	vst v18;
	v12 =	vsub.f32 $1.500000000e+00, v12;
	v13 =	vmul.f32 v13, v21;
	v18 =	vmul.f32 v14, v24  }
0x157: {  	v16 =	vmul.f32 v16, v20;
	v7 =	vmov s30;
	s30 =	simm.s32 $0x0;
	v19 =	vmul.f32 v17, v28  }
0x158: {  	[tilespmem:s26+$0x280] =	vst v5;
	v5 =	vmul.f32 v15, v22;
	s21 =	sand.u32 $0x1C00, s30;
	s29 =	sand.u32 $0x60, s30;
	v13 =	vsub.f32 $1.500000000e+00, v13;
	v18 =	vmul.f32 v18, v14  }
0x159: {  	[tilespmem:s26+$0x300] =	vst v4;
	v4 =	vmul.f32 v16, v25;
	v10 =	vmov s0;
	s3 =	sadd.s32 s21, s25;
	s0 =	sor.u32 $0x10, s29;
	v19 =	vmul.f32 v19, v17  }
0x15a: {  	[tilespmem:s26+$0x380] =	vst v3;
	v20 =	vmul.f32 v5, v15;
	s28 =	sadd.s32 s0, s3;
	v13 =	vmul.f32 v13, v21;
	v3 =	vsub.f32 $1.500000000e+00, v18  }
0x15b: {  	s26 =	simm.s32 $0x18800;
	v30 =	vld [tilespmem:s28+$0x380];
	v18 =	vmul.f32 v4, v16;
	v21 =	vmul.f32 v12, v11;
	v11 =	vsub.f32 $1.500000000e+00, v19  }
0x15c: {  	v12 =	vmov s8;
	v19 =	vmul.f32 v13, v23;
	v22 =	vmul.f32 v3, v14;
	v3 =	vld [tilespmem:s26+$0x0];
	s26 =	sadd.s32 s29, s3  }
0x15d: {  	v14 =	vmul.f32 v21, v26;
	v23 =	vmul.f32 v11, v17;
	v11 =	vsub.f32 $1.500000000e+00, v20;
	v20 =	vld [tilespmem:s26+$0x100]  }
0x15e: {  	v4 =	vmov s4;
	v27 =	vld [tilespmem:s26+$0x380];
	v17 =	vmul.f32 v19, v13;
	v19 =	vmul.f32 v22, v24  }
0x15f: {  	v18 =	vsub.f32 $1.500000000e+00, v18;
	v29 =	vld [tilespmem:s26+$0x180];
	v24 =	vmul.f32 v14, v21;
	v26 =	vmul.f32 v23, v28  }
0x160: {  	v14 =	vmul.f32 v11, v15;
	v28 =	vld [tilespmem:s26+$0x0];
	v11 =	vsub.f32 $1.500000000e+00, v17;
	v19 =	vmul.f32 v19, v22  }
0x161: {  	v15 =	vmul.f32 v18, v16;
	v16 =	vsub.f32 $1.500000000e+00, v24;
	v24 =	vmul.f32 v26, v23;
	v26 =	vld [tilespmem:s26+$0x280]  }
0x162: {  	v25 =	vld [tilespmem:s26+$0x300];
	v17 =	vmov s7;
	v11 =	vmul.f32 v11, v13;
	v13 =	vsub.f32 $1.500000000e+00, v19  }
0x163: {  	v57 =	vld [tilespmem:s28+$0x180];
	v18 =	vmul.f32 v16, v21;
	v19 =	vmov s2;
	v16 =	vsub.f32 $1.500000000e+00, v24  }
0x164: {  	v56 =	vsub.f32 v29, v12;
	v24 =	vld [tilespmem:s28+$0x80];
	v13 =	vmul.f32 v13, v22;
	v22 =	vsub.f32 v20, v6  }
0x165: {  	s16 =	simm.s32 $0x18B00;
	v27 =	vsub.f32 v27, v19;
	v20 =	vmul.f32 v16, v23;
	v16 =	vsub.f32 v28, v7;
	v28 =	vld [tilespmem:s28+$0x280]  }
0x166: {  	v5 =	vld [tilespmem:s16+$0x0];
	v21 =	vmov s31;
	v23 =	vmul.f32 v22, v14;
	v22 =	vsub.f32 v26, v17  }
0x167: {  	s31 =	sand.u32 $0x380, s30;
	v25 =	vsub.f32 v25, v21;
	v33 =	vmul.f32 v56, v15;
	v26 =	vmul.f32 v27, v13;
	v27 =	vld [tilespmem:s28+$0x100]  }
0x168: {  	v59 =	vld [tilespmem:s28+$0x300];
	v62 =	vsub.f32 v57, v12;
	s2 =	sor.u32 s31, s0;
	v31 =	vmul.f32 v16, v8;
	v22 =	vmul.f32 v22, v18  }
0x169: {  	v16 =	vld [tilespmem:s2+$0x18800];
	v25 =	vmul.f32 v25, v20;
	v58 =	vmul.f32 v26, v3;
	v29 =	vsub.f32 v24, v10  }
0x16a: {  	v32 =	vld [tilespmem:s28+$0x200];
	v26 =	vsub.f32 v30, v19;
	v22 =	vmul.f32 v22, v3;
	v60 =	vsub.f32 v28, v17  }
0x16b: {  	v30 =	vld [tilespmem:s28+$0x0];
	v24 =	vmul.f32 v31, v3;
	v25 =	vmul.f32 v25, v3;
	v31 =	vadd.f32 v58, v5  }
0x16c: {  	v28 =	vld [tilespmem:s26+$0x80];
	v27 =	vsub.f32 v27, v6;
	v61 =	vadd.f32 v22, v5;
	v63 =	vmul.f32 v60, v18  }
0x16d: {  	s4 =	simm.s32 $0x18B20;
	v35 =	vmul.f32 v62, v15;
	v36 =	vsub.f32 v59, v21;
	v34 =	vmul.f32 v33, v3;
	[tilespmem:s26+$0x380] =	vst v31;
	v22 =	vld [tilespmem:s2+$0x18B00]  }
0x16e: {  	s3 =	simm.s32 $0x18820;
	s0 =	simm.s32 $0x0;
	v33 =	vadd.f32 v25, v5;
	v31 =	vld [tilespmem:s26+$0x200];
	s2 =	simm.s32 $0x100;
	v27 =	vmul.f32 v27, v14;
	[tilespmem:s26+$0x280] =	vst v61;
	v25 =	vmul.f32 v63, v16  }
.LBB2_5:
0x16f: {  	s5 =	sand.u32 $0x1C00, s2;
	s0 =	sadd.s32 $0x2, s0;
	v29 =	vmul.f32 v29, v9;
	v32 =	vsub.f32 v32, v4;
	v26 =	vmul.f32 v26, v13;
	s30 =	sadd.s32 $0x20, s30  }
0x170: {  	v34 =	vadd.f32 v34, v5;
	s7 =	sand.u32 $0x60, s30;
	v37 =	vld [tilespmem:s4+$0x0];
	s5 =	sadd.s32 s5, s25;
	p0 =	slt.u32 s0, $0x2E;
	v35 =	vmul.f32 v35, v16;
	v36 =	vmul.f32 v36, v20  }
0x171: {  	v30 =	vsub.f32 v30, v7;
	v38 =	vld [tilespmem:s3+$0x0];
	s12 =	sadd.s32 s7, s5;
	s8 =	sor.u32 $0x10, s7;
	s7 =	sand.u32 $0x380, s30;
	v29 =	vmul.f32 v29, v16;
	v32 =	vmul.f32 v32, v11  }
0x172: {  	v23 =	vmul.f32 v23, v3;
	v28 =	vsub.f32 v28, v10;
	v39 =	vld [tilespmem:s12+$0x300];
	s7 =	sor.u32 s7, s8;
	s8 =	sadd.s32 s8, s5;
	[tilespmem:s26+$0x300] =	vst v33;
	v33 =	vadd.f32 v35, v22  }
0x173: {  	v31 =	vsub.f32 v31, v4;
	v35 =	vld [tilespmem:s7+$0x18800];
	[tilespmem:s26+$0x180] =	vst v34;
	v29 =	vadd.f32 v29, v22;
	v34 =	vmul.f32 v36, v16  }
0x174: {  	v24 =	vadd.f32 v24, v5;
	v30 =	vmul.f32 v30, v8;
	v32 =	vmul.f32 v32, v16;
	v36 =	vld [tilespmem:s12+$0x100];
	[tilespmem:s28+$0x180] =	vst v33  }
0x175: {  	v28 =	vmul.f32 v28, v9;
	v31 =	vmul.f32 v31, v11;
	v33 =	vld [tilespmem:s12+$0x380];
	[tilespmem:s28+$0x80] =	vst v29;
	v29 =	vadd.f32 v34, v22  }
0x176: {  	v27 =	vmul.f32 v27, v16;
	v34 =	vld [tilespmem:s12+$0x0];
	[tilespmem:s26+$0x0] =	vst v24;
	v24 =	vmul.f32 v30, v16;
	v30 =	vadd.f32 v32, v22  }
0x177: {  	v25 =	vadd.f32 v25, v22;
	v23 =	vadd.f32 v23, v5;
	v40 =	vmul.f32 v26, v16;
	v32 =	vld [tilespmem:s12+$0x280];
	[tilespmem:s28+$0x300] =	vst v29  }
0x178: {  	v27 =	vadd.f32 v27, v22;
	v28 =	vmul.f32 v28, v3;
	v29 =	vmul.f32 v31, v3;
	v26 =	vld [tilespmem:s12+$0x180];
	[tilespmem:s28+$0x200] =	vst v30  }
0x179: {  	v3 =	vmovc v38;
	v16 =	vmov v35;
	v30 =	vsub.f32 v36, v6;
	v31 =	vld [tilespmem:s8+$0x80];
	[tilespmem:s26+$0x100] =	vst v23;
	v36 =	vadd.f32 v40, v22  }
0x17a: {  	v28 =	vadd.f32 v28, v5;
	v33 =	vsub.f32 v33, v19;
	v35 =	vld [tilespmem:s8+$0x380];
	[tilespmem:s28+$0x100] =	vst v27  }
0x17b: {  	v5 =	vadd.f32 v29, v5;
	v27 =	vsub.f32 v34, v7;
	v23 =	vmul.f32 v30, v14;
	v34 =	vld [tilespmem:s8+$0x280];
	[tilespmem:s28+$0x280] =	vst v25  }
0x17c: {  	v22 =	vadd.f32 v24, v22;
	v25 =	vsub.f32 v32, v17;
	v29 =	vmul.f32 v33, v13;
	v33 =	vld [tilespmem:s8+$0x100];
	[tilespmem:s26+$0x80] =	vst v28  }
0x17d: {  	v24 =	vmul.f32 v27, v8;
	v27 =	vsub.f32 v26, v12;
	v26 =	vsub.f32 v39, v21;
	v38 =	vld [tilespmem:s8+$0x180];
	[tilespmem:s26+$0x200] =	vst v5;
	s26 =	smov.u32 s12  }
0x17e: {  	v28 =	vmul.f32 v25, v18;
	v25 =	vmul.f32 v29, v3;
	v29 =	vsub.f32 v31, v10;
	v32 =	vld [tilespmem:s8+$0x200];
	[tilespmem:s28+$0x0] =	vst v22  }
0x17f: {  	v24 =	vmul.f32 v24, v3;
	v22 =	vmul.f32 v26, v20;
	v39 =	vld [tilespmem:s8+$0x300];
	v26 =	vsub.f32 v35, v19;
	[tilespmem:s28+$0x380] =	vst v36;
	s28 =	smov.u32 s8  }
.Ltmp1:
0x180: {  	v5 =	vmovc v37;
	v31 =	vmul.f32 v28, v3;
	v25 =	vadd.f32 v25, v37;
	v30 =	vld [tilespmem:s28+$0x0];
	v34 =	vsub.f32 v34, v17;
	(pc) =	sbr.rel @p0 .LBB2_5-.Ltmp1, $4  }
0x181: {  	v27 =	vmul.f32 v27, v15;
	v35 =	vmul.f32 v22, v3;
	v22 =	vld [tilespmem:s7+$0x18B00];
	v36 =	vsub.f32 v33, v6  }
0x182: {  	v28 =	vld [tilespmem:s26+$0x80];
	v37 =	vadd.f32 v31, v5;
	[tilespmem:s26+$0x380] =	vst v25;
	v25 =	vsub.f32 v38, v12;
	v38 =	vmul.f32 v34, v18  }
0x183: {  	v34 =	vmul.f32 v27, v3;
	v31 =	vld [tilespmem:s26+$0x200];
	v33 =	vadd.f32 v35, v5;
	v27 =	vmul.f32 v36, v14  }
0x184: {  	s2 =	sadd.s32 $0x100, s2;
	s4 =	sadd.s32 $0x20, s4;
	s3 =	sadd.s32 $0x20, s3;
	[tilespmem:s26+$0x280] =	vst v37;
	v35 =	vmul.f32 v25, v15;
	v25 =	vmul.f32 v38, v16;
	v36 =	vsub.f32 v39, v21  }
0x185: {  	v12 =	vsub.f32 v32, v4  }
0x186: {  	v6 =	vmul.f32 v29, v9;
	v15 =	vadd.f32 v34, v5;
	v7 =	vsub.f32 v30, v7  }
0x187: {  	[tilespmem:s26+$0x300] =	vst v33;
	v48 =	vadd.f32 v24, v5;
	v49 =	vmul.f32 v23, v3;
	v53 =	vmul.f32 v27, v16  }
0x188: {  	v58 =	vmul.f32 v26, v13;
	v14 =	vmul.f32 v35, v16;
	v59 =	vadd.f32 v25, v22;
	[tilespmem:s26+$0x180] =	vst v15  }
0x189: {  	v17 =	vmul.f32 v36, v20;
	v6 =	vmul.f32 v6, v16;
	[tilespmem:s26+$0x0] =	vst v48;
	v54 =	vadd.f32 v49, v5  }
0x18a: {  	v12 =	vmul.f32 v12, v11;
	v10 =	vsub.f32 v28, v10;
	v57 =	vadd.f32 v53, v22;
	[tilespmem:s28+$0x280] =	vst v59  }
0x18b: {  	v55 =	vmul.f32 v7, v8;
	v62 =	vmul.f32 v58, v16;
	v14 =	vadd.f32 v14, v22;
	[tilespmem:s26+$0x100] =	vst v54  }
0x18c: {  	v47 =	vmul.f32 v17, v16;
	v50 =	vsub.f32 v31, v4;
	v6 =	vadd.f32 v6, v22;
	[tilespmem:s28+$0x100] =	vst v57  }
0x18d: {  	v12 =	vmul.f32 v12, v16;
	v52 =	vmul.f32 v10, v9;
	v63 =	vadd.f32 v62, v22;
	[tilespmem:s28+$0x180] =	vst v14  }
0x18e: {  	s24 =	sadd.s32 $0x1, s24;
	v60 =	vmul.f32 v55, v16;
	v51 =	vadd.f32 v47, v22;
	v4 =	vmul.f32 v50, v11;
	[tilespmem:s28+$0x80] =	vst v6  }
0x18f: {  	p0 =	sne.s32 s24, $0x8;
	v12 =	vadd.f32 v12, v22;
	v56 =	vmul.f32 v52, v3;
	[tilespmem:s28+$0x380] =	vst v63  }
.Ltmp2:
0x190: {  	[tilespmem:s28+$0x300] =	vst v51;
	v3 =	vmul.f32 v4, v3;
	v4 =	vadd.f32 v60, v22;
	(pc) =	sbr.rel @p0 .LBB2_2-.Ltmp2, $4  }
0x191: {  	[tilespmem:s28+$0x200] =	vst v12;
	v61 =	vadd.f32 v56, v5  }
0x192: {  	v3 =	vadd.f32 v3, v5;
	[tilespmem:s28+$0x0] =	vst v4  }
0x193: {  	[tilespmem:s26+$0x80] =	vst v61  }
0x194: {  	[tilespmem:s26+$0x200] =	vst v3  }
0x195: {  	s24 =	simm.s32 $0x0;
	s0 =	rddreg [dreg:$0x9];
	s2 =	simm.s32 $0x200  }
0x196: {  	[hbm4b:s0+s24] =	stream.linear.scatter [tilespmem:s2], [sflag:$0x3], $0xC000, $0x38;
	[tilespmem:$0x18E00] =	vst v63  }
0x197: {  	_ =	swait.ge [sflag:s18], $0xC000  }
0x198: {  	[sflag:s18] =	ssyncset.done $0x0  }
0x199: {  	[sflag:s18] =	ssyncadd.s32 $0xFFFF4000  }
0x19a: {  	v3 =	vld [tilespmem:$0x80];
	_ =	sdelay $0x4  }
0x19b: {  	v4 =	vshrl.u32 v3, $0x3  }
0x19c: {  	v4 =	vmul.u32 $0x30, v4  }
0x19d: {  	v3 =	vand.u32 $0x7, v3  }
0x19e: {  	v3 =	vor.u32 v3, v4  }
0x19f: {  	v4 =	vperm.xlane v3, v0;
	_ =	sdelay $0x1  }
0x1a0: {  	v4 =	vadd.s32 v1, v4;
	_ =	sdelay $0x3  }
0x1a1: {  	v3 =	vperm.xlane v3, v2  }
0x1a2: {  	[tilespmem:s2], [sflag:$0x1] =	stream.indirect_vreg.gather [hbm4b:s1+s24], $0x80, v4, vm0, $0xb8;
	[tilespmem:$0x18E00] =	vst v63  }
0x1a3: {  	s26 =	simm.s32 $0xA00;
	v3 =	vadd.s32 v1, v3  }
0x1a4: {  	[tilespmem:s26], [sflag:$0x1] =	stream.indirect_vreg.gather [hbm4b:s9+s24], $0x80, v4, vm0, $0xb8;
	[tilespmem:$0x18E00] =	vst v63  }
0x1a5: {  	s28 =	simm.s32 $0x1200  }
0x1a6: {  	[tilespmem:s28], [sflag:$0x1] =	stream.indirect_vreg.gather [hbm4b:s11+s24], $0x80, v4, vm0, $0xb8;
	[tilespmem:$0x18E00] =	vst v63  }
0x1a7: {  	s29 =	simm.s32 $0x1A00  }
0x1a8: {  	[tilespmem:s29], [sflag:$0x1] =	stream.indirect_vreg.gather [hbm4b:s1+s24], $0x80, v3, vm0, $0xb8;
	[tilespmem:$0x18E00] =	vst v63  }
0x1a9: {  	s30 =	simm.s32 $0x2200  }
0x1aa: {  	[tilespmem:s30], [sflag:$0x1] =	stream.indirect_vreg.gather [hbm4b:s9+s24], $0x80, v3, vm0, $0xb8;
	[tilespmem:$0x18E00] =	vst v63  }
0x1ab: {  	s31 =	simm.s32 $0x2A00  }
0x1ac: {  	[tilespmem:s31], [sflag:$0x1] =	stream.indirect_vreg.gather [hbm4b:s11+s24], $0x80, v3, vm0, $0xb8;
	[tilespmem:$0x18E00] =	vst v63  }
0x1ad: {  	v3 =	vld [tilespmem:$0x90];
	_ =	sdelay $0x4  }
0x1ae: {  	v61 =	vshrl.u32 v3, $0x3  }
0x1af: {  	v4 =	vmul.u32 $0x30, v61  }
0x1b0: {  	v3 =	vand.u32 $0x7, v3  }
0x1b1: {  	v3 =	vor.u32 v3, v4  }
0x1b2: {  	v4 =	vperm.xlane v3, v0;
	_ =	sdelay $0x1  }
0x1b3: {  	v4 =	vadd.s32 v1, v4;
	_ =	sdelay $0x3  }
0x1b4: {  	s2 =	simm.s32 $0x3200;
	v3 =	vperm.xlane v3, v2  }
0x1b5: {  	[tilespmem:s2], [sflag:$0x1] =	stream.indirect_vreg.gather [hbm4b:s1+s24], $0x80, v4, vm0, $0xb8;
	[tilespmem:$0x18E00] =	vst v63  }
0x1b6: {  	s3 =	simm.s32 $0x3A00;
	v3 =	vadd.s32 v1, v3  }
0x1b7: {  	[tilespmem:s3], [sflag:$0x1] =	stream.indirect_vreg.gather [hbm4b:s9+s24], $0x80, v4, vm0, $0xb8;
	[tilespmem:$0x18E00] =	vst v63  }
0x1b8: {  	s4 =	simm.s32 $0x4200  }
0x1b9: {  	[tilespmem:s4], [sflag:$0x1] =	stream.indirect_vreg.gather [hbm4b:s11+s24], $0x80, v4, vm0, $0xb8;
	[tilespmem:$0x18E00] =	vst v63  }
0x1ba: {  	s5 =	simm.s32 $0x4A00  }
0x1bb: {  	[tilespmem:s5], [sflag:$0x1] =	stream.indirect_vreg.gather [hbm4b:s1+s24], $0x80, v3, vm0, $0xb8;
	[tilespmem:$0x18E00] =	vst v63  }
0x1bc: {  	s7 =	simm.s32 $0x5200  }
0x1bd: {  	[tilespmem:s7], [sflag:$0x1] =	stream.indirect_vreg.gather [hbm4b:s9+s24], $0x80, v3, vm0, $0xb8;
	[tilespmem:$0x18E00] =	vst v63  }
0x1be: {  	s8 =	simm.s32 $0x5A00  }
0x1bf: {  	[tilespmem:s8], [sflag:$0x1] =	stream.indirect_vreg.gather [hbm4b:s11+s24], $0x80, v3, vm0, $0xb8;
	[tilespmem:$0x18E00] =	vst v63  }
0x1c0: {  	v3 =	vld [tilespmem:$0xA0];
	_ =	sdelay $0x4  }
0x1c1: {  	v62 =	vshrl.u32 v3, $0x3  }
0x1c2: {  	v4 =	vmul.u32 $0x30, v62  }
0x1c3: {  	v3 =	vand.u32 $0x7, v3  }
0x1c4: {  	v3 =	vor.u32 v3, v4  }
0x1c5: {  	v4 =	vperm.xlane v3, v0;
	_ =	sdelay $0x1  }
0x1c6: {  	v4 =	vadd.s32 v1, v4;
	_ =	sdelay $0x3  }
0x1c7: {  	s10 =	simm.s32 $0x6200;
	v3 =	vperm.xlane v3, v2  }
0x1c8: {  	[tilespmem:s10], [sflag:$0x1] =	stream.indirect_vreg.gather [hbm4b:s1+s24], $0x80, v4, vm0, $0xb8;
	[tilespmem:$0x18E00] =	vst v63  }
0x1c9: {  	s12 =	simm.s32 $0x6A00;
	v3 =	vadd.s32 v1, v3  }
0x1ca: {  	[tilespmem:s12], [sflag:$0x1] =	stream.indirect_vreg.gather [hbm4b:s9+s24], $0x80, v4, vm0, $0xb8;
	[tilespmem:$0x18E00] =	vst v63  }
0x1cb: {  	s13 =	simm.s32 $0x7200  }
0x1cc: {  	[tilespmem:s13], [sflag:$0x1] =	stream.indirect_vreg.gather [hbm4b:s11+s24], $0x80, v4, vm0, $0xb8;
	[tilespmem:$0x18E00] =	vst v63  }
0x1cd: {  	s14 =	simm.s32 $0x7A00  }
0x1ce: {  	[tilespmem:s14], [sflag:$0x1] =	stream.indirect_vreg.gather [hbm4b:s1+s24], $0x80, v3, vm0, $0xb8;
	[tilespmem:$0x18E00] =	vst v63  }
0x1cf: {  	s15 =	simm.s32 $0x8200  }
0x1d0: {  	[tilespmem:s15], [sflag:$0x1] =	stream.indirect_vreg.gather [hbm4b:s9+s24], $0x80, v3, vm0, $0xb8;
	[tilespmem:$0x18E00] =	vst v63  }
0x1d1: {  	s21 =	simm.s32 $0x8A00  }
0x1d2: {  	[tilespmem:s21], [sflag:$0x1] =	stream.indirect_vreg.gather [hbm4b:s11+s24], $0x80, v3, vm0, $0xb8;
	[tilespmem:$0x18E00] =	vst v63  }
0x1d3: {  	v3 =	vld [tilespmem:$0xB0];
	_ =	sdelay $0x4  }
0x1d4: {  	v63 =	vshrl.u32 v3, $0x3  }
0x1d5: {  	v4 =	vmul.u32 $0x30, v63  }
0x1d6: {  	v3 =	vand.u32 $0x7, v3  }
0x1d7: {  	v3 =	vor.u32 v3, v4  }
0x1d8: {  	v4 =	vperm.xlane v3, v0;
	_ =	sdelay $0x1  }
0x1d9: {  	v4 =	vadd.s32 v1, v4;
	_ =	sdelay $0x3  }
0x1da: {  	s25 =	simm.s32 $0x9200;
	v3 =	vperm.xlane v3, v2  }
0x1db: {  	[tilespmem:s25], [sflag:$0x1] =	stream.indirect_vreg.gather [hbm4b:s1+s24], $0x80, v4, vm0, $0xb8;
	[tilespmem:$0x18E00] =	vst v63  }
0x1dc: {  	s26 =	simm.s32 $0x9A00;
	v3 =	vadd.s32 v1, v3  }
0x1dd: {  	[tilespmem:s26], [sflag:$0x1] =	stream.indirect_vreg.gather [hbm4b:s9+s24], $0x80, v4, vm0, $0xb8;
	[tilespmem:$0x18E00] =	vst v63  }
0x1de: {  	s28 =	simm.s32 $0xA200  }
0x1df: {  	[tilespmem:s28], [sflag:$0x1] =	stream.indirect_vreg.gather [hbm4b:s11+s24], $0x80, v4, vm0, $0xb8;
	[tilespmem:$0x18E00] =	vst v63  }
0x1e0: {  	s29 =	simm.s32 $0xAA00  }
0x1e1: {  	[tilespmem:s29], [sflag:$0x1] =	stream.indirect_vreg.gather [hbm4b:s1+s24], $0x80, v3, vm0, $0xb8;
	[tilespmem:$0x18E00] =	vst v63  }
0x1e2: {  	s30 =	simm.s32 $0xB200  }
0x1e3: {  	[tilespmem:s30], [sflag:$0x1] =	stream.indirect_vreg.gather [hbm4b:s9+s24], $0x80, v3, vm0, $0xb8;
	[tilespmem:$0x18E00] =	vst v63  }
0x1e4: {  	s31 =	simm.s32 $0xBA00  }
0x1e5: {  	[tilespmem:s31], [sflag:$0x1] =	stream.indirect_vreg.gather [hbm4b:s11+s24], $0x80, v3, vm0, $0xb8;
	[tilespmem:$0x18E00] =	vst v63  }
0x1e6: {  	_ =	swait.ge [sflag:s19], $0xC000  }
0x1e7: {  	[sflag:s19] =	ssyncset.done $0x0  }
0x1e8: {  	s16 =	simm.s32 $0x200;
	s25 =	simm.s32 $0x0;
	[sflag:s19] =	ssyncadd.s32 $0xFFFF4000  }
.LBB2_8:
0x1e9: {  	s0 =	sshll.u32 s25, $0x3;
	s14 =	smul.u32 $0x6000, s25;
	s15 =	simm.s32 $0x0  }
0x1ea: {  	s4 =	simm.s32 $0x0;
	s2 =	sor.u32 $0x40, s0;
	s5 =	sor.u32 $0x41, s0  }
0x1eb: {  	s7 =	sor.u32 $0x42, s0;
	s8 =	sor.u32 $0x43, s0;
	s10 =	sor.u32 $0x44, s0  }
0x1ec: {  	s12 =	sor.u32 $0x45, s0;
	s13 =	sor.u32 $0x46, s0;
	s0 =	sor.u32 $0x47, s0  }
0x1ed: {  	s21 =	sand.u32 $0x60, s24;
	s4 =	sand.u32 $0xFFFFFF00, s4;
	v10 =	vmov s0;
	s0 =	sshra.s32 s14, $0x2  }
0x1ee: {  	v3 =	vmov s2;
	s2 =	sand.u32 $0x3FFFFC00, s15;
	s4 =	sadd.s32 $0x18200, s4;
	s26 =	sadd.s32 $0xC200, s0  }
0x1ef: {  	s3 =	sor.u32 $0x10, s21;
	v4 =	vmov s5;
	v3 =	vbroadcast v3, $0x0;
	s29 =	sor.u32 s21, s4;
	s2 =	sadd.s32 s2, s26  }
0x1f0: {  	v6 =	vmov s8;
	v4 =	vbroadcast v4, $0x0;
	v20 =	vld [tilespmem:s29+$0x0];
	s28 =	sadd.s32 s3, s2  }
0x1f1: {  	v8 =	vmov s12;
	v6 =	vbroadcast v6, $0x0;
	s3 =	sor.u32 s3, s4;
	v11 =	vld [tilespmem:s28+$0x0]  }
0x1f2: {  	v9 =	vmov s13;
	v8 =	vbroadcast v8, $0x0;
	v17 =	vld [tilespmem:s3+$0x0]  }
0x1f3: {  	v7 =	vmov s10;
	v9 =	vbroadcast v9, $0x0;
	v18 =	vld [tilespmem:s3+$0x80]  }
0x1f4: {  	v5 =	vmov s7;
	v7 =	vbroadcast v7, $0x0;
	v10 =	vld.idx.msk [tilespmem:v10+s20+$0x0], $0xffff  }
0x1f5: {  	v5 =	vbroadcast v5, $0x0;
	v3 =	vld.idx.msk [tilespmem:v3+s20+$0x0], $0xffff  }
0x1f6: {  	v4 =	vld.idx.msk [tilespmem:v4+s20+$0x0], $0xffff  }
0x1f7: {  	v6 =	vld.idx.msk [tilespmem:v6+s20+$0x0], $0xffff  }
0x1f8: {  	v8 =	vld.idx.msk [tilespmem:v8+s20+$0x0], $0xffff  }
0x1f9: {  	v9 =	vld.idx.msk [tilespmem:v9+s20+$0x0], $0xffff  }
0x1fa: {  	v7 =	vld.idx.msk [tilespmem:v7+s20+$0x0], $0xffff  }
0x1fb: {  	v5 =	vld.idx.msk [tilespmem:v5+s20+$0x0], $0xffff  }
0x1fc: {  	v12 =	vld [tilespmem:s28+$0x80]  }
0x1fd: {  	v13 =	vimm.f32 $0.0e+00;
	v14 =	vld [tilespmem:s28+$0x100]  }
0x1fe: {  	v15 =	vld [tilespmem:s28+$0x180];
	vm1 =	veq.s32 v10, $0x0;
	vm2 =	veq.s32 v9, $0x0;
	vm3 =	veq.s32 v8, $0x0  }
0x1ff: {  	v16 =	vld [tilespmem:s28+$0x200];
	vm4 =	veq.s32 v7, $0x0;
	vm5 =	veq.s32 v6, $0x0;
	vm6 =	veq.s32 v3, $0x0  }
0x200: {  	v19 =	vld [tilespmem:s28+$0x280];
	vm7 =	veq.s32 v5, $0x0;
	vm8 =	veq.s32 v4, $0x0;
	v4 =	vsel vm6, v17, v18  }
0x201: {  	v8 =	vld [tilespmem:s29+$0x80];
	v5 =	vsel vm8, v17, v18;
	v6 =	vsel vm7, v17, v18;
	v10 =	vsel vm5, v17, v18  }
0x202: {  	v7 =	vld [tilespmem:s28+$0x300];
	v22 =	vsel vm4, v17, v18;
	v23 =	vsel vm3, v17, v18;
	v30 =	vadd.f32 v4, v11  }
0x203: {  	s30 =	sadd.s32 s21, s2;
	v3 =	vld [tilespmem:s28+$0x380];
	v24 =	vsel vm2, v17, v18;
	v29 =	vadd.f32 v12, v5;
	v28 =	vadd.f32 v14, v6  }
0x204: {  	v9 =	vld [tilespmem:s30+$0x0];
	v17 =	vsel vm1, v17, v18;
	v27 =	vadd.f32 v15, v10;
	v6 =	vadd.f32 v16, v22  }
0x205: {  	v18 =	vld [tilespmem:s30+$0x180];
	v5 =	vadd.f32 v19, v23;
	v15 =	vimm.f32 $0.0e+00;
	v14 =	vimm.f32 $0.0e+00  }
0x206: {  	v25 =	vld [tilespmem:s30+$0x100];
	v22 =	vimm.f32 $0.0e+00;
	v23 =	vimm.f32 $0.0e+00;
	v19 =	vimm.f32 $0.0e+00  }
0x207: {  	v21 =	vld [tilespmem:s30+$0x80];
	v16 =	vimm.f32 $0.0e+00;
	v26 =	vsel vm6, v20, v8;
	v31 =	vsel vm8, v20, v8  }
0x208: {  	v36 =	vld [tilespmem:s30+$0x280];
	v32 =	vsel vm7, v20, v8;
	v34 =	vsel vm5, v20, v8;
	v33 =	vsel vm4, v20, v8  }
0x209: {  	v38 =	vld [tilespmem:s30+$0x300];
	v35 =	vsel vm3, v20, v8;
	v4 =	vadd.f32 v7, v24;
	v3 =	vadd.f32 v3, v17  }
0x20a: {  	v37 =	vsel vm2, v20, v8;
	v12 =	vadd.f32 v26, v9;
	v9 =	vadd.f32 v18, v34;
	v34 =	vld [tilespmem:s30+$0x200]  }
0x20b: {  	[tilespmem:s28+$0x0] =	vst v30;
	v24 =	vimm.f32 $0.0e+00;
	v17 =	vimm.f32 $0.0e+00;
	v10 =	vadd.f32 v25, v32;
	v32 =	vld [tilespmem:s30+$0x380]  }
0x20c: {  	[tilespmem:s28+$0x80] =	vst v29;
	v7 =	vimm.f32 $0.0e+00;
	v11 =	vadd.f32 v21, v31;
	v31 =	vsel vm1, v20, v8  }
0x20d: {  	[tilespmem:s28+$0x100] =	vst v28;
	v26 =	vimm.f32 $0.0e+00;
	v25 =	vimm.f32 $0.0e+00;
	v21 =	vimm.f32 $0.0e+00  }
0x20e: {  	s31 =	simm.s32 $0x0;
	s7 =	simm.s32 $0x0;
	[tilespmem:s28+$0x180] =	vst v27;
	v20 =	vimm.f32 $0.0e+00;
	v18 =	vimm.f32 $0.0e+00;
	v8 =	vimm.f32 $0.0e+00  }
.LBB2_9:
0x20f: {  	s31 =	sadd.s32 $0x2, s31;
	[tilespmem:s30+$0x0] =	vst v12;
	v39 =	vmul.f32 v12, v12;
	v33 =	vadd.f32 v34, v33;
	v34 =	vadd.f32 v36, v35  }
0x210: {  	v35 =	vmul.f32 v11, v11;
	v36 =	vadd.f32 v38, v37;
	s7 =	sadd.s32 $0x20, s7;
	s3 =	sshll.u32 s31, $0x7;
	p0 =	slt.u32 s31, $0x2E;
	[tilespmem:s30+$0x80] =	vst v11;
	v31 =	vadd.f32 v32, v31  }
0x211: {  	v12 =	vadd.f32 v12, v13;
	s0 =	sand.u32 $0x60, s7;
	v32 =	vmul.f32 v30, v30;
	s2 =	sand.u32 $0x3FFFFC00, s3;
	v26 =	vadd.f32 v39, v26;
	[tilespmem:s30+$0x100] =	vst v10  }
0x212: {  	v11 =	vadd.f32 v11, v15;
	s4 =	sor.u32 $0x10, s0;
	v14 =	vadd.f32 v35, v14;
	v35 =	vmul.f32 v29, v29;
	s2 =	sadd.s32 s2, s26;
	[tilespmem:s30+$0x180] =	vst v9  }
0x213: {  	v37 =	vmul.f32 v10, v10;
	v13 =	vadd.f32 v30, v12;
	s5 =	sadd.s32 s4, s2;
	[tilespmem:s30+$0x200] =	vst v33;
	v26 =	vadd.f32 v32, v26  }
0x214: {  	v30 =	vmul.f32 v9, v9;
	v15 =	vadd.f32 v29, v11;
	v14 =	vadd.f32 v35, v14;
	v12 =	vld [tilespmem:s5+$0x0];
	[tilespmem:s30+$0x280] =	vst v34  }
0x215: {  	v10 =	vadd.f32 v10, v22;
	v23 =	vadd.f32 v37, v23;
	v29 =	vmul.f32 v28, v28;
	v11 =	vld [tilespmem:s5+$0x80];
	[tilespmem:s30+$0x300] =	vst v36  }
0x216: {  	v9 =	vadd.f32 v9, v24;
	v25 =	vadd.f32 v30, v25;
	v30 =	vmul.f32 v27, v27;
	v32 =	vld [tilespmem:s5+$0x100];
	[tilespmem:s30+$0x380] =	vst v31  }
0x217: {  	s3 =	sshra.s32 s3, $0x2;
	v37 =	vmul.f32 v33, v33;
	v22 =	vadd.f32 v28, v10;
	v23 =	vadd.f32 v29, v23;
	v35 =	vld [tilespmem:s5+$0x180];
	[tilespmem:s28+$0x200] =	vst v6  }
0x218: {  	s3 =	sand.u32 $0xFFFFFF00, s3;
	v28 =	vmul.f32 v34, v34;
	v24 =	vadd.f32 v27, v9;
	v25 =	vadd.f32 v30, v25;
	v10 =	vld [tilespmem:s5+$0x200];
	[tilespmem:s28+$0x280] =	vst v5  }
0x219: {  	v21 =	vadd.f32 v33, v21;
	s3 =	sadd.s32 $0x18200, s3;
	v20 =	vadd.f32 v37, v20;
	v27 =	vmul.f32 v6, v6;
	v9 =	vld [tilespmem:s5+$0x280];
	[tilespmem:s28+$0x300] =	vst v4  }
0x21a: {  	v19 =	vadd.f32 v34, v19;
	s4 =	sor.u32 s4, s3;
	v18 =	vadd.f32 v28, v18;
	v28 =	vmul.f32 v5, v5;
	v37 =	vld [tilespmem:s5+$0x300];
	[tilespmem:s28+$0x380] =	vst v3;
	s28 =	smov.u32 s5  }
0x21b: {  	v21 =	vadd.f32 v6, v21;
	v30 =	vmul.f32 v36, v36;
	v20 =	vadd.f32 v27, v20;
	v29 =	vld [tilespmem:s4+$0x0]  }
0x21c: {  	v19 =	vadd.f32 v5, v19;
	v27 =	vmul.f32 v31, v31;
	v18 =	vadd.f32 v28, v18;
	v6 =	vld [tilespmem:s4+$0x80]  }
0x21d: {  	s3 =	sor.u32 s0, s3;
	v16 =	vadd.f32 v30, v16;
	v28 =	vmul.f32 v4, v4;
	v5 =	vadd.f32 v36, v17;
	v39 =	vld [tilespmem:s28+$0x380]  }
0x21e: {  	v8 =	vadd.f32 v31, v8;
	v7 =	vadd.f32 v27, v7;
	v27 =	vmul.f32 v3, v3;
	v40 =	vld [tilespmem:s3+$0x0]  }
0x21f: {  	s30 =	sadd.s32 s0, s2;
	v16 =	vadd.f32 v28, v16;
	v17 =	vadd.f32 v4, v5;
	v31 =	vld [tilespmem:s3+$0x80]  }
0x220: {  	v8 =	vadd.f32 v3, v8;
	v7 =	vadd.f32 v27, v7;
	v41 =	vld [tilespmem:s30+$0x0]  }
0x221: {  	v42 =	vld [tilespmem:s30+$0x80];
	v3 =	vsel vm6, v29, v6  }
0x222: {  	v4 =	vsel vm8, v29, v6;
	v5 =	vsel vm7, v29, v6;
	v27 =	vsel vm5, v29, v6;
	v43 =	vld [tilespmem:s30+$0x100]  }
0x223: {  	v45 =	vsel vm4, v29, v6;
	v46 =	vsel vm3, v29, v6;
	v47 =	vsel vm2, v29, v6;
	v44 =	vld [tilespmem:s30+$0x180]  }
0x224: {  	v50 =	vsel vm1, v29, v6;
	v48 =	vsel vm6, v40, v31;
	v49 =	vsel vm8, v40, v31;
	v34 =	vld [tilespmem:s30+$0x200]  }
0x225: {  	v30 =	vadd.f32 v3, v12;
	v29 =	vadd.f32 v11, v4;
	v51 =	vsel vm7, v40, v31;
	v36 =	vld [tilespmem:s30+$0x280]  }
.Ltmp3:
0x226: {  	v28 =	vadd.f32 v32, v5;
	v27 =	vadd.f32 v35, v27;
	v52 =	vsel vm5, v40, v31;
	v38 =	vld [tilespmem:s30+$0x300];
	(pc) =	sbr.rel @p0 .LBB2_9-.Ltmp3, $4  }
0x227: {  	v6 =	vadd.f32 v10, v45;
	v5 =	vadd.f32 v9, v46;
	v33 =	vsel vm4, v40, v31;
	v32 =	vld [tilespmem:s30+$0x380];
	[tilespmem:s28+$0x0] =	vst v30  }
0x228: {  	v4 =	vadd.f32 v37, v47;
	v3 =	vadd.f32 v39, v50;
	v35 =	vsel vm3, v40, v31;
	[tilespmem:s28+$0x80] =	vst v29  }
0x229: {  	v37 =	vsel vm2, v40, v31;
	v12 =	vadd.f32 v48, v41;
	v11 =	vadd.f32 v42, v49;
	[tilespmem:s28+$0x100] =	vst v28  }
0x22a: {  	v31 =	vsel vm1, v40, v31;
	v10 =	vadd.f32 v43, v51;
	v9 =	vadd.f32 v44, v52;
	[tilespmem:s28+$0x180] =	vst v27  }
0x22b: {  	v39 =	vmul.f32 v12, v12  }
0x22c: {  	v13 =	vadd.f32 v12, v13  }
0x22d: {  	v53 =	vmul.f32 v30, v30;
	v26 =	vadd.f32 v39, v26  }
0x22e: {  	v13 =	vadd.f32 v30, v13;
	v30 =	vmul.f32 v11, v11  }
0x22f: {  	v15 =	vadd.f32 v11, v15;
	v26 =	vadd.f32 v53, v26  }
0x230: {  	v14 =	vadd.f32 v30, v14;
	v30 =	vmul.f32 v29, v29;
	(xrf2) =	vadd.scan.msk.f32 $0xffff, v13  }
0x231: {  	v13 =	vadd.f32 v29, v15;
	(xrf2) =	vadd.scan.msk.f32 $0xffff, v26  }
0x232: {  	v14 =	vadd.f32 v30, v14  }
0x233: {  	(xrf2) =	vadd.scan.msk.f32 $0xffff, v13  }
0x234: {  	v26 =	vmul.f32 v10, v10;
	(xrf2) =	vadd.scan.msk.f32 $0xffff, v14  }
0x235: {  	v22 =	vadd.f32 v10, v22;
	v24 =	vadd.f32 v9, v24  }
0x236: {  	v29 =	vmul.f32 v9, v9;
	v23 =	vadd.f32 v26, v23;
	v26 =	vmul.f32 v28, v28  }
0x237: {  	v22 =	vadd.f32 v28, v22;
	v15 =	vadd.f32 v34, v33  }
0x238: {  	v24 =	vadd.f32 v27, v24;
	v25 =	vadd.f32 v29, v25  }
0x239: {  	v29 =	vmul.f32 v27, v27;
	v21 =	vadd.f32 v15, v21;
	v23 =	vadd.f32 v26, v23  }
0x23a: {  	v14 =	vadd.f32 v36, v35;
	v28 =	vmul.f32 v15, v15;
	v26, _, _ =	vpop (xrf2);
	(xrf2) =	vadd.scan.msk.f32 $0xffff, v22;
	v22 =	vmul.f32 v6, v6  }
0x23b: {  	v25 =	vadd.f32 v29, v25;
	(v2sf) =	vpush v26, $0xF;
	v26, _, _ =	vpop (xrf2)  }
0x23c: {  	v20 =	vadd.f32 v28, v20;
	(v2sf) =	vpush v26, $0xF  }
0x23d: {  	v21 =	vadd.f32 v6, v21;
	v19 =	vadd.f32 v14, v19;
	(xrf2) =	vadd.scan.msk.f32 $0xffff, v23;
	v23, _, _ =	vpop (xrf2)  }
0x23e: {  	v27 =	vmul.f32 v14, v14;
	v20 =	vadd.f32 v22, v20;
	(xrf2) =	vadd.scan.msk.f32 $0xffff, v24;
	(v2sf) =	vpush v23, $0xF;
	v22, _, _ =	vpop (xrf2)  }
0x23f: {  	v13 =	vadd.f32 v38, v37;
	(xrf2) =	vadd.scan.msk.f32 $0xffff, v25;
	(v2sf) =	vpush v22, $0xF  }
0x240: {  	v18 =	vadd.f32 v27, v18;
	v19 =	vadd.f32 v5, v19;
	v24 =	vmul.f32 v5, v5;
	(xrf2) =	vadd.scan.msk.f32 $0xffff, v21  }
0x241: {  	v17 =	vadd.f32 v13, v17;
	(xrf2) =	vadd.scan.msk.f32 $0xffff, v20  }
0x242: {  	v18 =	vadd.f32 v24, v18;
	(xrf2) =	vadd.scan.msk.f32 $0xffff, v19;
	v19 =	vmul.f32 v13, v13  }
0x243: {  	v20 =	vadd.f32 v4, v17  }
0x244: {  	(xrf2) =	vadd.scan.msk.f32 $0xffff, v18;
	v18 =	vmul.f32 v4, v4  }
0x245: {  	v17 =	vadd.f32 v32, v31;
	v16 =	vadd.f32 v19, v16  }
0x246: {  	v19, _, _ =	vpop (xrf2)  }
0x247: {  	v21 =	vmul.f32 v17, v17;
	(xrf2) =	vadd.scan.msk.f32 $0xffff, v20;
	v16 =	vadd.f32 v18, v16;
	v20, _, _ =	vpop (xrf2);
	(v2sf) =	vpush v19, $0xF  }
0x248: {  	v8 =	vadd.f32 v17, v8;
	v18, _, _ =	vpop (xrf2);
	(v2sf) =	vpush v20, $0xF  }
0x249: {  	v7 =	vadd.f32 v21, v7;
	v19 =	vmul.f32 v3, v3;
	(v2sf) =	vpush v18, $0xF  }
0x24a: {  	v8 =	vadd.f32 v3, v8;
	(xrf2) =	vadd.scan.msk.f32 $0xffff, v16;
	v18, _, _ =	vpop (xrf2);
	s0 =	spop (v2sf)  }
0x24b: {  	v7 =	vadd.f32 v19, v7;
	v16, _, _ =	vpop (xrf2);
	(v2sf) =	vpush v18, $0xF;
	s31 =	smul.f32 $1.302083370e-03, s0;
	s4 =	spop (v2sf)  }
0x24c: {  	(xrf2) =	vadd.scan.msk.f32 $0xffff, v8;
	v18, _, _ =	vpop (xrf2);
	(v2sf) =	vpush v16, $0xF;
	s0 =	smul.f32 $1.302083370e-03, s4  }
0x24d: {  	(xrf2) =	vadd.scan.msk.f32 $0xffff, v7;
	(v2sf) =	vpush v18, $0xF;
	s2 =	smul.f32 s31, s31;
	s3 =	spop (v2sf)  }
0x24e: {  	v16, _, _ =	vpop (xrf2);
	s8 =	smul.f32 $1.302083370e-03, s3;
	s5 =	spop (v2sf)  }
0x24f: {  	v8, _, _ =	vpop (xrf2);
	(v2sf) =	vpush v16, $0xF;
	s3 =	smul.f32 $1.302083370e-03, s5  }
0x250: {  	(v2sf) =	vpush v8, $0xF;
	s0 =	ssub.f32 s0, s2;
	s7 =	smul.f32 s8, s8  }
0x251: {  	_ = 	snop  }
0x252: {  	v7, _, _ =	vpop (xrf2);
	s0 =	smax.f32 s0, $0.0e+00;
	s2 =	ssub.f32 s3, s7  }
0x253: {  	(v2sf) =	vpush v7, $0xF;
	s0 =	sadd.f32 $9.999999960e-13, s0  }
0x254: {  	v7, _, _ =	vpop (xrf2);
	s2 =	smax.f32 s2, $0.0e+00  }
0x255: {  	(v2sf) =	vpush v7, $0xF;
	v8 =	vmov s0;
	s12 =	sadd.f32 $9.999999960e-13, s2  }
0x256: {  	v7, _, _ =	vpop (xrf2);
	s10 =	spop (v2sf);
	v16 =	vshra.s32 v8, $0x1  }
0x257: {  	(v2sf) =	vpush v7, $0xF;
	v7, _, _ =	vpop (xrf2);
	v8 =	vmul.f32 $5.000000000e-01, v8;
	s13 =	spop (v2sf);
	v18 =	vmov s12;
	s12 =	smul.f32 $1.302083370e-03, s10  }
0x258: {  	(v2sf) =	vpush v7, $0xF;
	v7 =	vsub.s32 $0x5F3759DF, v16;
	s14 =	spop (v2sf);
	s2 =	smul.f32 $1.302083370e-03, s13  }
0x259: {  	v19 =	vmul.f32 v7, v8;
	s4 =	smul.f32 $1.302083370e-03, s14  }
0x25a: {  	s15 =	spop (v2sf);
	v16 =	vshra.s32 v18, $0x1;
	v18 =	vmul.f32 $5.000000000e-01, v18;
	s7 =	smul.f32 s12, s12  }
0x25b: {  	s5 =	spop (v2sf);
	v16 =	vsub.s32 $0x5F3759DF, v16;
	v19 =	vmul.f32 v7, v19;
	s3 =	smul.f32 $1.302083370e-03, s15  }
0x25c: {  	v20 =	vmul.f32 v16, v18;
	s14 =	smul.f32 s4, s4;
	s10 =	spop (v2sf)  }
0x25d: {  	v19 =	vsub.f32 $1.500000000e+00, v19;
	s7 =	ssub.f32 s2, s7;
	s2 =	smul.f32 $1.302083370e-03, s5  }
0x25e: {  	s21 =	spop (v2sf);
	v20 =	vmul.f32 v16, v20;
	s10 =	smul.f32 $1.302083370e-03, s10  }
0x25f: {  	s3 =	ssub.f32 s3, s14;
	s13 =	spop (v2sf);
	v7 =	vmul.f32 v7, v19  }
0x260: {  	s7 =	smax.f32 s7, $0.0e+00;
	s0 =	smul.f32 $1.302083370e-03, s21;
	v20 =	vsub.f32 $1.500000000e+00, v20  }
0x261: {  	s7 =	sadd.f32 $9.999999960e-13, s7;
	s13 =	smul.f32 $1.302083370e-03, s13;
	v19 =	vmul.f32 v7, v8  }
0x262: {  	s5 =	spop (v2sf);
	s21 =	smul.f32 s0, s0;
	v16 =	vmul.f32 v16, v20  }
0x263: {  	s3 =	smax.f32 s3, $0.0e+00;
	v21 =	vmov s7;
	s7 =	smul.f32 $1.302083370e-03, s5;
	v19 =	vmul.f32 v19, v7  }
0x264: {  	s29 =	spop (v2sf);
	s13 =	ssub.f32 s13, s21;
	v20 =	vmul.f32 v16, v18  }
0x265: {  	s3 =	sadd.f32 $9.999999960e-13, s3;
	v22 =	vshra.s32 v21, $0x1;
	v21 =	vmul.f32 $5.000000000e-01, v21;
	s5 =	smul.f32 $1.302083370e-03, s29;
	v19 =	vsub.f32 $1.500000000e+00, v19  }
0x266: {  	v22 =	vsub.s32 $0x5F3759DF, v22;
	s29 =	smul.f32 s7, s7;
	s13 =	smax.f32 s13, $0.0e+00;
	v20 =	vmul.f32 v20, v16  }
0x267: {  	s15 =	smul.f32 s2, s2;
	v24 =	vmov s3;
	v23 =	vmul.f32 v22, v21;
	s13 =	sadd.f32 $9.999999960e-13, s13;
	v7 =	vmul.f32 v19, v7  }
0x268: {  	s5 =	ssub.f32 s5, s29;
	v19 =	vshra.s32 v24, $0x1;
	v24 =	vmul.f32 $5.000000000e-01, v24;
	v20 =	vsub.f32 $1.500000000e+00, v20  }
0x269: {  	s10 =	ssub.f32 s10, s15;
	s14 =	spop (v2sf);
	v19 =	vsub.s32 $0x5F3759DF, v19;
	v25 =	vmov s13;
	v8 =	vmul.f32 v7, v8  }
0x26a: {  	s3 =	smul.f32 $1.302083370e-03, s14;
	s5 =	smax.f32 s5, $0.0e+00;
	v28 =	vshra.s32 v25, $0x1;
	v25 =	vmul.f32 $5.000000000e-01, v25;
	v16 =	vmul.f32 v20, v16  }
0x26b: {  	s14 =	spop (v2sf);
	s5 =	sadd.f32 $9.999999960e-13, s5;
	v20 =	vmul.f32 v22, v23;
	v23 =	vmul.f32 v19, v24  }
0x26c: {  	s14 =	smul.f32 $1.302083370e-03, s14;
	v28 =	vsub.s32 $0x5F3759DF, v28;
	v8 =	vmul.f32 v8, v7;
	v18 =	vmul.f32 v16, v18  }
0x26d: {  	s10 =	smax.f32 s10, $0.0e+00;
	s21 =	smul.f32 s3, s3;
	v27 =	vmov s5;
	v30 =	vmul.f32 v28, v25;
	v20 =	vsub.f32 $1.500000000e+00, v20  }
0x26e: {  	s10 =	sadd.f32 $9.999999960e-13, s10;
	v23 =	vmul.f32 v19, v23;
	v54 =	vshra.s32 v27, $0x1;
	v18 =	vmul.f32 v18, v16  }
0x26f: {  	s14 =	ssub.f32 s14, s21;
	v27 =	vmul.f32 $5.000000000e-01, v27;
	v8 =	vsub.f32 $1.500000000e+00, v8;
	v20 =	vmul.f32 v22, v20  }
0x270: {  	[tilespmem:s30+$0x0] =	vst v12;
	v32 =	vsub.s32 $0x5F3759DF, v54;
	v12 =	vmul.f32 v28, v30;
	v18 =	vsub.f32 $1.500000000e+00, v18  }
0x271: {  	s29 =	smax.f32 s14, $0.0e+00;
	v22 =	vmov s10;
	v30 =	vmul.f32 v32, v27;
	v26 =	vmul.f32 v20, v21  }
0x272: {  	v23 =	vsub.f32 $1.500000000e+00, v23;
	s10 =	sadd.f32 $9.999999960e-13, s29;
	v7 =	vmul.f32 v8, v7;
	v8 =	vmul.f32 v18, v16  }
0x273: {  	v16 =	vmul.f32 v26, v20;
	v26 =	vshra.s32 v22, $0x1;
	v22 =	vmul.f32 $5.000000000e-01, v22  }
0x274: {  	v19 =	vmul.f32 v19, v23;
	v23 =	vmov s10;
	v26 =	vsub.s32 $0x5F3759DF, v26  }
0x275: {  	v31 =	vshra.s32 v23, $0x1;
	v23 =	vmul.f32 $5.000000000e-01, v23;
	v29 =	vmul.f32 v26, v22  }
0x276: {  	v12 =	vsub.f32 $1.500000000e+00, v12;
	v18 =	vmul.f32 v19, v24;
	v31 =	vsub.s32 $0x5F3759DF, v31  }
0x277: {  	v55 =	vmul.f32 v31, v23;
	v29 =	vmul.f32 v26, v29  }
0x278: {  	[tilespmem:s30+$0x80] =	vst v11;
	v12 =	vmul.f32 v28, v12;
	v18 =	vmul.f32 v18, v19  }
0x279: {  	[tilespmem:s30+$0x100] =	vst v10;
	v11 =	vsub.f32 $1.500000000e+00, v16;
	v16 =	vsub.f32 $1.500000000e+00, v29;
	v29 =	vmul.f32 v31, v55  }
0x27a: {  	[tilespmem:s30+$0x300] =	vst v13;
	v13 =	vmul.f32 v12, v25;
	v10 =	vsub.f32 $1.500000000e+00, v18;
	v18 =	vmul.f32 v32, v30  }
0x27b: {  	[tilespmem:s30+$0x180] =	vst v9;
	v16 =	vmul.f32 v26, v16;
	v9 =	vsub.f32 $1.500000000e+00, v29  }
0x27c: {  	[tilespmem:s30+$0x200] =	vst v15;
	v13 =	vmul.f32 v13, v12;
	v15 =	vmul.f32 v10, v19;
	v10 =	vsub.f32 $1.500000000e+00, v18  }
0x27d: {  	[tilespmem:s30+$0x280] =	vst v14;
	v14 =	vmul.f32 v16, v22;
	v18 =	vmul.f32 v31, v9  }
0x27e: {  	[tilespmem:s28+$0x200] =	vst v6;
	v11 =	vmul.f32 v11, v20;
	v19 =	vmul.f32 v32, v10  }
0x27f: {  	[tilespmem:s30+$0x380] =	vst v17;
	v9 =	vmov s31;
	s31 =	simm.s32 $0x0;
	v14 =	vmul.f32 v14, v16;
	v17 =	vmul.f32 v18, v23  }
0x280: {  	[tilespmem:s28+$0x280] =	vst v5;
	v13 =	vsub.f32 $1.500000000e+00, v13;
	v5 =	vmul.f32 v11, v21;
	v20 =	vmul.f32 v19, v27;
	s13 =	sand.u32 $0x1C00, s31  }
0x281: {  	[tilespmem:s28+$0x300] =	vst v4;
	v10 =	vmov s8;
	s15 =	sand.u32 $0x60, s31;
	s8 =	sadd.s32 s13, s26;
	v14 =	vsub.f32 $1.500000000e+00, v14;
	v17 =	vmul.f32 v17, v18  }
0x282: {  	[tilespmem:s28+$0x380] =	vst v3;
	v6 =	vmov s12;
	v4 =	vmul.f32 v15, v24;
	v20 =	vmul.f32 v20, v19;
	s28 =	sadd.s32 s15, s8  }
0x283: {  	v13 =	vmul.f32 v13, v12;
	s21 =	sor.u32 $0x10, s15;
	v28 =	vld [tilespmem:s28+$0x0];
	v16 =	vmul.f32 v14, v16;
	v3 =	vsub.f32 $1.500000000e+00, v17  }
0x284: {  	v21 =	vmul.f32 v5, v11;
	s30 =	sadd.s32 s21, s8;
	v29 =	vld [tilespmem:s28+$0x180];
	v14 =	vmul.f32 v4, v15;
	v17 =	vsub.f32 $1.500000000e+00, v20  }
0x285: {  	v12 =	vmov s4;
	v30 =	vld [tilespmem:s30+$0x80];
	v20 =	vmul.f32 v16, v22;
	v22 =	vmul.f32 v3, v18  }
0x286: {  	v31 =	vld [tilespmem:s30+$0x100];
	v4 =	vmov s2;
	v18 =	vmul.f32 v13, v25;
	v24 =	vmul.f32 v17, v19  }
0x287: {  	v57 =	vld [tilespmem:s30+$0x180];
	v17 =	vsub.f32 $1.500000000e+00, v21;
	v19 =	vmul.f32 v20, v16;
	v20 =	vmul.f32 v22, v23  }
0x288: {  	v23 =	vsub.f32 $1.500000000e+00, v14;
	v18 =	vmul.f32 v18, v13;
	v26 =	vmul.f32 v24, v27;
	v27 =	vld [tilespmem:s28+$0x380]  }
0x289: {  	v21 =	vld [tilespmem:s28+$0x100];
	v14 =	vmul.f32 v17, v11;
	v11 =	vsub.f32 $1.500000000e+00, v19;
	v19 =	vmul.f32 v20, v22  }
0x28a: {  	v56 =	vsub.f32 v29, v12;
	v29 =	vsub.f32 v30, v10;
	v20 =	vmul.f32 v26, v24;
	v26 =	vld [tilespmem:s28+$0x280]  }
0x28b: {  	s14 =	simm.s32 $0x18800;
	v25 =	vld [tilespmem:s28+$0x300];
	v18 =	vsub.f32 $1.500000000e+00, v18;
	v11 =	vmul.f32 v11, v16;
	v16 =	vsub.f32 $1.500000000e+00, v19  }
0x28c: {  	v3 =	vld [tilespmem:s14+$0x0];
	v17 =	vmov s0;
	v20 =	vsub.f32 $1.500000000e+00, v20;
	v19 =	vmov s3  }
0x28d: {  	v18 =	vmul.f32 v18, v13;
	v13 =	vmul.f32 v16, v22;
	v22 =	vsub.f32 v27, v19;
	v27 =	vld [tilespmem:s30+$0x380]  }
0x28e: {  	s12 =	simm.s32 $0x18B00;
	v15 =	vmul.f32 v23, v15;
	v20 =	vmul.f32 v20, v24;
	v24 =	vsub.f32 v28, v9;
	v28 =	vld [tilespmem:s30+$0x280]  }
0x28f: {  	v5 =	vld [tilespmem:s12+$0x0];
	v16 =	vsub.f32 v21, v6;
	v21 =	vmov s7;
	v26 =	vsub.f32 v26, v17  }
0x290: {  	s29 =	sand.u32 $0x380, s31;
	v33 =	vmul.f32 v56, v15;
	v25 =	vsub.f32 v25, v21;
	v22 =	vmul.f32 v22, v13  }
0x291: {  	v59 =	vld [tilespmem:s30+$0x300];
	s2 =	sor.u32 s29, s21;
	v61 =	vsub.f32 v31, v6;
	v23 =	vmul.f32 v16, v14;
	v58 =	vmul.f32 v26, v18  }
0x292: {  	v63 =	vsub.f32 v57, v12;
	v16 =	vld [tilespmem:s2+$0x18800];
	v25 =	vmul.f32 v25, v20;
	v22 =	vmul.f32 v22, v3  }
0x293: {  	v32 =	vld [tilespmem:s30+$0x200];
	v26 =	vsub.f32 v27, v19;
	v27 =	vmul.f32 v58, v3;
	v60 =	vsub.f32 v28, v17  }
0x294: {  	v30 =	vld [tilespmem:s30+$0x0];
	v35 =	vmul.f32 v63, v15;
	v24 =	vmul.f32 v24, v7;
	v22 =	vadd.f32 v22, v5  }
0x295: {  	v25 =	vmul.f32 v25, v3;
	v28 =	vld [tilespmem:s28+$0x80];
	v62 =	vadd.f32 v27, v5;
	v40 =	vmul.f32 v60, v18  }
0x296: {  	s4 =	simm.s32 $0x18B20;
	v34 =	vmul.f32 v33, v3;
	v36 =	vsub.f32 v59, v21;
	v24 =	vmul.f32 v24, v3;
	[tilespmem:s28+$0x380] =	vst v22;
	v22 =	vld [tilespmem:s2+$0x18B00]  }
0x297: {  	v31 =	vld [tilespmem:s28+$0x200];
	s0 =	simm.s32 $0x0;
	s3 =	simm.s32 $0x18820;
	v33 =	vadd.f32 v25, v5;
	v27 =	vmul.f32 v61, v14;
	s2 =	simm.s32 $0x100;
	[tilespmem:s28+$0x280] =	vst v62;
	v25 =	vmul.f32 v40, v16  }
.LBB2_11:
0x298: {  	s5 =	sand.u32 $0x1C00, s2;
	s0 =	sadd.s32 $0x2, s0;
	v29 =	vmul.f32 v29, v8;
	v32 =	vsub.f32 v32, v4;
	v26 =	vmul.f32 v26, v13;
	s31 =	sadd.s32 $0x20, s31  }
0x299: {  	v34 =	vadd.f32 v34, v5;
	s7 =	sand.u32 $0x60, s31;
	v37 =	vld [tilespmem:s4+$0x0];
	s5 =	sadd.s32 s5, s26;
	p0 =	slt.u32 s0, $0x2E;
	v35 =	vmul.f32 v35, v16;
	v36 =	vmul.f32 v36, v20  }
0x29a: {  	v30 =	vsub.f32 v30, v9;
	v38 =	vld [tilespmem:s3+$0x0];
	s12 =	sadd.s32 s7, s5;
	s8 =	sor.u32 $0x10, s7;
	s7 =	sand.u32 $0x380, s31;
	v29 =	vmul.f32 v29, v16;
	v32 =	vmul.f32 v32, v11  }
0x29b: {  	v23 =	vmul.f32 v23, v3;
	v28 =	vsub.f32 v28, v10;
	v39 =	vld [tilespmem:s12+$0x300];
	s7 =	sor.u32 s7, s8;
	s8 =	sadd.s32 s8, s5;
	[tilespmem:s28+$0x300] =	vst v33;
	v33 =	vadd.f32 v35, v22  }
0x29c: {  	v31 =	vsub.f32 v31, v4;
	v35 =	vld [tilespmem:s7+$0x18800];
	[tilespmem:s28+$0x180] =	vst v34;
	v29 =	vadd.f32 v29, v22;
	v34 =	vmul.f32 v36, v16  }
0x29d: {  	v24 =	vadd.f32 v24, v5;
	v30 =	vmul.f32 v30, v7;
	v32 =	vmul.f32 v32, v16;
	v36 =	vld [tilespmem:s12+$0x100];
	[tilespmem:s30+$0x180] =	vst v33  }
0x29e: {  	v28 =	vmul.f32 v28, v8;
	v31 =	vmul.f32 v31, v11;
	v33 =	vld [tilespmem:s12+$0x380];
	[tilespmem:s30+$0x80] =	vst v29;
	v29 =	vadd.f32 v34, v22  }
0x29f: {  	v27 =	vmul.f32 v27, v16;
	v34 =	vld [tilespmem:s12+$0x0];
	[tilespmem:s28+$0x0] =	vst v24;
	v24 =	vmul.f32 v30, v16;
	v30 =	vadd.f32 v32, v22  }
0x2a0: {  	v25 =	vadd.f32 v25, v22;
	v23 =	vadd.f32 v23, v5;
	v40 =	vmul.f32 v26, v16;
	v32 =	vld [tilespmem:s12+$0x280];
	[tilespmem:s30+$0x300] =	vst v29  }
0x2a1: {  	v27 =	vadd.f32 v27, v22;
	v28 =	vmul.f32 v28, v3;
	v29 =	vmul.f32 v31, v3;
	v26 =	vld [tilespmem:s12+$0x180];
	[tilespmem:s30+$0x200] =	vst v30  }
0x2a2: {  	v3 =	vmovc v38;
	v16 =	vmov v35;
	v30 =	vsub.f32 v36, v6;
	v31 =	vld [tilespmem:s8+$0x80];
	[tilespmem:s28+$0x100] =	vst v23;
	v36 =	vadd.f32 v40, v22  }
0x2a3: {  	v28 =	vadd.f32 v28, v5;
	v33 =	vsub.f32 v33, v19;
	v35 =	vld [tilespmem:s8+$0x380];
	[tilespmem:s30+$0x100] =	vst v27  }
0x2a4: {  	v5 =	vadd.f32 v29, v5;
	v27 =	vsub.f32 v34, v9;
	v23 =	vmul.f32 v30, v14;
	v34 =	vld [tilespmem:s8+$0x280];
	[tilespmem:s30+$0x280] =	vst v25  }
0x2a5: {  	v22 =	vadd.f32 v24, v22;
	v25 =	vsub.f32 v32, v17;
	v29 =	vmul.f32 v33, v13;
	v33 =	vld [tilespmem:s8+$0x100];
	[tilespmem:s28+$0x80] =	vst v28  }
0x2a6: {  	v24 =	vmul.f32 v27, v7;
	v27 =	vsub.f32 v26, v12;
	v26 =	vsub.f32 v39, v21;
	v38 =	vld [tilespmem:s8+$0x180];
	[tilespmem:s28+$0x200] =	vst v5;
	s28 =	smov.u32 s12  }
0x2a7: {  	v28 =	vmul.f32 v25, v18;
	v25 =	vmul.f32 v29, v3;
	v29 =	vsub.f32 v31, v10;
	v32 =	vld [tilespmem:s8+$0x200];
	[tilespmem:s30+$0x0] =	vst v22  }
0x2a8: {  	v24 =	vmul.f32 v24, v3;
	v22 =	vmul.f32 v26, v20;
	v39 =	vld [tilespmem:s8+$0x300];
	v26 =	vsub.f32 v35, v19;
	[tilespmem:s30+$0x380] =	vst v36;
	s30 =	smov.u32 s8  }
.Ltmp4:
0x2a9: {  	v5 =	vmovc v37;
	v31 =	vmul.f32 v28, v3;
	v25 =	vadd.f32 v25, v37;
	v30 =	vld [tilespmem:s30+$0x0];
	v34 =	vsub.f32 v34, v17;
	(pc) =	sbr.rel @p0 .LBB2_11-.Ltmp4, $4  }
0x2aa: {  	v27 =	vmul.f32 v27, v15;
	v35 =	vmul.f32 v22, v3;
	v22 =	vld [tilespmem:s7+$0x18B00];
	v36 =	vsub.f32 v33, v6  }
0x2ab: {  	v28 =	vld [tilespmem:s28+$0x80];
	v37 =	vadd.f32 v31, v5;
	[tilespmem:s28+$0x380] =	vst v25;
	v25 =	vsub.f32 v38, v12;
	v38 =	vmul.f32 v34, v18  }
0x2ac: {  	v34 =	vmul.f32 v27, v3;
	v31 =	vld [tilespmem:s28+$0x200];
	v33 =	vadd.f32 v35, v5;
	v27 =	vmul.f32 v36, v14  }
0x2ad: {  	s2 =	sadd.s32 $0x100, s2;
	s4 =	sadd.s32 $0x20, s4;
	s3 =	sadd.s32 $0x20, s3;
	[tilespmem:s28+$0x280] =	vst v37;
	v35 =	vmul.f32 v25, v15;
	v25 =	vmul.f32 v38, v16;
	v36 =	vsub.f32 v39, v21  }
0x2ae: {  	v12 =	vsub.f32 v32, v4  }
0x2af: {  	v6 =	vmul.f32 v29, v8;
	v15 =	vadd.f32 v34, v5;
	v9 =	vsub.f32 v30, v9  }
0x2b0: {  	[tilespmem:s28+$0x300] =	vst v33;
	v48 =	vadd.f32 v24, v5;
	v49 =	vmul.f32 v23, v3;
	v53 =	vmul.f32 v27, v16  }
0x2b1: {  	v58 =	vmul.f32 v26, v13;
	v14 =	vmul.f32 v35, v16;
	v59 =	vadd.f32 v25, v22;
	[tilespmem:s28+$0x180] =	vst v15  }
0x2b2: {  	v17 =	vmul.f32 v36, v20;
	v6 =	vmul.f32 v6, v16;
	[tilespmem:s28+$0x0] =	vst v48;
	v54 =	vadd.f32 v49, v5  }
0x2b3: {  	v12 =	vmul.f32 v12, v11;
	v10 =	vsub.f32 v28, v10;
	v57 =	vadd.f32 v53, v22;
	[tilespmem:s30+$0x280] =	vst v59  }
0x2b4: {  	v55 =	vmul.f32 v9, v7;
	v62 =	vmul.f32 v58, v16;
	v14 =	vadd.f32 v14, v22;
	[tilespmem:s28+$0x100] =	vst v54  }
0x2b5: {  	v47 =	vmul.f32 v17, v16;
	v50 =	vsub.f32 v31, v4;
	v6 =	vadd.f32 v6, v22;
	[tilespmem:s30+$0x100] =	vst v57  }
0x2b6: {  	v12 =	vmul.f32 v12, v16;
	v52 =	vmul.f32 v10, v8;
	v63 =	vadd.f32 v62, v22;
	[tilespmem:s30+$0x180] =	vst v14  }
0x2b7: {  	s25 =	sadd.s32 $0x1, s25;
	v60 =	vmul.f32 v55, v16;
	v51 =	vadd.f32 v47, v22;
	v4 =	vmul.f32 v50, v11;
	[tilespmem:s30+$0x80] =	vst v6  }
0x2b8: {  	p0 =	sne.s32 s25, $0x8;
	v12 =	vadd.f32 v12, v22;
	v56 =	vmul.f32 v52, v3;
	[tilespmem:s30+$0x380] =	vst v63  }
.Ltmp5:
0x2b9: {  	[tilespmem:s30+$0x300] =	vst v51;
	v3 =	vmul.f32 v4, v3;
	v4 =	vadd.f32 v60, v22;
	(pc) =	sbr.rel @p0 .LBB2_8-.Ltmp5, $4  }
0x2ba: {  	[tilespmem:s30+$0x200] =	vst v12;
	v61 =	vadd.f32 v56, v5  }
0x2bb: {  	v3 =	vadd.f32 v3, v5;
	[tilespmem:s30+$0x0] =	vst v4  }
0x2bc: {  	[tilespmem:s28+$0x80] =	vst v61  }
0x2bd: {  	[tilespmem:s28+$0x200] =	vst v3  }
0x2be: {  	s24 =	simm.s32 $0x0;
	s0 =	rddreg [dreg:$0xa];
	s2 =	simm.s32 $0xC200  }
0x2bf: {  	[hbm4b:s0+s24] =	stream.linear.scatter [tilespmem:s2], [sflag:$0x4], $0xC000, $0x38;
	[tilespmem:$0x18E00] =	vst v63  }
0x2c0: {  	_ =	swait.ge [sflag:s22], $0xC000  }
0x2c1: {  	[sflag:s22] =	ssyncset.done $0x0  }
0x2c2: {  	[sflag:s22] =	ssyncadd.s32 $0xFFFF4000  }
0x2c3: {  	v3 =	vld [tilespmem:$0xC0];
	_ =	sdelay $0x4  }
0x2c4: {  	v4 =	vshrl.u32 v3, $0x3  }
0x2c5: {  	v4 =	vmul.u32 $0x30, v4  }
0x2c6: {  	v3 =	vand.u32 $0x7, v3  }
0x2c7: {  	v3 =	vor.u32 v3, v4  }
0x2c8: {  	v4 =	vperm.xlane v3, v0;
	_ =	sdelay $0x1  }
0x2c9: {  	v4 =	vadd.s32 v1, v4;
	_ =	sdelay $0x3  }
0x2ca: {  	v3 =	vperm.xlane v3, v2  }
0x2cb: {  	[tilespmem:s2], [sflag:$0x2] =	stream.indirect_vreg.gather [hbm4b:s1+s24], $0x80, v4, vm0, $0xb8;
	[tilespmem:$0x18E00] =	vst v63  }
0x2cc: {  	s25 =	simm.s32 $0xCA00;
	v3 =	vadd.s32 v1, v3  }
0x2cd: {  	[tilespmem:s25], [sflag:$0x2] =	stream.indirect_vreg.gather [hbm4b:s9+s24], $0x80, v4, vm0, $0xb8;
	[tilespmem:$0x18E00] =	vst v63  }
0x2ce: {  	s26 =	simm.s32 $0xD200  }
0x2cf: {  	[tilespmem:s26], [sflag:$0x2] =	stream.indirect_vreg.gather [hbm4b:s11+s24], $0x80, v4, vm0, $0xb8;
	[tilespmem:$0x18E00] =	vst v63  }
0x2d0: {  	s28 =	simm.s32 $0xDA00  }
0x2d1: {  	[tilespmem:s28], [sflag:$0x2] =	stream.indirect_vreg.gather [hbm4b:s1+s24], $0x80, v3, vm0, $0xb8;
	[tilespmem:$0x18E00] =	vst v63  }
0x2d2: {  	s29 =	simm.s32 $0xE200  }
0x2d3: {  	[tilespmem:s29], [sflag:$0x2] =	stream.indirect_vreg.gather [hbm4b:s9+s24], $0x80, v3, vm0, $0xb8;
	[tilespmem:$0x18E00] =	vst v63  }
0x2d4: {  	s30 =	simm.s32 $0xEA00  }
0x2d5: {  	[tilespmem:s30], [sflag:$0x2] =	stream.indirect_vreg.gather [hbm4b:s11+s24], $0x80, v3, vm0, $0xb8;
	[tilespmem:$0x18E00] =	vst v63  }
0x2d6: {  	v3 =	vld [tilespmem:$0xD0];
	_ =	sdelay $0x4  }
0x2d7: {  	v61 =	vshrl.u32 v3, $0x3  }
0x2d8: {  	v4 =	vmul.u32 $0x30, v61  }
0x2d9: {  	v3 =	vand.u32 $0x7, v3  }
0x2da: {  	v3 =	vor.u32 v3, v4  }
0x2db: {  	v4 =	vperm.xlane v3, v0;
	_ =	sdelay $0x1  }
0x2dc: {  	v4 =	vadd.s32 v1, v4;
	_ =	sdelay $0x3  }
0x2dd: {  	s31 =	simm.s32 $0xF200;
	v3 =	vperm.xlane v3, v2  }
0x2de: {  	[tilespmem:s31], [sflag:$0x2] =	stream.indirect_vreg.gather [hbm4b:s1+s24], $0x80, v4, vm0, $0xb8;
	[tilespmem:$0x18E00] =	vst v63  }
0x2df: {  	s2 =	simm.s32 $0xFA00;
	v3 =	vadd.s32 v1, v3  }
0x2e0: {  	[tilespmem:s2], [sflag:$0x2] =	stream.indirect_vreg.gather [hbm4b:s9+s24], $0x80, v4, vm0, $0xb8;
	[tilespmem:$0x18E00] =	vst v63  }
0x2e1: {  	s3 =	simm.s32 $0x10200  }
0x2e2: {  	[tilespmem:s3], [sflag:$0x2] =	stream.indirect_vreg.gather [hbm4b:s11+s24], $0x80, v4, vm0, $0xb8;
	[tilespmem:$0x18E00] =	vst v63  }
0x2e3: {  	s4 =	simm.s32 $0x10A00  }
0x2e4: {  	[tilespmem:s4], [sflag:$0x2] =	stream.indirect_vreg.gather [hbm4b:s1+s24], $0x80, v3, vm0, $0xb8;
	[tilespmem:$0x18E00] =	vst v63  }
0x2e5: {  	s5 =	simm.s32 $0x11200  }
0x2e6: {  	[tilespmem:s5], [sflag:$0x2] =	stream.indirect_vreg.gather [hbm4b:s9+s24], $0x80, v3, vm0, $0xb8;
	[tilespmem:$0x18E00] =	vst v63  }
0x2e7: {  	s7 =	simm.s32 $0x11A00  }
0x2e8: {  	[tilespmem:s7], [sflag:$0x2] =	stream.indirect_vreg.gather [hbm4b:s11+s24], $0x80, v3, vm0, $0xb8;
	[tilespmem:$0x18E00] =	vst v63  }
0x2e9: {  	v3 =	vld [tilespmem:$0xE0];
	_ =	sdelay $0x4  }
0x2ea: {  	v62 =	vshrl.u32 v3, $0x3  }
0x2eb: {  	v4 =	vmul.u32 $0x30, v62  }
0x2ec: {  	v3 =	vand.u32 $0x7, v3  }
0x2ed: {  	v3 =	vor.u32 v3, v4  }
0x2ee: {  	v4 =	vperm.xlane v3, v0;
	_ =	sdelay $0x1  }
0x2ef: {  	v4 =	vadd.s32 v1, v4;
	_ =	sdelay $0x3  }
0x2f0: {  	s8 =	simm.s32 $0x12200;
	v3 =	vperm.xlane v3, v2  }
0x2f1: {  	[tilespmem:s8], [sflag:$0x2] =	stream.indirect_vreg.gather [hbm4b:s1+s24], $0x80, v4, vm0, $0xb8;
	[tilespmem:$0x18E00] =	vst v63  }
0x2f2: {  	s10 =	simm.s32 $0x12A00;
	v3 =	vadd.s32 v1, v3  }
0x2f3: {  	[tilespmem:s10], [sflag:$0x2] =	stream.indirect_vreg.gather [hbm4b:s9+s24], $0x80, v4, vm0, $0xb8;
	[tilespmem:$0x18E00] =	vst v63  }
0x2f4: {  	s12 =	simm.s32 $0x13200  }
0x2f5: {  	[tilespmem:s12], [sflag:$0x2] =	stream.indirect_vreg.gather [hbm4b:s11+s24], $0x80, v4, vm0, $0xb8;
	[tilespmem:$0x18E00] =	vst v63  }
0x2f6: {  	s13 =	simm.s32 $0x13A00  }
0x2f7: {  	[tilespmem:s13], [sflag:$0x2] =	stream.indirect_vreg.gather [hbm4b:s1+s24], $0x80, v3, vm0, $0xb8;
	[tilespmem:$0x18E00] =	vst v63  }
0x2f8: {  	s14 =	simm.s32 $0x14200  }
0x2f9: {  	[tilespmem:s14], [sflag:$0x2] =	stream.indirect_vreg.gather [hbm4b:s9+s24], $0x80, v3, vm0, $0xb8;
	[tilespmem:$0x18E00] =	vst v63  }
0x2fa: {  	s15 =	simm.s32 $0x14A00  }
0x2fb: {  	[tilespmem:s15], [sflag:$0x2] =	stream.indirect_vreg.gather [hbm4b:s11+s24], $0x80, v3, vm0, $0xb8;
	[tilespmem:$0x18E00] =	vst v63  }
0x2fc: {  	v3 =	vld [tilespmem:$0xF0];
	_ =	sdelay $0x4  }
0x2fd: {  	v63 =	vshrl.u32 v3, $0x3  }
0x2fe: {  	v4 =	vmul.u32 $0x30, v63  }
0x2ff: {  	v3 =	vand.u32 $0x7, v3  }
0x300: {  	v3 =	vor.u32 v3, v4  }
0x301: {  	v4 =	vperm.xlane v3, v0;
	_ =	sdelay $0x1  }
0x302: {  	v4 =	vadd.s32 v1, v4;
	_ =	sdelay $0x3  }
0x303: {  	s21 =	simm.s32 $0x15200;
	v3 =	vperm.xlane v3, v2  }
0x304: {  	[tilespmem:s21], [sflag:$0x2] =	stream.indirect_vreg.gather [hbm4b:s1+s24], $0x80, v4, vm0, $0xb8;
	[tilespmem:$0x18E00] =	vst v63  }
0x305: {  	s25 =	simm.s32 $0x15A00;
	v3 =	vadd.s32 v1, v3  }
0x306: {  	[tilespmem:s25], [sflag:$0x2] =	stream.indirect_vreg.gather [hbm4b:s9+s24], $0x80, v4, vm0, $0xb8;
	[tilespmem:$0x18E00] =	vst v63  }
0x307: {  	s26 =	simm.s32 $0x16200  }
0x308: {  	[tilespmem:s26], [sflag:$0x2] =	stream.indirect_vreg.gather [hbm4b:s11+s24], $0x80, v4, vm0, $0xb8;
	[tilespmem:$0x18E00] =	vst v63  }
0x309: {  	s28 =	simm.s32 $0x16A00  }
0x30a: {  	[tilespmem:s28], [sflag:$0x2] =	stream.indirect_vreg.gather [hbm4b:s1+s24], $0x80, v3, vm0, $0xb8;
	[tilespmem:$0x18E00] =	vst v63  }
0x30b: {  	s29 =	simm.s32 $0x17200  }
0x30c: {  	[tilespmem:s29], [sflag:$0x2] =	stream.indirect_vreg.gather [hbm4b:s9+s24], $0x80, v3, vm0, $0xb8;
	[tilespmem:$0x18E00] =	vst v63  }
0x30d: {  	s30 =	simm.s32 $0x17A00;
	s31 =	simm.s32 $0x1  }
0x30e: {  	[tilespmem:s30], [sflag:$0x2] =	stream.indirect_vreg.gather [hbm4b:s11+s24], $0x80, v3, vm0, $0xb8;
	[tilespmem:$0x18E00] =	vst v63  }
0x30f: {  	_ =	swait.ge [sflag:s31], $0xC000  }
0x310: {  	[sflag:s31] =	ssyncset.done $0x0  }
0x311: {  	s25 =	simm.s32 $0x0;
	[sflag:s31] =	ssyncadd.s32 $0xFFFF4000  }
.LBB2_14:
0x312: {  	s0 =	sshll.u32 s25, $0x3;
	s14 =	smul.u32 $0x6000, s25;
	s15 =	simm.s32 $0x0  }
0x313: {  	s4 =	simm.s32 $0x0;
	s2 =	sor.u32 $0x80, s0;
	s5 =	sor.u32 $0x81, s0  }
0x314: {  	s7 =	sor.u32 $0x82, s0;
	s8 =	sor.u32 $0x83, s0;
	s10 =	sor.u32 $0x84, s0  }
0x315: {  	s12 =	sor.u32 $0x85, s0;
	s13 =	sor.u32 $0x86, s0;
	s0 =	sor.u32 $0x87, s0  }
0x316: {  	s21 =	sand.u32 $0x60, s24;
	s4 =	sand.u32 $0xFFFFFF00, s4;
	v10 =	vmov s0;
	s0 =	sshra.s32 s14, $0x2  }
0x317: {  	v3 =	vmov s2;
	s2 =	sand.u32 $0x3FFFFC00, s15;
	s4 =	sadd.s32 $0x18200, s4;
	s26 =	sor.u32 $0x200, s0  }
0x318: {  	s3 =	sor.u32 $0x10, s21;
	s29 =	sor.u32 s21, s4;
	s2 =	sadd.s32 s2, s26  }
0x319: {  	v22 =	vld [tilespmem:s29+$0x0];
	s28 =	sadd.s32 s3, s2  }
0x31a: {  	v4 =	vmov s5;
	v3 =	vbroadcast v3, $0x0;
	v12 =	vld [tilespmem:s28+$0x0]  }
0x31b: {  	v7 =	vmov s10;
	v4 =	vbroadcast v4, $0x0;
	v13 =	vld [tilespmem:s28+$0x80]  }
0x31c: {  	v8 =	vmov s12;
	v7 =	vbroadcast v7, $0x0;
	s3 =	sor.u32 s3, s4;
	v14 =	vld [tilespmem:s28+$0x100]  }
0x31d: {  	v9 =	vmov s13;
	v8 =	vbroadcast v8, $0x0;
	v19 =	vld [tilespmem:s3+$0x0]  }
0x31e: {  	v6 =	vmov s8;
	v9 =	vbroadcast v9, $0x0;
	v20 =	vld [tilespmem:s3+$0x80]  }
0x31f: {  	v5 =	vmov s7;
	v6 =	vbroadcast v6, $0x0;
	v11 =	vld.idx.msk [tilespmem:v10+s20+$0x0], $0xffff  }
0x320: {  	v5 =	vbroadcast v5, $0x0;
	v3 =	vld.idx.msk [tilespmem:v3+s20+$0x0], $0xffff  }
0x321: {  	v4 =	vld.idx.msk [tilespmem:v4+s20+$0x0], $0xffff  }
0x322: {  	v7 =	vld.idx.msk [tilespmem:v7+s20+$0x0], $0xffff  }
0x323: {  	v8 =	vld.idx.msk [tilespmem:v8+s20+$0x0], $0xffff  }
0x324: {  	v9 =	vld.idx.msk [tilespmem:v9+s20+$0x0], $0xffff  }
0x325: {  	v6 =	vld.idx.msk [tilespmem:v6+s20+$0x0], $0xffff  }
0x326: {  	v5 =	vld.idx.msk [tilespmem:v5+s20+$0x0], $0xffff  }
0x327: {  	v15 =	vld [tilespmem:s28+$0x180]  }
0x328: {  	v16 =	vld [tilespmem:s28+$0x200];
	vm1 =	veq.s32 v11, $0x0  }
0x329: {  	v17 =	vld [tilespmem:s28+$0x280];
	vm2 =	veq.s32 v9, $0x0;
	vm3 =	veq.s32 v8, $0x0;
	vm4 =	veq.s32 v7, $0x0  }
0x32a: {  	v18 =	vld [tilespmem:s28+$0x300];
	vm5 =	veq.s32 v6, $0x0;
	vm6 =	veq.s32 v3, $0x0;
	vm8 =	veq.s32 v4, $0x0  }
0x32b: {  	s30 =	sadd.s32 s21, s2;
	v21 =	vld [tilespmem:s28+$0x380];
	vm7 =	veq.s32 v5, $0x0;
	v3 =	vsel vm6, v19, v20;
	v4 =	vsel vm8, v19, v20  }
0x32c: {  	v23 =	vld [tilespmem:s30+$0x180];
	v5 =	vsel vm7, v19, v20;
	v6 =	vsel vm5, v19, v20;
	v24 =	vsel vm4, v19, v20  }
0x32d: {  	v35 =	vld [tilespmem:s30+$0x200];
	v25 =	vsel vm3, v19, v20;
	v32 =	vadd.f32 v3, v12;
	v31 =	vadd.f32 v13, v4  }
0x32e: {  	v8 =	vld [tilespmem:s29+$0x80];
	v26 =	vsel vm2, v19, v20;
	v30 =	vadd.f32 v14, v5;
	v29 =	vadd.f32 v15, v6  }
0x32f: {  	v7 =	vld [tilespmem:s30+$0x0];
	v19 =	vsel vm1, v19, v20;
	v6 =	vadd.f32 v16, v24;
	v5 =	vadd.f32 v17, v25  }
0x330: {  	v10 =	vimm.f32 $0.0e+00;
	v9 =	vld [tilespmem:s30+$0x80];
	v4 =	vadd.f32 v18, v26;
	v3 =	vadd.f32 v21, v19  }
0x331: {  	v11 =	vld [tilespmem:s30+$0x100];
	v26 =	vimm.f32 $0.0e+00;
	v24 =	vimm.f32 $0.0e+00;
	v25 =	vimm.f32 $0.0e+00  }
0x332: {  	v37 =	vld [tilespmem:s30+$0x280];
	v21 =	vimm.f32 $0.0e+00;
	v19 =	vimm.f32 $0.0e+00;
	v18 =	vimm.f32 $0.0e+00  }
0x333: {  	v17 =	vimm.f32 $0.0e+00;
	v27 =	vsel vm6, v22, v8;
	v28 =	vsel vm8, v22, v8  }
0x334: {  	v20 =	vsel vm7, v22, v8;
	v12 =	vsel vm5, v22, v8;
	v15 =	vsel vm4, v22, v8  }
0x335: {  	v38 =	vld [tilespmem:s30+$0x300];
	v16 =	vsel vm3, v22, v8;
	v34 =	vadd.f32 v27, v7;
	v33 =	vadd.f32 v9, v28  }
0x336: {  	v39 =	vld [tilespmem:s30+$0x380];
	[tilespmem:s28+$0x0] =	vst v32;
	v7 =	vsel vm2, v22, v8;
	v14 =	vadd.f32 v11, v20;
	v13 =	vadd.f32 v23, v12  }
0x337: {  	[tilespmem:s28+$0x80] =	vst v31;
	v12 =	vsel vm1, v22, v8;
	v11 =	vadd.f32 v35, v15;
	v9 =	vadd.f32 v37, v16  }
0x338: {  	[tilespmem:s28+$0x100] =	vst v30;
	v28 =	vimm.f32 $0.0e+00;
	v27 =	vimm.f32 $0.0e+00;
	v23 =	vimm.f32 $0.0e+00  }
0x339: {  	[tilespmem:s28+$0x180] =	vst v29;
	v22 =	vimm.f32 $0.0e+00;
	v20 =	vimm.f32 $0.0e+00;
	v16 =	vimm.f32 $0.0e+00  }
0x33a: {  	v15 =	vimm.f32 $0.0e+00;
	v8 =	vadd.f32 v38, v7;
	v36 =	vmul.f32 v34, v34;
	[tilespmem:s30+$0x0] =	vst v34  }
0x33b: {  	s31 =	simm.s32 $0x0;
	s7 =	simm.s32 $0x0;
	v7 =	vadd.f32 v39, v12;
	v12 =	vimm.f32 $0.0e+00;
	v35 =	vmul.f32 v33, v33;
	[tilespmem:s30+$0x80] =	vst v33  }
.LBB2_15:
0x33c: {  	s31 =	sadd.s32 $0x2, s31;
	v10 =	vadd.f32 v34, v10;
	v28 =	vadd.f32 v36, v28;
	[tilespmem:s30+$0x100] =	vst v14;
	v34 =	vmul.f32 v32, v32  }
0x33d: {  	v27 =	vadd.f32 v33, v27;
	v33 =	vmul.f32 v31, v31;
	s7 =	sadd.s32 $0x20, s7;
	s3 =	sshll.u32 s31, $0x7;
	p0 =	slt.u32 s31, $0x2E;
	v26 =	vadd.f32 v35, v26;
	[tilespmem:s30+$0x180] =	vst v13  }
0x33e: {  	s0 =	sand.u32 $0x60, s7;
	v35 =	vmul.f32 v14, v14;
	s2 =	sand.u32 $0x3FFFFC00, s3;
	[tilespmem:s30+$0x200] =	vst v11;
	v10 =	vadd.f32 v32, v10;
	v28 =	vadd.f32 v34, v28  }
0x33f: {  	s4 =	sor.u32 $0x10, s0;
	v32 =	vmul.f32 v13, v13;
	v27 =	vadd.f32 v31, v27;
	s2 =	sadd.s32 s2, s26;
	[tilespmem:s30+$0x280] =	vst v9;
	v26 =	vadd.f32 v33, v26  }
0x340: {  	v14 =	vadd.f32 v14, v23;
	v31 =	vmul.f32 v30, v30;
	v24 =	vadd.f32 v35, v24;
	s5 =	sadd.s32 s4, s2;
	[tilespmem:s30+$0x300] =	vst v8  }
0x341: {  	v13 =	vadd.f32 v13, v22;
	v25 =	vadd.f32 v32, v25;
	v32 =	vmul.f32 v29, v29;
	v33 =	vld [tilespmem:s5+$0x0];
	[tilespmem:s30+$0x380] =	vst v7  }
0x342: {  	v35 =	vmul.f32 v11, v11;
	v23 =	vadd.f32 v30, v14;
	v24 =	vadd.f32 v31, v24;
	v34 =	vld [tilespmem:s5+$0x80];
	[tilespmem:s28+$0x200] =	vst v6  }
0x343: {  	v30 =	vmul.f32 v9, v9;
	v22 =	vadd.f32 v29, v13;
	v25 =	vadd.f32 v32, v25;
	v14 =	vld [tilespmem:s5+$0x100];
	[tilespmem:s28+$0x280] =	vst v5  }
0x344: {  	s3 =	sshra.s32 s3, $0x2;
	v11 =	vadd.f32 v11, v21;
	v29 =	vmul.f32 v6, v6;
	v20 =	vadd.f32 v35, v20;
	v13 =	vld [tilespmem:s5+$0x180];
	[tilespmem:s28+$0x300] =	vst v4  }
0x345: {  	s3 =	sand.u32 $0xFFFFFF00, s3;
	v9 =	vadd.f32 v9, v19;
	v18 =	vadd.f32 v30, v18;
	v30 =	vmul.f32 v5, v5;
	v35 =	vld [tilespmem:s5+$0x200];
	[tilespmem:s28+$0x380] =	vst v3;
	s28 =	smov.u32 s5  }
0x346: {  	s3 =	sadd.s32 $0x18200, s3;
	v31 =	vmul.f32 v8, v8;
	v21 =	vadd.f32 v6, v11;
	v20 =	vadd.f32 v29, v20;
	v36 =	vld [tilespmem:s28+$0x280]  }
0x347: {  	s4 =	sor.u32 s4, s3;
	v19 =	vadd.f32 v5, v9;
	v6 =	vmul.f32 v7, v7;
	v18 =	vadd.f32 v30, v18;
	v11 =	vld [tilespmem:s28+$0x300]  }
0x348: {  	v8 =	vadd.f32 v8, v17;
	v9 =	vadd.f32 v31, v16;
	v16 =	vmul.f32 v4, v4;
	v5 =	vld [tilespmem:s4+$0x0]  }
0x349: {  	v7 =	vadd.f32 v7, v15;
	v6 =	vadd.f32 v6, v12;
	v12 =	vmul.f32 v3, v3;
	v29 =	vld [tilespmem:s4+$0x80]  }
0x34a: {  	s3 =	sor.u32 s0, s3;
	v17 =	vadd.f32 v4, v8;
	v16 =	vadd.f32 v16, v9;
	v37 =	vld [tilespmem:s28+$0x380]  }
0x34b: {  	v15 =	vadd.f32 v3, v7;
	v12 =	vadd.f32 v12, v6;
	v8 =	vld [tilespmem:s3+$0x0]  }
0x34c: {  	s30 =	sadd.s32 s0, s2;
	v7 =	vld [tilespmem:s3+$0x80]  }
0x34d: {  	v9 =	vld [tilespmem:s30+$0x0]  }
0x34e: {  	v38 =	vld [tilespmem:s30+$0x80];
	v3 =	vsel vm6, v5, v29  }
0x34f: {  	v4 =	vsel vm8, v5, v29;
	v6 =	vsel vm7, v5, v29;
	v40 =	vsel vm5, v5, v29;
	v39 =	vld [tilespmem:s30+$0x100]  }
0x350: {  	v42 =	vsel vm4, v5, v29;
	v43 =	vsel vm3, v5, v29;
	v44 =	vsel vm2, v5, v29;
	v41 =	vld [tilespmem:s30+$0x180]  }
0x351: {  	v48 =	vsel vm1, v5, v29;
	v45 =	vsel vm6, v8, v7;
	v46 =	vsel vm8, v8, v7;
	v47 =	vld [tilespmem:s30+$0x200]  }
0x352: {  	v32 =	vadd.f32 v3, v33;
	v31 =	vadd.f32 v34, v4;
	v49 =	vsel vm7, v8, v7;
	v50 =	vld [tilespmem:s30+$0x280]  }
0x353: {  	v30 =	vadd.f32 v14, v6;
	v29 =	vadd.f32 v13, v40;
	v51 =	vsel vm5, v8, v7;
	v52 =	vld [tilespmem:s30+$0x300]  }
0x354: {  	v6 =	vadd.f32 v35, v42;
	v5 =	vadd.f32 v36, v43;
	v40 =	vsel vm4, v8, v7;
	v53 =	vld [tilespmem:s30+$0x380];
	[tilespmem:s28+$0x0] =	vst v32  }
.Ltmp6:
0x355: {  	v4 =	vadd.f32 v11, v44;
	v3 =	vadd.f32 v37, v48;
	v35 =	vsel vm3, v8, v7;
	[tilespmem:s28+$0x80] =	vst v31;
	(pc) =	sbr.rel @p0 .LBB2_15-.Ltmp6, $4  }
0x356: {  	v37 =	vsel vm2, v8, v7;
	v34 =	vadd.f32 v45, v9;
	v33 =	vadd.f32 v38, v46;
	[tilespmem:s28+$0x100] =	vst v30  }
0x357: {  	v7 =	vsel vm1, v8, v7;
	v14 =	vadd.f32 v39, v49;
	v13 =	vadd.f32 v41, v51;
	[tilespmem:s28+$0x180] =	vst v29  }
0x358: {  	v36 =	vmul.f32 v34, v34;
	v11 =	vadd.f32 v47, v40;
	v9 =	vadd.f32 v50, v35;
	[tilespmem:s30+$0x0] =	vst v34  }
0x359: {  	v35 =	vmul.f32 v33, v33;
	v8 =	vadd.f32 v52, v37;
	[tilespmem:s30+$0x80] =	vst v33;
	v7 =	vadd.f32 v53, v7  }
0x35a: {  	v10 =	vadd.f32 v34, v10  }
0x35b: {  	v28 =	vadd.f32 v36, v28;
	v56 =	vmul.f32 v32, v32  }
0x35c: {  	v10 =	vadd.f32 v32, v10  }
0x35d: {  	v27 =	vadd.f32 v33, v27;
	v28 =	vadd.f32 v56, v28  }
0x35e: {  	v57 =	vmul.f32 v31, v31;
	v26 =	vadd.f32 v35, v26;
	(xrf2) =	vadd.scan.msk.f32 $0xffff, v10  }
0x35f: {  	v10 =	vadd.f32 v31, v27;
	(xrf2) =	vadd.scan.msk.f32 $0xffff, v28  }
0x360: {  	v26 =	vadd.f32 v57, v26  }
0x361: {  	(xrf2) =	vadd.scan.msk.f32 $0xffff, v10  }
0x362: {  	(xrf2) =	vadd.scan.msk.f32 $0xffff, v26;
	v26 =	vmul.f32 v13, v13  }
0x363: {  	v10 =	vmul.f32 v14, v14  }
0x364: {  	v23 =	vadd.f32 v14, v23;
	v25 =	vadd.f32 v26, v25  }
0x365: {  	v10 =	vadd.f32 v10, v24;
	v24 =	vmul.f32 v30, v30  }
0x366: {  	v22 =	vadd.f32 v13, v22;
	v23 =	vadd.f32 v30, v23;
	v26 =	vmul.f32 v29, v29  }
0x367: {  	v21 =	vadd.f32 v11, v21;
	v10 =	vadd.f32 v24, v10  }
0x368: {  	v19 =	vadd.f32 v9, v19;
	v27 =	vmul.f32 v11, v11;
	v24 =	vadd.f32 v26, v25;
	v25, _, _ =	vpop (xrf2);
	(xrf2) =	vadd.scan.msk.f32 $0xffff, v23  }
0x369: {  	v22 =	vadd.f32 v29, v22;
	v26 =	vmul.f32 v9, v9;
	(v2sf) =	vpush v25, $0xF;
	v25, _, _ =	vpop (xrf2);
	(xrf2) =	vadd.scan.msk.f32 $0xffff, v10  }
0x36a: {  	v20 =	vadd.f32 v27, v20;
	(v2sf) =	vpush v25, $0xF  }
0x36b: {  	v23 =	vmul.f32 v6, v6;
	v10 =	vadd.f32 v26, v18;
	v18 =	vadd.f32 v6, v21;
	v21, _, _ =	vpop (xrf2);
	(xrf2) =	vadd.scan.msk.f32 $0xffff, v22  }
0x36c: {  	v17 =	vadd.f32 v8, v17;
	(v2sf) =	vpush v21, $0xF;
	v21, _, _ =	vpop (xrf2);
	(xrf2) =	vadd.scan.msk.f32 $0xffff, v24  }
0x36d: {  	v22 =	vmul.f32 v5, v5;
	v20 =	vadd.f32 v23, v20;
	(v2sf) =	vpush v21, $0xF  }
0x36e: {  	v19 =	vadd.f32 v5, v19;
	v17 =	vadd.f32 v4, v17;
	(xrf2) =	vadd.scan.msk.f32 $0xffff, v18  }
0x36f: {  	v10 =	vadd.f32 v22, v10;
	v18 =	vmul.f32 v8, v8;
	(xrf2) =	vadd.scan.msk.f32 $0xffff, v20  }
0x370: {  	(xrf2) =	vadd.scan.msk.f32 $0xffff, v19  }
0x371: {  	(xrf2) =	vadd.scan.msk.f32 $0xffff, v10;
	v10 =	vadd.f32 v18, v16;
	v16 =	vmul.f32 v4, v4  }
0x372: {  	(xrf2) =	vadd.scan.msk.f32 $0xffff, v17;
	v17, _, _ =	vpop (xrf2)  }
0x373: {  	v18, _, _ =	vpop (xrf2);
	(v2sf) =	vpush v17, $0xF  }
0x374: {  	v10 =	vadd.f32 v16, v10;
	(v2sf) =	vpush v18, $0xF  }
0x375: {  	v16, _, _ =	vpop (xrf2)  }
0x376: {  	v19 =	vmul.f32 v7, v7;
	(xrf2) =	vadd.scan.msk.f32 $0xffff, v10;
	(v2sf) =	vpush v16, $0xF;
	v16, _, _ =	vpop (xrf2)  }
0x377: {  	v15 =	vadd.f32 v7, v15;
	(v2sf) =	vpush v16, $0xF  }
0x378: {  	v12 =	vadd.f32 v19, v12;
	v17 =	vmul.f32 v3, v3;
	v10, _, _ =	vpop (xrf2);
	s0 =	spop (v2sf)  }
0x379: {  	v15 =	vadd.f32 v3, v15;
	v16, _, _ =	vpop (xrf2);
	(v2sf) =	vpush v10, $0xF;
	s31 =	smul.f32 $1.302083370e-03, s0;
	s5 =	spop (v2sf)  }
0x37a: {  	v12 =	vadd.f32 v17, v12;
	v10, _, _ =	vpop (xrf2);
	(v2sf) =	vpush v16, $0xF;
	s0 =	smul.f32 $1.302083370e-03, s5  }
0x37b: {  	(xrf2) =	vadd.scan.msk.f32 $0xffff, v15;
	(v2sf) =	vpush v10, $0xF;
	s3 =	spop (v2sf);
	s2 =	smul.f32 s31, s31  }
0x37c: {  	(xrf2) =	vadd.scan.msk.f32 $0xffff, v12;
	v10, _, _ =	vpop (xrf2);
	s8 =	smul.f32 $1.302083370e-03, s3;
	s7 =	spop (v2sf)  }
0x37d: {  	(v2sf) =	vpush v10, $0xF;
	s3 =	smul.f32 $1.302083370e-03, s7  }
0x37e: {  	v10, _, _ =	vpop (xrf2);
	s0 =	ssub.f32 s0, s2;
	s10 =	smul.f32 s8, s8  }
0x37f: {  	(v2sf) =	vpush v10, $0xF  }
0x380: {  	v10, _, _ =	vpop (xrf2);
	s0 =	smax.f32 s0, $0.0e+00;
	s2 =	ssub.f32 s3, s10  }
0x381: {  	(v2sf) =	vpush v10, $0xF;
	s0 =	sadd.f32 $9.999999960e-13, s0  }
0x382: {  	s2 =	smax.f32 s2, $0.0e+00;
	s12 =	spop (v2sf)  }
0x383: {  	s14 =	spop (v2sf);
	s12 =	smul.f32 $1.302083370e-03, s12  }
0x384: {  	s13 =	sadd.f32 $9.999999960e-13, s2;
	s2 =	smul.f32 $1.302083370e-03, s14  }
0x385: {  	v10, _, _ =	vpop (xrf2);
	v12 =	vmov s0;
	s15 =	spop (v2sf);
	s7 =	smul.f32 s12, s12  }
0x386: {  	(v2sf) =	vpush v10, $0xF;
	v10, _, _ =	vpop (xrf2);
	v15 =	vshra.s32 v12, $0x1;
	v12 =	vmul.f32 $5.000000000e-01, v12;
	s21 =	spop (v2sf);
	s4 =	smul.f32 $1.302083370e-03, s15  }
0x387: {  	(v2sf) =	vpush v10, $0xF;
	v16 =	vmov s13;
	v10 =	vsub.s32 $0x5F3759DF, v15;
	s3 =	smul.f32 $1.302083370e-03, s21  }
0x388: {  	v15 =	vshra.s32 v16, $0x1;
	v16 =	vmul.f32 $5.000000000e-01, v16;
	v17 =	vmul.f32 v10, v12;
	s5 =	spop (v2sf);
	s14 =	smul.f32 s4, s4  }
0x389: {  	v15 =	vsub.s32 $0x5F3759DF, v15;
	s7 =	ssub.f32 s2, s7;
	s10 =	spop (v2sf)  }
0x38a: {  	v18 =	vmul.f32 v15, v16;
	v17 =	vmul.f32 v10, v17;
	s2 =	smul.f32 $1.302083370e-03, s5;
	s29 =	spop (v2sf)  }
0x38b: {  	s10 =	smul.f32 $1.302083370e-03, s10;
	s7 =	smax.f32 s7, $0.0e+00  }
0x38c: {  	v18 =	vmul.f32 v15, v18;
	v17 =	vsub.f32 $1.500000000e+00, v17;
	s13 =	spop (v2sf);
	s21 =	sadd.f32 $9.999999960e-13, s7  }
0x38d: {  	s7 =	smul.f32 $1.302083370e-03, s29;
	s29 =	ssub.f32 s3, s14  }
0x38e: {  	s5 =	spop (v2sf);
	v18 =	vsub.f32 $1.500000000e+00, v18;
	v10 =	vmul.f32 v10, v17;
	s13 =	smul.f32 $1.302083370e-03, s13  }
0x38f: {  	s14 =	smul.f32 s7, s7;
	s29 =	smax.f32 s29, $0.0e+00  }
0x390: {  	s0 =	smul.f32 $1.302083370e-03, s5;
	v15 =	vmul.f32 v15, v18;
	v17 =	vmul.f32 v10, v12;
	s3 =	spop (v2sf)  }
0x391: {  	v19 =	vmov s21;
	s5 =	sadd.f32 $9.999999960e-13, s29;
	s21 =	smul.f32 $1.302083370e-03, s3  }
0x392: {  	s29 =	smul.f32 s0, s0;
	s13 =	ssub.f32 s13, s14;
	v18 =	vmul.f32 v15, v16;
	v17 =	vmul.f32 v17, v10  }
0x393: {  	s15 =	smul.f32 s2, s2;
	v20 =	vshra.s32 v19, $0x1;
	v19 =	vmul.f32 $5.000000000e-01, v19  }
0x394: {  	v20 =	vsub.s32 $0x5F3759DF, v20;
	s29 =	ssub.f32 s21, s29;
	s13 =	smax.f32 s13, $0.0e+00;
	v18 =	vmul.f32 v18, v15;
	v17 =	vsub.f32 $1.500000000e+00, v17  }
0x395: {  	v21 =	vmul.f32 v20, v19;
	s3 =	spop (v2sf);
	s13 =	sadd.f32 $9.999999960e-13, s13  }
0x396: {  	v22 =	vmov s5;
	s3 =	smul.f32 $1.302083370e-03, s3;
	s5 =	spop (v2sf);
	v18 =	vsub.f32 $1.500000000e+00, v18;
	v10 =	vmul.f32 v17, v10  }
0x397: {  	s10 =	ssub.f32 s10, s15;
	v17 =	vshra.s32 v22, $0x1;
	v22 =	vmul.f32 $5.000000000e-01, v22;
	s5 =	smul.f32 $1.302083370e-03, s5;
	v23 =	vmov s13  }
0x398: {  	s21 =	smax.f32 s29, $0.0e+00;
	v17 =	vsub.s32 $0x5F3759DF, v17;
	s15 =	smul.f32 s3, s3;
	v15 =	vmul.f32 v18, v15;
	v18 =	vmul.f32 v20, v21  }
0x399: {  	s29 =	sadd.f32 $9.999999960e-13, s21;
	v26 =	vshra.s32 v23, $0x1;
	v12 =	vmul.f32 v10, v12;
	v21 =	vmul.f32 v17, v22  }
0x39a: {  	v23 =	vmul.f32 $5.000000000e-01, v23;
	s5 =	ssub.f32 s5, s15;
	v16 =	vmul.f32 v15, v16;
	v18 =	vsub.f32 $1.500000000e+00, v18  }
0x39b: {  	v25 =	vmov s29;
	v12 =	vmul.f32 v12, v10;
	v21 =	vmul.f32 v17, v21  }
0x39c: {  	v26 =	vsub.s32 $0x5F3759DF, v26;
	s5 =	smax.f32 s5, $0.0e+00;
	v16 =	vmul.f32 v16, v15;
	v18 =	vmul.f32 v20, v18  }
0x39d: {  	v28 =	vmul.f32 v26, v23;
	v12 =	vsub.f32 $1.500000000e+00, v12;
	v21 =	vsub.f32 $1.500000000e+00, v21;
	s5 =	sadd.f32 $9.999999960e-13, s5  }
0x39e: {  	s10 =	smax.f32 s10, $0.0e+00;
	v30 =	vshra.s32 v25, $0x1;
	v16 =	vsub.f32 $1.500000000e+00, v16;
	v24 =	vmul.f32 v18, v19  }
0x39f: {  	s10 =	sadd.f32 $9.999999960e-13, s10;
	v10 =	vmul.f32 v12, v10;
	v17 =	vmul.f32 v17, v21;
	v21 =	vmov s5  }
0x3a0: {  	v29 =	vshra.s32 v21, $0x1;
	v21 =	vmul.f32 $5.000000000e-01, v21;
	v12 =	vmul.f32 v16, v15  }
0x3a1: {  	v20 =	vmov s10;
	v15 =	vmul.f32 v24, v18;
	v16 =	vmul.f32 v17, v22  }
0x3a2: {  	v24 =	vshra.s32 v20, $0x1;
	v20 =	vmul.f32 $5.000000000e-01, v20;
	v29 =	vsub.s32 $0x5F3759DF, v29  }
0x3a3: {  	v25 =	vmul.f32 $5.000000000e-01, v25;
	v24 =	vsub.s32 $0x5F3759DF, v24;
	v31 =	vmul.f32 v29, v21  }
0x3a4: {  	v30 =	vsub.s32 $0x5F3759DF, v30;
	v16 =	vmul.f32 v16, v17;
	v27 =	vmul.f32 v24, v20  }
0x3a5: {  	v28 =	vmul.f32 v26, v28;
	v58 =	vmul.f32 v30, v25;
	v15 =	vsub.f32 $1.500000000e+00, v15  }
0x3a6: {  	[tilespmem:s30+$0x100] =	vst v14;
	v31 =	vmul.f32 v29, v31;
	v27 =	vmul.f32 v24, v27;
	v14 =	vsub.f32 $1.500000000e+00, v16  }
0x3a7: {  	[tilespmem:s30+$0x180] =	vst v13;
	v16 =	vsub.f32 $1.500000000e+00, v28;
	v28 =	vmul.f32 v30, v58;
	v13 =	vmul.f32 v15, v18  }
0x3a8: {  	[tilespmem:s30+$0x200] =	vst v11;
	v18 =	vsub.f32 $1.500000000e+00, v31;
	v27 =	vsub.f32 $1.500000000e+00, v27;
	v17 =	vmul.f32 v14, v17  }
0x3a9: {  	[tilespmem:s28+$0x280] =	vst v5;
	v11 =	vmul.f32 v26, v16;
	v14 =	vsub.f32 $1.500000000e+00, v28;
	v5 =	vmul.f32 v13, v19  }
0x3aa: {  	v18 =	vmul.f32 v29, v18;
	v15 =	vmul.f32 v24, v27  }
0x3ab: {  	[tilespmem:s30+$0x300] =	vst v8;
	v8 =	vmul.f32 v11, v23;
	v14 =	vmul.f32 v30, v14  }
0x3ac: {  	[tilespmem:s30+$0x280] =	vst v9;
	v24 =	vmul.f32 v18, v21;
	v16 =	vmul.f32 v15, v20  }
0x3ad: {  	[tilespmem:s28+$0x200] =	vst v6;
	v9 =	vmov s31;
	s31 =	simm.s32 $0x0;
	v8 =	vmul.f32 v8, v11;
	v26 =	vmul.f32 v14, v25  }
0x3ae: {  	[tilespmem:s28+$0x300] =	vst v4;
	s13 =	sand.u32 $0x1C00, s31;
	v19 =	vmul.f32 v24, v18;
	v16 =	vmul.f32 v16, v15  }
0x3af: {  	[tilespmem:s30+$0x380] =	vst v7;
	v7 =	vmov s8;
	s8 =	sadd.s32 s13, s26;
	s15 =	sand.u32 $0x60, s31;
	v4 =	vmul.f32 v17, v22;
	v8 =	vsub.f32 $1.500000000e+00, v8  }
0x3b0: {  	[tilespmem:s28+$0x380] =	vst v3;
	s28 =	sadd.s32 s15, s8;
	s21 =	sor.u32 $0x10, s15;
	v22 =	vmul.f32 v26, v14;
	v3 =	vsub.f32 $1.500000000e+00, v19;
	v16 =	vsub.f32 $1.500000000e+00, v16  }
0x3b1: {  	s30 =	sadd.s32 s21, s8;
	v28 =	vld [tilespmem:s28+$0x0];
	v24 =	vmul.f32 v5, v13;
	v19 =	vmul.f32 v8, v11  }
0x3b2: {  	v29 =	vld [tilespmem:s30+$0x80];
	v8 =	vsub.f32 $1.500000000e+00, v22;
	v22 =	vmul.f32 v3, v18;
	v16 =	vmul.f32 v16, v15  }
0x3b3: {  	v15 =	vmul.f32 v4, v17;
	v18 =	vmul.f32 v19, v23  }
0x3b4: {  	v23 =	vmul.f32 v8, v14;
	v8 =	vsub.f32 $1.500000000e+00, v24;
	v21 =	vmul.f32 v22, v21  }
0x3b5: {  	v59 =	vld [tilespmem:s30+$0x180];
	v20 =	vmul.f32 v16, v20;
	v18 =	vmul.f32 v18, v19  }
0x3b6: {  	v27 =	vld [tilespmem:s28+$0x380];
	v28 =	vsub.f32 v28, v9;
	v25 =	vmul.f32 v23, v25;
	v14 =	vmul.f32 v8, v13  }
0x3b7: {  	v29 =	vsub.f32 v29, v7;
	v24 =	vld [tilespmem:s28+$0x100];
	v13 =	vmul.f32 v21, v22;
	v20 =	vmul.f32 v20, v16  }
0x3b8: {  	v6 =	vmov s12;
	v30 =	vld [tilespmem:s30+$0x280];
	v15 =	vsub.f32 $1.500000000e+00, v15;
	v18 =	vsub.f32 $1.500000000e+00, v18  }
0x3b9: {  	v13 =	vsub.f32 $1.500000000e+00, v13;
	v8 =	vsub.f32 $1.500000000e+00, v20;
	v20 =	vmul.f32 v25, v23;
	v25 =	vld [tilespmem:s28+$0x280]  }
0x3ba: {  	s14 =	simm.s32 $0x18800;
	v26 =	vld [tilespmem:s28+$0x300];
	v28 =	vmul.f32 v28, v10;
	v15 =	vmul.f32 v15, v17;
	v17 =	vmov s7  }
0x3bb: {  	v3 =	vld [tilespmem:s14+$0x0];
	v18 =	vmul.f32 v18, v19;
	v19 =	vmov s3;
	v13 =	vmul.f32 v13, v22  }
0x3bc: {  	s12 =	simm.s32 $0x18B00;
	v22 =	vsub.f32 v24, v6;
	v8 =	vmul.f32 v8, v16;
	v16 =	vld [tilespmem:s28+$0x180];
	v20 =	vsub.f32 $1.500000000e+00, v20  }
0x3bd: {  	v5 =	vld [tilespmem:s12+$0x0];
	v11 =	vmov s4;
	v62 =	vsub.f32 v30, v17;
	v24 =	vsub.f32 v27, v19  }
0x3be: {  	v27 =	vld [tilespmem:s30+$0x380];
	v20 =	vmul.f32 v20, v23;
	v23 =	vmul.f32 v22, v14;
	v22 =	vsub.f32 v25, v17  }
0x3bf: {  	s29 =	sand.u32 $0x380, s31;
	v4 =	vmov s2;
	v21 =	vmov s0;
	v24 =	vmul.f32 v24, v13;
	v25 =	vld [tilespmem:s30+$0x100]  }
0x3c0: {  	v61 =	vld [tilespmem:s30+$0x300];
	s2 =	sor.u32 s29, s21;
	v26 =	vsub.f32 v26, v21;
	v39 =	vmul.f32 v62, v18;
	v22 =	vmul.f32 v22, v18  }
0x3c1: {  	v60 =	vmul.f32 v24, v3;
	v24 =	vmul.f32 v28, v3;
	v31 =	vsub.f32 v16, v11;
	v16 =	vld [tilespmem:s2+$0x18800]  }
0x3c2: {  	v32 =	vld [tilespmem:s30+$0x200];
	v38 =	vsub.f32 v59, v11;
	v28 =	vmul.f32 v26, v20;
	v22 =	vmul.f32 v22, v3  }
0x3c3: {  	v30 =	vld [tilespmem:s30+$0x0];
	v26 =	vsub.f32 v27, v19;
	v27 =	vadd.f32 v60, v5;
	v31 =	vmul.f32 v31, v15  }
0x3c4: {  	v63 =	vmul.f32 v28, v3;
	v28 =	vld [tilespmem:s28+$0x80];
	v25 =	vsub.f32 v25, v6;
	v37 =	vadd.f32 v22, v5  }
0x3c5: {  	s4 =	simm.s32 $0x18B20;
	v36 =	vsub.f32 v61, v21;
	v35 =	vmul.f32 v38, v15;
	[tilespmem:s28+$0x380] =	vst v27;
	v34 =	vmul.f32 v31, v3;
	v22 =	vld [tilespmem:s2+$0x18B00]  }
0x3c6: {  	s0 =	simm.s32 $0x0;
	s3 =	simm.s32 $0x18820;
	v33 =	vadd.f32 v63, v5;
	v31 =	vld [tilespmem:s28+$0x200];
	s2 =	simm.s32 $0x100;
	v27 =	vmul.f32 v25, v14;
	v25 =	vmul.f32 v39, v16;
	[tilespmem:s28+$0x280] =	vst v37  }
.LBB2_17:
0x3c7: {  	s5 =	sand.u32 $0x1C00, s2;
	s0 =	sadd.s32 $0x2, s0;
	v29 =	vmul.f32 v29, v12;
	v32 =	vsub.f32 v32, v4;
	v26 =	vmul.f32 v26, v13;
	s31 =	sadd.s32 $0x20, s31  }
0x3c8: {  	v34 =	vadd.f32 v34, v5;
	s7 =	sand.u32 $0x60, s31;
	v37 =	vld [tilespmem:s4+$0x0];
	s5 =	sadd.s32 s5, s26;
	p0 =	slt.u32 s0, $0x2E;
	v35 =	vmul.f32 v35, v16;
	v36 =	vmul.f32 v36, v20  }
0x3c9: {  	v30 =	vsub.f32 v30, v9;
	v38 =	vld [tilespmem:s3+$0x0];
	s12 =	sadd.s32 s7, s5;
	s8 =	sor.u32 $0x10, s7;
	s7 =	sand.u32 $0x380, s31;
	v29 =	vmul.f32 v29, v16;
	v32 =	vmul.f32 v32, v8  }
0x3ca: {  	v23 =	vmul.f32 v23, v3;
	v28 =	vsub.f32 v28, v7;
	v39 =	vld [tilespmem:s12+$0x300];
	s7 =	sor.u32 s7, s8;
	s8 =	sadd.s32 s8, s5;
	[tilespmem:s28+$0x300] =	vst v33;
	v33 =	vadd.f32 v35, v22  }
0x3cb: {  	v31 =	vsub.f32 v31, v4;
	v35 =	vld [tilespmem:s7+$0x18800];
	[tilespmem:s28+$0x180] =	vst v34;
	v29 =	vadd.f32 v29, v22;
	v34 =	vmul.f32 v36, v16  }
0x3cc: {  	v24 =	vadd.f32 v24, v5;
	v30 =	vmul.f32 v30, v10;
	v32 =	vmul.f32 v32, v16;
	v36 =	vld [tilespmem:s12+$0x100];
	[tilespmem:s30+$0x180] =	vst v33  }
0x3cd: {  	v28 =	vmul.f32 v28, v12;
	v31 =	vmul.f32 v31, v8;
	v33 =	vld [tilespmem:s12+$0x380];
	[tilespmem:s30+$0x80] =	vst v29;
	v29 =	vadd.f32 v34, v22  }
0x3ce: {  	v27 =	vmul.f32 v27, v16;
	v34 =	vld [tilespmem:s12+$0x0];
	[tilespmem:s28+$0x0] =	vst v24;
	v24 =	vmul.f32 v30, v16;
	v30 =	vadd.f32 v32, v22  }
0x3cf: {  	v25 =	vadd.f32 v25, v22;
	v23 =	vadd.f32 v23, v5;
	v40 =	vmul.f32 v26, v16;
	v32 =	vld [tilespmem:s12+$0x280];
	[tilespmem:s30+$0x300] =	vst v29  }
0x3d0: {  	v27 =	vadd.f32 v27, v22;
	v28 =	vmul.f32 v28, v3;
	v29 =	vmul.f32 v31, v3;
	v26 =	vld [tilespmem:s12+$0x180];
	[tilespmem:s30+$0x200] =	vst v30  }
0x3d1: {  	v3 =	vmovc v38;
	v16 =	vmov v35;
	v30 =	vsub.f32 v36, v6;
	v31 =	vld [tilespmem:s8+$0x80];
	[tilespmem:s28+$0x100] =	vst v23;
	v36 =	vadd.f32 v40, v22  }
0x3d2: {  	v28 =	vadd.f32 v28, v5;
	v33 =	vsub.f32 v33, v19;
	v35 =	vld [tilespmem:s8+$0x380];
	[tilespmem:s30+$0x100] =	vst v27  }
0x3d3: {  	v5 =	vadd.f32 v29, v5;
	v27 =	vsub.f32 v34, v9;
	v23 =	vmul.f32 v30, v14;
	v34 =	vld [tilespmem:s8+$0x280];
	[tilespmem:s30+$0x280] =	vst v25  }
0x3d4: {  	v22 =	vadd.f32 v24, v22;
	v25 =	vsub.f32 v32, v17;
	v29 =	vmul.f32 v33, v13;
	v33 =	vld [tilespmem:s8+$0x100];
	[tilespmem:s28+$0x80] =	vst v28  }
0x3d5: {  	v24 =	vmul.f32 v27, v10;
	v27 =	vsub.f32 v26, v11;
	v26 =	vsub.f32 v39, v21;
	v38 =	vld [tilespmem:s8+$0x180];
	[tilespmem:s28+$0x200] =	vst v5;
	s28 =	smov.u32 s12  }
0x3d6: {  	v28 =	vmul.f32 v25, v18;
	v25 =	vmul.f32 v29, v3;
	v29 =	vsub.f32 v31, v7;
	v32 =	vld [tilespmem:s8+$0x200];
	[tilespmem:s30+$0x0] =	vst v22  }
0x3d7: {  	v24 =	vmul.f32 v24, v3;
	v22 =	vmul.f32 v26, v20;
	v39 =	vld [tilespmem:s8+$0x300];
	v26 =	vsub.f32 v35, v19;
	[tilespmem:s30+$0x380] =	vst v36;
	s30 =	smov.u32 s8  }
.Ltmp7:
0x3d8: {  	v5 =	vmovc v37;
	v31 =	vmul.f32 v28, v3;
	v25 =	vadd.f32 v25, v37;
	v30 =	vld [tilespmem:s30+$0x0];
	v34 =	vsub.f32 v34, v17;
	(pc) =	sbr.rel @p0 .LBB2_17-.Ltmp7, $4  }
0x3d9: {  	v27 =	vmul.f32 v27, v15;
	v35 =	vmul.f32 v22, v3;
	v22 =	vld [tilespmem:s7+$0x18B00];
	v36 =	vsub.f32 v33, v6  }
0x3da: {  	v28 =	vld [tilespmem:s28+$0x80];
	v37 =	vadd.f32 v31, v5;
	[tilespmem:s28+$0x380] =	vst v25;
	v25 =	vsub.f32 v38, v11;
	v38 =	vmul.f32 v34, v18  }
0x3db: {  	v34 =	vmul.f32 v27, v3;
	v31 =	vld [tilespmem:s28+$0x200];
	v33 =	vadd.f32 v35, v5;
	v27 =	vmul.f32 v36, v14  }
0x3dc: {  	s2 =	sadd.s32 $0x100, s2;
	s4 =	sadd.s32 $0x20, s4;
	s3 =	sadd.s32 $0x20, s3;
	[tilespmem:s28+$0x280] =	vst v37;
	v35 =	vmul.f32 v25, v15;
	v25 =	vmul.f32 v38, v16;
	v36 =	vsub.f32 v39, v21  }
0x3dd: {  	v11 =	vsub.f32 v32, v4  }
0x3de: {  	v6 =	vmul.f32 v29, v12;
	v15 =	vadd.f32 v34, v5;
	v9 =	vsub.f32 v30, v9  }
0x3df: {  	[tilespmem:s28+$0x300] =	vst v33;
	v50 =	vadd.f32 v24, v5;
	v51 =	vmul.f32 v23, v3;
	v54 =	vmul.f32 v27, v16  }
0x3e0: {  	v58 =	vmul.f32 v26, v13;
	v14 =	vmul.f32 v35, v16;
	v59 =	vadd.f32 v25, v22;
	[tilespmem:s28+$0x180] =	vst v15  }
0x3e1: {  	v17 =	vmul.f32 v36, v20;
	v6 =	vmul.f32 v6, v16;
	[tilespmem:s28+$0x0] =	vst v50;
	v55 =	vadd.f32 v51, v5  }
0x3e2: {  	v11 =	vmul.f32 v11, v8;
	v7 =	vsub.f32 v28, v7;
	v57 =	vadd.f32 v54, v22;
	[tilespmem:s30+$0x280] =	vst v59  }
0x3e3: {  	v56 =	vmul.f32 v9, v10;
	v62 =	vmul.f32 v58, v16;
	v14 =	vadd.f32 v14, v22;
	[tilespmem:s28+$0x100] =	vst v55  }
0x3e4: {  	v49 =	vmul.f32 v17, v16;
	v52 =	vsub.f32 v31, v4;
	v6 =	vadd.f32 v6, v22;
	[tilespmem:s30+$0x100] =	vst v57  }
0x3e5: {  	v11 =	vmul.f32 v11, v16;
	v7 =	vmul.f32 v7, v12;
	v63 =	vadd.f32 v62, v22;
	[tilespmem:s30+$0x180] =	vst v14  }
0x3e6: {  	s25 =	sadd.s32 $0x1, s25;
	v60 =	vmul.f32 v56, v16;
	v53 =	vadd.f32 v49, v22;
	v4 =	vmul.f32 v52, v8;
	[tilespmem:s30+$0x80] =	vst v6  }
0x3e7: {  	p0 =	sne.s32 s25, $0x8;
	v11 =	vadd.f32 v11, v22;
	v7 =	vmul.f32 v7, v3;
	[tilespmem:s30+$0x380] =	vst v63  }
.Ltmp8:
0x3e8: {  	[tilespmem:s30+$0x300] =	vst v53;
	v3 =	vmul.f32 v4, v3;
	v4 =	vadd.f32 v60, v22;
	(pc) =	sbr.rel @p0 .LBB2_14-.Ltmp8, $4  }
0x3e9: {  	[tilespmem:s30+$0x200] =	vst v11;
	v61 =	vadd.f32 v7, v5  }
0x3ea: {  	v3 =	vadd.f32 v3, v5;
	[tilespmem:s30+$0x0] =	vst v4  }
0x3eb: {  	[tilespmem:s28+$0x80] =	vst v61  }
0x3ec: {  	[tilespmem:s28+$0x200] =	vst v3  }
0x3ed: {  	s24 =	simm.s32 $0x0;
	s0 =	rddreg [dreg:$0xb]  }
0x3ee: {  	[hbm4b:s0+s24] =	stream.linear.scatter [tilespmem:s16], [sflag:$0x3], $0xC000, $0x38;
	[tilespmem:$0x18E00] =	vst v63  }
0x3ef: {  	_ =	swait.ge [sflag:s19], $0xC000  }
0x3f0: {  	[sflag:s19] =	ssyncset.done $0x0  }
0x3f1: {  	s25 =	simm.s32 $0x0;
	[sflag:s19] =	ssyncadd.s32 $0xFFFF4000  }
.LBB2_20:
0x3f2: {  	s0 =	sshll.u32 s25, $0x3;
	s14 =	smul.u32 $0x6000, s25;
	s15 =	simm.s32 $0x0  }
0x3f3: {  	s4 =	simm.s32 $0x0;
	s2 =	sor.u32 $0xC0, s0;
	s5 =	sor.u32 $0xC1, s0  }
0x3f4: {  	s7 =	sor.u32 $0xC2, s0;
	s8 =	sor.u32 $0xC3, s0;
	s10 =	sor.u32 $0xC4, s0  }
0x3f5: {  	s12 =	sor.u32 $0xC5, s0;
	s13 =	sor.u32 $0xC6, s0;
	s0 =	sor.u32 $0xC7, s0  }
0x3f6: {  	s21 =	sand.u32 $0x60, s24;
	s4 =	sand.u32 $0xFFFFFF00, s4;
	v10 =	vmov s0;
	s0 =	sshra.s32 s14, $0x2  }
0x3f7: {  	v3 =	vmov s2;
	s2 =	sand.u32 $0x3FFFFC00, s15;
	s4 =	sadd.s32 $0x18200, s4;
	s26 =	sadd.s32 $0xC200, s0  }
0x3f8: {  	s3 =	sor.u32 $0x10, s21;
	s29 =	sor.u32 s21, s4;
	s2 =	sadd.s32 s2, s26  }
0x3f9: {  	v22 =	vld [tilespmem:s29+$0x0];
	s28 =	sadd.s32 s3, s2  }
0x3fa: {  	v4 =	vmov s5;
	v3 =	vbroadcast v3, $0x0;
	v12 =	vld [tilespmem:s28+$0x0]  }
0x3fb: {  	v7 =	vmov s10;
	v4 =	vbroadcast v4, $0x0;
	v13 =	vld [tilespmem:s28+$0x80]  }
0x3fc: {  	v8 =	vmov s12;
	v7 =	vbroadcast v7, $0x0;
	s3 =	sor.u32 s3, s4;
	v14 =	vld [tilespmem:s28+$0x100]  }
0x3fd: {  	v9 =	vmov s13;
	v8 =	vbroadcast v8, $0x0;
	v19 =	vld [tilespmem:s3+$0x0]  }
0x3fe: {  	v6 =	vmov s8;
	v9 =	vbroadcast v9, $0x0;
	v20 =	vld [tilespmem:s3+$0x80]  }
0x3ff: {  	v5 =	vmov s7;
	v6 =	vbroadcast v6, $0x0;
	v11 =	vld.idx.msk [tilespmem:v10+s20+$0x0], $0xffff  }
0x400: {  	v5 =	vbroadcast v5, $0x0;
	v3 =	vld.idx.msk [tilespmem:v3+s20+$0x0], $0xffff  }
0x401: {  	v4 =	vld.idx.msk [tilespmem:v4+s20+$0x0], $0xffff  }
0x402: {  	v7 =	vld.idx.msk [tilespmem:v7+s20+$0x0], $0xffff  }
0x403: {  	v8 =	vld.idx.msk [tilespmem:v8+s20+$0x0], $0xffff  }
0x404: {  	v9 =	vld.idx.msk [tilespmem:v9+s20+$0x0], $0xffff  }
0x405: {  	v6 =	vld.idx.msk [tilespmem:v6+s20+$0x0], $0xffff  }
0x406: {  	v5 =	vld.idx.msk [tilespmem:v5+s20+$0x0], $0xffff  }
0x407: {  	v15 =	vld [tilespmem:s28+$0x180]  }
0x408: {  	v16 =	vld [tilespmem:s28+$0x200];
	vm1 =	veq.s32 v11, $0x0  }
0x409: {  	v17 =	vld [tilespmem:s28+$0x280];
	vm2 =	veq.s32 v9, $0x0;
	vm3 =	veq.s32 v8, $0x0;
	vm4 =	veq.s32 v7, $0x0  }
0x40a: {  	v18 =	vld [tilespmem:s28+$0x300];
	vm5 =	veq.s32 v6, $0x0;
	vm6 =	veq.s32 v3, $0x0;
	vm8 =	veq.s32 v4, $0x0  }
0x40b: {  	s30 =	sadd.s32 s21, s2;
	v21 =	vld [tilespmem:s28+$0x380];
	vm7 =	veq.s32 v5, $0x0;
	v3 =	vsel vm6, v19, v20;
	v4 =	vsel vm8, v19, v20  }
0x40c: {  	v23 =	vld [tilespmem:s30+$0x180];
	v5 =	vsel vm7, v19, v20;
	v6 =	vsel vm5, v19, v20;
	v24 =	vsel vm4, v19, v20  }
0x40d: {  	v35 =	vld [tilespmem:s30+$0x200];
	v25 =	vsel vm3, v19, v20;
	v32 =	vadd.f32 v3, v12;
	v31 =	vadd.f32 v13, v4  }
0x40e: {  	v8 =	vld [tilespmem:s29+$0x80];
	v26 =	vsel vm2, v19, v20;
	v30 =	vadd.f32 v14, v5;
	v29 =	vadd.f32 v15, v6  }
0x40f: {  	v7 =	vld [tilespmem:s30+$0x0];
	v19 =	vsel vm1, v19, v20;
	v6 =	vadd.f32 v16, v24;
	v5 =	vadd.f32 v17, v25  }
0x410: {  	v10 =	vimm.f32 $0.0e+00;
	v9 =	vld [tilespmem:s30+$0x80];
	v4 =	vadd.f32 v18, v26;
	v3 =	vadd.f32 v21, v19  }
0x411: {  	v11 =	vld [tilespmem:s30+$0x100];
	v26 =	vimm.f32 $0.0e+00;
	v24 =	vimm.f32 $0.0e+00;
	v25 =	vimm.f32 $0.0e+00  }
0x412: {  	v37 =	vld [tilespmem:s30+$0x280];
	v21 =	vimm.f32 $0.0e+00;
	v19 =	vimm.f32 $0.0e+00;
	v18 =	vimm.f32 $0.0e+00  }
0x413: {  	v17 =	vimm.f32 $0.0e+00;
	v27 =	vsel vm6, v22, v8;
	v28 =	vsel vm8, v22, v8  }
0x414: {  	v20 =	vsel vm7, v22, v8;
	v12 =	vsel vm5, v22, v8;
	v15 =	vsel vm4, v22, v8  }
0x415: {  	v38 =	vld [tilespmem:s30+$0x300];
	v16 =	vsel vm3, v22, v8;
	v34 =	vadd.f32 v27, v7;
	v33 =	vadd.f32 v9, v28  }
0x416: {  	v39 =	vld [tilespmem:s30+$0x380];
	[tilespmem:s28+$0x0] =	vst v32;
	v7 =	vsel vm2, v22, v8;
	v14 =	vadd.f32 v11, v20;
	v13 =	vadd.f32 v23, v12  }
0x417: {  	[tilespmem:s28+$0x80] =	vst v31;
	v12 =	vsel vm1, v22, v8;
	v11 =	vadd.f32 v35, v15;
	v9 =	vadd.f32 v37, v16  }
0x418: {  	[tilespmem:s28+$0x100] =	vst v30;
	v28 =	vimm.f32 $0.0e+00;
	v27 =	vimm.f32 $0.0e+00;
	v23 =	vimm.f32 $0.0e+00  }
0x419: {  	[tilespmem:s28+$0x180] =	vst v29;
	v22 =	vimm.f32 $0.0e+00;
	v20 =	vimm.f32 $0.0e+00;
	v16 =	vimm.f32 $0.0e+00  }
0x41a: {  	v15 =	vimm.f32 $0.0e+00;
	v8 =	vadd.f32 v38, v7;
	v36 =	vmul.f32 v34, v34;
	[tilespmem:s30+$0x0] =	vst v34  }
0x41b: {  	s31 =	simm.s32 $0x0;
	s7 =	simm.s32 $0x0;
	v7 =	vadd.f32 v39, v12;
	v12 =	vimm.f32 $0.0e+00;
	v35 =	vmul.f32 v33, v33;
	[tilespmem:s30+$0x80] =	vst v33  }
.LBB2_21:
0x41c: {  	s31 =	sadd.s32 $0x2, s31;
	v10 =	vadd.f32 v34, v10;
	v28 =	vadd.f32 v36, v28;
	[tilespmem:s30+$0x100] =	vst v14;
	v34 =	vmul.f32 v32, v32  }
0x41d: {  	v27 =	vadd.f32 v33, v27;
	v33 =	vmul.f32 v31, v31;
	s7 =	sadd.s32 $0x20, s7;
	s3 =	sshll.u32 s31, $0x7;
	p0 =	slt.u32 s31, $0x2E;
	v26 =	vadd.f32 v35, v26;
	[tilespmem:s30+$0x180] =	vst v13  }
0x41e: {  	s0 =	sand.u32 $0x60, s7;
	v35 =	vmul.f32 v14, v14;
	s2 =	sand.u32 $0x3FFFFC00, s3;
	[tilespmem:s30+$0x200] =	vst v11;
	v10 =	vadd.f32 v32, v10;
	v28 =	vadd.f32 v34, v28  }
0x41f: {  	s4 =	sor.u32 $0x10, s0;
	v32 =	vmul.f32 v13, v13;
	v27 =	vadd.f32 v31, v27;
	s2 =	sadd.s32 s2, s26;
	[tilespmem:s30+$0x280] =	vst v9;
	v26 =	vadd.f32 v33, v26  }
0x420: {  	v14 =	vadd.f32 v14, v23;
	v31 =	vmul.f32 v30, v30;
	v24 =	vadd.f32 v35, v24;
	s5 =	sadd.s32 s4, s2;
	[tilespmem:s30+$0x300] =	vst v8  }
0x421: {  	v13 =	vadd.f32 v13, v22;
	v25 =	vadd.f32 v32, v25;
	v32 =	vmul.f32 v29, v29;
	v33 =	vld [tilespmem:s5+$0x0];
	[tilespmem:s30+$0x380] =	vst v7  }
0x422: {  	v35 =	vmul.f32 v11, v11;
	v23 =	vadd.f32 v30, v14;
	v24 =	vadd.f32 v31, v24;
	v34 =	vld [tilespmem:s5+$0x80];
	[tilespmem:s28+$0x200] =	vst v6  }
0x423: {  	v30 =	vmul.f32 v9, v9;
	v22 =	vadd.f32 v29, v13;
	v25 =	vadd.f32 v32, v25;
	v14 =	vld [tilespmem:s5+$0x100];
	[tilespmem:s28+$0x280] =	vst v5  }
0x424: {  	s3 =	sshra.s32 s3, $0x2;
	v11 =	vadd.f32 v11, v21;
	v29 =	vmul.f32 v6, v6;
	v20 =	vadd.f32 v35, v20;
	v13 =	vld [tilespmem:s5+$0x180];
	[tilespmem:s28+$0x300] =	vst v4  }
0x425: {  	s3 =	sand.u32 $0xFFFFFF00, s3;
	v9 =	vadd.f32 v9, v19;
	v18 =	vadd.f32 v30, v18;
	v30 =	vmul.f32 v5, v5;
	v35 =	vld [tilespmem:s5+$0x200];
	[tilespmem:s28+$0x380] =	vst v3;
	s28 =	smov.u32 s5  }
0x426: {  	s3 =	sadd.s32 $0x18200, s3;
	v31 =	vmul.f32 v8, v8;
	v21 =	vadd.f32 v6, v11;
	v20 =	vadd.f32 v29, v20;
	v36 =	vld [tilespmem:s28+$0x280]  }
0x427: {  	s4 =	sor.u32 s4, s3;
	v19 =	vadd.f32 v5, v9;
	v6 =	vmul.f32 v7, v7;
	v18 =	vadd.f32 v30, v18;
	v11 =	vld [tilespmem:s28+$0x300]  }
0x428: {  	v8 =	vadd.f32 v8, v17;
	v9 =	vadd.f32 v31, v16;
	v16 =	vmul.f32 v4, v4;
	v5 =	vld [tilespmem:s4+$0x0]  }
0x429: {  	v7 =	vadd.f32 v7, v15;
	v6 =	vadd.f32 v6, v12;
	v12 =	vmul.f32 v3, v3;
	v29 =	vld [tilespmem:s4+$0x80]  }
0x42a: {  	s3 =	sor.u32 s0, s3;
	v17 =	vadd.f32 v4, v8;
	v16 =	vadd.f32 v16, v9;
	v37 =	vld [tilespmem:s28+$0x380]  }
0x42b: {  	v15 =	vadd.f32 v3, v7;
	v12 =	vadd.f32 v12, v6;
	v8 =	vld [tilespmem:s3+$0x0]  }
0x42c: {  	s30 =	sadd.s32 s0, s2;
	v7 =	vld [tilespmem:s3+$0x80]  }
0x42d: {  	v9 =	vld [tilespmem:s30+$0x0]  }
0x42e: {  	v38 =	vld [tilespmem:s30+$0x80];
	v3 =	vsel vm6, v5, v29  }
0x42f: {  	v4 =	vsel vm8, v5, v29;
	v6 =	vsel vm7, v5, v29;
	v40 =	vsel vm5, v5, v29;
	v39 =	vld [tilespmem:s30+$0x100]  }
0x430: {  	v42 =	vsel vm4, v5, v29;
	v43 =	vsel vm3, v5, v29;
	v44 =	vsel vm2, v5, v29;
	v41 =	vld [tilespmem:s30+$0x180]  }
0x431: {  	v48 =	vsel vm1, v5, v29;
	v45 =	vsel vm6, v8, v7;
	v46 =	vsel vm8, v8, v7;
	v47 =	vld [tilespmem:s30+$0x200]  }
0x432: {  	v32 =	vadd.f32 v3, v33;
	v31 =	vadd.f32 v34, v4;
	v49 =	vsel vm7, v8, v7;
	v50 =	vld [tilespmem:s30+$0x280]  }
0x433: {  	v30 =	vadd.f32 v14, v6;
	v29 =	vadd.f32 v13, v40;
	v51 =	vsel vm5, v8, v7;
	v52 =	vld [tilespmem:s30+$0x300]  }
0x434: {  	v6 =	vadd.f32 v35, v42;
	v5 =	vadd.f32 v36, v43;
	v40 =	vsel vm4, v8, v7;
	v53 =	vld [tilespmem:s30+$0x380];
	[tilespmem:s28+$0x0] =	vst v32  }
.Ltmp9:
0x435: {  	v4 =	vadd.f32 v11, v44;
	v3 =	vadd.f32 v37, v48;
	v35 =	vsel vm3, v8, v7;
	[tilespmem:s28+$0x80] =	vst v31;
	(pc) =	sbr.rel @p0 .LBB2_21-.Ltmp9, $4  }
0x436: {  	v37 =	vsel vm2, v8, v7;
	v34 =	vadd.f32 v45, v9;
	v33 =	vadd.f32 v38, v46;
	[tilespmem:s28+$0x100] =	vst v30  }
0x437: {  	v7 =	vsel vm1, v8, v7;
	v14 =	vadd.f32 v39, v49;
	v13 =	vadd.f32 v41, v51;
	[tilespmem:s28+$0x180] =	vst v29  }
0x438: {  	v36 =	vmul.f32 v34, v34;
	v11 =	vadd.f32 v47, v40;
	v9 =	vadd.f32 v50, v35;
	[tilespmem:s30+$0x0] =	vst v34  }
0x439: {  	v35 =	vmul.f32 v33, v33;
	v8 =	vadd.f32 v52, v37;
	[tilespmem:s30+$0x80] =	vst v33;
	v7 =	vadd.f32 v53, v7  }
0x43a: {  	v10 =	vadd.f32 v34, v10  }
0x43b: {  	v28 =	vadd.f32 v36, v28;
	v56 =	vmul.f32 v32, v32  }
0x43c: {  	v10 =	vadd.f32 v32, v10  }
0x43d: {  	v27 =	vadd.f32 v33, v27;
	v28 =	vadd.f32 v56, v28  }
0x43e: {  	v57 =	vmul.f32 v31, v31;
	v26 =	vadd.f32 v35, v26;
	(xrf2) =	vadd.scan.msk.f32 $0xffff, v10  }
0x43f: {  	v10 =	vadd.f32 v31, v27;
	(xrf2) =	vadd.scan.msk.f32 $0xffff, v28  }
0x440: {  	v26 =	vadd.f32 v57, v26  }
0x441: {  	(xrf2) =	vadd.scan.msk.f32 $0xffff, v10  }
0x442: {  	(xrf2) =	vadd.scan.msk.f32 $0xffff, v26;
	v26 =	vmul.f32 v13, v13  }
0x443: {  	v10 =	vmul.f32 v14, v14  }
0x444: {  	v23 =	vadd.f32 v14, v23;
	v25 =	vadd.f32 v26, v25  }
0x445: {  	v10 =	vadd.f32 v10, v24;
	v24 =	vmul.f32 v30, v30  }
0x446: {  	v22 =	vadd.f32 v13, v22;
	v23 =	vadd.f32 v30, v23;
	v26 =	vmul.f32 v29, v29  }
0x447: {  	v21 =	vadd.f32 v11, v21;
	v10 =	vadd.f32 v24, v10  }
0x448: {  	v19 =	vadd.f32 v9, v19;
	v27 =	vmul.f32 v11, v11;
	v24 =	vadd.f32 v26, v25;
	v25, _, _ =	vpop (xrf2);
	(xrf2) =	vadd.scan.msk.f32 $0xffff, v23  }
0x449: {  	v22 =	vadd.f32 v29, v22;
	v26 =	vmul.f32 v9, v9;
	(v2sf) =	vpush v25, $0xF;
	v25, _, _ =	vpop (xrf2);
	(xrf2) =	vadd.scan.msk.f32 $0xffff, v10  }
0x44a: {  	v20 =	vadd.f32 v27, v20;
	(v2sf) =	vpush v25, $0xF  }
0x44b: {  	v23 =	vmul.f32 v6, v6;
	v10 =	vadd.f32 v26, v18;
	v18 =	vadd.f32 v6, v21;
	v21, _, _ =	vpop (xrf2);
	(xrf2) =	vadd.scan.msk.f32 $0xffff, v22  }
0x44c: {  	v17 =	vadd.f32 v8, v17;
	(v2sf) =	vpush v21, $0xF;
	v21, _, _ =	vpop (xrf2);
	(xrf2) =	vadd.scan.msk.f32 $0xffff, v24  }
0x44d: {  	v22 =	vmul.f32 v5, v5;
	v20 =	vadd.f32 v23, v20;
	(v2sf) =	vpush v21, $0xF  }
0x44e: {  	v19 =	vadd.f32 v5, v19;
	v17 =	vadd.f32 v4, v17;
	(xrf2) =	vadd.scan.msk.f32 $0xffff, v18  }
0x44f: {  	v10 =	vadd.f32 v22, v10;
	v18 =	vmul.f32 v8, v8;
	(xrf2) =	vadd.scan.msk.f32 $0xffff, v20  }
0x450: {  	(xrf2) =	vadd.scan.msk.f32 $0xffff, v19  }
0x451: {  	(xrf2) =	vadd.scan.msk.f32 $0xffff, v10;
	v10 =	vadd.f32 v18, v16;
	v16 =	vmul.f32 v4, v4  }
0x452: {  	(xrf2) =	vadd.scan.msk.f32 $0xffff, v17;
	v17, _, _ =	vpop (xrf2)  }
0x453: {  	v18, _, _ =	vpop (xrf2);
	(v2sf) =	vpush v17, $0xF  }
0x454: {  	v10 =	vadd.f32 v16, v10;
	(v2sf) =	vpush v18, $0xF  }
0x455: {  	v16, _, _ =	vpop (xrf2)  }
0x456: {  	v19 =	vmul.f32 v7, v7;
	(xrf2) =	vadd.scan.msk.f32 $0xffff, v10;
	(v2sf) =	vpush v16, $0xF;
	v16, _, _ =	vpop (xrf2)  }
0x457: {  	v15 =	vadd.f32 v7, v15;
	(v2sf) =	vpush v16, $0xF  }
0x458: {  	v12 =	vadd.f32 v19, v12;
	v17 =	vmul.f32 v3, v3;
	v10, _, _ =	vpop (xrf2);
	s0 =	spop (v2sf)  }
0x459: {  	v15 =	vadd.f32 v3, v15;
	v16, _, _ =	vpop (xrf2);
	(v2sf) =	vpush v10, $0xF;
	s31 =	smul.f32 $1.302083370e-03, s0;
	s5 =	spop (v2sf)  }
0x45a: {  	v12 =	vadd.f32 v17, v12;
	v10, _, _ =	vpop (xrf2);
	(v2sf) =	vpush v16, $0xF;
	s0 =	smul.f32 $1.302083370e-03, s5  }
0x45b: {  	(xrf2) =	vadd.scan.msk.f32 $0xffff, v15;
	(v2sf) =	vpush v10, $0xF;
	s3 =	spop (v2sf);
	s2 =	smul.f32 s31, s31  }
0x45c: {  	(xrf2) =	vadd.scan.msk.f32 $0xffff, v12;
	v10, _, _ =	vpop (xrf2);
	s8 =	smul.f32 $1.302083370e-03, s3;
	s7 =	spop (v2sf)  }
0x45d: {  	(v2sf) =	vpush v10, $0xF;
	s3 =	smul.f32 $1.302083370e-03, s7  }
0x45e: {  	v10, _, _ =	vpop (xrf2);
	s0 =	ssub.f32 s0, s2;
	s10 =	smul.f32 s8, s8  }
0x45f: {  	(v2sf) =	vpush v10, $0xF  }
0x460: {  	v10, _, _ =	vpop (xrf2);
	s0 =	smax.f32 s0, $0.0e+00;
	s2 =	ssub.f32 s3, s10  }
0x461: {  	(v2sf) =	vpush v10, $0xF;
	s0 =	sadd.f32 $9.999999960e-13, s0  }
0x462: {  	s2 =	smax.f32 s2, $0.0e+00;
	s12 =	spop (v2sf)  }
0x463: {  	s14 =	spop (v2sf);
	s12 =	smul.f32 $1.302083370e-03, s12  }
0x464: {  	s13 =	sadd.f32 $9.999999960e-13, s2;
	s2 =	smul.f32 $1.302083370e-03, s14  }
0x465: {  	v10, _, _ =	vpop (xrf2);
	v12 =	vmov s0;
	s15 =	spop (v2sf);
	s7 =	smul.f32 s12, s12  }
0x466: {  	(v2sf) =	vpush v10, $0xF;
	v10, _, _ =	vpop (xrf2);
	v15 =	vshra.s32 v12, $0x1;
	v12 =	vmul.f32 $5.000000000e-01, v12;
	s21 =	spop (v2sf);
	s4 =	smul.f32 $1.302083370e-03, s15  }
0x467: {  	(v2sf) =	vpush v10, $0xF;
	v16 =	vmov s13;
	v10 =	vsub.s32 $0x5F3759DF, v15;
	s3 =	smul.f32 $1.302083370e-03, s21  }
0x468: {  	v15 =	vshra.s32 v16, $0x1;
	v16 =	vmul.f32 $5.000000000e-01, v16;
	v17 =	vmul.f32 v10, v12;
	s5 =	spop (v2sf);
	s14 =	smul.f32 s4, s4  }
0x469: {  	v15 =	vsub.s32 $0x5F3759DF, v15;
	s7 =	ssub.f32 s2, s7;
	s10 =	spop (v2sf)  }
0x46a: {  	v18 =	vmul.f32 v15, v16;
	v17 =	vmul.f32 v10, v17;
	s2 =	smul.f32 $1.302083370e-03, s5;
	s29 =	spop (v2sf)  }
0x46b: {  	s10 =	smul.f32 $1.302083370e-03, s10;
	s7 =	smax.f32 s7, $0.0e+00  }
0x46c: {  	v18 =	vmul.f32 v15, v18;
	v17 =	vsub.f32 $1.500000000e+00, v17;
	s13 =	spop (v2sf);
	s21 =	sadd.f32 $9.999999960e-13, s7  }
0x46d: {  	s7 =	smul.f32 $1.302083370e-03, s29;
	s29 =	ssub.f32 s3, s14  }
0x46e: {  	s5 =	spop (v2sf);
	v18 =	vsub.f32 $1.500000000e+00, v18;
	v10 =	vmul.f32 v10, v17;
	s13 =	smul.f32 $1.302083370e-03, s13  }
0x46f: {  	s14 =	smul.f32 s7, s7;
	s29 =	smax.f32 s29, $0.0e+00  }
0x470: {  	s0 =	smul.f32 $1.302083370e-03, s5;
	v15 =	vmul.f32 v15, v18;
	v17 =	vmul.f32 v10, v12;
	s3 =	spop (v2sf)  }
0x471: {  	v19 =	vmov s21;
	s5 =	sadd.f32 $9.999999960e-13, s29;
	s21 =	smul.f32 $1.302083370e-03, s3  }
0x472: {  	s29 =	smul.f32 s0, s0;
	s13 =	ssub.f32 s13, s14;
	v18 =	vmul.f32 v15, v16;
	v17 =	vmul.f32 v17, v10  }
0x473: {  	s15 =	smul.f32 s2, s2;
	v20 =	vshra.s32 v19, $0x1;
	v19 =	vmul.f32 $5.000000000e-01, v19  }
0x474: {  	v20 =	vsub.s32 $0x5F3759DF, v20;
	s29 =	ssub.f32 s21, s29;
	s13 =	smax.f32 s13, $0.0e+00;
	v18 =	vmul.f32 v18, v15;
	v17 =	vsub.f32 $1.500000000e+00, v17  }
0x475: {  	v21 =	vmul.f32 v20, v19;
	s3 =	spop (v2sf);
	s13 =	sadd.f32 $9.999999960e-13, s13  }
0x476: {  	v22 =	vmov s5;
	s3 =	smul.f32 $1.302083370e-03, s3;
	s5 =	spop (v2sf);
	v18 =	vsub.f32 $1.500000000e+00, v18;
	v10 =	vmul.f32 v17, v10  }
0x477: {  	s10 =	ssub.f32 s10, s15;
	v17 =	vshra.s32 v22, $0x1;
	v22 =	vmul.f32 $5.000000000e-01, v22;
	s5 =	smul.f32 $1.302083370e-03, s5;
	v23 =	vmov s13  }
0x478: {  	s21 =	smax.f32 s29, $0.0e+00;
	v17 =	vsub.s32 $0x5F3759DF, v17;
	s15 =	smul.f32 s3, s3;
	v15 =	vmul.f32 v18, v15;
	v18 =	vmul.f32 v20, v21  }
0x479: {  	s29 =	sadd.f32 $9.999999960e-13, s21;
	v26 =	vshra.s32 v23, $0x1;
	v12 =	vmul.f32 v10, v12;
	v21 =	vmul.f32 v17, v22  }
0x47a: {  	v23 =	vmul.f32 $5.000000000e-01, v23;
	s5 =	ssub.f32 s5, s15;
	v16 =	vmul.f32 v15, v16;
	v18 =	vsub.f32 $1.500000000e+00, v18  }
0x47b: {  	v25 =	vmov s29;
	v12 =	vmul.f32 v12, v10;
	v21 =	vmul.f32 v17, v21  }
0x47c: {  	v26 =	vsub.s32 $0x5F3759DF, v26;
	s5 =	smax.f32 s5, $0.0e+00;
	v16 =	vmul.f32 v16, v15;
	v18 =	vmul.f32 v20, v18  }
0x47d: {  	v28 =	vmul.f32 v26, v23;
	v12 =	vsub.f32 $1.500000000e+00, v12;
	v21 =	vsub.f32 $1.500000000e+00, v21;
	s5 =	sadd.f32 $9.999999960e-13, s5  }
0x47e: {  	s10 =	smax.f32 s10, $0.0e+00;
	v30 =	vshra.s32 v25, $0x1;
	v16 =	vsub.f32 $1.500000000e+00, v16;
	v24 =	vmul.f32 v18, v19  }
0x47f: {  	s10 =	sadd.f32 $9.999999960e-13, s10;
	v10 =	vmul.f32 v12, v10;
	v17 =	vmul.f32 v17, v21;
	v21 =	vmov s5  }
0x480: {  	v29 =	vshra.s32 v21, $0x1;
	v21 =	vmul.f32 $5.000000000e-01, v21;
	v12 =	vmul.f32 v16, v15  }
0x481: {  	v20 =	vmov s10;
	v15 =	vmul.f32 v24, v18;
	v16 =	vmul.f32 v17, v22  }
0x482: {  	v24 =	vshra.s32 v20, $0x1;
	v20 =	vmul.f32 $5.000000000e-01, v20;
	v29 =	vsub.s32 $0x5F3759DF, v29  }
0x483: {  	v25 =	vmul.f32 $5.000000000e-01, v25;
	v24 =	vsub.s32 $0x5F3759DF, v24;
	v31 =	vmul.f32 v29, v21  }
0x484: {  	v30 =	vsub.s32 $0x5F3759DF, v30;
	v16 =	vmul.f32 v16, v17;
	v27 =	vmul.f32 v24, v20  }
0x485: {  	v28 =	vmul.f32 v26, v28;
	v58 =	vmul.f32 v30, v25;
	v15 =	vsub.f32 $1.500000000e+00, v15  }
0x486: {  	[tilespmem:s30+$0x100] =	vst v14;
	v31 =	vmul.f32 v29, v31;
	v27 =	vmul.f32 v24, v27;
	v14 =	vsub.f32 $1.500000000e+00, v16  }
0x487: {  	[tilespmem:s30+$0x180] =	vst v13;
	v16 =	vsub.f32 $1.500000000e+00, v28;
	v28 =	vmul.f32 v30, v58;
	v13 =	vmul.f32 v15, v18  }
0x488: {  	[tilespmem:s30+$0x200] =	vst v11;
	v18 =	vsub.f32 $1.500000000e+00, v31;
	v27 =	vsub.f32 $1.500000000e+00, v27;
	v17 =	vmul.f32 v14, v17  }
0x489: {  	[tilespmem:s28+$0x280] =	vst v5;
	v11 =	vmul.f32 v26, v16;
	v14 =	vsub.f32 $1.500000000e+00, v28;
	v5 =	vmul.f32 v13, v19  }
0x48a: {  	v18 =	vmul.f32 v29, v18;
	v15 =	vmul.f32 v24, v27  }
0x48b: {  	[tilespmem:s30+$0x300] =	vst v8;
	v8 =	vmul.f32 v11, v23;
	v14 =	vmul.f32 v30, v14  }
0x48c: {  	[tilespmem:s30+$0x280] =	vst v9;
	v24 =	vmul.f32 v18, v21;
	v16 =	vmul.f32 v15, v20  }
0x48d: {  	[tilespmem:s28+$0x200] =	vst v6;
	v9 =	vmov s31;
	s31 =	simm.s32 $0x0;
	v8 =	vmul.f32 v8, v11;
	v26 =	vmul.f32 v14, v25  }
0x48e: {  	[tilespmem:s28+$0x300] =	vst v4;
	s13 =	sand.u32 $0x1C00, s31;
	v19 =	vmul.f32 v24, v18;
	v16 =	vmul.f32 v16, v15  }
0x48f: {  	[tilespmem:s30+$0x380] =	vst v7;
	v7 =	vmov s8;
	s8 =	sadd.s32 s13, s26;
	s15 =	sand.u32 $0x60, s31;
	v4 =	vmul.f32 v17, v22;
	v8 =	vsub.f32 $1.500000000e+00, v8  }
0x490: {  	[tilespmem:s28+$0x380] =	vst v3;
	s28 =	sadd.s32 s15, s8;
	s21 =	sor.u32 $0x10, s15;
	v22 =	vmul.f32 v26, v14;
	v3 =	vsub.f32 $1.500000000e+00, v19;
	v16 =	vsub.f32 $1.500000000e+00, v16  }
0x491: {  	s30 =	sadd.s32 s21, s8;
	v28 =	vld [tilespmem:s28+$0x0];
	v24 =	vmul.f32 v5, v13;
	v19 =	vmul.f32 v8, v11  }
0x492: {  	v29 =	vld [tilespmem:s30+$0x80];
	v8 =	vsub.f32 $1.500000000e+00, v22;
	v22 =	vmul.f32 v3, v18;
	v16 =	vmul.f32 v16, v15  }
0x493: {  	v15 =	vmul.f32 v4, v17;
	v18 =	vmul.f32 v19, v23  }
0x494: {  	v23 =	vmul.f32 v8, v14;
	v8 =	vsub.f32 $1.500000000e+00, v24;
	v21 =	vmul.f32 v22, v21  }
0x495: {  	v59 =	vld [tilespmem:s30+$0x180];
	v20 =	vmul.f32 v16, v20;
	v18 =	vmul.f32 v18, v19  }
0x496: {  	v27 =	vld [tilespmem:s28+$0x380];
	v28 =	vsub.f32 v28, v9;
	v25 =	vmul.f32 v23, v25;
	v14 =	vmul.f32 v8, v13  }
0x497: {  	v29 =	vsub.f32 v29, v7;
	v24 =	vld [tilespmem:s28+$0x100];
	v13 =	vmul.f32 v21, v22;
	v20 =	vmul.f32 v20, v16  }
0x498: {  	v6 =	vmov s12;
	v30 =	vld [tilespmem:s30+$0x280];
	v15 =	vsub.f32 $1.500000000e+00, v15;
	v18 =	vsub.f32 $1.500000000e+00, v18  }
0x499: {  	v13 =	vsub.f32 $1.500000000e+00, v13;
	v8 =	vsub.f32 $1.500000000e+00, v20;
	v20 =	vmul.f32 v25, v23;
	v25 =	vld [tilespmem:s28+$0x280]  }
0x49a: {  	s14 =	simm.s32 $0x18800;
	v26 =	vld [tilespmem:s28+$0x300];
	v28 =	vmul.f32 v28, v10;
	v15 =	vmul.f32 v15, v17;
	v17 =	vmov s7  }
0x49b: {  	v3 =	vld [tilespmem:s14+$0x0];
	v18 =	vmul.f32 v18, v19;
	v19 =	vmov s3;
	v13 =	vmul.f32 v13, v22  }
0x49c: {  	s12 =	simm.s32 $0x18B00;
	v22 =	vsub.f32 v24, v6;
	v8 =	vmul.f32 v8, v16;
	v16 =	vld [tilespmem:s28+$0x180];
	v20 =	vsub.f32 $1.500000000e+00, v20  }
0x49d: {  	v5 =	vld [tilespmem:s12+$0x0];
	v11 =	vmov s4;
	v62 =	vsub.f32 v30, v17;
	v24 =	vsub.f32 v27, v19  }
0x49e: {  	v27 =	vld [tilespmem:s30+$0x380];
	v20 =	vmul.f32 v20, v23;
	v23 =	vmul.f32 v22, v14;
	v22 =	vsub.f32 v25, v17  }
0x49f: {  	s29 =	sand.u32 $0x380, s31;
	v4 =	vmov s2;
	v21 =	vmov s0;
	v24 =	vmul.f32 v24, v13;
	v25 =	vld [tilespmem:s30+$0x100]  }
0x4a0: {  	v61 =	vld [tilespmem:s30+$0x300];
	s2 =	sor.u32 s29, s21;
	v26 =	vsub.f32 v26, v21;
	v39 =	vmul.f32 v62, v18;
	v22 =	vmul.f32 v22, v18  }
0x4a1: {  	v60 =	vmul.f32 v24, v3;
	v24 =	vmul.f32 v28, v3;
	v31 =	vsub.f32 v16, v11;
	v16 =	vld [tilespmem:s2+$0x18800]  }
0x4a2: {  	v32 =	vld [tilespmem:s30+$0x200];
	v38 =	vsub.f32 v59, v11;
	v28 =	vmul.f32 v26, v20;
	v22 =	vmul.f32 v22, v3  }
0x4a3: {  	v30 =	vld [tilespmem:s30+$0x0];
	v26 =	vsub.f32 v27, v19;
	v27 =	vadd.f32 v60, v5;
	v31 =	vmul.f32 v31, v15  }
0x4a4: {  	v63 =	vmul.f32 v28, v3;
	v28 =	vld [tilespmem:s28+$0x80];
	v25 =	vsub.f32 v25, v6;
	v37 =	vadd.f32 v22, v5  }
0x4a5: {  	s4 =	simm.s32 $0x18B20;
	v36 =	vsub.f32 v61, v21;
	v35 =	vmul.f32 v38, v15;
	[tilespmem:s28+$0x380] =	vst v27;
	v34 =	vmul.f32 v31, v3;
	v22 =	vld [tilespmem:s2+$0x18B00]  }
0x4a6: {  	s0 =	simm.s32 $0x0;
	s3 =	simm.s32 $0x18820;
	v33 =	vadd.f32 v63, v5;
	v31 =	vld [tilespmem:s28+$0x200];
	s2 =	simm.s32 $0x100;
	v27 =	vmul.f32 v25, v14;
	v25 =	vmul.f32 v39, v16;
	[tilespmem:s28+$0x280] =	vst v37  }
.LBB2_23:
0x4a7: {  	s5 =	sand.u32 $0x1C00, s2;
	s0 =	sadd.s32 $0x2, s0;
	v29 =	vmul.f32 v29, v12;
	v32 =	vsub.f32 v32, v4;
	v26 =	vmul.f32 v26, v13;
	s31 =	sadd.s32 $0x20, s31  }
0x4a8: {  	v34 =	vadd.f32 v34, v5;
	s7 =	sand.u32 $0x60, s31;
	v37 =	vld [tilespmem:s4+$0x0];
	s5 =	sadd.s32 s5, s26;
	p0 =	slt.u32 s0, $0x2E;
	v35 =	vmul.f32 v35, v16;
	v36 =	vmul.f32 v36, v20  }
0x4a9: {  	v30 =	vsub.f32 v30, v9;
	v38 =	vld [tilespmem:s3+$0x0];
	s12 =	sadd.s32 s7, s5;
	s8 =	sor.u32 $0x10, s7;
	s7 =	sand.u32 $0x380, s31;
	v29 =	vmul.f32 v29, v16;
	v32 =	vmul.f32 v32, v8  }
0x4aa: {  	v23 =	vmul.f32 v23, v3;
	v28 =	vsub.f32 v28, v7;
	v39 =	vld [tilespmem:s12+$0x300];
	s7 =	sor.u32 s7, s8;
	s8 =	sadd.s32 s8, s5;
	[tilespmem:s28+$0x300] =	vst v33;
	v33 =	vadd.f32 v35, v22  }
0x4ab: {  	v31 =	vsub.f32 v31, v4;
	v35 =	vld [tilespmem:s7+$0x18800];
	[tilespmem:s28+$0x180] =	vst v34;
	v29 =	vadd.f32 v29, v22;
	v34 =	vmul.f32 v36, v16  }
0x4ac: {  	v24 =	vadd.f32 v24, v5;
	v30 =	vmul.f32 v30, v10;
	v32 =	vmul.f32 v32, v16;
	v36 =	vld [tilespmem:s12+$0x100];
	[tilespmem:s30+$0x180] =	vst v33  }
0x4ad: {  	v28 =	vmul.f32 v28, v12;
	v31 =	vmul.f32 v31, v8;
	v33 =	vld [tilespmem:s12+$0x380];
	[tilespmem:s30+$0x80] =	vst v29;
	v29 =	vadd.f32 v34, v22  }
0x4ae: {  	v27 =	vmul.f32 v27, v16;
	v34 =	vld [tilespmem:s12+$0x0];
	[tilespmem:s28+$0x0] =	vst v24;
	v24 =	vmul.f32 v30, v16;
	v30 =	vadd.f32 v32, v22  }
0x4af: {  	v25 =	vadd.f32 v25, v22;
	v23 =	vadd.f32 v23, v5;
	v40 =	vmul.f32 v26, v16;
	v32 =	vld [tilespmem:s12+$0x280];
	[tilespmem:s30+$0x300] =	vst v29  }
0x4b0: {  	v27 =	vadd.f32 v27, v22;
	v28 =	vmul.f32 v28, v3;
	v29 =	vmul.f32 v31, v3;
	v26 =	vld [tilespmem:s12+$0x180];
	[tilespmem:s30+$0x200] =	vst v30  }
0x4b1: {  	v3 =	vmovc v38;
	v16 =	vmov v35;
	v30 =	vsub.f32 v36, v6;
	v31 =	vld [tilespmem:s8+$0x80];
	[tilespmem:s28+$0x100] =	vst v23;
	v36 =	vadd.f32 v40, v22  }
0x4b2: {  	v28 =	vadd.f32 v28, v5;
	v33 =	vsub.f32 v33, v19;
	v35 =	vld [tilespmem:s8+$0x380];
	[tilespmem:s30+$0x100] =	vst v27  }
0x4b3: {  	v5 =	vadd.f32 v29, v5;
	v27 =	vsub.f32 v34, v9;
	v23 =	vmul.f32 v30, v14;
	v34 =	vld [tilespmem:s8+$0x280];
	[tilespmem:s30+$0x280] =	vst v25  }
0x4b4: {  	v22 =	vadd.f32 v24, v22;
	v25 =	vsub.f32 v32, v17;
	v29 =	vmul.f32 v33, v13;
	v33 =	vld [tilespmem:s8+$0x100];
	[tilespmem:s28+$0x80] =	vst v28  }
0x4b5: {  	v24 =	vmul.f32 v27, v10;
	v27 =	vsub.f32 v26, v11;
	v26 =	vsub.f32 v39, v21;
	v38 =	vld [tilespmem:s8+$0x180];
	[tilespmem:s28+$0x200] =	vst v5;
	s28 =	smov.u32 s12  }
0x4b6: {  	v28 =	vmul.f32 v25, v18;
	v25 =	vmul.f32 v29, v3;
	v29 =	vsub.f32 v31, v7;
	v32 =	vld [tilespmem:s8+$0x200];
	[tilespmem:s30+$0x0] =	vst v22  }
0x4b7: {  	v24 =	vmul.f32 v24, v3;
	v22 =	vmul.f32 v26, v20;
	v39 =	vld [tilespmem:s8+$0x300];
	v26 =	vsub.f32 v35, v19;
	[tilespmem:s30+$0x380] =	vst v36;
	s30 =	smov.u32 s8  }
.Ltmp10:
0x4b8: {  	v5 =	vmovc v37;
	v31 =	vmul.f32 v28, v3;
	v25 =	vadd.f32 v25, v37;
	v30 =	vld [tilespmem:s30+$0x0];
	v34 =	vsub.f32 v34, v17;
	(pc) =	sbr.rel @p0 .LBB2_23-.Ltmp10, $4  }
0x4b9: {  	v27 =	vmul.f32 v27, v15;
	v35 =	vmul.f32 v22, v3;
	v22 =	vld [tilespmem:s7+$0x18B00];
	v36 =	vsub.f32 v33, v6  }
0x4ba: {  	v28 =	vld [tilespmem:s28+$0x80];
	v37 =	vadd.f32 v31, v5;
	[tilespmem:s28+$0x380] =	vst v25;
	v25 =	vsub.f32 v38, v11;
	v38 =	vmul.f32 v34, v18  }
0x4bb: {  	v34 =	vmul.f32 v27, v3;
	v31 =	vld [tilespmem:s28+$0x200];
	v33 =	vadd.f32 v35, v5;
	v27 =	vmul.f32 v36, v14  }
0x4bc: {  	s2 =	sadd.s32 $0x100, s2;
	s4 =	sadd.s32 $0x20, s4;
	s3 =	sadd.s32 $0x20, s3;
	[tilespmem:s28+$0x280] =	vst v37;
	v35 =	vmul.f32 v25, v15;
	v25 =	vmul.f32 v38, v16;
	v36 =	vsub.f32 v39, v21  }
0x4bd: {  	v11 =	vsub.f32 v32, v4  }
0x4be: {  	v6 =	vmul.f32 v29, v12;
	v15 =	vadd.f32 v34, v5;
	v9 =	vsub.f32 v30, v9  }
0x4bf: {  	[tilespmem:s28+$0x300] =	vst v33;
	v50 =	vadd.f32 v24, v5;
	v51 =	vmul.f32 v23, v3;
	v54 =	vmul.f32 v27, v16  }
0x4c0: {  	v58 =	vmul.f32 v26, v13;
	v14 =	vmul.f32 v35, v16;
	v59 =	vadd.f32 v25, v22;
	[tilespmem:s28+$0x180] =	vst v15  }
0x4c1: {  	v17 =	vmul.f32 v36, v20;
	v6 =	vmul.f32 v6, v16;
	[tilespmem:s28+$0x0] =	vst v50;
	v55 =	vadd.f32 v51, v5  }
0x4c2: {  	v11 =	vmul.f32 v11, v8;
	v7 =	vsub.f32 v28, v7;
	v57 =	vadd.f32 v54, v22;
	[tilespmem:s30+$0x280] =	vst v59  }
0x4c3: {  	v56 =	vmul.f32 v9, v10;
	v62 =	vmul.f32 v58, v16;
	v14 =	vadd.f32 v14, v22;
	[tilespmem:s28+$0x100] =	vst v55  }
0x4c4: {  	v49 =	vmul.f32 v17, v16;
	v52 =	vsub.f32 v31, v4;
	v6 =	vadd.f32 v6, v22;
	[tilespmem:s30+$0x100] =	vst v57  }
0x4c5: {  	v11 =	vmul.f32 v11, v16;
	v7 =	vmul.f32 v7, v12;
	v63 =	vadd.f32 v62, v22;
	[tilespmem:s30+$0x180] =	vst v14  }
0x4c6: {  	s25 =	sadd.s32 $0x1, s25;
	v60 =	vmul.f32 v56, v16;
	v53 =	vadd.f32 v49, v22;
	v4 =	vmul.f32 v52, v8;
	[tilespmem:s30+$0x80] =	vst v6  }
0x4c7: {  	p0 =	sne.s32 s25, $0x8;
	v11 =	vadd.f32 v11, v22;
	v7 =	vmul.f32 v7, v3;
	[tilespmem:s30+$0x380] =	vst v63  }
.Ltmp11:
0x4c8: {  	[tilespmem:s30+$0x300] =	vst v53;
	v3 =	vmul.f32 v4, v3;
	v4 =	vadd.f32 v60, v22;
	(pc) =	sbr.rel @p0 .LBB2_20-.Ltmp11, $4  }
0x4c9: {  	[tilespmem:s30+$0x200] =	vst v11;
	v61 =	vadd.f32 v7, v5  }
0x4ca: {  	v3 =	vadd.f32 v3, v5;
	[tilespmem:s30+$0x0] =	vst v4  }
0x4cb: {  	[tilespmem:s28+$0x80] =	vst v61  }
0x4cc: {  	[tilespmem:s28+$0x200] =	vst v3  }
0x4cd: {  	s0 =	rddreg [dreg:$0xc];
	s3 =	simm.s32 $0xC200  }
0x4ce: {  	[hbm4b:s0+s6] =	stream.linear.scatter [tilespmem:s3], [sflag:$0x4], $0xC000, $0x38;
	[tilespmem:$0x18E00] =	vst v63  }
0x4cf: {  	_ =	swait.ge [sflag:s18], $0xC000  }
0x4d0: {  	[sflag:s18] =	ssyncset.done $0x0  }
0x4d1: {  	[sflag:s18] =	ssyncadd.s32 $0xFFFF4000  }
0x4d2: {  	_ =	swait.ge [sflag:s22], $0xC000  }
0x4d3: {  	s23 =	sadd.s32 $0x1, s23;
	s31 =	rddreg [dreg:$0xd]  }
0x4d4: {  	p0 =	sne.s32 s23, s31  }
.Ltmp12:
0x4d5: {  	_ = 	snop;
	(pc) =	sbr.rel @p0 .LBB2_1-.Ltmp12, $3  }
0x4d6: {  	_ =	sdelay $0x1  }
0x4d7: {  	[sflag:s22] =	ssyncset.done $0x0  }
0x4d8: {  	[sflag:s22] =	ssyncadd.s32 $0xFFFF4000  }
0x4d9: {  	_ =	sfence.sel $0x180000  }
0x4da: {  	[bflag:$0x0] =	sbarrier.arrive $0xFFFF  }
0x4db: {  	_ =	strace $0x90000047  }
0x4dc: {  	s0 =	stileid.u32;
	[bflag:$0x2] =	sbarrier.arrive $0xFFFF  }
0x4dd: {  	p0 =	sne.s32 s0, $0x0;
	s0 =	rddreg [dreg:$0x6]  }
0x4de: {  	s0 =	sadd.s32 @!p0 $0x100000, s0  }
0x4df: {  	[sflag:s0] =	ssyncadd.tile.s32 @!p0 $0x1;
	_ =	shalt  }
.Lfunc_end2:
_tile_overlayer_lowered:
.L_overlay_start_2:
0x4e0: {  	(tag) =	ssettag $0x2  }
0x4e1: {  	s0 =	rddreg [dreg:$0x0];
	s2 =	stileid.u32  }
0x4e2: {  	s1 =	rddreg [dreg:$0x1];
	p0 =	sne.s32 s2, $0x0  }
0x4e3: {  	s3 =	rddreg [dreg:$0x2];
	[bflag:$0x3] =	sbarrier.arrive $0xFFFF;
	s2 =	simm.s32 @!p0 $0x1C05  }
0x4e4: {  	[timem:s3], [sflag:s2] =	dma.local @!p0 [hbm:s0], s1  }
0x4e5: {  	s0 =	simm.s32 @!p0 $0x5  }
0x4e6: {  	_ =	swait.ge @!p0 [sflag:s0], s1  }
0x4e7: {  	s1 =	ssub.s32 @!p0 $0x0, s1;
	[sflag:s0] =	ssyncset.done @!p0 $0x0  }
0x4e8: {  	[sflag:s0] =	ssyncadd.s32 @!p0 s1  }
0x4e9: {  	[bflag:$0x3] =	sbarrier.arrive $0xFFFF  }
0x4ea: {  	_ =	shalt  }

</sc_bundles>
